<compile_context>
chip_gen: v7x
topology: tpu7x:2x2x1
jax: 0.10.2.dev20260603
libtpu: 0.0.44.dev20260713+nightly
codegen_flags: <defaults>
</compile_context>

<pallas_src>
import functools

import jax
import jax.numpy as jnp
from jax import lax
from jax.experimental import pallas as pl
from jax.experimental.pallas import tpu as pltpu
from jax.experimental.pallas import tpu_sc as plsc

N = 10000
E = 320000
IN = 128
HID = 128
CLS = 40

NC = 2
NS = 16
NW = NC * NS
EW = E // NW
CHUNK = 80
NCHUNK = EW // CHUNK
RPT = N // NS
ZROWS = 25


def _fill(ref, rows, width, value):
    vec = jnp.full((16,), value, dtype=jnp.float32)
    per_row = width // 16

    def body(t, _):
        r = t // per_row
        col = (t % per_row) * 16
        ref[r, pl.ds(col, 16)] = vec
        return _

    lax.fori_loop(0, rows * per_row, body, None)


def _sc_mesh():
    return plsc.VectorSubcoreMesh(core_axis_name="c", subcore_axis_name="s",
                                  num_cores=NC, num_subcores=NS)


def _sc_params():
    return pltpu.CompilerParams(use_tc_tiling_on_sc=False)


def _make_sc_agg(feat_width, out_width=None, with_dep=False, interpret=False):
    scratch = [
        pltpu.VMEM((NCHUNK, CHUNK), jnp.int32),
        pltpu.VMEM((NCHUNK, CHUNK), jnp.int32),
        pltpu.VMEM((CHUNK, feat_width), jnp.float32),
        pltpu.VMEM((CHUNK, feat_width), jnp.float32),
        pltpu.VMEM((CHUNK, feat_width), jnp.float32),
        pltpu.VMEM_SHARED((N, feat_width), jnp.float32),
    ] + [pltpu.SemaphoreType.DMA] * 6
    stacked = out_width is not None
    oshape = (N, out_width) if stacked else (NC * N, feat_width)

    @functools.partial(
        pl.kernel,
        out_type=jax.ShapeDtypeStruct(oshape, jnp.float32),
        mesh=_sc_mesh(),
        scratch_types=scratch,
        compiler_params=_sc_params(),
        interpret=interpret,
    )
    def sc_agg(p_hbm, e_hbm, *refs):
        if with_dep:
            (dep_hbm, out_hbm, src_v, dst_v, rows0, rows1, rows2,
             acc, gsem0, gsem1, gsem2, ssem0, ssem1, ssem2) = refs
        else:
            (out_hbm, src_v, dst_v, rows0, rows1, rows2,
             acc, gsem0, gsem1, gsem2, ssem0, ssem1, ssem2) = refs
        c = lax.axis_index("c")
        s = lax.axis_index("s")
        w = c * NS + s
        rbase = s * RPT

        pltpu.sync_copy(e_hbm.at[0, pl.ds(w * NCHUNK, NCHUNK)], src_v)
        pltpu.sync_copy(e_hbm.at[1, pl.ds(w * NCHUNK, NCHUNK)], dst_v)

        _fill(rows0, CHUNK, feat_width, 0.0)
        for i in range(RPT // CHUNK):
            pltpu.sync_copy(rows0, acc.at[pl.ds(rbase + i * CHUNK, CHUNK)])
        rem = RPT % CHUNK
        pltpu.sync_copy(rows0.at[pl.ds(0, rem)],
                        acc.at[pl.ds(rbase + RPT - rem, rem)])
        plsc.subcore_barrier()

        bufs = (rows0, rows1, rows2)
        gsems = (gsem0, gsem1, gsem2)
        ssems = (ssem0, ssem1, ssem2)

        def gather(j, b):
            pltpu.async_copy(p_hbm.at[src_v.at[j]], bufs[b], gsems[b])

        def gwait(b):
            pltpu.make_async_copy(p_hbm.at[src_v.at[0]], bufs[b],
                                  gsems[b]).wait()

        def scat(j, b):
            pltpu.async_copy(bufs[b], acc.at[dst_v.at[j]], ssems[b], add=True)

        def swait(b):
            pltpu.make_async_copy(bufs[b], acc.at[dst_v.at[0]],
                                  ssems[b]).wait()

        def slot(j, b, wait_prev, prefetch):
            nxt = (b + 1) % 3
            if wait_prev:
                swait(nxt)
            if prefetch:
                gather(j + 1, nxt)
            gwait(b)
            scat(j, b)

        gather(0, 0)
        slot(0, 0, False, True)
        slot(1, 1, False, True)

        def body(i, _):
            slot(3 * i + 2, 2, True, True)
            slot(3 * i + 3, 0, True, True)
            slot(3 * i + 4, 1, True, True)
            return _

        lax.fori_loop(0, (NCHUNK - 5) // 3, body, None)
        slot(NCHUNK - 3, (NCHUNK - 3) % 3, True, True)
        slot(NCHUNK - 2, (NCHUNK - 2) % 3, True, True)
        slot(NCHUNK - 1, (NCHUNK - 1) % 3, True, False)
        swait((NCHUNK - 2) % 3)
        swait((NCHUNK - 1) % 3)
        plsc.subcore_barrier()

        if stacked:
            pltpu.sync_copy(
                acc.at[pl.ds(rbase, RPT)],
                out_hbm.at[pl.ds(rbase, RPT), pl.ds(c * feat_width, feat_width)])
        else:
            pltpu.sync_copy(acc.at[pl.ds(rbase, RPT)],
                            out_hbm.at[pl.ds(c * N + rbase, RPT)])

    return sc_agg


def _make_sc_deg(interpret=False):
    scratch = [
        pltpu.VMEM((NCHUNK, CHUNK), jnp.int32),
        pltpu.VMEM((CHUNK, 16), jnp.float32),
        pltpu.VMEM((ZROWS, 16), jnp.float32),
        pltpu.VMEM_SHARED((N, 16), jnp.float32),
        pltpu.SemaphoreType.DMA,
    ]

    @functools.partial(
        pl.kernel,
        out_type=jax.ShapeDtypeStruct((N, 128), jnp.float32),
        mesh=_sc_mesh(),
        scratch_types=scratch,
        compiler_params=_sc_params(),
        interpret=interpret,
    )
    def sc_deg(e_hbm, deg_hbm, dst_v, ones_v, zbuf16, dacc, sem):
        c = lax.axis_index("c")
        s = lax.axis_index("s")
        w = c * NS + s
        rbase = s * RPT

        pltpu.sync_copy(e_hbm.at[1, pl.ds(w * NCHUNK, NCHUNK)], dst_v)
        _fill(ones_v, CHUNK, 16, 1.0)
        _fill(zbuf16, ZROWS, 16, 0.0)

        def zero_body(i, _):
            pltpu.sync_copy(zbuf16, dacc.at[pl.ds(rbase + i * ZROWS, ZROWS)])
            return _

        lax.fori_loop(0, RPT // ZROWS, zero_body, None)
        plsc.subcore_barrier()

        GRP = 5

        def body(i, _):
            def fire(g, _):
                pltpu.async_copy(ones_v, dacc.at[dst_v.at[i * GRP + g]], sem,
                                 add=True)
                return _

            lax.fori_loop(0, GRP, fire, None)

            def drain(g, _):
                pltpu.make_async_copy(ones_v, dacc.at[dst_v.at[0]], sem).wait()
                return _

            lax.fori_loop(0, GRP, drain, None)
            return _

        lax.fori_loop(0, NCHUNK // GRP, body, None)
        plsc.subcore_barrier()

        pltpu.sync_copy(dacc.at[pl.ds(rbase, RPT)],
                        deg_hbm.at[pl.ds(rbase, RPT), pl.ds(c * 16, 16)])

    return sc_deg


_make_sc_agg = functools.lru_cache(maxsize=None)(_make_sc_agg)
_make_sc_deg = functools.lru_cache(maxsize=None)(_make_sc_deg)

BN = 2000


def _row_spec(width):
    return pl.BlockSpec((BN, width), lambda i: (i, 0))


def _half_spec(width, half):
    return pl.BlockSpec((BN, width), lambda i: (half * (N // BN) + i, 0))


def _full_spec(shape):
    return pl.BlockSpec(shape, lambda i: tuple(0 for _ in shape))


def _mm_p_body(x_ref, wn_ref, p_ref):
    p_ref[...] = jnp.dot(x_ref[...], wn_ref[...],
                         preferred_element_type=jnp.float32)


def _mm_p(x, wn, interpret=False):
    return pl.pallas_call(
        _mm_p_body,
        grid=(N // BN,),
        in_specs=[_row_spec(HID), _full_spec((HID, HID))],
        out_specs=_row_spec(HID),
        out_shape=jax.ShapeDtypeStruct((N, HID), jnp.float32),
        interpret=interpret,
    )(x, wn)


def _mm_s_body(x_ref, ws_ref, b_ref, s_ref):
    s_ref[...] = (jnp.dot(x_ref[...], ws_ref[...],
                          preferred_element_type=jnp.float32) + b_ref[...])


def _mm_s(x, ws, b, width, interpret=False):
    return pl.pallas_call(
        _mm_s_body,
        grid=(N // BN,),
        in_specs=[_row_spec(HID), _full_spec((HID, width)),
                  _full_spec((1, width))],
        out_specs=_row_spec(width),
        out_shape=jax.ShapeDtypeStruct((N, width), jnp.float32),
        interpret=interpret,
    )(x, ws, b)


def _h_of(sp_ref, a0_ref, a1_ref, inv):
    return jnp.maximum(sp_ref[...] + (a0_ref[...] + a1_ref[...]) * inv, 0.0)


def _inv_of(d_ref):
    deg = d_ref[...][:, :1] + d_ref[...][:, 16:17]
    return 1.0 / jnp.maximum(deg, 1.0)


def _mm_mid_body(sp_ref, a0_ref, a1_ref, d_ref, wn_ref, p_ref, inv_ref):
    inv = _inv_of(d_ref)
    h = _h_of(sp_ref, a0_ref, a1_ref, inv)
    p_ref[...] = jnp.dot(h, wn_ref[...], preferred_element_type=jnp.float32)
    inv_ref[...] = jnp.broadcast_to(inv, (BN, 16))


def _mm_mid(s_prev, agg, deg, wn, interpret=False):
    return pl.pallas_call(
        _mm_mid_body,
        grid=(N // BN,),
        in_specs=[_row_spec(HID), _half_spec(HID, 0), _half_spec(HID, 1),
                  _row_spec(128), _full_spec((HID, HID))],
        out_specs=[_row_spec(HID), _row_spec(16)],
        out_shape=[jax.ShapeDtypeStruct((N, HID), jnp.float32),
                   jax.ShapeDtypeStruct((N, 16), jnp.float32)],
        interpret=interpret,
    )(s_prev, agg, agg, deg, wn)


def _mm_mid_s_body(sp_ref, a0_ref, a1_ref, d_ref, ws_ref, b_ref, s_ref):
    h = _h_of(sp_ref, a0_ref, a1_ref, _inv_of(d_ref))
    s_ref[...] = (jnp.dot(h, ws_ref[...], preferred_element_type=jnp.float32)
                  + b_ref[...])


def _mm_mid_s(s_prev, agg, deg, ws, b, interpret=False):
    return pl.pallas_call(
        _mm_mid_s_body,
        grid=(N // BN,),
        in_specs=[_row_spec(HID), _half_spec(HID, 0), _half_spec(HID, 1),
                  _row_spec(128), _full_spec((HID, HID)),
                  _full_spec((1, HID))],
        out_specs=_row_spec(HID),
        out_shape=jax.ShapeDtypeStruct((N, HID), jnp.float32),
        interpret=interpret,
    )(s_prev, agg, agg, deg, ws, b)


def _mm_last_body(sp_ref, a0_ref, a1_ref, inv_ref, wn_ref, p_ref):
    h = _h_of(sp_ref, a0_ref, a1_ref, inv_ref[...][:, :1])
    p_ref[...] = jnp.dot(h, wn_ref[...], preferred_element_type=jnp.float32)


def _mm_last(s_prev, agg, inv, wn_pad, interpret=False):
    return pl.pallas_call(
        _mm_last_body,
        grid=(N // BN,),
        in_specs=[_row_spec(HID), _half_spec(HID, 0), _half_spec(HID, 1),
                  _row_spec(16), _full_spec((HID, 64))],
        out_specs=_row_spec(64),
        out_shape=jax.ShapeDtypeStruct((N, 64), jnp.float32),
        interpret=interpret,
    )(s_prev, agg, agg, inv, wn_pad)


def _mm_last_s_body(sp_ref, a0_ref, a1_ref, inv_ref, ws_ref, b_ref, s_ref):
    h = _h_of(sp_ref, a0_ref, a1_ref, inv_ref[...][:, :1])
    s_ref[...] = (jnp.dot(h, ws_ref[...], preferred_element_type=jnp.float32)
                  + b_ref[...])


def _mm_last_s(s_prev, agg, inv, ws, b, interpret=False):
    return pl.pallas_call(
        _mm_last_s_body,
        grid=(N // BN,),
        in_specs=[_row_spec(HID), _half_spec(HID, 0), _half_spec(HID, 1),
                  _row_spec(16), _full_spec((HID, CLS)), _full_spec((1, CLS))],
        out_specs=_row_spec(CLS),
        out_shape=jax.ShapeDtypeStruct((N, CLS), jnp.float32),
        interpret=interpret,
    )(s_prev, agg, agg, inv, ws, b)


def _final_body(s_ref, a_ref, inv_ref, o_ref):
    a = a_ref[...]
    agg = a[:, :CLS] + a[:, 64:64 + CLS]
    o_ref[...] = s_ref[...] + agg * inv_ref[...][:, :1]


def _final(s2, agg, inv, interpret=False):
    return pl.pallas_call(
        _final_body,
        grid=(N // BN,),
        in_specs=[_row_spec(CLS), _row_spec(128), _row_spec(16)],
        out_specs=_row_spec(CLS),
        out_shape=jax.ShapeDtypeStruct((N, CLS), jnp.float32),
        interpret=interpret,
    )(s2, agg, inv)


def kernel(features, edge_index, W_self_0, W_neigh_0, b_0, W_self_1,
           W_neigh_1, b_1, W_self_2, W_neigh_2, b_2):
    e = edge_index.reshape(2, E // CHUNK, CHUNK)

    p0 = _mm_p(features, W_neigh_0)
    deg = _make_sc_deg()(e)
    agg0 = _make_sc_agg(HID, with_dep=True)(p0, e, deg)
    s0 = _mm_s(features, W_self_0, b_0.reshape(1, HID), HID)

    p1, inv = _mm_mid(s0, agg0, deg, W_neigh_1)
    agg1 = _make_sc_agg(HID)(p1, e)
    s1 = _mm_mid_s(s0, agg0, deg, W_self_1, b_1.reshape(1, HID))

    wn2_pad = jnp.pad(W_neigh_2, ((0, 0), (0, 64 - CLS)))
    p2 = _mm_last(s1, agg1, inv, wn2_pad)
    agg2 = _make_sc_agg(64, out_width=128)(p2, e)
    s2 = _mm_last_s(s1, agg1, inv, W_self_2, b_2.reshape(1, CLS))

    return _final(s2, agg2, inv)

# --- scband reference (transcript-rebuilt; emitter-appended) ---
"""Pipeline reference for scband-graph-sage-91087666413883 (READ-ONLY COPY).

The authoritative reference and input builder live on the scoring server;
editing this copy changes nothing except your own understanding.
"""

import jax, jax.numpy as jnp
import numpy as np

N = 10000
E = 320000
IN = 128
HID = 128
CLS = 40


def setup_inputs(seed: int = 0) -> dict:
    key = jax.random.key(seed)
    ks = jax.random.split(key, 16)
    inp = {}
    inp['features'] = jax.random.normal(ks[0], (N, IN), dtype=jnp.float32)
    inp['edge_index'] = jax.random.randint(ks[1], (2, E), 0, N, dtype=jnp.int32)
    dims = [(IN, HID), (HID, HID), (HID, CLS)]
    for i, (fi, fo) in enumerate(dims):
        inp['W_self_%d' % i] = jax.random.normal(ks[2 + 3 * i], (fi, fo), dtype=jnp.float32) / np.sqrt(fi)
        inp['W_neigh_%d' % i] = jax.random.normal(ks[3 + 3 * i], (fi, fo), dtype=jnp.float32) / np.sqrt(fi)
        inp['b_%d' % i] = jnp.zeros((fo,), dtype=jnp.float32)
    return inp


def _sage_conv(h, src, dst, W_self, W_neigh, b):
    # DGL SAGEConv with mean aggregator:
    #   h_neigh = mean_{u in N(v)} h[u]   (scatter-add over dst, divided by in-degree)
    #   out = h @ W_self + h_neigh @ W_neigh + b
    ones = jnp.ones((src.shape[0],), dtype=h.dtype)
    deg = jax.ops.segment_sum(ones, dst, num_segments=N)
    deg = jnp.maximum(deg, 1.0)
    agg = jax.ops.segment_sum(h[src], dst, num_segments=N) / deg[:, None]
    return h @ W_self + agg @ W_neigh + b


def reference(features, edge_index, W_self_0, W_neigh_0, b_0, W_self_1, W_neigh_1, b_1, W_self_2, W_neigh_2, b_2):
    # Dropout is identity in eval mode. norm_type='right' (mean) aggregation,
    # kernel/S/seed/sample_rate correspond to the standard full SpMM path.
    src = edge_index[0]
    dst = edge_index[1]
    h = _sage_conv(features, src, dst, W_self_0, W_neigh_0, b_0)
    h = jax.nn.relu(h)
    h = _sage_conv(h, src, dst, W_self_1, W_neigh_1, b_1)
    h = jax.nn.relu(h)
    h = _sage_conv(h, src, dst, W_self_2, W_neigh_2, b_2)
    return h

if __name__ == "__main__":
    import jax
    _d = setup_inputs()
    print(jax.jit(kernel)(*tuple(_d.values())))

</pallas_src>

<mosaic_0001>
#map = affine_map<(d0, d1) -> (0, 0, 0)>
#map1 = affine_map<(d0, d1) -> (0, 0)>
module attributes {stable_mosaic.version = 14 : i64} {
  func.func @sc_deg(%arg0: i32, %arg1: i32, %arg2: memref<2x4000x80xi32, #tpu.memory_space<hbm>>, %arg3: memref<10000x128xf32, #tpu.memory_space<hbm>>, %arg4: memref<125x80xi32, #tpu.memory_space<vmem>>, %arg5: memref<80x16xf32, #tpu.memory_space<vmem>>, %arg6: memref<25x16xf32, #tpu.memory_space<vmem>>, %arg7: memref<10000x16xf32, #tpu.memory_space<vmem_shared>>, %arg8: memref<!tpu.dma_semaphore, #tpu.memory_space<semaphore_mem>>) attributes {dimension_semantics = [#tpu.dimension_semantics<core_parallel>, #tpu.dimension_semantics<subcore_parallel>], iteration_bounds = array<i64: 2, 16>, scalar_prefetch = 0 : i64, scratch_operands = 5 : i64, tpu.core_type = #tpu.core_type<sc_vector_subcore>, window_params = [{transform_indices = #map}, {transform_indices = #map1}]} {
    %mul3A = arith.constant 16 : i32
    %mul3A_0 = arith.muli %arg0, %mul3A : i32
    %add3A = arith.addi %mul3A_0, %arg1 : i32
    %mul3A_1 = arith.constant 625 : i32
    %mul3A_2 = arith.muli %arg1, %mul3A_1 : i32
    %mul3A_3 = arith.constant 125 : i32
    %mul3A_4 = arith.muli %add3A, %mul3A_3 : i32
    %run_scoped3A = arith.constant 1 : i32
    "tpu.region"() ({
      %run_scoped3A_30 = tpu.sem_alloc : memref<!tpu.dma_semaphore, #tpu.memory_space<semaphore_mem>>
      %dma_start3A = arith.constant 0 : i32
      %dma_start3A_31 = tpu.memref_slice %arg2[%run_scoped3A, %mul3A_4, %dma_start3A] : memref<2x4000x80xi32, #tpu.memory_space<hbm>> -> memref<1x125x80xi32, #tpu.memory_space<hbm>>
      %dma_start3A_32 = tpu.memref_squeeze %dma_start3A_31 : memref<1x125x80xi32, #tpu.memory_space<hbm>> -> memref<125x80xi32, #tpu.memory_space<hbm>>
      %dma_start3A_33 = arith.constant 0 : i32
      %dma_start3A_34 = tpu.memref_slice %arg2[%run_scoped3A, %mul3A_4, %dma_start3A_33] : memref<2x4000x80xi32, #tpu.memory_space<hbm>> -> memref<1x125x80xi32, #tpu.memory_space<hbm>>
      %dma_start3A_35 = tpu.memref_squeeze %dma_start3A_34 : memref<1x125x80xi32, #tpu.memory_space<hbm>> -> memref<125x80xi32, #tpu.memory_space<hbm>>
      tpu.enqueue_dma source(%dma_start3A_35 : memref<125x80xi32, #tpu.memory_space<hbm>>) target(%arg4 : memref<125x80xi32, #tpu.memory_space<vmem>>) target_semaphore(%run_scoped3A_30 : memref<!tpu.dma_semaphore, #tpu.memory_space<semaphore_mem>>)
      %dma_wait3A = arith.constant 0 : i32
      %dma_wait3A_36 = tpu.memref_slice %arg2[%run_scoped3A, %mul3A_4, %dma_wait3A] : memref<2x4000x80xi32, #tpu.memory_space<hbm>> -> memref<1x125x80xi32, #tpu.memory_space<hbm>>
      %dma_wait3A_37 = tpu.memref_squeeze %dma_wait3A_36 : memref<1x125x80xi32, #tpu.memory_space<hbm>> -> memref<125x80xi32, #tpu.memory_space<hbm>>
      %dma_wait3A_38 = arith.constant 0 : i32
      %dma_wait3A_39 = tpu.memref_slice %arg2[%run_scoped3A, %mul3A_4, %dma_wait3A_38] : memref<2x4000x80xi32, #tpu.memory_space<hbm>> -> memref<1x125x80xi32, #tpu.memory_space<hbm>>
      %dma_wait3A_40 = tpu.memref_squeeze %dma_wait3A_39 : memref<1x125x80xi32, #tpu.memory_space<hbm>> -> memref<125x80xi32, #tpu.memory_space<hbm>>
      tpu.wait_dma2 semaphore(%run_scoped3A_30 : memref<!tpu.dma_semaphore, #tpu.memory_space<semaphore_mem>>) src(%dma_wait3A_40 : memref<125x80xi32, #tpu.memory_space<hbm>>) dst(%arg4 : memref<125x80xi32, #tpu.memory_space<vmem>>)
      tpu.yield
    }) : () -> ()
    %broadcast_in_dim3A = arith.constant 1.000000e+00 : f32
    %broadcast_in_dim3A_5 = vector.broadcast %broadcast_in_dim3A : f32 to vector<16xf32>
    %scan3A = arith.constant 0 : i32
    %scan3A_6 = arith.constant 80 : i32
    %scan3A_7 = arith.addi %scan3A, %scan3A_6 : i32
    %scan3A_8 = arith.constant 1 : i32
    scf.for %scan3A_30 = %scan3A to %scan3A_7 step %scan3A_8  : i32 {
      %jit3A = arith.constant 1 : i32
      %div3A = arith.divsi %scan3A_30, %jit3A : i32
      %sign3A = arith.constant 0 : i32
      %sign3A_31 = arith.cmpi sgt, %scan3A_30, %sign3A : i32
      %sign3A_32 = arith.extui %sign3A_31 : i1 to i32
      %sign3A_33 = arith.constant 0 : i32
      %sign3A_34 = arith.cmpi slt, %scan3A_30, %sign3A_33 : i32
      %sign3A_35 = arith.extui %sign3A_34 : i1 to i32
      %sign3A_36 = arith.subi %sign3A_32, %sign3A_35 : i32
      %sign3A_37 = arith.constant 0 : i32
      %sign3A_38 = arith.cmpi sgt, %jit3A, %sign3A_37 : i32
      %sign3A_39 = arith.extui %sign3A_38 : i1 to i32
      %sign3A_40 = arith.constant 0 : i32
      %sign3A_41 = arith.cmpi slt, %jit3A, %sign3A_40 : i32
      %sign3A_42 = arith.extui %sign3A_41 : i1 to i32
      %sign3A_43 = arith.subi %sign3A_39, %sign3A_42 : i32
      %ne3A = arith.cmpi ne, %sign3A_36, %sign3A_43 : i32
      %rem3A = arith.remsi %scan3A_30, %jit3A : i32
      %ne3A_44 = arith.constant 0 : i32
      %ne3A_45 = arith.cmpi ne, %rem3A, %ne3A_44 : i32
      %and3A = arith.andi %ne3A, %ne3A_45 : i1
      %sub3A = arith.constant 1 : i32
      %sub3A_46 = arith.subi %div3A, %sub3A : i32
      %select_n3A = arith.select %and3A, %sub3A_46, %div3A : i32
      %jit3A_47 = arith.constant 1 : i32
      %eq3A = arith.constant 0 : i32
      %eq3A_48 = arith.cmpi eq, %jit3A_47, %eq3A : i32
      %jit3A_49 = arith.constant 1 : i32
      %select_n3A_50 = arith.select %eq3A_48, %jit3A_49, %jit3A_47 : i32
      %rem3A_51 = arith.remsi %scan3A_30, %select_n3A_50 : i32
      %ne3A_52 = arith.constant 0 : i32
      %ne3A_53 = arith.cmpi ne, %rem3A_51, %ne3A_52 : i32
      %lt3A = arith.constant 0 : i32
      %lt3A_54 = arith.cmpi slt, %rem3A_51, %lt3A : i32
      %lt3A_55 = arith.constant 0 : i32
      %lt3A_56 = arith.cmpi slt, %select_n3A_50, %lt3A_55 : i32
      %ne3A_57 = arith.xori %lt3A_54, %lt3A_56 : i1
      %and3A_58 = arith.andi %ne3A_57, %ne3A_53 : i1
      %add3A_59 = arith.addi %rem3A_51, %select_n3A_50 : i32
      %select_n3A_60 = arith.select %and3A_58, %add3A_59, %rem3A_51 : i32
      %mul3A_61 = arith.constant 16 : i32
      %mul3A_62 = arith.muli %select_n3A_60, %mul3A_61 : i32
      %swap3A = arith.index_cast %select_n3A : i32 to index
      %swap3A_63 = arith.index_cast %mul3A_62 : i32 to index
      %swap3A_64 = tpu.vector_load %arg5[%swap3A, %swap3A_63] {strides = array<i32>} : memref<80x16xf32, #tpu.memory_space<vmem>>, vector<1x16xf32>,
      %swap3A_65 = vector.shape_cast %swap3A_64 : vector<1x16xf32> to vector<16xf32>
      %swap3A_66 = vector.shape_cast %broadcast_in_dim3A_5 : vector<16xf32> to vector<1x16xf32>
      tpu.vector_store %arg5[%swap3A, %swap3A_63], %swap3A_66 {strides = array<i32>} : memref<80x16xf32, #tpu.memory_space<vmem>>, vector<1x16xf32>,
    }
    %scan3A_9 = arith.constant 80 : i32
    %broadcast_in_dim3A_10 = arith.constant 0.000000e+00 : f32
    %broadcast_in_dim3A_11 = vector.broadcast %broadcast_in_dim3A_10 : f32 to vector<16xf32>
    %scan3A_12 = arith.constant 0 : i32
    %scan3A_13 = arith.constant 25 : i32
    %scan3A_14 = arith.addi %scan3A_12, %scan3A_13 : i32
    %scan3A_15 = arith.constant 1 : i32
    scf.for %scan3A_30 = %scan3A_12 to %scan3A_14 step %scan3A_15  : i32 {
      %jit3A = arith.constant 1 : i32
      %div3A = arith.divsi %scan3A_30, %jit3A : i32
      %sign3A = arith.constant 0 : i32
      %sign3A_31 = arith.cmpi sgt, %scan3A_30, %sign3A : i32
      %sign3A_32 = arith.extui %sign3A_31 : i1 to i32
      %sign3A_33 = arith.constant 0 : i32
      %sign3A_34 = arith.cmpi slt, %scan3A_30, %sign3A_33 : i32
      %sign3A_35 = arith.extui %sign3A_34 : i1 to i32
      %sign3A_36 = arith.subi %sign3A_32, %sign3A_35 : i32
      %sign3A_37 = arith.constant 0 : i32
      %sign3A_38 = arith.cmpi sgt, %jit3A, %sign3A_37 : i32
      %sign3A_39 = arith.extui %sign3A_38 : i1 to i32
      %sign3A_40 = arith.constant 0 : i32
      %sign3A_41 = arith.cmpi slt, %jit3A, %sign3A_40 : i32
      %sign3A_42 = arith.extui %sign3A_41 : i1 to i32
      %sign3A_43 = arith.subi %sign3A_39, %sign3A_42 : i32
      %ne3A = arith.cmpi ne, %sign3A_36, %sign3A_43 : i32
      %rem3A = arith.remsi %scan3A_30, %jit3A : i32
      %ne3A_44 = arith.constant 0 : i32
      %ne3A_45 = arith.cmpi ne, %rem3A, %ne3A_44 : i32
      %and3A = arith.andi %ne3A, %ne3A_45 : i1
      %sub3A = arith.constant 1 : i32
      %sub3A_46 = arith.subi %div3A, %sub3A : i32
      %select_n3A = arith.select %and3A, %sub3A_46, %div3A : i32
      %jit3A_47 = arith.constant 1 : i32
      %eq3A = arith.constant 0 : i32
      %eq3A_48 = arith.cmpi eq, %jit3A_47, %eq3A : i32
      %jit3A_49 = arith.constant 1 : i32
      %select_n3A_50 = arith.select %eq3A_48, %jit3A_49, %jit3A_47 : i32
      %rem3A_51 = arith.remsi %scan3A_30, %select_n3A_50 : i32
      %ne3A_52 = arith.constant 0 : i32
      %ne3A_53 = arith.cmpi ne, %rem3A_51, %ne3A_52 : i32
      %lt3A = arith.constant 0 : i32
      %lt3A_54 = arith.cmpi slt, %rem3A_51, %lt3A : i32
      %lt3A_55 = arith.constant 0 : i32
      %lt3A_56 = arith.cmpi slt, %select_n3A_50, %lt3A_55 : i32
      %ne3A_57 = arith.xori %lt3A_54, %lt3A_56 : i1
      %and3A_58 = arith.andi %ne3A_57, %ne3A_53 : i1
      %add3A_59 = arith.addi %rem3A_51, %select_n3A_50 : i32
      %select_n3A_60 = arith.select %and3A_58, %add3A_59, %rem3A_51 : i32
      %mul3A_61 = arith.constant 16 : i32
      %mul3A_62 = arith.muli %select_n3A_60, %mul3A_61 : i32
      %swap3A = arith.index_cast %select_n3A : i32 to index
      %swap3A_63 = arith.index_cast %mul3A_62 : i32 to index
      %swap3A_64 = tpu.vector_load %arg6[%swap3A, %swap3A_63] {strides = array<i32>} : memref<25x16xf32, #tpu.memory_space<vmem>>, vector<1x16xf32>,
      %swap3A_65 = vector.shape_cast %swap3A_64 : vector<1x16xf32> to vector<16xf32>
      %swap3A_66 = vector.shape_cast %broadcast_in_dim3A_11 : vector<16xf32> to vector<1x16xf32>
      tpu.vector_store %arg6[%swap3A, %swap3A_63], %swap3A_66 {strides = array<i32>} : memref<25x16xf32, #tpu.memory_space<vmem>>, vector<1x16xf32>,
    }
    %scan3A_16 = arith.constant 25 : i32
    %scan3A_17 = arith.constant 0 : i32
    %scan3A_18 = arith.constant 25 : i32
    %scan3A_19 = arith.addi %scan3A_17, %scan3A_18 : i32
    %scan3A_20 = arith.constant 1 : i32
    scf.for %scan3A_30 = %scan3A_17 to %scan3A_19 step %scan3A_20  : i32 {
      %mul3A_31 = arith.constant 25 : i32
      %mul3A_32 = arith.muli %scan3A_30, %mul3A_31 : i32
      %add3A_33 = arith.addi %mul3A_2, %mul3A_32 : i32
      "tpu.region"() ({
        %run_scoped3A_34 = tpu.sem_alloc : memref<!tpu.dma_semaphore, #tpu.memory_space<semaphore_mem>>
        %dma_start3A = arith.constant 0 : i32
        %dma_start3A_35 = tpu.memref_slice %arg7[%add3A_33, %dma_start3A] : memref<10000x16xf32, #tpu.memory_space<vmem_shared>> -> memref<25x16xf32, #tpu.memory_space<vmem_shared>>
        %dma_start3A_36 = arith.constant 0 : i32
        %dma_start3A_37 = tpu.memref_slice %arg7[%add3A_33, %dma_start3A_36] : memref<10000x16xf32, #tpu.memory_space<vmem_shared>> -> memref<25x16xf32, #tpu.memory_space<vmem_shared>>
        tpu.enqueue_dma source(%arg6 : memref<25x16xf32, #tpu.memory_space<vmem>>) target(%dma_start3A_37 : memref<25x16xf32, #tpu.memory_space<vmem_shared>>) target_semaphore(%run_scoped3A_34 : memref<!tpu.dma_semaphore, #tpu.memory_space<semaphore_mem>>)
        %dma_wait3A = arith.constant 0 : i32
        %dma_wait3A_38 = tpu.memref_slice %arg7[%add3A_33, %dma_wait3A] : memref<10000x16xf32, #tpu.memory_space<vmem_shared>> -> memref<25x16xf32, #tpu.memory_space<vmem_shared>>
        %dma_wait3A_39 = arith.constant 0 : i32
        %dma_wait3A_40 = tpu.memref_slice %arg7[%add3A_33, %dma_wait3A_39] : memref<10000x16xf32, #tpu.memory_space<vmem_shared>> -> memref<25x16xf32, #tpu.memory_space<vmem_shared>>
        tpu.wait_dma2 semaphore(%run_scoped3A_34 : memref<!tpu.dma_semaphore, #tpu.memory_space<semaphore_mem>>) src(%arg6 : memref<25x16xf32, #tpu.memory_space<vmem>>) dst(%dma_wait3A_40 : memref<25x16xf32, #tpu.memory_space<vmem_shared>>)
        tpu.yield
      }) : () -> ()
    }
    %scan3A_21 = arith.constant 25 : i32
    %barrier3A = arith.constant 0 : index
    tpu.barrier barrier_id(%barrier3A)
    %scan3A_22 = arith.constant 0 : i32
    %scan3A_23 = arith.constant 25 : i32
    %scan3A_24 = arith.addi %scan3A_22, %scan3A_23 : i32
    %scan3A_25 = arith.constant 1 : i32
    scf.for %scan3A_30 = %scan3A_22 to %scan3A_24 step %scan3A_25  : i32 {
      %scan3A_31 = arith.constant 0 : i32
      %scan3A_32 = arith.constant 5 : i32
      %scan3A_33 = arith.addi %scan3A_31, %scan3A_32 : i32
      %scan3A_34 = arith.constant 1 : i32
      scf.for %scan3A_41 = %scan3A_31 to %scan3A_33 step %scan3A_34  : i32 {
        %mul3A_42 = arith.constant 5 : i32
        %mul3A_43 = arith.muli %scan3A_30, %mul3A_42 : i32
        %add3A_44 = arith.addi %mul3A_43, %scan3A_41 : i32
        %dma_start3A = arith.constant 0 : i32
        %dma_start3A_45 = tpu.memref_slice %arg4[%add3A_44, %dma_start3A] : memref<125x80xi32, #tpu.memory_space<vmem>> -> memref<1x80xi32, #tpu.memory_space<vmem>>
        %dma_start3A_46 = tpu.memref_squeeze %dma_start3A_45 : memref<1x80xi32, #tpu.memory_space<vmem>> -> memref<80xi32, #tpu.memory_space<vmem>>
        %dma_start3A_47 = arith.constant 0 : i32
        %dma_start3A_48 = arith.constant 0 : i32
        %dma_start3A_49 = tpu.memref_slice %arg7[%dma_start3A_47, %dma_start3A_48] : memref<10000x16xf32, #tpu.memory_space<vmem_shared>> -> memref<10000x16xf32, #tpu.memory_space<vmem_shared>>
        tpu.enqueue_indirect_dma source(%arg5 : memref<80x16xf32, #tpu.memory_space<vmem>>) target(%dma_start3A_49 : memref<10000x16xf32, #tpu.memory_space<vmem_shared>>) offsets(%dma_start3A_46 : memref<80xi32, #tpu.memory_space<vmem>>) semaphore(%arg8 : memref<!tpu.dma_semaphore, #tpu.memory_space<semaphore_mem>>) {add = true}
      }
      %scan3A_35 = arith.constant 5 : i32
      %scan3A_36 = arith.constant 0 : i32
      %scan3A_37 = arith.constant 5 : i32
      %scan3A_38 = arith.addi %scan3A_36, %scan3A_37 : i32
      %scan3A_39 = arith.constant 1 : i32
      scf.for %scan3A_41 = %scan3A_36 to %scan3A_38 step %scan3A_39  : i32 {
        %dma_wait3A = arith.constant 0 : i32
        %dma_wait3A_42 = arith.constant 0 : i32
        %dma_wait3A_43 = tpu.memref_slice %arg4[%dma_wait3A, %dma_wait3A_42] : memref<125x80xi32, #tpu.memory_space<vmem>> -> memref<1x80xi32, #tpu.memory_space<vmem>>
        %dma_wait3A_44 = tpu.memref_squeeze %dma_wait3A_43 : memref<1x80xi32, #tpu.memory_space<vmem>> -> memref<80xi32, #tpu.memory_space<vmem>>
        %dma_wait3A_45 = arith.constant 0 : i32
        %dma_wait3A_46 = arith.constant 0 : i32
        %dma_wait3A_47 = tpu.memref_slice %arg7[%dma_wait3A_45, %dma_wait3A_46] : memref<10000x16xf32, #tpu.memory_space<vmem_shared>> -> memref<10000x16xf32, #tpu.memory_space<vmem_shared>>
        tpu.wait_indirect_dma semaphore(%arg8 : memref<!tpu.dma_semaphore, #tpu.memory_space<semaphore_mem>>) src(%arg5 : memref<80x16xf32, #tpu.memory_space<vmem>>) dst(%dma_wait3A_47 : memref<10000x16xf32, #tpu.memory_space<vmem_shared>>)
      }
      %scan3A_40 = arith.constant 5 : i32
    }
    %scan3A_26 = arith.constant 25 : i32
    %barrier3A_27 = arith.constant 0 : index
    tpu.barrier barrier_id(%barrier3A_27)
    %mul3A_28 = arith.constant 16 : i32
    %mul3A_29 = arith.muli %arg0, %mul3A_28 : i32
    "tpu.region"() ({
      %run_scoped3A_30 = tpu.sem_alloc : memref<!tpu.dma_semaphore, #tpu.memory_space<semaphore_mem>>
      %dma_start3A = tpu.memref_slice %arg3[%mul3A_2, %mul3A_29] : memref<10000x128xf32, #tpu.memory_space<hbm>> -> memref<625x16xf32, #tpu.memory_space<hbm>>
      %dma_start3A_31 = arith.constant 0 : i32
      %dma_start3A_32 = tpu.memref_slice %arg7[%mul3A_2, %dma_start3A_31] : memref<10000x16xf32, #tpu.memory_space<vmem_shared>> -> memref<625x16xf32, #tpu.memory_space<vmem_shared>>
      tpu.enqueue_dma source(%dma_start3A_32 : memref<625x16xf32, #tpu.memory_space<vmem_shared>>) target(%dma_start3A : memref<625x16xf32, #tpu.memory_space<hbm>>) target_semaphore(%run_scoped3A_30 : memref<!tpu.dma_semaphore, #tpu.memory_space<semaphore_mem>>)
      %dma_wait3A = tpu.memref_slice %arg3[%mul3A_2, %mul3A_29] : memref<10000x128xf32, #tpu.memory_space<hbm>> -> memref<625x16xf32, #tpu.memory_space<hbm>>
      %dma_wait3A_33 = arith.constant 0 : i32
      %dma_wait3A_34 = tpu.memref_slice %arg7[%mul3A_2, %dma_wait3A_33] : memref<10000x16xf32, #tpu.memory_space<vmem_shared>> -> memref<625x16xf32, #tpu.memory_space<vmem_shared>>
      tpu.wait_dma2 semaphore(%run_scoped3A_30 : memref<!tpu.dma_semaphore, #tpu.memory_space<semaphore_mem>>) src(%dma_wait3A_34 : memref<625x16xf32, #tpu.memory_space<vmem_shared>>) dst(%dma_wait3A : memref<625x16xf32, #tpu.memory_space<hbm>>)
      tpu.yield
    }) : () -> ()
    return
  }
}

#map = affine_map<(d0, d1) -> (0, 0)>
#map1 = affine_map<(d0, d1) -> (0, 0, 0)>
module attributes {stable_mosaic.version = 14 : i64} {
  func.func @sc_agg(%arg0: i32, %arg1: i32, %arg2: memref<10000x64xf32, #tpu.memory_space<hbm>>, %arg3: memref<2x4000x80xi32, #tpu.memory_space<hbm>>, %arg4: memref<10000x128xf32, #tpu.memory_space<hbm>>, %arg5: memref<125x80xi32, #tpu.memory_space<vmem>>, %arg6: memref<125x80xi32, #tpu.memory_space<vmem>>, %arg7: memref<80x64xf32, #tpu.memory_space<vmem>>, %arg8: memref<80x64xf32, #tpu.memory_space<vmem>>, %arg9: memref<80x64xf32, #tpu.memory_space<vmem>>, %arg10: memref<10000x64xf32, #tpu.memory_space<vmem_shared>>, %arg11: memref<!tpu.dma_semaphore, #tpu.memory_space<semaphore_mem>>, %arg12: memref<!tpu.dma_semaphore, #tpu.memory_space<semaphore_mem>>, %arg13: memref<!tpu.dma_semaphore, #tpu.memory_space<semaphore_mem>>, %arg14: memref<!tpu.dma_semaphore, #tpu.memory_space<semaphore_mem>>, %arg15: memref<!tpu.dma_semaphore, #tpu.memory_space<semaphore_mem>>, %arg16: memref<!tpu.dma_semaphore, #tpu.memory_space<semaphore_mem>>) attributes {dimension_semantics = [#tpu.dimension_semantics<core_parallel>, #tpu.dimension_semantics<subcore_parallel>], iteration_bounds = array<i64: 2, 16>, scalar_prefetch = 0 : i64, scratch_operands = 12 : i64, tpu.core_type = #tpu.core_type<sc_vector_subcore>, window_params = [{transform_indices = #map}, {transform_indices = #map1}, {transform_indices = #map}]} {
    %mul3A = arith.constant 16 : i32
    %mul3A_0 = arith.muli %arg0, %mul3A : i32
    %add3A = arith.addi %mul3A_0, %arg1 : i32
    %mul3A_1 = arith.constant 625 : i32
    %mul3A_2 = arith.muli %arg1, %mul3A_1 : i32
    %mul3A_3 = arith.constant 125 : i32
    %mul3A_4 = arith.muli %add3A, %mul3A_3 : i32
    %run_scoped3A = arith.constant 0 : i32
    "tpu.region"() ({
      %run_scoped3A_176 = tpu.sem_alloc : memref<!tpu.dma_semaphore, #tpu.memory_space<semaphore_mem>>
      %dma_start3A_177 = arith.constant 0 : i32
      %dma_start3A_178 = tpu.memref_slice %arg3[%run_scoped3A, %mul3A_4, %dma_start3A_177] : memref<2x4000x80xi32, #tpu.memory_space<hbm>> -> memref<1x125x80xi32, #tpu.memory_space<hbm>>
      %dma_start3A_179 = tpu.memref_squeeze %dma_start3A_178 : memref<1x125x80xi32, #tpu.memory_space<hbm>> -> memref<125x80xi32, #tpu.memory_space<hbm>>
      %dma_start3A_180 = arith.constant 0 : i32
      %dma_start3A_181 = tpu.memref_slice %arg3[%run_scoped3A, %mul3A_4, %dma_start3A_180] : memref<2x4000x80xi32, #tpu.memory_space<hbm>> -> memref<1x125x80xi32, #tpu.memory_space<hbm>>
      %dma_start3A_182 = tpu.memref_squeeze %dma_start3A_181 : memref<1x125x80xi32, #tpu.memory_space<hbm>> -> memref<125x80xi32, #tpu.memory_space<hbm>>
      tpu.enqueue_dma source(%dma_start3A_182 : memref<125x80xi32, #tpu.memory_space<hbm>>) target(%arg5 : memref<125x80xi32, #tpu.memory_space<vmem>>) target_semaphore(%run_scoped3A_176 : memref<!tpu.dma_semaphore, #tpu.memory_space<semaphore_mem>>)
      %dma_wait3A_183 = arith.constant 0 : i32
      %dma_wait3A_184 = tpu.memref_slice %arg3[%run_scoped3A, %mul3A_4, %dma_wait3A_183] : memref<2x4000x80xi32, #tpu.memory_space<hbm>> -> memref<1x125x80xi32, #tpu.memory_space<hbm>>
      %dma_wait3A_185 = tpu.memref_squeeze %dma_wait3A_184 : memref<1x125x80xi32, #tpu.memory_space<hbm>> -> memref<125x80xi32, #tpu.memory_space<hbm>>
      %dma_wait3A_186 = arith.constant 0 : i32
      %dma_wait3A_187 = tpu.memref_slice %arg3[%run_scoped3A, %mul3A_4, %dma_wait3A_186] : memref<2x4000x80xi32, #tpu.memory_space<hbm>> -> memref<1x125x80xi32, #tpu.memory_space<hbm>>
      %dma_wait3A_188 = tpu.memref_squeeze %dma_wait3A_187 : memref<1x125x80xi32, #tpu.memory_space<hbm>> -> memref<125x80xi32, #tpu.memory_space<hbm>>
      tpu.wait_dma2 semaphore(%run_scoped3A_176 : memref<!tpu.dma_semaphore, #tpu.memory_space<semaphore_mem>>) src(%dma_wait3A_188 : memref<125x80xi32, #tpu.memory_space<hbm>>) dst(%arg5 : memref<125x80xi32, #tpu.memory_space<vmem>>)
      tpu.yield
    }) : () -> ()
    %mul3A_5 = arith.constant 125 : i32
    %mul3A_6 = arith.muli %add3A, %mul3A_5 : i32
    %run_scoped3A_7 = arith.constant 1 : i32
    "tpu.region"() ({
      %run_scoped3A_176 = tpu.sem_alloc : memref<!tpu.dma_semaphore, #tpu.memory_space<semaphore_mem>>
      %dma_start3A_177 = arith.constant 0 : i32
      %dma_start3A_178 = tpu.memref_slice %arg3[%run_scoped3A_7, %mul3A_6, %dma_start3A_177] : memref<2x4000x80xi32, #tpu.memory_space<hbm>> -> memref<1x125x80xi32, #tpu.memory_space<hbm>>
      %dma_start3A_179 = tpu.memref_squeeze %dma_start3A_178 : memref<1x125x80xi32, #tpu.memory_space<hbm>> -> memref<125x80xi32, #tpu.memory_space<hbm>>
      %dma_start3A_180 = arith.constant 0 : i32
      %dma_start3A_181 = tpu.memref_slice %arg3[%run_scoped3A_7, %mul3A_6, %dma_start3A_180] : memref<2x4000x80xi32, #tpu.memory_space<hbm>> -> memref<1x125x80xi32, #tpu.memory_space<hbm>>
      %dma_start3A_182 = tpu.memref_squeeze %dma_start3A_181 : memref<1x125x80xi32, #tpu.memory_space<hbm>> -> memref<125x80xi32, #tpu.memory_space<hbm>>
      tpu.enqueue_dma source(%dma_start3A_182 : memref<125x80xi32, #tpu.memory_space<hbm>>) target(%arg6 : memref<125x80xi32, #tpu.memory_space<vmem>>) target_semaphore(%run_scoped3A_176 : memref<!tpu.dma_semaphore, #tpu.memory_space<semaphore_mem>>)
      %dma_wait3A_183 = arith.constant 0 : i32
      %dma_wait3A_184 = tpu.memref_slice %arg3[%run_scoped3A_7, %mul3A_6, %dma_wait3A_183] : memref<2x4000x80xi32, #tpu.memory_space<hbm>> -> memref<1x125x80xi32, #tpu.memory_space<hbm>>
      %dma_wait3A_185 = tpu.memref_squeeze %dma_wait3A_184 : memref<1x125x80xi32, #tpu.memory_space<hbm>> -> memref<125x80xi32, #tpu.memory_space<hbm>>
      %dma_wait3A_186 = arith.constant 0 : i32
      %dma_wait3A_187 = tpu.memref_slice %arg3[%run_scoped3A_7, %mul3A_6, %dma_wait3A_186] : memref<2x4000x80xi32, #tpu.memory_space<hbm>> -> memref<1x125x80xi32, #tpu.memory_space<hbm>>
      %dma_wait3A_188 = tpu.memref_squeeze %dma_wait3A_187 : memref<1x125x80xi32, #tpu.memory_space<hbm>> -> memref<125x80xi32, #tpu.memory_space<hbm>>
      tpu.wait_dma2 semaphore(%run_scoped3A_176 : memref<!tpu.dma_semaphore, #tpu.memory_space<semaphore_mem>>) src(%dma_wait3A_188 : memref<125x80xi32, #tpu.memory_space<hbm>>) dst(%arg6 : memref<125x80xi32, #tpu.memory_space<vmem>>)
      tpu.yield
    }) : () -> ()
    %broadcast_in_dim3A = arith.constant 0.000000e+00 : f32
    %broadcast_in_dim3A_8 = vector.broadcast %broadcast_in_dim3A : f32 to vector<16xf32>
    %scan3A = arith.constant 0 : i32
    %scan3A_9 = arith.constant 320 : i32
    %scan3A_10 = arith.addi %scan3A, %scan3A_9 : i32
    %scan3A_11 = arith.constant 1 : i32
    scf.for %scan3A_176 = %scan3A to %scan3A_10 step %scan3A_11  : i32 {
      %jit3A = arith.constant 4 : i32
      %div3A = arith.divsi %scan3A_176, %jit3A : i32
      %sign3A = arith.constant 0 : i32
      %sign3A_177 = arith.cmpi sgt, %scan3A_176, %sign3A : i32
      %sign3A_178 = arith.extui %sign3A_177 : i1 to i32
      %sign3A_179 = arith.constant 0 : i32
      %sign3A_180 = arith.cmpi slt, %scan3A_176, %sign3A_179 : i32
      %sign3A_181 = arith.extui %sign3A_180 : i1 to i32
      %sign3A_182 = arith.subi %sign3A_178, %sign3A_181 : i32
      %sign3A_183 = arith.constant 0 : i32
      %sign3A_184 = arith.cmpi sgt, %jit3A, %sign3A_183 : i32
      %sign3A_185 = arith.extui %sign3A_184 : i1 to i32
      %sign3A_186 = arith.constant 0 : i32
      %sign3A_187 = arith.cmpi slt, %jit3A, %sign3A_186 : i32
      %sign3A_188 = arith.extui %sign3A_187 : i1 to i32
      %sign3A_189 = arith.subi %sign3A_185, %sign3A_188 : i32
      %ne3A = arith.cmpi ne, %sign3A_182, %sign3A_189 : i32
      %rem3A = arith.remsi %scan3A_176, %jit3A : i32
      %ne3A_190 = arith.constant 0 : i32
      %ne3A_191 = arith.cmpi ne, %rem3A, %ne3A_190 : i32
      %and3A = arith.andi %ne3A, %ne3A_191 : i1
      %sub3A_192 = arith.constant 1 : i32
      %sub3A_193 = arith.subi %div3A, %sub3A_192 : i32
      %select_n3A = arith.select %and3A, %sub3A_193, %div3A : i32
      %jit3A_194 = arith.constant 4 : i32
      %eq3A = arith.constant 0 : i32
      %eq3A_195 = arith.cmpi eq, %jit3A_194, %eq3A : i32
      %jit3A_196 = arith.constant 1 : i32
      %select_n3A_197 = arith.select %eq3A_195, %jit3A_196, %jit3A_194 : i32
      %rem3A_198 = arith.remsi %scan3A_176, %select_n3A_197 : i32
      %ne3A_199 = arith.constant 0 : i32
      %ne3A_200 = arith.cmpi ne, %rem3A_198, %ne3A_199 : i32
      %lt3A = arith.constant 0 : i32
      %lt3A_201 = arith.cmpi slt, %rem3A_198, %lt3A : i32
      %lt3A_202 = arith.constant 0 : i32
      %lt3A_203 = arith.cmpi slt, %select_n3A_197, %lt3A_202 : i32
      %ne3A_204 = arith.xori %lt3A_201, %lt3A_203 : i1
      %and3A_205 = arith.andi %ne3A_204, %ne3A_200 : i1
      %add3A_206 = arith.addi %rem3A_198, %select_n3A_197 : i32
      %select_n3A_207 = arith.select %and3A_205, %add3A_206, %rem3A_198 : i32
      %mul3A_208 = arith.constant 16 : i32
      %mul3A_209 = arith.muli %select_n3A_207, %mul3A_208 : i32
      %swap3A = arith.index_cast %select_n3A : i32 to index
      %swap3A_210 = arith.index_cast %mul3A_209 : i32 to index
      %swap3A_211 = tpu.vector_load %arg7[%swap3A, %swap3A_210] {strides = array<i32>} : memref<80x64xf32, #tpu.memory_space<vmem>>, vector<1x16xf32>,
      %swap3A_212 = vector.shape_cast %swap3A_211 : vector<1x16xf32> to vector<16xf32>
      %swap3A_213 = vector.shape_cast %broadcast_in_dim3A_8 : vector<16xf32> to vector<1x16xf32>
      tpu.vector_store %arg7[%swap3A, %swap3A_210], %swap3A_213 {strides = array<i32>} : memref<80x64xf32, #tpu.memory_space<vmem>>, vector<1x16xf32>,
    }
    %scan3A_12 = arith.constant 320 : i32
    %add3A_13 = arith.constant 0 : i32
    %add3A_14 = arith.addi %mul3A_2, %add3A_13 : i32
    "tpu.region"() ({
      %run_scoped3A_176 = tpu.sem_alloc : memref<!tpu.dma_semaphore, #tpu.memory_space<semaphore_mem>>
      %dma_start3A_177 = arith.constant 0 : i32
      %dma_start3A_178 = tpu.memref_slice %arg10[%add3A_14, %dma_start3A_177] : memref<10000x64xf32, #tpu.memory_space<vmem_shared>> -> memref<80x64xf32, #tpu.memory_space<vmem_shared>>
      %dma_start3A_179 = arith.constant 0 : i32
      %dma_start3A_180 = tpu.memref_slice %arg10[%add3A_14, %dma_start3A_179] : memref<10000x64xf32, #tpu.memory_space<vmem_shared>> -> memref<80x64xf32, #tpu.memory_space<vmem_shared>>
      tpu.enqueue_dma source(%arg7 : memref<80x64xf32, #tpu.memory_space<vmem>>) target(%dma_start3A_180 : memref<80x64xf32, #tpu.memory_space<vmem_shared>>) target_semaphore(%run_scoped3A_176 : memref<!tpu.dma_semaphore, #tpu.memory_space<semaphore_mem>>)
      %dma_wait3A_181 = arith.constant 0 : i32
      %dma_wait3A_182 = tpu.memref_slice %arg10[%add3A_14, %dma_wait3A_181] : memref<10000x64xf32, #tpu.memory_space<vmem_shared>> -> memref<80x64xf32, #tpu.memory_space<vmem_shared>>
      %dma_wait3A_183 = arith.constant 0 : i32
      %dma_wait3A_184 = tpu.memref_slice %arg10[%add3A_14, %dma_wait3A_183] : memref<10000x64xf32, #tpu.memory_space<vmem_shared>> -> memref<80x64xf32, #tpu.memory_space<vmem_shared>>
      tpu.wait_dma2 semaphore(%run_scoped3A_176 : memref<!tpu.dma_semaphore, #tpu.memory_space<semaphore_mem>>) src(%arg7 : memref<80x64xf32, #tpu.memory_space<vmem>>) dst(%dma_wait3A_184 : memref<80x64xf32, #tpu.memory_space<vmem_shared>>)
      tpu.yield
    }) : () -> ()
    %add3A_15 = arith.constant 80 : i32
    %add3A_16 = arith.addi %mul3A_2, %add3A_15 : i32
    "tpu.region"() ({
      %run_scoped3A_176 = tpu.sem_alloc : memref<!tpu.dma_semaphore, #tpu.memory_space<semaphore_mem>>
      %dma_start3A_177 = arith.constant 0 : i32
      %dma_start3A_178 = tpu.memref_slice %arg10[%add3A_16, %dma_start3A_177] : memref<10000x64xf32, #tpu.memory_space<vmem_shared>> -> memref<80x64xf32, #tpu.memory_space<vmem_shared>>
      %dma_start3A_179 = arith.constant 0 : i32
      %dma_start3A_180 = tpu.memref_slice %arg10[%add3A_16, %dma_start3A_179] : memref<10000x64xf32, #tpu.memory_space<vmem_shared>> -> memref<80x64xf32, #tpu.memory_space<vmem_shared>>
      tpu.enqueue_dma source(%arg7 : memref<80x64xf32, #tpu.memory_space<vmem>>) target(%dma_start3A_180 : memref<80x64xf32, #tpu.memory_space<vmem_shared>>) target_semaphore(%run_scoped3A_176 : memref<!tpu.dma_semaphore, #tpu.memory_space<semaphore_mem>>)
      %dma_wait3A_181 = arith.constant 0 : i32
      %dma_wait3A_182 = tpu.memref_slice %arg10[%add3A_16, %dma_wait3A_181] : memref<10000x64xf32, #tpu.memory_space<vmem_shared>> -> memref<80x64xf32, #tpu.memory_space<vmem_shared>>
      %dma_wait3A_183 = arith.constant 0 : i32
      %dma_wait3A_184 = tpu.memref_slice %arg10[%add3A_16, %dma_wait3A_183] : memref<10000x64xf32, #tpu.memory_space<vmem_shared>> -> memref<80x64xf32, #tpu.memory_space<vmem_shared>>
      tpu.wait_dma2 semaphore(%run_scoped3A_176 : memref<!tpu.dma_semaphore, #tpu.memory_space<semaphore_mem>>) src(%arg7 : memref<80x64xf32, #tpu.memory_space<vmem>>) dst(%dma_wait3A_184 : memref<80x64xf32, #tpu.memory_space<vmem_shared>>)
      tpu.yield
    }) : () -> ()
    %add3A_17 = arith.constant 160 : i32
    %add3A_18 = arith.addi %mul3A_2, %add3A_17 : i32
    "tpu.region"() ({
      %run_scoped3A_176 = tpu.sem_alloc : memref<!tpu.dma_semaphore, #tpu.memory_space<semaphore_mem>>
      %dma_start3A_177 = arith.constant 0 : i32
      %dma_start3A_178 = tpu.memref_slice %arg10[%add3A_18, %dma_start3A_177] : memref<10000x64xf32, #tpu.memory_space<vmem_shared>> -> memref<80x64xf32, #tpu.memory_space<vmem_shared>>
      %dma_start3A_179 = arith.constant 0 : i32
      %dma_start3A_180 = tpu.memref_slice %arg10[%add3A_18, %dma_start3A_179] : memref<10000x64xf32, #tpu.memory_space<vmem_shared>> -> memref<80x64xf32, #tpu.memory_space<vmem_shared>>
      tpu.enqueue_dma source(%arg7 : memref<80x64xf32, #tpu.memory_space<vmem>>) target(%dma_start3A_180 : memref<80x64xf32, #tpu.memory_space<vmem_shared>>) target_semaphore(%run_scoped3A_176 : memref<!tpu.dma_semaphore, #tpu.memory_space<semaphore_mem>>)
      %dma_wait3A_181 = arith.constant 0 : i32
      %dma_wait3A_182 = tpu.memref_slice %arg10[%add3A_18, %dma_wait3A_181] : memref<10000x64xf32, #tpu.memory_space<vmem_shared>> -> memref<80x64xf32, #tpu.memory_space<vmem_shared>>
      %dma_wait3A_183 = arith.constant 0 : i32
      %dma_wait3A_184 = tpu.memref_slice %arg10[%add3A_18, %dma_wait3A_183] : memref<10000x64xf32, #tpu.memory_space<vmem_shared>> -> memref<80x64xf32, #tpu.memory_space<vmem_shared>>
      tpu.wait_dma2 semaphore(%run_scoped3A_176 : memref<!tpu.dma_semaphore, #tpu.memory_space<semaphore_mem>>) src(%arg7 : memref<80x64xf32, #tpu.memory_space<vmem>>) dst(%dma_wait3A_184 : memref<80x64xf32, #tpu.memory_space<vmem_shared>>)
      tpu.yield
    }) : () -> ()
    %add3A_19 = arith.constant 240 : i32
    %add3A_20 = arith.addi %mul3A_2, %add3A_19 : i32
    "tpu.region"() ({
      %run_scoped3A_176 = tpu.sem_alloc : memref<!tpu.dma_semaphore, #tpu.memory_space<semaphore_mem>>
      %dma_start3A_177 = arith.constant 0 : i32
      %dma_start3A_178 = tpu.memref_slice %arg10[%add3A_20, %dma_start3A_177] : memref<10000x64xf32, #tpu.memory_space<vmem_shared>> -> memref<80x64xf32, #tpu.memory_space<vmem_shared>>
      %dma_start3A_179 = arith.constant 0 : i32
      %dma_start3A_180 = tpu.memref_slice %arg10[%add3A_20, %dma_start3A_179] : memref<10000x64xf32, #tpu.memory_space<vmem_shared>> -> memref<80x64xf32, #tpu.memory_space<vmem_shared>>
      tpu.enqueue_dma source(%arg7 : memref<80x64xf32, #tpu.memory_space<vmem>>) target(%dma_start3A_180 : memref<80x64xf32, #tpu.memory_space<vmem_shared>>) target_semaphore(%run_scoped3A_176 : memref<!tpu.dma_semaphore, #tpu.memory_space<semaphore_mem>>)
      %dma_wait3A_181 = arith.constant 0 : i32
      %dma_wait3A_182 = tpu.memref_slice %arg10[%add3A_20, %dma_wait3A_181] : memref<10000x64xf32, #tpu.memory_space<vmem_shared>> -> memref<80x64xf32, #tpu.memory_space<vmem_shared>>
      %dma_wait3A_183 = arith.constant 0 : i32
      %dma_wait3A_184 = tpu.memref_slice %arg10[%add3A_20, %dma_wait3A_183] : memref<10000x64xf32, #tpu.memory_space<vmem_shared>> -> memref<80x64xf32, #tpu.memory_space<vmem_shared>>
      tpu.wait_dma2 semaphore(%run_scoped3A_176 : memref<!tpu.dma_semaphore, #tpu.memory_space<semaphore_mem>>) src(%arg7 : memref<80x64xf32, #tpu.memory_space<vmem>>) dst(%dma_wait3A_184 : memref<80x64xf32, #tpu.memory_space<vmem_shared>>)
      tpu.yield
    }) : () -> ()
    %add3A_21 = arith.constant 320 : i32
    %add3A_22 = arith.addi %mul3A_2, %add3A_21 : i32
    "tpu.region"() ({
      %run_scoped3A_176 = tpu.sem_alloc : memref<!tpu.dma_semaphore, #tpu.memory_space<semaphore_mem>>
      %dma_start3A_177 = arith.constant 0 : i32
      %dma_start3A_178 = tpu.memref_slice %arg10[%add3A_22, %dma_start3A_177] : memref<10000x64xf32, #tpu.memory_space<vmem_shared>> -> memref<80x64xf32, #tpu.memory_space<vmem_shared>>
      %dma_start3A_179 = arith.constant 0 : i32
      %dma_start3A_180 = tpu.memref_slice %arg10[%add3A_22, %dma_start3A_179] : memref<10000x64xf32, #tpu.memory_space<vmem_shared>> -> memref<80x64xf32, #tpu.memory_space<vmem_shared>>
      tpu.enqueue_dma source(%arg7 : memref<80x64xf32, #tpu.memory_space<vmem>>) target(%dma_start3A_180 : memref<80x64xf32, #tpu.memory_space<vmem_shared>>) target_semaphore(%run_scoped3A_176 : memref<!tpu.dma_semaphore, #tpu.memory_space<semaphore_mem>>)
      %dma_wait3A_181 = arith.constant 0 : i32
      %dma_wait3A_182 = tpu.memref_slice %arg10[%add3A_22, %dma_wait3A_181] : memref<10000x64xf32, #tpu.memory_space<vmem_shared>> -> memref<80x64xf32, #tpu.memory_space<vmem_shared>>
      %dma_wait3A_183 = arith.constant 0 : i32
      %dma_wait3A_184 = tpu.memref_slice %arg10[%add3A_22, %dma_wait3A_183] : memref<10000x64xf32, #tpu.memory_space<vmem_shared>> -> memref<80x64xf32, #tpu.memory_space<vmem_shared>>
      tpu.wait_dma2 semaphore(%run_scoped3A_176 : memref<!tpu.dma_semaphore, #tpu.memory_space<semaphore_mem>>) src(%arg7 : memref<80x64xf32, #tpu.memory_space<vmem>>) dst(%dma_wait3A_184 : memref<80x64xf32, #tpu.memory_space<vmem_shared>>)
      tpu.yield
    }) : () -> ()
    %add3A_23 = arith.constant 400 : i32
    %add3A_24 = arith.addi %mul3A_2, %add3A_23 : i32
    "tpu.region"() ({
      %run_scoped3A_176 = tpu.sem_alloc : memref<!tpu.dma_semaphore, #tpu.memory_space<semaphore_mem>>
      %dma_start3A_177 = arith.constant 0 : i32
      %dma_start3A_178 = tpu.memref_slice %arg10[%add3A_24, %dma_start3A_177] : memref<10000x64xf32, #tpu.memory_space<vmem_shared>> -> memref<80x64xf32, #tpu.memory_space<vmem_shared>>
      %dma_start3A_179 = arith.constant 0 : i32
      %dma_start3A_180 = tpu.memref_slice %arg10[%add3A_24, %dma_start3A_179] : memref<10000x64xf32, #tpu.memory_space<vmem_shared>> -> memref<80x64xf32, #tpu.memory_space<vmem_shared>>
      tpu.enqueue_dma source(%arg7 : memref<80x64xf32, #tpu.memory_space<vmem>>) target(%dma_start3A_180 : memref<80x64xf32, #tpu.memory_space<vmem_shared>>) target_semaphore(%run_scoped3A_176 : memref<!tpu.dma_semaphore, #tpu.memory_space<semaphore_mem>>)
      %dma_wait3A_181 = arith.constant 0 : i32
      %dma_wait3A_182 = tpu.memref_slice %arg10[%add3A_24, %dma_wait3A_181] : memref<10000x64xf32, #tpu.memory_space<vmem_shared>> -> memref<80x64xf32, #tpu.memory_space<vmem_shared>>
      %dma_wait3A_183 = arith.constant 0 : i32
      %dma_wait3A_184 = tpu.memref_slice %arg10[%add3A_24, %dma_wait3A_183] : memref<10000x64xf32, #tpu.memory_space<vmem_shared>> -> memref<80x64xf32, #tpu.memory_space<vmem_shared>>
      tpu.wait_dma2 semaphore(%run_scoped3A_176 : memref<!tpu.dma_semaphore, #tpu.memory_space<semaphore_mem>>) src(%arg7 : memref<80x64xf32, #tpu.memory_space<vmem>>) dst(%dma_wait3A_184 : memref<80x64xf32, #tpu.memory_space<vmem_shared>>)
      tpu.yield
    }) : () -> ()
    %add3A_25 = arith.constant 480 : i32
    %add3A_26 = arith.addi %mul3A_2, %add3A_25 : i32
    "tpu.region"() ({
      %run_scoped3A_176 = tpu.sem_alloc : memref<!tpu.dma_semaphore, #tpu.memory_space<semaphore_mem>>
      %dma_start3A_177 = arith.constant 0 : i32
      %dma_start3A_178 = tpu.memref_slice %arg10[%add3A_26, %dma_start3A_177] : memref<10000x64xf32, #tpu.memory_space<vmem_shared>> -> memref<80x64xf32, #tpu.memory_space<vmem_shared>>
      %dma_start3A_179 = arith.constant 0 : i32
      %dma_start3A_180 = tpu.memref_slice %arg10[%add3A_26, %dma_start3A_179] : memref<10000x64xf32, #tpu.memory_space<vmem_shared>> -> memref<80x64xf32, #tpu.memory_space<vmem_shared>>
      tpu.enqueue_dma source(%arg7 : memref<80x64xf32, #tpu.memory_space<vmem>>) target(%dma_start3A_180 : memref<80x64xf32, #tpu.memory_space<vmem_shared>>) target_semaphore(%run_scoped3A_176 : memref<!tpu.dma_semaphore, #tpu.memory_space<semaphore_mem>>)
      %dma_wait3A_181 = arith.constant 0 : i32
      %dma_wait3A_182 = tpu.memref_slice %arg10[%add3A_26, %dma_wait3A_181] : memref<10000x64xf32, #tpu.memory_space<vmem_shared>> -> memref<80x64xf32, #tpu.memory_space<vmem_shared>>
      %dma_wait3A_183 = arith.constant 0 : i32
      %dma_wait3A_184 = tpu.memref_slice %arg10[%add3A_26, %dma_wait3A_183] : memref<10000x64xf32, #tpu.memory_space<vmem_shared>> -> memref<80x64xf32, #tpu.memory_space<vmem_shared>>
      tpu.wait_dma2 semaphore(%run_scoped3A_176 : memref<!tpu.dma_semaphore, #tpu.memory_space<semaphore_mem>>) src(%arg7 : memref<80x64xf32, #tpu.memory_space<vmem>>) dst(%dma_wait3A_184 : memref<80x64xf32, #tpu.memory_space<vmem_shared>>)
      tpu.yield
    }) : () -> ()
    %add3A_27 = arith.constant 625 : i32
    %add3A_28 = arith.addi %mul3A_2, %add3A_27 : i32
    %sub3A = arith.constant 65 : i32
    %sub3A_29 = arith.subi %add3A_28, %sub3A : i32
    "tpu.region"() ({
      %run_scoped3A_176 = tpu.sem_alloc : memref<!tpu.dma_semaphore, #tpu.memory_space<semaphore_mem>>
      %dma_start3A_177 = arith.constant 0 : i32
      %dma_start3A_178 = arith.constant 0 : i32
      %dma_start3A_179 = tpu.memref_slice %arg7[%dma_start3A_177, %dma_start3A_178] : memref<80x64xf32, #tpu.memory_space<vmem>> -> memref<65x64xf32, #tpu.memory_space<vmem>>
      %dma_start3A_180 = arith.constant 0 : i32
      %dma_start3A_181 = tpu.memref_slice %arg10[%sub3A_29, %dma_start3A_180] : memref<10000x64xf32, #tpu.memory_space<vmem_shared>> -> memref<65x64xf32, #tpu.memory_space<vmem_shared>>
      %dma_start3A_182 = arith.constant 0 : i32
      %dma_start3A_183 = tpu.memref_slice %arg10[%sub3A_29, %dma_start3A_182] : memref<10000x64xf32, #tpu.memory_space<vmem_shared>> -> memref<65x64xf32, #tpu.memory_space<vmem_shared>>
      %dma_start3A_184 = arith.constant 0 : i32
      %dma_start3A_185 = arith.constant 0 : i32
      %dma_start3A_186 = tpu.memref_slice %arg7[%dma_start3A_184, %dma_start3A_185] : memref<80x64xf32, #tpu.memory_space<vmem>> -> memref<65x64xf32, #tpu.memory_space<vmem>>
      tpu.enqueue_dma source(%dma_start3A_186 : memref<65x64xf32, #tpu.memory_space<vmem>>) target(%dma_start3A_183 : memref<65x64xf32, #tpu.memory_space<vmem_shared>>) target_semaphore(%run_scoped3A_176 : memref<!tpu.dma_semaphore, #tpu.memory_space<semaphore_mem>>)
      %dma_wait3A_187 = arith.constant 0 : i32
      %dma_wait3A_188 = arith.constant 0 : i32
      %dma_wait3A_189 = tpu.memref_slice %arg7[%dma_wait3A_187, %dma_wait3A_188] : memref<80x64xf32, #tpu.memory_space<vmem>> -> memref<65x64xf32, #tpu.memory_space<vmem>>
      %dma_wait3A_190 = arith.constant 0 : i32
      %dma_wait3A_191 = tpu.memref_slice %arg10[%sub3A_29, %dma_wait3A_190] : memref<10000x64xf32, #tpu.memory_space<vmem_shared>> -> memref<65x64xf32, #tpu.memory_space<vmem_shared>>
      %dma_wait3A_192 = arith.constant 0 : i32
      %dma_wait3A_193 = tpu.memref_slice %arg10[%sub3A_29, %dma_wait3A_192] : memref<10000x64xf32, #tpu.memory_space<vmem_shared>> -> memref<65x64xf32, #tpu.memory_space<vmem_shared>>
      %dma_wait3A_194 = arith.constant 0 : i32
      %dma_wait3A_195 = arith.constant 0 : i32
      %dma_wait3A_196 = tpu.memref_slice %arg7[%dma_wait3A_194, %dma_wait3A_195] : memref<80x64xf32, #tpu.memory_space<vmem>> -> memref<65x64xf32, #tpu.memory_space<vmem>>
      tpu.wait_dma2 semaphore(%run_scoped3A_176 : memref<!tpu.dma_semaphore, #tpu.memory_space<semaphore_mem>>) src(%dma_wait3A_196 : memref<65x64xf32, #tpu.memory_space<vmem>>) dst(%dma_wait3A_193 : memref<65x64xf32, #tpu.memory_space<vmem_shared>>)
      tpu.yield
    }) : () -> ()
    %barrier3A = arith.constant 0 : index
    tpu.barrier barrier_id(%barrier3A)
    %dma_start3A = arith.constant 0 : i32
    %dma_start3A_30 = arith.constant 0 : i32
    %dma_start3A_31 = tpu.memref_slice %arg5[%dma_start3A, %dma_start3A_30] : memref<125x80xi32, #tpu.memory_space<vmem>> -> memref<1x80xi32, #tpu.memory_space<vmem>>
    %dma_start3A_32 = tpu.memref_squeeze %dma_start3A_31 : memref<1x80xi32, #tpu.memory_space<vmem>> -> memref<80xi32, #tpu.memory_space<vmem>>
    %dma_start3A_33 = arith.constant 0 : i32
    %dma_start3A_34 = arith.constant 0 : i32
    %dma_start3A_35 = tpu.memref_slice %arg2[%dma_start3A_33, %dma_start3A_34] : memref<10000x64xf32, #tpu.memory_space<hbm>> -> memref<10000x64xf32, #tpu.memory_space<hbm>>
    tpu.enqueue_indirect_dma source(%dma_start3A_35 : memref<10000x64xf32, #tpu.memory_space<hbm>>) target(%arg7 : memref<80x64xf32, #tpu.memory_space<vmem>>) offsets(%dma_start3A_32 : memref<80xi32, #tpu.memory_space<vmem>>) semaphore(%arg11 : memref<!tpu.dma_semaphore, #tpu.memory_space<semaphore_mem>>)
    %dma_start3A_36 = arith.constant 1 : i32
    %dma_start3A_37 = arith.constant 0 : i32
    %dma_start3A_38 = tpu.memref_slice %arg5[%dma_start3A_36, %dma_start3A_37] : memref<125x80xi32, #tpu.memory_space<vmem>> -> memref<1x80xi32, #tpu.memory_space<vmem>>
    %dma_start3A_39 = tpu.memref_squeeze %dma_start3A_38 : memref<1x80xi32, #tpu.memory_space<vmem>> -> memref<80xi32, #tpu.memory_space<vmem>>
    %dma_start3A_40 = arith.constant 0 : i32
    %dma_start3A_41 = arith.constant 0 : i32
    %dma_start3A_42 = tpu.memref_slice %arg2[%dma_start3A_40, %dma_start3A_41] : memref<10000x64xf32, #tpu.memory_space<hbm>> -> memref<10000x64xf32, #tpu.memory_space<hbm>>
    tpu.enqueue_indirect_dma source(%dma_start3A_42 : memref<10000x64xf32, #tpu.memory_space<hbm>>) target(%arg8 : memref<80x64xf32, #tpu.memory_space<vmem>>) offsets(%dma_start3A_39 : memref<80xi32, #tpu.memory_space<vmem>>) semaphore(%arg12 : memref<!tpu.dma_semaphore, #tpu.memory_space<semaphore_mem>>)
    %dma_wait3A = arith.constant 0 : i32
    %dma_wait3A_43 = arith.constant 0 : i32
    %dma_wait3A_44 = tpu.memref_slice %arg5[%dma_wait3A, %dma_wait3A_43] : memref<125x80xi32, #tpu.memory_space<vmem>> -> memref<1x80xi32, #tpu.memory_space<vmem>>
    %dma_wait3A_45 = tpu.memref_squeeze %dma_wait3A_44 : memref<1x80xi32, #tpu.memory_space<vmem>> -> memref<80xi32, #tpu.memory_space<vmem>>
    %dma_wait3A_46 = arith.constant 0 : i32
    %dma_wait3A_47 = arith.constant 0 : i32
    %dma_wait3A_48 = tpu.memref_slice %arg2[%dma_wait3A_46, %dma_wait3A_47] : memref<10000x64xf32, #tpu.memory_space<hbm>> -> memref<10000x64xf32, #tpu.memory_space<hbm>>
    tpu.wait_indirect_dma semaphore(%arg11 : memref<!tpu.dma_semaphore, #tpu.memory_space<semaphore_mem>>) src(%dma_wait3A_48 : memref<10000x64xf32, #tpu.memory_space<hbm>>) dst(%arg7 : memref<80x64xf32, #tpu.memory_space<vmem>>)
    %dma_start3A_49 = arith.constant 0 : i32
    %dma_start3A_50 = arith.constant 0 : i32
    %dma_start3A_51 = tpu.memref_slice %arg6[%dma_start3A_49, %dma_start3A_50] : memref<125x80xi32, #tpu.memory_space<vmem>> -> memref<1x80xi32, #tpu.memory_space<vmem>>
    %dma_start3A_52 = tpu.memref_squeeze %dma_start3A_51 : memref<1x80xi32, #tpu.memory_space<vmem>> -> memref<80xi32, #tpu.memory_space<vmem>>
    %dma_start3A_53 = arith.constant 0 : i32
    %dma_start3A_54 = arith.constant 0 : i32
    %dma_start3A_55 = tpu.memref_slice %arg10[%dma_start3A_53, %dma_start3A_54] : memref<10000x64xf32, #tpu.memory_space<vmem_shared>> -> memref<10000x64xf32, #tpu.memory_space<vmem_shared>>
    tpu.enqueue_indirect_dma source(%arg7 : memref<80x64xf32, #tpu.memory_space<vmem>>) target(%dma_start3A_55 : memref<10000x64xf32, #tpu.memory_space<vmem_shared>>) offsets(%dma_start3A_52 : memref<80xi32, #tpu.memory_space<vmem>>) semaphore(%arg14 : memref<!tpu.dma_semaphore, #tpu.memory_space<semaphore_mem>>) {add = true}
    %dma_start3A_56 = arith.constant 2 : i32
    %dma_start3A_57 = arith.constant 0 : i32
    %dma_start3A_58 = tpu.memref_slice %arg5[%dma_start3A_56, %dma_start3A_57] : memref<125x80xi32, #tpu.memory_space<vmem>> -> memref<1x80xi32, #tpu.memory_space<vmem>>
    %dma_start3A_59 = tpu.memref_squeeze %dma_start3A_58 : memref<1x80xi32, #tpu.memory_space<vmem>> -> memref<80xi32, #tpu.memory_space<vmem>>
    %dma_start3A_60 = arith.constant 0 : i32
    %dma_start3A_61 = arith.constant 0 : i32
    %dma_start3A_62 = tpu.memref_slice %arg2[%dma_start3A_60, %dma_start3A_61] : memref<10000x64xf32, #tpu.memory_space<hbm>> -> memref<10000x64xf32, #tpu.memory_space<hbm>>
    tpu.enqueue_indirect_dma source(%dma_start3A_62 : memref<10000x64xf32, #tpu.memory_space<hbm>>) target(%arg9 : memref<80x64xf32, #tpu.memory_space<vmem>>) offsets(%dma_start3A_59 : memref<80xi32, #tpu.memory_space<vmem>>) semaphore(%arg13 : memref<!tpu.dma_semaphore, #tpu.memory_space<semaphore_mem>>)
    %dma_wait3A_63 = arith.constant 0 : i32
    %dma_wait3A_64 = arith.constant 0 : i32
    %dma_wait3A_65 = tpu.memref_slice %arg5[%dma_wait3A_63, %dma_wait3A_64] : memref<125x80xi32, #tpu.memory_space<vmem>> -> memref<1x80xi32, #tpu.memory_space<vmem>>
    %dma_wait3A_66 = tpu.memref_squeeze %dma_wait3A_65 : memref<1x80xi32, #tpu.memory_space<vmem>> -> memref<80xi32, #tpu.memory_space<vmem>>
    %dma_wait3A_67 = arith.constant 0 : i32
    %dma_wait3A_68 = arith.constant 0 : i32
    %dma_wait3A_69 = tpu.memref_slice %arg2[%dma_wait3A_67, %dma_wait3A_68] : memref<10000x64xf32, #tpu.memory_space<hbm>> -> memref<10000x64xf32, #tpu.memory_space<hbm>>
    tpu.wait_indirect_dma semaphore(%arg12 : memref<!tpu.dma_semaphore, #tpu.memory_space<semaphore_mem>>) src(%dma_wait3A_69 : memref<10000x64xf32, #tpu.memory_space<hbm>>) dst(%arg8 : memref<80x64xf32, #tpu.memory_space<vmem>>)
    %dma_start3A_70 = arith.constant 1 : i32
    %dma_start3A_71 = arith.constant 0 : i32
    %dma_start3A_72 = tpu.memref_slice %arg6[%dma_start3A_70, %dma_start3A_71] : memref<125x80xi32, #tpu.memory_space<vmem>> -> memref<1x80xi32, #tpu.memory_space<vmem>>
    %dma_start3A_73 = tpu.memref_squeeze %dma_start3A_72 : memref<1x80xi32, #tpu.memory_space<vmem>> -> memref<80xi32, #tpu.memory_space<vmem>>
    %dma_start3A_74 = arith.constant 0 : i32
    %dma_start3A_75 = arith.constant 0 : i32
    %dma_start3A_76 = tpu.memref_slice %arg10[%dma_start3A_74, %dma_start3A_75] : memref<10000x64xf32, #tpu.memory_space<vmem_shared>> -> memref<10000x64xf32, #tpu.memory_space<vmem_shared>>
    tpu.enqueue_indirect_dma source(%arg8 : memref<80x64xf32, #tpu.memory_space<vmem>>) target(%dma_start3A_76 : memref<10000x64xf32, #tpu.memory_space<vmem_shared>>) offsets(%dma_start3A_73 : memref<80xi32, #tpu.memory_space<vmem>>) semaphore(%arg15 : memref<!tpu.dma_semaphore, #tpu.memory_space<semaphore_mem>>) {add = true}
    %scan3A_77 = arith.constant 0 : i32
    %scan3A_78 = arith.constant 40 : i32
    %scan3A_79 = arith.addi %scan3A_77, %scan3A_78 : i32
    %scan3A_80 = arith.constant 1 : i32
    scf.for %scan3A_176 = %scan3A_77 to %scan3A_79 step %scan3A_80  : i32 {
      %mul3A_177 = arith.constant 3 : i32
      %mul3A_178 = arith.muli %mul3A_177, %scan3A_176 : i32
      %add3A_179 = arith.constant 2 : i32
      %add3A_180 = arith.addi %mul3A_178, %add3A_179 : i32
      %dma_wait3A_181 = arith.constant 0 : i32
      %dma_wait3A_182 = arith.constant 0 : i32
      %dma_wait3A_183 = tpu.memref_slice %arg6[%dma_wait3A_181, %dma_wait3A_182] : memref<125x80xi32, #tpu.memory_space<vmem>> -> memref<1x80xi32, #tpu.memory_space<vmem>>
      %dma_wait3A_184 = tpu.memref_squeeze %dma_wait3A_183 : memref<1x80xi32, #tpu.memory_space<vmem>> -> memref<80xi32, #tpu.memory_space<vmem>>
      %dma_wait3A_185 = arith.constant 0 : i32
      %dma_wait3A_186 = arith.constant 0 : i32
      %dma_wait3A_187 = tpu.memref_slice %arg10[%dma_wait3A_185, %dma_wait3A_186] : memref<10000x64xf32, #tpu.memory_space<vmem_shared>> -> memref<10000x64xf32, #tpu.memory_space<vmem_shared>>
      tpu.wait_indirect_dma semaphore(%arg14 : memref<!tpu.dma_semaphore, #tpu.memory_space<semaphore_mem>>) src(%arg7 : memref<80x64xf32, #tpu.memory_space<vmem>>) dst(%dma_wait3A_187 : memref<10000x64xf32, #tpu.memory_space<vmem_shared>>)
      %add3A_188 = arith.constant 1 : i32
      %add3A_189 = arith.addi %add3A_180, %add3A_188 : i32
      %dma_start3A_190 = arith.constant 0 : i32
      %dma_start3A_191 = tpu.memref_slice %arg5[%add3A_189, %dma_start3A_190] : memref<125x80xi32, #tpu.memory_space<vmem>> -> memref<1x80xi32, #tpu.memory_space<vmem>>
      %dma_start3A_192 = tpu.memref_squeeze %dma_start3A_191 : memref<1x80xi32, #tpu.memory_space<vmem>> -> memref<80xi32, #tpu.memory_space<vmem>>
      %dma_start3A_193 = arith.constant 0 : i32
      %dma_start3A_194 = arith.constant 0 : i32
      %dma_start3A_195 = tpu.memref_slice %arg2[%dma_start3A_193, %dma_start3A_194] : memref<10000x64xf32, #tpu.memory_space<hbm>> -> memref<10000x64xf32, #tpu.memory_space<hbm>>
      tpu.enqueue_indirect_dma source(%dma_start3A_195 : memref<10000x64xf32, #tpu.memory_space<hbm>>) target(%arg7 : memref<80x64xf32, #tpu.memory_space<vmem>>) offsets(%dma_start3A_192 : memref<80xi32, #tpu.memory_space<vmem>>) semaphore(%arg11 : memref<!tpu.dma_semaphore, #tpu.memory_space<semaphore_mem>>)
      %dma_wait3A_196 = arith.constant 0 : i32
      %dma_wait3A_197 = arith.constant 0 : i32
      %dma_wait3A_198 = tpu.memref_slice %arg5[%dma_wait3A_196, %dma_wait3A_197] : memref<125x80xi32, #tpu.memory_space<vmem>> -> memref<1x80xi32, #tpu.memory_space<vmem>>
      %dma_wait3A_199 = tpu.memref_squeeze %dma_wait3A_198 : memref<1x80xi32, #tpu.memory_space<vmem>> -> memref<80xi32, #tpu.memory_space<vmem>>
      %dma_wait3A_200 = arith.constant 0 : i32
      %dma_wait3A_201 = arith.constant 0 : i32
      %dma_wait3A_202 = tpu.memref_slice %arg2[%dma_wait3A_200, %dma_wait3A_201] : memref<10000x64xf32, #tpu.memory_space<hbm>> -> memref<10000x64xf32, #tpu.memory_space<hbm>>
      tpu.wait_indirect_dma semaphore(%arg13 : memref<!tpu.dma_semaphore, #tpu.memory_space<semaphore_mem>>) src(%dma_wait3A_202 : memref<10000x64xf32, #tpu.memory_space<hbm>>) dst(%arg9 : memref<80x64xf32, #tpu.memory_space<vmem>>)
      %dma_start3A_203 = arith.constant 0 : i32
      %dma_start3A_204 = tpu.memref_slice %arg6[%add3A_180, %dma_start3A_203] : memref<125x80xi32, #tpu.memory_space<vmem>> -> memref<1x80xi32, #tpu.memory_space<vmem>>
      %dma_start3A_205 = tpu.memref_squeeze %dma_start3A_204 : memref<1x80xi32, #tpu.memory_space<vmem>> -> memref<80xi32, #tpu.memory_space<vmem>>
      %dma_start3A_206 = arith.constant 0 : i32
      %dma_start3A_207 = arith.constant 0 : i32
      %dma_start3A_208 = tpu.memref_slice %arg10[%dma_start3A_206, %dma_start3A_207] : memref<10000x64xf32, #tpu.memory_space<vmem_shared>> -> memref<10000x64xf32, #tpu.memory_space<vmem_shared>>
      tpu.enqueue_indirect_dma source(%arg9 : memref<80x64xf32, #tpu.memory_space<vmem>>) target(%dma_start3A_208 : memref<10000x64xf32, #tpu.memory_space<vmem_shared>>) offsets(%dma_start3A_205 : memref<80xi32, #tpu.memory_space<vmem>>) semaphore(%arg16 : memref<!tpu.dma_semaphore, #tpu.memory_space<semaphore_mem>>) {add = true}
      %mul3A_209 = arith.constant 3 : i32
      %mul3A_210 = arith.muli %mul3A_209, %scan3A_176 : i32
      %add3A_211 = arith.constant 3 : i32
      %add3A_212 = arith.addi %mul3A_210, %add3A_211 : i32
      %dma_wait3A_213 = arith.constant 0 : i32
      %dma_wait3A_214 = arith.constant 0 : i32
      %dma_wait3A_215 = tpu.memref_slice %arg6[%dma_wait3A_213, %dma_wait3A_214] : memref<125x80xi32, #tpu.memory_space<vmem>> -> memref<1x80xi32, #tpu.memory_space<vmem>>
      %dma_wait3A_216 = tpu.memref_squeeze %dma_wait3A_215 : memref<1x80xi32, #tpu.memory_space<vmem>> -> memref<80xi32, #tpu.memory_space<vmem>>
      %dma_wait3A_217 = arith.constant 0 : i32
      %dma_wait3A_218 = arith.constant 0 : i32
      %dma_wait3A_219 = tpu.memref_slice %arg10[%dma_wait3A_217, %dma_wait3A_218] : memref<10000x64xf32, #tpu.memory_space<vmem_shared>> -> memref<10000x64xf32, #tpu.memory_space<vmem_shared>>
      tpu.wait_indirect_dma semaphore(%arg15 : memref<!tpu.dma_semaphore, #tpu.memory_space<semaphore_mem>>) src(%arg8 : memref<80x64xf32, #tpu.memory_space<vmem>>) dst(%dma_wait3A_219 : memref<10000x64xf32, #tpu.memory_space<vmem_shared>>)
      %add3A_220 = arith.constant 1 : i32
      %add3A_221 = arith.addi %add3A_212, %add3A_220 : i32
      %dma_start3A_222 = arith.constant 0 : i32
      %dma_start3A_223 = tpu.memref_slice %arg5[%add3A_221, %dma_start3A_222] : memref<125x80xi32, #tpu.memory_space<vmem>> -> memref<1x80xi32, #tpu.memory_space<vmem>>
      %dma_start3A_224 = tpu.memref_squeeze %dma_start3A_223 : memref<1x80xi32, #tpu.memory_space<vmem>> -> memref<80xi32, #tpu.memory_space<vmem>>
      %dma_start3A_225 = arith.constant 0 : i32
      %dma_start3A_226 = arith.constant 0 : i32
      %dma_start3A_227 = tpu.memref_slice %arg2[%dma_start3A_225, %dma_start3A_226] : memref<10000x64xf32, #tpu.memory_space<hbm>> -> memref<10000x64xf32, #tpu.memory_space<hbm>>
      tpu.enqueue_indirect_dma source(%dma_start3A_227 : memref<10000x64xf32, #tpu.memory_space<hbm>>) target(%arg8 : memref<80x64xf32, #tpu.memory_space<vmem>>) offsets(%dma_start3A_224 : memref<80xi32, #tpu.memory_space<vmem>>) semaphore(%arg12 : memref<!tpu.dma_semaphore, #tpu.memory_space<semaphore_mem>>)
      %dma_wait3A_228 = arith.constant 0 : i32
      %dma_wait3A_229 = arith.constant 0 : i32
      %dma_wait3A_230 = tpu.memref_slice %arg5[%dma_wait3A_228, %dma_wait3A_229] : memref<125x80xi32, #tpu.memory_space<vmem>> -> memref<1x80xi32, #tpu.memory_space<vmem>>
      %dma_wait3A_231 = tpu.memref_squeeze %dma_wait3A_230 : memref<1x80xi32, #tpu.memory_space<vmem>> -> memref<80xi32, #tpu.memory_space<vmem>>
      %dma_wait3A_232 = arith.constant 0 : i32
      %dma_wait3A_233 = arith.constant 0 : i32
      %dma_wait3A_234 = tpu.memref_slice %arg2[%dma_wait3A_232, %dma_wait3A_233] : memref<10000x64xf32, #tpu.memory_space<hbm>> -> memref<10000x64xf32, #tpu.memory_space<hbm>>
      tpu.wait_indirect_dma semaphore(%arg11 : memref<!tpu.dma_semaphore, #tpu.memory_space<semaphore_mem>>) src(%dma_wait3A_234 : memref<10000x64xf32, #tpu.memory_space<hbm>>) dst(%arg7 : memref<80x64xf32, #tpu.memory_space<vmem>>)
      %dma_start3A_235 = arith.constant 0 : i32
      %dma_start3A_236 = tpu.memref_slice %arg6[%add3A_212, %dma_start3A_235] : memref<125x80xi32, #tpu.memory_space<vmem>> -> memref<1x80xi32, #tpu.memory_space<vmem>>
      %dma_start3A_237 = tpu.memref_squeeze %dma_start3A_236 : memref<1x80xi32, #tpu.memory_space<vmem>> -> memref<80xi32, #tpu.memory_space<vmem>>
      %dma_start3A_238 = arith.constant 0 : i32
      %dma_start3A_239 = arith.constant 0 : i32
      %dma_start3A_240 = tpu.memref_slice %arg10[%dma_start3A_238, %dma_start3A_239] : memref<10000x64xf32, #tpu.memory_space<vmem_shared>> -> memref<10000x64xf32, #tpu.memory_space<vmem_shared>>
      tpu.enqueue_indirect_dma source(%arg7 : memref<80x64xf32, #tpu.memory_space<vmem>>) target(%dma_start3A_240 : memref<10000x64xf32, #tpu.memory_space<vmem_shared>>) offsets(%dma_start3A_237 : memref<80xi32, #tpu.memory_space<vmem>>) semaphore(%arg14 : memref<!tpu.dma_semaphore, #tpu.memory_space<semaphore_mem>>) {add = true}
      %mul3A_241 = arith.constant 3 : i32
      %mul3A_242 = arith.muli %mul3A_241, %scan3A_176 : i32
      %add3A_243 = arith.constant 4 : i32
      %add3A_244 = arith.addi %mul3A_242, %add3A_243 : i32
      %dma_wait3A_245 = arith.constant 0 : i32
      %dma_wait3A_246 = arith.constant 0 : i32
      %dma_wait3A_247 = tpu.memref_slice %arg6[%dma_wait3A_245, %dma_wait3A_246] : memref<125x80xi32, #tpu.memory_space<vmem>> -> memref<1x80xi32, #tpu.memory_space<vmem>>
      %dma_wait3A_248 = tpu.memref_squeeze %dma_wait3A_247 : memref<1x80xi32, #tpu.memory_space<vmem>> -> memref<80xi32, #tpu.memory_space<vmem>>
      %dma_wait3A_249 = arith.constant 0 : i32
      %dma_wait3A_250 = arith.constant 0 : i32
      %dma_wait3A_251 = tpu.memref_slice %arg10[%dma_wait3A_249, %dma_wait3A_250] : memref<10000x64xf32, #tpu.memory_space<vmem_shared>> -> memref<10000x64xf32, #tpu.memory_space<vmem_shared>>
      tpu.wait_indirect_dma semaphore(%arg16 : memref<!tpu.dma_semaphore, #tpu.memory_space<semaphore_mem>>) src(%arg9 : memref<80x64xf32, #tpu.memory_space<vmem>>) dst(%dma_wait3A_251 : memref<10000x64xf32, #tpu.memory_space<vmem_shared>>)
      %add3A_252 = arith.constant 1 : i32
      %add3A_253 = arith.addi %add3A_244, %add3A_252 : i32
      %dma_start3A_254 = arith.constant 0 : i32
      %dma_start3A_255 = tpu.memref_slice %arg5[%add3A_253, %dma_start3A_254] : memref<125x80xi32, #tpu.memory_space<vmem>> -> memref<1x80xi32, #tpu.memory_space<vmem>>
      %dma_start3A_256 = tpu.memref_squeeze %dma_start3A_255 : memref<1x80xi32, #tpu.memory_space<vmem>> -> memref<80xi32, #tpu.memory_space<vmem>>
      %dma_start3A_257 = arith.constant 0 : i32
      %dma_start3A_258 = arith.constant 0 : i32
      %dma_start3A_259 = tpu.memref_slice %arg2[%dma_start3A_257, %dma_start3A_258] : memref<10000x64xf32, #tpu.memory_space<hbm>> -> memref<10000x64xf32, #tpu.memory_space<hbm>>
      tpu.enqueue_indirect_dma source(%dma_start3A_259 : memref<10000x64xf32, #tpu.memory_space<hbm>>) target(%arg9 : memref<80x64xf32, #tpu.memory_space<vmem>>) offsets(%dma_start3A_256 : memref<80xi32, #tpu.memory_space<vmem>>) semaphore(%arg13 : memref<!tpu.dma_semaphore, #tpu.memory_space<semaphore_mem>>)
      %dma_wait3A_260 = arith.constant 0 : i32
      %dma_wait3A_261 = arith.constant 0 : i32
      %dma_wait3A_262 = tpu.memref_slice %arg5[%dma_wait3A_260, %dma_wait3A_261] : memref<125x80xi32, #tpu.memory_space<vmem>> -> memref<1x80xi32, #tpu.memory_space<vmem>>
      %dma_wait3A_263 = tpu.memref_squeeze %dma_wait3A_262 : memref<1x80xi32, #tpu.memory_space<vmem>> -> memref<80xi32, #tpu.memory_space<vmem>>
      %dma_wait3A_264 = arith.constant 0 : i32
      %dma_wait3A_265 = arith.constant 0 : i32
      %dma_wait3A_266 = tpu.memref_slice %arg2[%dma_wait3A_264, %dma_wait3A_265] : memref<10000x64xf32, #tpu.memory_space<hbm>> -> memref<10000x64xf32, #tpu.memory_space<hbm>>
      tpu.wait_indirect_dma semaphore(%arg12 : memref<!tpu.dma_semaphore, #tpu.memory_space<semaphore_mem>>) src(%dma_wait3A_266 : memref<10000x64xf32, #tpu.memory_space<hbm>>) dst(%arg8 : memref<80x64xf32, #tpu.memory_space<vmem>>)
      %dma_start3A_267 = arith.constant 0 : i32
      %dma_start3A_268 = tpu.memref_slice %arg6[%add3A_244, %dma_start3A_267] : memref<125x80xi32, #tpu.memory_space<vmem>> -> memref<1x80xi32, #tpu.memory_space<vmem>>
      %dma_start3A_269 = tpu.memref_squeeze %dma_start3A_268 : memref<1x80xi32, #tpu.memory_space<vmem>> -> memref<80xi32, #tpu.memory_space<vmem>>
      %dma_start3A_270 = arith.constant 0 : i32
      %dma_start3A_271 = arith.constant 0 : i32
      %dma_start3A_272 = tpu.memref_slice %arg10[%dma_start3A_270, %dma_start3A_271] : memref<10000x64xf32, #tpu.memory_space<vmem_shared>> -> memref<10000x64xf32, #tpu.memory_space<vmem_shared>>
      tpu.enqueue_indirect_dma source(%arg8 : memref<80x64xf32, #tpu.memory_space<vmem>>) target(%dma_start3A_272 : memref<10000x64xf32, #tpu.memory_space<vmem_shared>>) offsets(%dma_start3A_269 : memref<80xi32, #tpu.memory_space<vmem>>) semaphore(%arg15 : memref<!tpu.dma_semaphore, #tpu.memory_space<semaphore_mem>>) {add = true}
    }
    %scan3A_81 = arith.constant 40 : i32
    %dma_wait3A_82 = arith.constant 0 : i32
    %dma_wait3A_83 = arith.constant 0 : i32
    %dma_wait3A_84 = tpu.memref_slice %arg6[%dma_wait3A_82, %dma_wait3A_83] : memref<125x80xi32, #tpu.memory_space<vmem>> -> memref<1x80xi32, #tpu.memory_space<vmem>>
    %dma_wait3A_85 = tpu.memref_squeeze %dma_wait3A_84 : memref<1x80xi32, #tpu.memory_space<vmem>> -> memref<80xi32, #tpu.memory_space<vmem>>
    %dma_wait3A_86 = arith.constant 0 : i32
    %dma_wait3A_87 = arith.constant 0 : i32
    %dma_wait3A_88 = tpu.memref_slice %arg10[%dma_wait3A_86, %dma_wait3A_87] : memref<10000x64xf32, #tpu.memory_space<vmem_shared>> -> memref<10000x64xf32, #tpu.memory_space<vmem_shared>>
    tpu.wait_indirect_dma semaphore(%arg14 : memref<!tpu.dma_semaphore, #tpu.memory_space<semaphore_mem>>) src(%arg7 : memref<80x64xf32, #tpu.memory_space<vmem>>) dst(%dma_wait3A_88 : memref<10000x64xf32, #tpu.memory_space<vmem_shared>>)
    %dma_start3A_89 = arith.constant 123 : i32
    %dma_start3A_90 = arith.constant 0 : i32
    %dma_start3A_91 = tpu.memref_slice %arg5[%dma_start3A_89, %dma_start3A_90] : memref<125x80xi32, #tpu.memory_space<vmem>> -> memref<1x80xi32, #tpu.memory_space<vmem>>
    %dma_start3A_92 = tpu.memref_squeeze %dma_start3A_91 : memref<1x80xi32, #tpu.memory_space<vmem>> -> memref<80xi32, #tpu.memory_space<vmem>>
    %dma_start3A_93 = arith.constant 0 : i32
    %dma_start3A_94 = arith.constant 0 : i32
    %dma_start3A_95 = tpu.memref_slice %arg2[%dma_start3A_93, %dma_start3A_94] : memref<10000x64xf32, #tpu.memory_space<hbm>> -> memref<10000x64xf32, #tpu.memory_space<hbm>>
    tpu.enqueue_indirect_dma source(%dma_start3A_95 : memref<10000x64xf32, #tpu.memory_space<hbm>>) target(%arg7 : memref<80x64xf32, #tpu.memory_space<vmem>>) offsets(%dma_start3A_92 : memref<80xi32, #tpu.memory_space<vmem>>) semaphore(%arg11 : memref<!tpu.dma_semaphore, #tpu.memory_space<semaphore_mem>>)
    %dma_wait3A_96 = arith.constant 0 : i32
    %dma_wait3A_97 = arith.constant 0 : i32
    %dma_wait3A_98 = tpu.memref_slice %arg5[%dma_wait3A_96, %dma_wait3A_97] : memref<125x80xi32, #tpu.memory_space<vmem>> -> memref<1x80xi32, #tpu.memory_space<vmem>>
    %dma_wait3A_99 = tpu.memref_squeeze %dma_wait3A_98 : memref<1x80xi32, #tpu.memory_space<vmem>> -> memref<80xi32, #tpu.memory_space<vmem>>
    %dma_wait3A_100 = arith.constant 0 : i32
    %dma_wait3A_101 = arith.constant 0 : i32
    %dma_wait3A_102 = tpu.memref_slice %arg2[%dma_wait3A_100, %dma_wait3A_101] : memref<10000x64xf32, #tpu.memory_space<hbm>> -> memref<10000x64xf32, #tpu.memory_space<hbm>>
    tpu.wait_indirect_dma semaphore(%arg13 : memref<!tpu.dma_semaphore, #tpu.memory_space<semaphore_mem>>) src(%dma_wait3A_102 : memref<10000x64xf32, #tpu.memory_space<hbm>>) dst(%arg9 : memref<80x64xf32, #tpu.memory_space<vmem>>)
    %dma_start3A_103 = arith.constant 122 : i32
    %dma_start3A_104 = arith.constant 0 : i32
    %dma_start3A_105 = tpu.memref_slice %arg6[%dma_start3A_103, %dma_start3A_104] : memref<125x80xi32, #tpu.memory_space<vmem>> -> memref<1x80xi32, #tpu.memory_space<vmem>>
    %dma_start3A_106 = tpu.memref_squeeze %dma_start3A_105 : memref<1x80xi32, #tpu.memory_space<vmem>> -> memref<80xi32, #tpu.memory_space<vmem>>
    %dma_start3A_107 = arith.constant 0 : i32
    %dma_start3A_108 = arith.constant 0 : i32
    %dma_start3A_109 = tpu.memref_slice %arg10[%dma_start3A_107, %dma_start3A_108] : memref<10000x64xf32, #tpu.memory_space<vmem_shared>> -> memref<10000x64xf32, #tpu.memory_space<vmem_shared>>
    tpu.enqueue_indirect_dma source(%arg9 : memref<80x64xf32, #tpu.memory_space<vmem>>) target(%dma_start3A_109 : memref<10000x64xf32, #tpu.memory_space<vmem_shared>>) offsets(%dma_start3A_106 : memref<80xi32, #tpu.memory_space<vmem>>) semaphore(%arg16 : memref<!tpu.dma_semaphore, #tpu.memory_space<semaphore_mem>>) {add = true}
    %dma_wait3A_110 = arith.constant 0 : i32
    %dma_wait3A_111 = arith.constant 0 : i32
    %dma_wait3A_112 = tpu.memref_slice %arg6[%dma_wait3A_110, %dma_wait3A_111] : memref<125x80xi32, #tpu.memory_space<vmem>> -> memref<1x80xi32, #tpu.memory_space<vmem>>
    %dma_wait3A_113 = tpu.memref_squeeze %dma_wait3A_112 : memref<1x80xi32, #tpu.memory_space<vmem>> -> memref<80xi32, #tpu.memory_space<vmem>>
    %dma_wait3A_114 = arith.constant 0 : i32
    %dma_wait3A_115 = arith.constant 0 : i32
    %dma_wait3A_116 = tpu.memref_slice %arg10[%dma_wait3A_114, %dma_wait3A_115] : memref<10000x64xf32, #tpu.memory_space<vmem_shared>> -> memref<10000x64xf32, #tpu.memory_space<vmem_shared>>
    tpu.wait_indirect_dma semaphore(%arg15 : memref<!tpu.dma_semaphore, #tpu.memory_space<semaphore_mem>>) src(%arg8 : memref<80x64xf32, #tpu.memory_space<vmem>>) dst(%dma_wait3A_116 : memref<10000x64xf32, #tpu.memory_space<vmem_shared>>)
    %dma_start3A_117 = arith.constant 124 : i32
    %dma_start3A_118 = arith.constant 0 : i32
    %dma_start3A_119 = tpu.memref_slice %arg5[%dma_start3A_117, %dma_start3A_118] : memref<125x80xi32, #tpu.memory_space<vmem>> -> memref<1x80xi32, #tpu.memory_space<vmem>>
    %dma_start3A_120 = tpu.memref_squeeze %dma_start3A_119 : memref<1x80xi32, #tpu.memory_space<vmem>> -> memref<80xi32, #tpu.memory_space<vmem>>
    %dma_start3A_121 = arith.constant 0 : i32
    %dma_start3A_122 = arith.constant 0 : i32
    %dma_start3A_123 = tpu.memref_slice %arg2[%dma_start3A_121, %dma_start3A_122] : memref<10000x64xf32, #tpu.memory_space<hbm>> -> memref<10000x64xf32, #tpu.memory_space<hbm>>
    tpu.enqueue_indirect_dma source(%dma_start3A_123 : memref<10000x64xf32, #tpu.memory_space<hbm>>) target(%arg8 : memref<80x64xf32, #tpu.memory_space<vmem>>) offsets(%dma_start3A_120 : memref<80xi32, #tpu.memory_space<vmem>>) semaphore(%arg12 : memref<!tpu.dma_semaphore, #tpu.memory_space<semaphore_mem>>)
    %dma_wait3A_124 = arith.constant 0 : i32
    %dma_wait3A_125 = arith.constant 0 : i32
    %dma_wait3A_126 = tpu.memref_slice %arg5[%dma_wait3A_124, %dma_wait3A_125] : memref<125x80xi32, #tpu.memory_space<vmem>> -> memref<1x80xi32, #tpu.memory_space<vmem>>
    %dma_wait3A_127 = tpu.memref_squeeze %dma_wait3A_126 : memref<1x80xi32, #tpu.memory_space<vmem>> -> memref<80xi32, #tpu.memory_space<vmem>>
    %dma_wait3A_128 = arith.constant 0 : i32
    %dma_wait3A_129 = arith.constant 0 : i32
    %dma_wait3A_130 = tpu.memref_slice %arg2[%dma_wait3A_128, %dma_wait3A_129] : memref<10000x64xf32, #tpu.memory_space<hbm>> -> memref<10000x64xf32, #tpu.memory_space<hbm>>
    tpu.wait_indirect_dma semaphore(%arg11 : memref<!tpu.dma_semaphore, #tpu.memory_space<semaphore_mem>>) src(%dma_wait3A_130 : memref<10000x64xf32, #tpu.memory_space<hbm>>) dst(%arg7 : memref<80x64xf32, #tpu.memory_space<vmem>>)
    %dma_start3A_131 = arith.constant 123 : i32
    %dma_start3A_132 = arith.constant 0 : i32
    %dma_start3A_133 = tpu.memref_slice %arg6[%dma_start3A_131, %dma_start3A_132] : memref<125x80xi32, #tpu.memory_space<vmem>> -> memref<1x80xi32, #tpu.memory_space<vmem>>
    %dma_start3A_134 = tpu.memref_squeeze %dma_start3A_133 : memref<1x80xi32, #tpu.memory_space<vmem>> -> memref<80xi32, #tpu.memory_space<vmem>>
    %dma_start3A_135 = arith.constant 0 : i32
    %dma_start3A_136 = arith.constant 0 : i32
    %dma_start3A_137 = tpu.memref_slice %arg10[%dma_start3A_135, %dma_start3A_136] : memref<10000x64xf32, #tpu.memory_space<vmem_shared>> -> memref<10000x64xf32, #tpu.memory_space<vmem_shared>>
    tpu.enqueue_indirect_dma source(%arg7 : memref<80x64xf32, #tpu.memory_space<vmem>>) target(%dma_start3A_137 : memref<10000x64xf32, #tpu.memory_space<vmem_shared>>) offsets(%dma_start3A_134 : memref<80xi32, #tpu.memory_space<vmem>>) semaphore(%arg14 : memref<!tpu.dma_semaphore, #tpu.memory_space<semaphore_mem>>) {add = true}
    %dma_wait3A_138 = arith.constant 0 : i32
    %dma_wait3A_139 = arith.constant 0 : i32
    %dma_wait3A_140 = tpu.memref_slice %arg6[%dma_wait3A_138, %dma_wait3A_139] : memref<125x80xi32, #tpu.memory_space<vmem>> -> memref<1x80xi32, #tpu.memory_space<vmem>>
    %dma_wait3A_141 = tpu.memref_squeeze %dma_wait3A_140 : memref<1x80xi32, #tpu.memory_space<vmem>> -> memref<80xi32, #tpu.memory_space<vmem>>
    %dma_wait3A_142 = arith.constant 0 : i32
    %dma_wait3A_143 = arith.constant 0 : i32
    %dma_wait3A_144 = tpu.memref_slice %arg10[%dma_wait3A_142, %dma_wait3A_143] : memref<10000x64xf32, #tpu.memory_space<vmem_shared>> -> memref<10000x64xf32, #tpu.memory_space<vmem_shared>>
    tpu.wait_indirect_dma semaphore(%arg16 : memref<!tpu.dma_semaphore, #tpu.memory_space<semaphore_mem>>) src(%arg9 : memref<80x64xf32, #tpu.memory_space<vmem>>) dst(%dma_wait3A_144 : memref<10000x64xf32, #tpu.memory_space<vmem_shared>>)
    %dma_wait3A_145 = arith.constant 0 : i32
    %dma_wait3A_146 = arith.constant 0 : i32
    %dma_wait3A_147 = tpu.memref_slice %arg5[%dma_wait3A_145, %dma_wait3A_146] : memref<125x80xi32, #tpu.memory_space<vmem>> -> memref<1x80xi32, #tpu.memory_space<vmem>>
    %dma_wait3A_148 = tpu.memref_squeeze %dma_wait3A_147 : memref<1x80xi32, #tpu.memory_space<vmem>> -> memref<80xi32, #tpu.memory_space<vmem>>
    %dma_wait3A_149 = arith.constant 0 : i32
    %dma_wait3A_150 = arith.constant 0 : i32
    %dma_wait3A_151 = tpu.memref_slice %arg2[%dma_wait3A_149, %dma_wait3A_150] : memref<10000x64xf32, #tpu.memory_space<hbm>> -> memref<10000x64xf32, #tpu.memory_space<hbm>>
    tpu.wait_indirect_dma semaphore(%arg12 : memref<!tpu.dma_semaphore, #tpu.memory_space<semaphore_mem>>) src(%dma_wait3A_151 : memref<10000x64xf32, #tpu.memory_space<hbm>>) dst(%arg8 : memref<80x64xf32, #tpu.memory_space<vmem>>)
    %dma_start3A_152 = arith.constant 124 : i32
    %dma_start3A_153 = arith.constant 0 : i32
    %dma_start3A_154 = tpu.memref_slice %arg6[%dma_start3A_152, %dma_start3A_153] : memref<125x80xi32, #tpu.memory_space<vmem>> -> memref<1x80xi32, #tpu.memory_space<vmem>>
    %dma_start3A_155 = tpu.memref_squeeze %dma_start3A_154 : memref<1x80xi32, #tpu.memory_space<vmem>> -> memref<80xi32, #tpu.memory_space<vmem>>
    %dma_start3A_156 = arith.constant 0 : i32
    %dma_start3A_157 = arith.constant 0 : i32
    %dma_start3A_158 = tpu.memref_slice %arg10[%dma_start3A_156, %dma_start3A_157] : memref<10000x64xf32, #tpu.memory_space<vmem_shared>> -> memref<10000x64xf32, #tpu.memory_space<vmem_shared>>
    tpu.enqueue_indirect_dma source(%arg8 : memref<80x64xf32, #tpu.memory_space<vmem>>) target(%dma_start3A_158 : memref<10000x64xf32, #tpu.memory_space<vmem_shared>>) offsets(%dma_start3A_155 : memref<80xi32, #tpu.memory_space<vmem>>) semaphore(%arg15 : memref<!tpu.dma_semaphore, #tpu.memory_space<semaphore_mem>>) {add = true}
    %dma_wait3A_159 = arith.constant 0 : i32
    %dma_wait3A_160 = arith.constant 0 : i32
    %dma_wait3A_161 = tpu.memref_slice %arg6[%dma_wait3A_159, %dma_wait3A_160] : memref<125x80xi32, #tpu.memory_space<vmem>> -> memref<1x80xi32, #tpu.memory_space<vmem>>
    %dma_wait3A_162 = tpu.memref_squeeze %dma_wait3A_161 : memref<1x80xi32, #tpu.memory_space<vmem>> -> memref<80xi32, #tpu.memory_space<vmem>>
    %dma_wait3A_163 = arith.constant 0 : i32
    %dma_wait3A_164 = arith.constant 0 : i32
    %dma_wait3A_165 = tpu.memref_slice %arg10[%dma_wait3A_163, %dma_wait3A_164] : memref<10000x64xf32, #tpu.memory_space<vmem_shared>> -> memref<10000x64xf32, #tpu.memory_space<vmem_shared>>
    tpu.wait_indirect_dma semaphore(%arg14 : memref<!tpu.dma_semaphore, #tpu.memory_space<semaphore_mem>>) src(%arg7 : memref<80x64xf32, #tpu.memory_space<vmem>>) dst(%dma_wait3A_165 : memref<10000x64xf32, #tpu.memory_space<vmem_shared>>)
    %dma_wait3A_166 = arith.constant 0 : i32
    %dma_wait3A_167 = arith.constant 0 : i32
    %dma_wait3A_168 = tpu.memref_slice %arg6[%dma_wait3A_166, %dma_wait3A_167] : memref<125x80xi32, #tpu.memory_space<vmem>> -> memref<1x80xi32, #tpu.memory_space<vmem>>
    %dma_wait3A_169 = tpu.memref_squeeze %dma_wait3A_168 : memref<1x80xi32, #tpu.memory_space<vmem>> -> memref<80xi32, #tpu.memory_space<vmem>>
    %dma_wait3A_170 = arith.constant 0 : i32
    %dma_wait3A_171 = arith.constant 0 : i32
    %dma_wait3A_172 = tpu.memref_slice %arg10[%dma_wait3A_170, %dma_wait3A_171] : memref<10000x64xf32, #tpu.memory_space<vmem_shared>> -> memref<10000x64xf32, #tpu.memory_space<vmem_shared>>
    tpu.wait_indirect_dma semaphore(%arg15 : memref<!tpu.dma_semaphore, #tpu.memory_space<semaphore_mem>>) src(%arg8 : memref<80x64xf32, #tpu.memory_space<vmem>>) dst(%dma_wait3A_172 : memref<10000x64xf32, #tpu.memory_space<vmem_shared>>)
    %barrier3A_173 = arith.constant 0 : index
    tpu.barrier barrier_id(%barrier3A_173)
    %mul3A_174 = arith.constant 64 : i32
    %mul3A_175 = arith.muli %arg0, %mul3A_174 : i32
    "tpu.region"() ({
      %run_scoped3A_176 = tpu.sem_alloc : memref<!tpu.dma_semaphore, #tpu.memory_space<semaphore_mem>>
      %dma_start3A_177 = tpu.memref_slice %arg4[%mul3A_2, %mul3A_175] : memref<10000x128xf32, #tpu.memory_space<hbm>> -> memref<625x64xf32, #tpu.memory_space<hbm>>
      %dma_start3A_178 = arith.constant 0 : i32
      %dma_start3A_179 = tpu.memref_slice %arg10[%mul3A_2, %dma_start3A_178] : memref<10000x64xf32, #tpu.memory_space<vmem_shared>> -> memref<625x64xf32, #tpu.memory_space<vmem_shared>>
      tpu.enqueue_dma source(%dma_start3A_179 : memref<625x64xf32, #tpu.memory_space<vmem_shared>>) target(%dma_start3A_177 : memref<625x64xf32, #tpu.memory_space<hbm>>) target_semaphore(%run_scoped3A_176 : memref<!tpu.dma_semaphore, #tpu.memory_space<semaphore_mem>>)
      %dma_wait3A_180 = tpu.memref_slice %arg4[%mul3A_2, %mul3A_175] : memref<10000x128xf32, #tpu.memory_space<hbm>> -> memref<625x64xf32, #tpu.memory_space<hbm>>
      %dma_wait3A_181 = arith.constant 0 : i32
      %dma_wait3A_182 = tpu.memref_slice %arg10[%mul3A_2, %dma_wait3A_181] : memref<10000x64xf32, #tpu.memory_space<vmem_shared>> -> memref<625x64xf32, #tpu.memory_space<vmem_shared>>
      tpu.wait_dma2 semaphore(%run_scoped3A_176 : memref<!tpu.dma_semaphore, #tpu.memory_space<semaphore_mem>>) src(%dma_wait3A_182 : memref<625x64xf32, #tpu.memory_space<vmem_shared>>) dst(%dma_wait3A_180 : memref<625x64xf32, #tpu.memory_space<hbm>>)
      tpu.yield
    }) : () -> ()
    return
  }
}

#map = affine_map<(d0, d1) -> (0, 0)>
#map1 = affine_map<(d0, d1) -> (0, 0, 0)>
module attributes {stable_mosaic.version = 14 : i64} {
  func.func @sc_agg(%arg0: i32, %arg1: i32, %arg2: memref<10000x128xf32, #tpu.memory_space<hbm>>, %arg3: memref<2x4000x80xi32, #tpu.memory_space<hbm>>, %arg4: memref<20000x128xf32, #tpu.memory_space<hbm>>, %arg5: memref<125x80xi32, #tpu.memory_space<vmem>>, %arg6: memref<125x80xi32, #tpu.memory_space<vmem>>, %arg7: memref<80x128xf32, #tpu.memory_space<vmem>>, %arg8: memref<80x128xf32, #tpu.memory_space<vmem>>, %arg9: memref<80x128xf32, #tpu.memory_space<vmem>>, %arg10: memref<10000x128xf32, #tpu.memory_space<vmem_shared>>, %arg11: memref<!tpu.dma_semaphore, #tpu.memory_space<semaphore_mem>>, %arg12: memref<!tpu.dma_semaphore, #tpu.memory_space<semaphore_mem>>, %arg13: memref<!tpu.dma_semaphore, #tpu.memory_space<semaphore_mem>>, %arg14: memref<!tpu.dma_semaphore, #tpu.memory_space<semaphore_mem>>, %arg15: memref<!tpu.dma_semaphore, #tpu.memory_space<semaphore_mem>>, %arg16: memref<!tpu.dma_semaphore, #tpu.memory_space<semaphore_mem>>) attributes {dimension_semantics = [#tpu.dimension_semantics<core_parallel>, #tpu.dimension_semantics<subcore_parallel>], iteration_bounds = array<i64: 2, 16>, scalar_prefetch = 0 : i64, scratch_operands = 12 : i64, tpu.core_type = #tpu.core_type<sc_vector_subcore>, window_params = [{transform_indices = #map}, {transform_indices = #map1}, {transform_indices = #map}]} {
    %mul3A = arith.constant 16 : i32
    %mul3A_0 = arith.muli %arg0, %mul3A : i32
    %add3A = arith.addi %mul3A_0, %arg1 : i32
    %mul3A_1 = arith.constant 625 : i32
    %mul3A_2 = arith.muli %arg1, %mul3A_1 : i32
    %mul3A_3 = arith.constant 125 : i32
    %mul3A_4 = arith.muli %add3A, %mul3A_3 : i32
    %run_scoped3A = arith.constant 0 : i32
    "tpu.region"() ({
      %run_scoped3A_177 = tpu.sem_alloc : memref<!tpu.dma_semaphore, #tpu.memory_space<semaphore_mem>>
      %dma_start3A_178 = arith.constant 0 : i32
      %dma_start3A_179 = tpu.memref_slice %arg3[%run_scoped3A, %mul3A_4, %dma_start3A_178] : memref<2x4000x80xi32, #tpu.memory_space<hbm>> -> memref<1x125x80xi32, #tpu.memory_space<hbm>>
      %dma_start3A_180 = tpu.memref_squeeze %dma_start3A_179 : memref<1x125x80xi32, #tpu.memory_space<hbm>> -> memref<125x80xi32, #tpu.memory_space<hbm>>
      %dma_start3A_181 = arith.constant 0 : i32
      %dma_start3A_182 = tpu.memref_slice %arg3[%run_scoped3A, %mul3A_4, %dma_start3A_181] : memref<2x4000x80xi32, #tpu.memory_space<hbm>> -> memref<1x125x80xi32, #tpu.memory_space<hbm>>
      %dma_start3A_183 = tpu.memref_squeeze %dma_start3A_182 : memref<1x125x80xi32, #tpu.memory_space<hbm>> -> memref<125x80xi32, #tpu.memory_space<hbm>>
      tpu.enqueue_dma source(%dma_start3A_183 : memref<125x80xi32, #tpu.memory_space<hbm>>) target(%arg5 : memref<125x80xi32, #tpu.memory_space<vmem>>) target_semaphore(%run_scoped3A_177 : memref<!tpu.dma_semaphore, #tpu.memory_space<semaphore_mem>>)
      %dma_wait3A_184 = arith.constant 0 : i32
      %dma_wait3A_185 = tpu.memref_slice %arg3[%run_scoped3A, %mul3A_4, %dma_wait3A_184] : memref<2x4000x80xi32, #tpu.memory_space<hbm>> -> memref<1x125x80xi32, #tpu.memory_space<hbm>>
      %dma_wait3A_186 = tpu.memref_squeeze %dma_wait3A_185 : memref<1x125x80xi32, #tpu.memory_space<hbm>> -> memref<125x80xi32, #tpu.memory_space<hbm>>
      %dma_wait3A_187 = arith.constant 0 : i32
      %dma_wait3A_188 = tpu.memref_slice %arg3[%run_scoped3A, %mul3A_4, %dma_wait3A_187] : memref<2x4000x80xi32, #tpu.memory_space<hbm>> -> memref<1x125x80xi32, #tpu.memory_space<hbm>>
      %dma_wait3A_189 = tpu.memref_squeeze %dma_wait3A_188 : memref<1x125x80xi32, #tpu.memory_space<hbm>> -> memref<125x80xi32, #tpu.memory_space<hbm>>
      tpu.wait_dma2 semaphore(%run_scoped3A_177 : memref<!tpu.dma_semaphore, #tpu.memory_space<semaphore_mem>>) src(%dma_wait3A_189 : memref<125x80xi32, #tpu.memory_space<hbm>>) dst(%arg5 : memref<125x80xi32, #tpu.memory_space<vmem>>)
      tpu.yield
    }) : () -> ()
    %mul3A_5 = arith.constant 125 : i32
    %mul3A_6 = arith.muli %add3A, %mul3A_5 : i32
    %run_scoped3A_7 = arith.constant 1 : i32
    "tpu.region"() ({
      %run_scoped3A_177 = tpu.sem_alloc : memref<!tpu.dma_semaphore, #tpu.memory_space<semaphore_mem>>
      %dma_start3A_178 = arith.constant 0 : i32
      %dma_start3A_179 = tpu.memref_slice %arg3[%run_scoped3A_7, %mul3A_6, %dma_start3A_178] : memref<2x4000x80xi32, #tpu.memory_space<hbm>> -> memref<1x125x80xi32, #tpu.memory_space<hbm>>
      %dma_start3A_180 = tpu.memref_squeeze %dma_start3A_179 : memref<1x125x80xi32, #tpu.memory_space<hbm>> -> memref<125x80xi32, #tpu.memory_space<hbm>>
      %dma_start3A_181 = arith.constant 0 : i32
      %dma_start3A_182 = tpu.memref_slice %arg3[%run_scoped3A_7, %mul3A_6, %dma_start3A_181] : memref<2x4000x80xi32, #tpu.memory_space<hbm>> -> memref<1x125x80xi32, #tpu.memory_space<hbm>>
      %dma_start3A_183 = tpu.memref_squeeze %dma_start3A_182 : memref<1x125x80xi32, #tpu.memory_space<hbm>> -> memref<125x80xi32, #tpu.memory_space<hbm>>
      tpu.enqueue_dma source(%dma_start3A_183 : memref<125x80xi32, #tpu.memory_space<hbm>>) target(%arg6 : memref<125x80xi32, #tpu.memory_space<vmem>>) target_semaphore(%run_scoped3A_177 : memref<!tpu.dma_semaphore, #tpu.memory_space<semaphore_mem>>)
      %dma_wait3A_184 = arith.constant 0 : i32
      %dma_wait3A_185 = tpu.memref_slice %arg3[%run_scoped3A_7, %mul3A_6, %dma_wait3A_184] : memref<2x4000x80xi32, #tpu.memory_space<hbm>> -> memref<1x125x80xi32, #tpu.memory_space<hbm>>
      %dma_wait3A_186 = tpu.memref_squeeze %dma_wait3A_185 : memref<1x125x80xi32, #tpu.memory_space<hbm>> -> memref<125x80xi32, #tpu.memory_space<hbm>>
      %dma_wait3A_187 = arith.constant 0 : i32
      %dma_wait3A_188 = tpu.memref_slice %arg3[%run_scoped3A_7, %mul3A_6, %dma_wait3A_187] : memref<2x4000x80xi32, #tpu.memory_space<hbm>> -> memref<1x125x80xi32, #tpu.memory_space<hbm>>
      %dma_wait3A_189 = tpu.memref_squeeze %dma_wait3A_188 : memref<1x125x80xi32, #tpu.memory_space<hbm>> -> memref<125x80xi32, #tpu.memory_space<hbm>>
      tpu.wait_dma2 semaphore(%run_scoped3A_177 : memref<!tpu.dma_semaphore, #tpu.memory_space<semaphore_mem>>) src(%dma_wait3A_189 : memref<125x80xi32, #tpu.memory_space<hbm>>) dst(%arg6 : memref<125x80xi32, #tpu.memory_space<vmem>>)
      tpu.yield
    }) : () -> ()
    %broadcast_in_dim3A = arith.constant 0.000000e+00 : f32
    %broadcast_in_dim3A_8 = vector.broadcast %broadcast_in_dim3A : f32 to vector<16xf32>
    %scan3A = arith.constant 0 : i32
    %scan3A_9 = arith.constant 640 : i32
    %scan3A_10 = arith.addi %scan3A, %scan3A_9 : i32
    %scan3A_11 = arith.constant 1 : i32
    scf.for %scan3A_177 = %scan3A to %scan3A_10 step %scan3A_11  : i32 {
      %jit3A = arith.constant 8 : i32
      %div3A = arith.divsi %scan3A_177, %jit3A : i32
      %sign3A = arith.constant 0 : i32
      %sign3A_178 = arith.cmpi sgt, %scan3A_177, %sign3A : i32
      %sign3A_179 = arith.extui %sign3A_178 : i1 to i32
      %sign3A_180 = arith.constant 0 : i32
      %sign3A_181 = arith.cmpi slt, %scan3A_177, %sign3A_180 : i32
      %sign3A_182 = arith.extui %sign3A_181 : i1 to i32
      %sign3A_183 = arith.subi %sign3A_179, %sign3A_182 : i32
      %sign3A_184 = arith.constant 0 : i32
      %sign3A_185 = arith.cmpi sgt, %jit3A, %sign3A_184 : i32
      %sign3A_186 = arith.extui %sign3A_185 : i1 to i32
      %sign3A_187 = arith.constant 0 : i32
      %sign3A_188 = arith.cmpi slt, %jit3A, %sign3A_187 : i32
      %sign3A_189 = arith.extui %sign3A_188 : i1 to i32
      %sign3A_190 = arith.subi %sign3A_186, %sign3A_189 : i32
      %ne3A = arith.cmpi ne, %sign3A_183, %sign3A_190 : i32
      %rem3A = arith.remsi %scan3A_177, %jit3A : i32
      %ne3A_191 = arith.constant 0 : i32
      %ne3A_192 = arith.cmpi ne, %rem3A, %ne3A_191 : i32
      %and3A = arith.andi %ne3A, %ne3A_192 : i1
      %sub3A_193 = arith.constant 1 : i32
      %sub3A_194 = arith.subi %div3A, %sub3A_193 : i32
      %select_n3A = arith.select %and3A, %sub3A_194, %div3A : i32
      %jit3A_195 = arith.constant 8 : i32
      %eq3A = arith.constant 0 : i32
      %eq3A_196 = arith.cmpi eq, %jit3A_195, %eq3A : i32
      %jit3A_197 = arith.constant 1 : i32
      %select_n3A_198 = arith.select %eq3A_196, %jit3A_197, %jit3A_195 : i32
      %rem3A_199 = arith.remsi %scan3A_177, %select_n3A_198 : i32
      %ne3A_200 = arith.constant 0 : i32
      %ne3A_201 = arith.cmpi ne, %rem3A_199, %ne3A_200 : i32
      %lt3A = arith.constant 0 : i32
      %lt3A_202 = arith.cmpi slt, %rem3A_199, %lt3A : i32
      %lt3A_203 = arith.constant 0 : i32
      %lt3A_204 = arith.cmpi slt, %select_n3A_198, %lt3A_203 : i32
      %ne3A_205 = arith.xori %lt3A_202, %lt3A_204 : i1
      %and3A_206 = arith.andi %ne3A_205, %ne3A_201 : i1
      %add3A_207 = arith.addi %rem3A_199, %select_n3A_198 : i32
      %select_n3A_208 = arith.select %and3A_206, %add3A_207, %rem3A_199 : i32
      %mul3A_209 = arith.constant 16 : i32
      %mul3A_210 = arith.muli %select_n3A_208, %mul3A_209 : i32
      %swap3A = arith.index_cast %select_n3A : i32 to index
      %swap3A_211 = arith.index_cast %mul3A_210 : i32 to index
      %swap3A_212 = tpu.vector_load %arg7[%swap3A, %swap3A_211] {strides = array<i32>} : memref<80x128xf32, #tpu.memory_space<vmem>>, vector<1x16xf32>,
      %swap3A_213 = vector.shape_cast %swap3A_212 : vector<1x16xf32> to vector<16xf32>
      %swap3A_214 = vector.shape_cast %broadcast_in_dim3A_8 : vector<16xf32> to vector<1x16xf32>
      tpu.vector_store %arg7[%swap3A, %swap3A_211], %swap3A_214 {strides = array<i32>} : memref<80x128xf32, #tpu.memory_space<vmem>>, vector<1x16xf32>,
    }
    %scan3A_12 = arith.constant 640 : i32
    %add3A_13 = arith.constant 0 : i32
    %add3A_14 = arith.addi %mul3A_2, %add3A_13 : i32
    "tpu.region"() ({
      %run_scoped3A_177 = tpu.sem_alloc : memref<!tpu.dma_semaphore, #tpu.memory_space<semaphore_mem>>
      %dma_start3A_178 = arith.constant 0 : i32
      %dma_start3A_179 = tpu.memref_slice %arg10[%add3A_14, %dma_start3A_178] : memref<10000x128xf32, #tpu.memory_space<vmem_shared>> -> memref<80x128xf32, #tpu.memory_space<vmem_shared>>
      %dma_start3A_180 = arith.constant 0 : i32
      %dma_start3A_181 = tpu.memref_slice %arg10[%add3A_14, %dma_start3A_180] : memref<10000x128xf32, #tpu.memory_space<vmem_shared>> -> memref<80x128xf32, #tpu.memory_space<vmem_shared>>
      tpu.enqueue_dma source(%arg7 : memref<80x128xf32, #tpu.memory_space<vmem>>) target(%dma_start3A_181 : memref<80x128xf32, #tpu.memory_space<vmem_shared>>) target_semaphore(%run_scoped3A_177 : memref<!tpu.dma_semaphore, #tpu.memory_space<semaphore_mem>>)
      %dma_wait3A_182 = arith.constant 0 : i32
      %dma_wait3A_183 = tpu.memref_slice %arg10[%add3A_14, %dma_wait3A_182] : memref<10000x128xf32, #tpu.memory_space<vmem_shared>> -> memref<80x128xf32, #tpu.memory_space<vmem_shared>>
      %dma_wait3A_184 = arith.constant 0 : i32
      %dma_wait3A_185 = tpu.memref_slice %arg10[%add3A_14, %dma_wait3A_184] : memref<10000x128xf32, #tpu.memory_space<vmem_shared>> -> memref<80x128xf32, #tpu.memory_space<vmem_shared>>
      tpu.wait_dma2 semaphore(%run_scoped3A_177 : memref<!tpu.dma_semaphore, #tpu.memory_space<semaphore_mem>>) src(%arg7 : memref<80x128xf32, #tpu.memory_space<vmem>>) dst(%dma_wait3A_185 : memref<80x128xf32, #tpu.memory_space<vmem_shared>>)
      tpu.yield
    }) : () -> ()
    %add3A_15 = arith.constant 80 : i32
    %add3A_16 = arith.addi %mul3A_2, %add3A_15 : i32
    "tpu.region"() ({
      %run_scoped3A_177 = tpu.sem_alloc : memref<!tpu.dma_semaphore, #tpu.memory_space<semaphore_mem>>
      %dma_start3A_178 = arith.constant 0 : i32
      %dma_start3A_179 = tpu.memref_slice %arg10[%add3A_16, %dma_start3A_178] : memref<10000x128xf32, #tpu.memory_space<vmem_shared>> -> memref<80x128xf32, #tpu.memory_space<vmem_shared>>
      %dma_start3A_180 = arith.constant 0 : i32
      %dma_start3A_181 = tpu.memref_slice %arg10[%add3A_16, %dma_start3A_180] : memref<10000x128xf32, #tpu.memory_space<vmem_shared>> -> memref<80x128xf32, #tpu.memory_space<vmem_shared>>
      tpu.enqueue_dma source(%arg7 : memref<80x128xf32, #tpu.memory_space<vmem>>) target(%dma_start3A_181 : memref<80x128xf32, #tpu.memory_space<vmem_shared>>) target_semaphore(%run_scoped3A_177 : memref<!tpu.dma_semaphore, #tpu.memory_space<semaphore_mem>>)
      %dma_wait3A_182 = arith.constant 0 : i32
      %dma_wait3A_183 = tpu.memref_slice %arg10[%add3A_16, %dma_wait3A_182] : memref<10000x128xf32, #tpu.memory_space<vmem_shared>> -> memref<80x128xf32, #tpu.memory_space<vmem_shared>>
      %dma_wait3A_184 = arith.constant 0 : i32
      %dma_wait3A_185 = tpu.memref_slice %arg10[%add3A_16, %dma_wait3A_184] : memref<10000x128xf32, #tpu.memory_space<vmem_shared>> -> memref<80x128xf32, #tpu.memory_space<vmem_shared>>
      tpu.wait_dma2 semaphore(%run_scoped3A_177 : memref<!tpu.dma_semaphore, #tpu.memory_space<semaphore_mem>>) src(%arg7 : memref<80x128xf32, #tpu.memory_space<vmem>>) dst(%dma_wait3A_185 : memref<80x128xf32, #tpu.memory_space<vmem_shared>>)
      tpu.yield
    }) : () -> ()
    %add3A_17 = arith.constant 160 : i32
    %add3A_18 = arith.addi %mul3A_2, %add3A_17 : i32
    "tpu.region"() ({
      %run_scoped3A_177 = tpu.sem_alloc : memref<!tpu.dma_semaphore, #tpu.memory_space<semaphore_mem>>
      %dma_start3A_178 = arith.constant 0 : i32
      %dma_start3A_179 = tpu.memref_slice %arg10[%add3A_18, %dma_start3A_178] : memref<10000x128xf32, #tpu.memory_space<vmem_shared>> -> memref<80x128xf32, #tpu.memory_space<vmem_shared>>
      %dma_start3A_180 = arith.constant 0 : i32
      %dma_start3A_181 = tpu.memref_slice %arg10[%add3A_18, %dma_start3A_180] : memref<10000x128xf32, #tpu.memory_space<vmem_shared>> -> memref<80x128xf32, #tpu.memory_space<vmem_shared>>
      tpu.enqueue_dma source(%arg7 : memref<80x128xf32, #tpu.memory_space<vmem>>) target(%dma_start3A_181 : memref<80x128xf32, #tpu.memory_space<vmem_shared>>) target_semaphore(%run_scoped3A_177 : memref<!tpu.dma_semaphore, #tpu.memory_space<semaphore_mem>>)
      %dma_wait3A_182 = arith.constant 0 : i32
      %dma_wait3A_183 = tpu.memref_slice %arg10[%add3A_18, %dma_wait3A_182] : memref<10000x128xf32, #tpu.memory_space<vmem_shared>> -> memref<80x128xf32, #tpu.memory_space<vmem_shared>>
      %dma_wait3A_184 = arith.constant 0 : i32
      %dma_wait3A_185 = tpu.memref_slice %arg10[%add3A_18, %dma_wait3A_184] : memref<10000x128xf32, #tpu.memory_space<vmem_shared>> -> memref<80x128xf32, #tpu.memory_space<vmem_shared>>
      tpu.wait_dma2 semaphore(%run_scoped3A_177 : memref<!tpu.dma_semaphore, #tpu.memory_space<semaphore_mem>>) src(%arg7 : memref<80x128xf32, #tpu.memory_space<vmem>>) dst(%dma_wait3A_185 : memref<80x128xf32, #tpu.memory_space<vmem_shared>>)
      tpu.yield
    }) : () -> ()
    %add3A_19 = arith.constant 240 : i32
    %add3A_20 = arith.addi %mul3A_2, %add3A_19 : i32
    "tpu.region"() ({
      %run_scoped3A_177 = tpu.sem_alloc : memref<!tpu.dma_semaphore, #tpu.memory_space<semaphore_mem>>
      %dma_start3A_178 = arith.constant 0 : i32
      %dma_start3A_179 = tpu.memref_slice %arg10[%add3A_20, %dma_start3A_178] : memref<10000x128xf32, #tpu.memory_space<vmem_shared>> -> memref<80x128xf32, #tpu.memory_space<vmem_shared>>
      %dma_start3A_180 = arith.constant 0 : i32
      %dma_start3A_181 = tpu.memref_slice %arg10[%add3A_20, %dma_start3A_180] : memref<10000x128xf32, #tpu.memory_space<vmem_shared>> -> memref<80x128xf32, #tpu.memory_space<vmem_shared>>
      tpu.enqueue_dma source(%arg7 : memref<80x128xf32, #tpu.memory_space<vmem>>) target(%dma_start3A_181 : memref<80x128xf32, #tpu.memory_space<vmem_shared>>) target_semaphore(%run_scoped3A_177 : memref<!tpu.dma_semaphore, #tpu.memory_space<semaphore_mem>>)
      %dma_wait3A_182 = arith.constant 0 : i32
      %dma_wait3A_183 = tpu.memref_slice %arg10[%add3A_20, %dma_wait3A_182] : memref<10000x128xf32, #tpu.memory_space<vmem_shared>> -> memref<80x128xf32, #tpu.memory_space<vmem_shared>>
      %dma_wait3A_184 = arith.constant 0 : i32
      %dma_wait3A_185 = tpu.memref_slice %arg10[%add3A_20, %dma_wait3A_184] : memref<10000x128xf32, #tpu.memory_space<vmem_shared>> -> memref<80x128xf32, #tpu.memory_space<vmem_shared>>
      tpu.wait_dma2 semaphore(%run_scoped3A_177 : memref<!tpu.dma_semaphore, #tpu.memory_space<semaphore_mem>>) src(%arg7 : memref<80x128xf32, #tpu.memory_space<vmem>>) dst(%dma_wait3A_185 : memref<80x128xf32, #tpu.memory_space<vmem_shared>>)
      tpu.yield
    }) : () -> ()
    %add3A_21 = arith.constant 320 : i32
    %add3A_22 = arith.addi %mul3A_2, %add3A_21 : i32
    "tpu.region"() ({
      %run_scoped3A_177 = tpu.sem_alloc : memref<!tpu.dma_semaphore, #tpu.memory_space<semaphore_mem>>
      %dma_start3A_178 = arith.constant 0 : i32
      %dma_start3A_179 = tpu.memref_slice %arg10[%add3A_22, %dma_start3A_178] : memref<10000x128xf32, #tpu.memory_space<vmem_shared>> -> memref<80x128xf32, #tpu.memory_space<vmem_shared>>
      %dma_start3A_180 = arith.constant 0 : i32
      %dma_start3A_181 = tpu.memref_slice %arg10[%add3A_22, %dma_start3A_180] : memref<10000x128xf32, #tpu.memory_space<vmem_shared>> -> memref<80x128xf32, #tpu.memory_space<vmem_shared>>
      tpu.enqueue_dma source(%arg7 : memref<80x128xf32, #tpu.memory_space<vmem>>) target(%dma_start3A_181 : memref<80x128xf32, #tpu.memory_space<vmem_shared>>) target_semaphore(%run_scoped3A_177 : memref<!tpu.dma_semaphore, #tpu.memory_space<semaphore_mem>>)
      %dma_wait3A_182 = arith.constant 0 : i32
      %dma_wait3A_183 = tpu.memref_slice %arg10[%add3A_22, %dma_wait3A_182] : memref<10000x128xf32, #tpu.memory_space<vmem_shared>> -> memref<80x128xf32, #tpu.memory_space<vmem_shared>>
      %dma_wait3A_184 = arith.constant 0 : i32
      %dma_wait3A_185 = tpu.memref_slice %arg10[%add3A_22, %dma_wait3A_184] : memref<10000x128xf32, #tpu.memory_space<vmem_shared>> -> memref<80x128xf32, #tpu.memory_space<vmem_shared>>
      tpu.wait_dma2 semaphore(%run_scoped3A_177 : memref<!tpu.dma_semaphore, #tpu.memory_space<semaphore_mem>>) src(%arg7 : memref<80x128xf32, #tpu.memory_space<vmem>>) dst(%dma_wait3A_185 : memref<80x128xf32, #tpu.memory_space<vmem_shared>>)
      tpu.yield
    }) : () -> ()
    %add3A_23 = arith.constant 400 : i32
    %add3A_24 = arith.addi %mul3A_2, %add3A_23 : i32
    "tpu.region"() ({
      %run_scoped3A_177 = tpu.sem_alloc : memref<!tpu.dma_semaphore, #tpu.memory_space<semaphore_mem>>
      %dma_start3A_178 = arith.constant 0 : i32
      %dma_start3A_179 = tpu.memref_slice %arg10[%add3A_24, %dma_start3A_178] : memref<10000x128xf32, #tpu.memory_space<vmem_shared>> -> memref<80x128xf32, #tpu.memory_space<vmem_shared>>
      %dma_start3A_180 = arith.constant 0 : i32
      %dma_start3A_181 = tpu.memref_slice %arg10[%add3A_24, %dma_start3A_180] : memref<10000x128xf32, #tpu.memory_space<vmem_shared>> -> memref<80x128xf32, #tpu.memory_space<vmem_shared>>
      tpu.enqueue_dma source(%arg7 : memref<80x128xf32, #tpu.memory_space<vmem>>) target(%dma_start3A_181 : memref<80x128xf32, #tpu.memory_space<vmem_shared>>) target_semaphore(%run_scoped3A_177 : memref<!tpu.dma_semaphore, #tpu.memory_space<semaphore_mem>>)
      %dma_wait3A_182 = arith.constant 0 : i32
      %dma_wait3A_183 = tpu.memref_slice %arg10[%add3A_24, %dma_wait3A_182] : memref<10000x128xf32, #tpu.memory_space<vmem_shared>> -> memref<80x128xf32, #tpu.memory_space<vmem_shared>>
      %dma_wait3A_184 = arith.constant 0 : i32
      %dma_wait3A_185 = tpu.memref_slice %arg10[%add3A_24, %dma_wait3A_184] : memref<10000x128xf32, #tpu.memory_space<vmem_shared>> -> memref<80x128xf32, #tpu.memory_space<vmem_shared>>
      tpu.wait_dma2 semaphore(%run_scoped3A_177 : memref<!tpu.dma_semaphore, #tpu.memory_space<semaphore_mem>>) src(%arg7 : memref<80x128xf32, #tpu.memory_space<vmem>>) dst(%dma_wait3A_185 : memref<80x128xf32, #tpu.memory_space<vmem_shared>>)
      tpu.yield
    }) : () -> ()
    %add3A_25 = arith.constant 480 : i32
    %add3A_26 = arith.addi %mul3A_2, %add3A_25 : i32
    "tpu.region"() ({
      %run_scoped3A_177 = tpu.sem_alloc : memref<!tpu.dma_semaphore, #tpu.memory_space<semaphore_mem>>
      %dma_start3A_178 = arith.constant 0 : i32
      %dma_start3A_179 = tpu.memref_slice %arg10[%add3A_26, %dma_start3A_178] : memref<10000x128xf32, #tpu.memory_space<vmem_shared>> -> memref<80x128xf32, #tpu.memory_space<vmem_shared>>
      %dma_start3A_180 = arith.constant 0 : i32
      %dma_start3A_181 = tpu.memref_slice %arg10[%add3A_26, %dma_start3A_180] : memref<10000x128xf32, #tpu.memory_space<vmem_shared>> -> memref<80x128xf32, #tpu.memory_space<vmem_shared>>
      tpu.enqueue_dma source(%arg7 : memref<80x128xf32, #tpu.memory_space<vmem>>) target(%dma_start3A_181 : memref<80x128xf32, #tpu.memory_space<vmem_shared>>) target_semaphore(%run_scoped3A_177 : memref<!tpu.dma_semaphore, #tpu.memory_space<semaphore_mem>>)
      %dma_wait3A_182 = arith.constant 0 : i32
      %dma_wait3A_183 = tpu.memref_slice %arg10[%add3A_26, %dma_wait3A_182] : memref<10000x128xf32, #tpu.memory_space<vmem_shared>> -> memref<80x128xf32, #tpu.memory_space<vmem_shared>>
      %dma_wait3A_184 = arith.constant 0 : i32
      %dma_wait3A_185 = tpu.memref_slice %arg10[%add3A_26, %dma_wait3A_184] : memref<10000x128xf32, #tpu.memory_space<vmem_shared>> -> memref<80x128xf32, #tpu.memory_space<vmem_shared>>
      tpu.wait_dma2 semaphore(%run_scoped3A_177 : memref<!tpu.dma_semaphore, #tpu.memory_space<semaphore_mem>>) src(%arg7 : memref<80x128xf32, #tpu.memory_space<vmem>>) dst(%dma_wait3A_185 : memref<80x128xf32, #tpu.memory_space<vmem_shared>>)
      tpu.yield
    }) : () -> ()
    %add3A_27 = arith.constant 625 : i32
    %add3A_28 = arith.addi %mul3A_2, %add3A_27 : i32
    %sub3A = arith.constant 65 : i32
    %sub3A_29 = arith.subi %add3A_28, %sub3A : i32
    "tpu.region"() ({
      %run_scoped3A_177 = tpu.sem_alloc : memref<!tpu.dma_semaphore, #tpu.memory_space<semaphore_mem>>
      %dma_start3A_178 = arith.constant 0 : i32
      %dma_start3A_179 = arith.constant 0 : i32
      %dma_start3A_180 = tpu.memref_slice %arg7[%dma_start3A_178, %dma_start3A_179] : memref<80x128xf32, #tpu.memory_space<vmem>> -> memref<65x128xf32, #tpu.memory_space<vmem>>
      %dma_start3A_181 = arith.constant 0 : i32
      %dma_start3A_182 = tpu.memref_slice %arg10[%sub3A_29, %dma_start3A_181] : memref<10000x128xf32, #tpu.memory_space<vmem_shared>> -> memref<65x128xf32, #tpu.memory_space<vmem_shared>>
      %dma_start3A_183 = arith.constant 0 : i32
      %dma_start3A_184 = tpu.memref_slice %arg10[%sub3A_29, %dma_start3A_183] : memref<10000x128xf32, #tpu.memory_space<vmem_shared>> -> memref<65x128xf32, #tpu.memory_space<vmem_shared>>
      %dma_start3A_185 = arith.constant 0 : i32
      %dma_start3A_186 = arith.constant 0 : i32
      %dma_start3A_187 = tpu.memref_slice %arg7[%dma_start3A_185, %dma_start3A_186] : memref<80x128xf32, #tpu.memory_space<vmem>> -> memref<65x128xf32, #tpu.memory_space<vmem>>
      tpu.enqueue_dma source(%dma_start3A_187 : memref<65x128xf32, #tpu.memory_space<vmem>>) target(%dma_start3A_184 : memref<65x128xf32, #tpu.memory_space<vmem_shared>>) target_semaphore(%run_scoped3A_177 : memref<!tpu.dma_semaphore, #tpu.memory_space<semaphore_mem>>)
      %dma_wait3A_188 = arith.constant 0 : i32
      %dma_wait3A_189 = arith.constant 0 : i32
      %dma_wait3A_190 = tpu.memref_slice %arg7[%dma_wait3A_188, %dma_wait3A_189] : memref<80x128xf32, #tpu.memory_space<vmem>> -> memref<65x128xf32, #tpu.memory_space<vmem>>
      %dma_wait3A_191 = arith.constant 0 : i32
      %dma_wait3A_192 = tpu.memref_slice %arg10[%sub3A_29, %dma_wait3A_191] : memref<10000x128xf32, #tpu.memory_space<vmem_shared>> -> memref<65x128xf32, #tpu.memory_space<vmem_shared>>
      %dma_wait3A_193 = arith.constant 0 : i32
      %dma_wait3A_194 = tpu.memref_slice %arg10[%sub3A_29, %dma_wait3A_193] : memref<10000x128xf32, #tpu.memory_space<vmem_shared>> -> memref<65x128xf32, #tpu.memory_space<vmem_shared>>
      %dma_wait3A_195 = arith.constant 0 : i32
      %dma_wait3A_196 = arith.constant 0 : i32
      %dma_wait3A_197 = tpu.memref_slice %arg7[%dma_wait3A_195, %dma_wait3A_196] : memref<80x128xf32, #tpu.memory_space<vmem>> -> memref<65x128xf32, #tpu.memory_space<vmem>>
      tpu.wait_dma2 semaphore(%run_scoped3A_177 : memref<!tpu.dma_semaphore, #tpu.memory_space<semaphore_mem>>) src(%dma_wait3A_197 : memref<65x128xf32, #tpu.memory_space<vmem>>) dst(%dma_wait3A_194 : memref<65x128xf32, #tpu.memory_space<vmem_shared>>)
      tpu.yield
    }) : () -> ()
    %barrier3A = arith.constant 0 : index
    tpu.barrier barrier_id(%barrier3A)
    %dma_start3A = arith.constant 0 : i32
    %dma_start3A_30 = arith.constant 0 : i32
    %dma_start3A_31 = tpu.memref_slice %arg5[%dma_start3A, %dma_start3A_30] : memref<125x80xi32, #tpu.memory_space<vmem>> -> memref<1x80xi32, #tpu.memory_space<vmem>>
    %dma_start3A_32 = tpu.memref_squeeze %dma_start3A_31 : memref<1x80xi32, #tpu.memory_space<vmem>> -> memref<80xi32, #tpu.memory_space<vmem>>
    %dma_start3A_33 = arith.constant 0 : i32
    %dma_start3A_34 = arith.constant 0 : i32
    %dma_start3A_35 = tpu.memref_slice %arg2[%dma_start3A_33, %dma_start3A_34] : memref<10000x128xf32, #tpu.memory_space<hbm>> -> memref<10000x128xf32, #tpu.memory_space<hbm>>
    tpu.enqueue_indirect_dma source(%dma_start3A_35 : memref<10000x128xf32, #tpu.memory_space<hbm>>) target(%arg7 : memref<80x128xf32, #tpu.memory_space<vmem>>) offsets(%dma_start3A_32 : memref<80xi32, #tpu.memory_space<vmem>>) semaphore(%arg11 : memref<!tpu.dma_semaphore, #tpu.memory_space<semaphore_mem>>)
    %dma_start3A_36 = arith.constant 1 : i32
    %dma_start3A_37 = arith.constant 0 : i32
    %dma_start3A_38 = tpu.memref_slice %arg5[%dma_start3A_36, %dma_start3A_37] : memref<125x80xi32, #tpu.memory_space<vmem>> -> memref<1x80xi32, #tpu.memory_space<vmem>>
    %dma_start3A_39 = tpu.memref_squeeze %dma_start3A_38 : memref<1x80xi32, #tpu.memory_space<vmem>> -> memref<80xi32, #tpu.memory_space<vmem>>
    %dma_start3A_40 = arith.constant 0 : i32
    %dma_start3A_41 = arith.constant 0 : i32
    %dma_start3A_42 = tpu.memref_slice %arg2[%dma_start3A_40, %dma_start3A_41] : memref<10000x128xf32, #tpu.memory_space<hbm>> -> memref<10000x128xf32, #tpu.memory_space<hbm>>
    tpu.enqueue_indirect_dma source(%dma_start3A_42 : memref<10000x128xf32, #tpu.memory_space<hbm>>) target(%arg8 : memref<80x128xf32, #tpu.memory_space<vmem>>) offsets(%dma_start3A_39 : memref<80xi32, #tpu.memory_space<vmem>>) semaphore(%arg12 : memref<!tpu.dma_semaphore, #tpu.memory_space<semaphore_mem>>)
    %dma_wait3A = arith.constant 0 : i32
    %dma_wait3A_43 = arith.constant 0 : i32
    %dma_wait3A_44 = tpu.memref_slice %arg5[%dma_wait3A, %dma_wait3A_43] : memref<125x80xi32, #tpu.memory_space<vmem>> -> memref<1x80xi32, #tpu.memory_space<vmem>>
    %dma_wait3A_45 = tpu.memref_squeeze %dma_wait3A_44 : memref<1x80xi32, #tpu.memory_space<vmem>> -> memref<80xi32, #tpu.memory_space<vmem>>
    %dma_wait3A_46 = arith.constant 0 : i32
    %dma_wait3A_47 = arith.constant 0 : i32
    %dma_wait3A_48 = tpu.memref_slice %arg2[%dma_wait3A_46, %dma_wait3A_47] : memref<10000x128xf32, #tpu.memory_space<hbm>> -> memref<10000x128xf32, #tpu.memory_space<hbm>>
    tpu.wait_indirect_dma semaphore(%arg11 : memref<!tpu.dma_semaphore, #tpu.memory_space<semaphore_mem>>) src(%dma_wait3A_48 : memref<10000x128xf32, #tpu.memory_space<hbm>>) dst(%arg7 : memref<80x128xf32, #tpu.memory_space<vmem>>)
    %dma_start3A_49 = arith.constant 0 : i32
    %dma_start3A_50 = arith.constant 0 : i32
    %dma_start3A_51 = tpu.memref_slice %arg6[%dma_start3A_49, %dma_start3A_50] : memref<125x80xi32, #tpu.memory_space<vmem>> -> memref<1x80xi32, #tpu.memory_space<vmem>>
    %dma_start3A_52 = tpu.memref_squeeze %dma_start3A_51 : memref<1x80xi32, #tpu.memory_space<vmem>> -> memref<80xi32, #tpu.memory_space<vmem>>
    %dma_start3A_53 = arith.constant 0 : i32
    %dma_start3A_54 = arith.constant 0 : i32
    %dma_start3A_55 = tpu.memref_slice %arg10[%dma_start3A_53, %dma_start3A_54] : memref<10000x128xf32, #tpu.memory_space<vmem_shared>> -> memref<10000x128xf32, #tpu.memory_space<vmem_shared>>
    tpu.enqueue_indirect_dma source(%arg7 : memref<80x128xf32, #tpu.memory_space<vmem>>) target(%dma_start3A_55 : memref<10000x128xf32, #tpu.memory_space<vmem_shared>>) offsets(%dma_start3A_52 : memref<80xi32, #tpu.memory_space<vmem>>) semaphore(%arg14 : memref<!tpu.dma_semaphore, #tpu.memory_space<semaphore_mem>>) {add = true}
    %dma_start3A_56 = arith.constant 2 : i32
    %dma_start3A_57 = arith.constant 0 : i32
    %dma_start3A_58 = tpu.memref_slice %arg5[%dma_start3A_56, %dma_start3A_57] : memref<125x80xi32, #tpu.memory_space<vmem>> -> memref<1x80xi32, #tpu.memory_space<vmem>>
    %dma_start3A_59 = tpu.memref_squeeze %dma_start3A_58 : memref<1x80xi32, #tpu.memory_space<vmem>> -> memref<80xi32, #tpu.memory_space<vmem>>
    %dma_start3A_60 = arith.constant 0 : i32
    %dma_start3A_61 = arith.constant 0 : i32
    %dma_start3A_62 = tpu.memref_slice %arg2[%dma_start3A_60, %dma_start3A_61] : memref<10000x128xf32, #tpu.memory_space<hbm>> -> memref<10000x128xf32, #tpu.memory_space<hbm>>
    tpu.enqueue_indirect_dma source(%dma_start3A_62 : memref<10000x128xf32, #tpu.memory_space<hbm>>) target(%arg9 : memref<80x128xf32, #tpu.memory_space<vmem>>) offsets(%dma_start3A_59 : memref<80xi32, #tpu.memory_space<vmem>>) semaphore(%arg13 : memref<!tpu.dma_semaphore, #tpu.memory_space<semaphore_mem>>)
    %dma_wait3A_63 = arith.constant 0 : i32
    %dma_wait3A_64 = arith.constant 0 : i32
    %dma_wait3A_65 = tpu.memref_slice %arg5[%dma_wait3A_63, %dma_wait3A_64] : memref<125x80xi32, #tpu.memory_space<vmem>> -> memref<1x80xi32, #tpu.memory_space<vmem>>
    %dma_wait3A_66 = tpu.memref_squeeze %dma_wait3A_65 : memref<1x80xi32, #tpu.memory_space<vmem>> -> memref<80xi32, #tpu.memory_space<vmem>>
    %dma_wait3A_67 = arith.constant 0 : i32
    %dma_wait3A_68 = arith.constant 0 : i32
    %dma_wait3A_69 = tpu.memref_slice %arg2[%dma_wait3A_67, %dma_wait3A_68] : memref<10000x128xf32, #tpu.memory_space<hbm>> -> memref<10000x128xf32, #tpu.memory_space<hbm>>
    tpu.wait_indirect_dma semaphore(%arg12 : memref<!tpu.dma_semaphore, #tpu.memory_space<semaphore_mem>>) src(%dma_wait3A_69 : memref<10000x128xf32, #tpu.memory_space<hbm>>) dst(%arg8 : memref<80x128xf32, #tpu.memory_space<vmem>>)
    %dma_start3A_70 = arith.constant 1 : i32
    %dma_start3A_71 = arith.constant 0 : i32
    %dma_start3A_72 = tpu.memref_slice %arg6[%dma_start3A_70, %dma_start3A_71] : memref<125x80xi32, #tpu.memory_space<vmem>> -> memref<1x80xi32, #tpu.memory_space<vmem>>
    %dma_start3A_73 = tpu.memref_squeeze %dma_start3A_72 : memref<1x80xi32, #tpu.memory_space<vmem>> -> memref<80xi32, #tpu.memory_space<vmem>>
    %dma_start3A_74 = arith.constant 0 : i32
    %dma_start3A_75 = arith.constant 0 : i32
    %dma_start3A_76 = tpu.memref_slice %arg10[%dma_start3A_74, %dma_start3A_75] : memref<10000x128xf32, #tpu.memory_space<vmem_shared>> -> memref<10000x128xf32, #tpu.memory_space<vmem_shared>>
    tpu.enqueue_indirect_dma source(%arg8 : memref<80x128xf32, #tpu.memory_space<vmem>>) target(%dma_start3A_76 : memref<10000x128xf32, #tpu.memory_space<vmem_shared>>) offsets(%dma_start3A_73 : memref<80xi32, #tpu.memory_space<vmem>>) semaphore(%arg15 : memref<!tpu.dma_semaphore, #tpu.memory_space<semaphore_mem>>) {add = true}
    %scan3A_77 = arith.constant 0 : i32
    %scan3A_78 = arith.constant 40 : i32
    %scan3A_79 = arith.addi %scan3A_77, %scan3A_78 : i32
    %scan3A_80 = arith.constant 1 : i32
    scf.for %scan3A_177 = %scan3A_77 to %scan3A_79 step %scan3A_80  : i32 {
      %mul3A_178 = arith.constant 3 : i32
      %mul3A_179 = arith.muli %mul3A_178, %scan3A_177 : i32
      %add3A_180 = arith.constant 2 : i32
      %add3A_181 = arith.addi %mul3A_179, %add3A_180 : i32
      %dma_wait3A_182 = arith.constant 0 : i32
      %dma_wait3A_183 = arith.constant 0 : i32
      %dma_wait3A_184 = tpu.memref_slice %arg6[%dma_wait3A_182, %dma_wait3A_183] : memref<125x80xi32, #tpu.memory_space<vmem>> -> memref<1x80xi32, #tpu.memory_space<vmem>>
      %dma_wait3A_185 = tpu.memref_squeeze %dma_wait3A_184 : memref<1x80xi32, #tpu.memory_space<vmem>> -> memref<80xi32, #tpu.memory_space<vmem>>
      %dma_wait3A_186 = arith.constant 0 : i32
      %dma_wait3A_187 = arith.constant 0 : i32
      %dma_wait3A_188 = tpu.memref_slice %arg10[%dma_wait3A_186, %dma_wait3A_187] : memref<10000x128xf32, #tpu.memory_space<vmem_shared>> -> memref<10000x128xf32, #tpu.memory_space<vmem_shared>>
      tpu.wait_indirect_dma semaphore(%arg14 : memref<!tpu.dma_semaphore, #tpu.memory_space<semaphore_mem>>) src(%arg7 : memref<80x128xf32, #tpu.memory_space<vmem>>) dst(%dma_wait3A_188 : memref<10000x128xf32, #tpu.memory_space<vmem_shared>>)
      %add3A_189 = arith.constant 1 : i32
      %add3A_190 = arith.addi %add3A_181, %add3A_189 : i32
      %dma_start3A_191 = arith.constant 0 : i32
      %dma_start3A_192 = tpu.memref_slice %arg5[%add3A_190, %dma_start3A_191] : memref<125x80xi32, #tpu.memory_space<vmem>> -> memref<1x80xi32, #tpu.memory_space<vmem>>
      %dma_start3A_193 = tpu.memref_squeeze %dma_start3A_192 : memref<1x80xi32, #tpu.memory_space<vmem>> -> memref<80xi32, #tpu.memory_space<vmem>>
      %dma_start3A_194 = arith.constant 0 : i32
      %dma_start3A_195 = arith.constant 0 : i32
      %dma_start3A_196 = tpu.memref_slice %arg2[%dma_start3A_194, %dma_start3A_195] : memref<10000x128xf32, #tpu.memory_space<hbm>> -> memref<10000x128xf32, #tpu.memory_space<hbm>>
      tpu.enqueue_indirect_dma source(%dma_start3A_196 : memref<10000x128xf32, #tpu.memory_space<hbm>>) target(%arg7 : memref<80x128xf32, #tpu.memory_space<vmem>>) offsets(%dma_start3A_193 : memref<80xi32, #tpu.memory_space<vmem>>) semaphore(%arg11 : memref<!tpu.dma_semaphore, #tpu.memory_space<semaphore_mem>>)
      %dma_wait3A_197 = arith.constant 0 : i32
      %dma_wait3A_198 = arith.constant 0 : i32
      %dma_wait3A_199 = tpu.memref_slice %arg5[%dma_wait3A_197, %dma_wait3A_198] : memref<125x80xi32, #tpu.memory_space<vmem>> -> memref<1x80xi32, #tpu.memory_space<vmem>>
      %dma_wait3A_200 = tpu.memref_squeeze %dma_wait3A_199 : memref<1x80xi32, #tpu.memory_space<vmem>> -> memref<80xi32, #tpu.memory_space<vmem>>
      %dma_wait3A_201 = arith.constant 0 : i32
      %dma_wait3A_202 = arith.constant 0 : i32
      %dma_wait3A_203 = tpu.memref_slice %arg2[%dma_wait3A_201, %dma_wait3A_202] : memref<10000x128xf32, #tpu.memory_space<hbm>> -> memref<10000x128xf32, #tpu.memory_space<hbm>>
      tpu.wait_indirect_dma semaphore(%arg13 : memref<!tpu.dma_semaphore, #tpu.memory_space<semaphore_mem>>) src(%dma_wait3A_203 : memref<10000x128xf32, #tpu.memory_space<hbm>>) dst(%arg9 : memref<80x128xf32, #tpu.memory_space<vmem>>)
      %dma_start3A_204 = arith.constant 0 : i32
      %dma_start3A_205 = tpu.memref_slice %arg6[%add3A_181, %dma_start3A_204] : memref<125x80xi32, #tpu.memory_space<vmem>> -> memref<1x80xi32, #tpu.memory_space<vmem>>
      %dma_start3A_206 = tpu.memref_squeeze %dma_start3A_205 : memref<1x80xi32, #tpu.memory_space<vmem>> -> memref<80xi32, #tpu.memory_space<vmem>>
      %dma_start3A_207 = arith.constant 0 : i32
      %dma_start3A_208 = arith.constant 0 : i32
      %dma_start3A_209 = tpu.memref_slice %arg10[%dma_start3A_207, %dma_start3A_208] : memref<10000x128xf32, #tpu.memory_space<vmem_shared>> -> memref<10000x128xf32, #tpu.memory_space<vmem_shared>>
      tpu.enqueue_indirect_dma source(%arg9 : memref<80x128xf32, #tpu.memory_space<vmem>>) target(%dma_start3A_209 : memref<10000x128xf32, #tpu.memory_space<vmem_shared>>) offsets(%dma_start3A_206 : memref<80xi32, #tpu.memory_space<vmem>>) semaphore(%arg16 : memref<!tpu.dma_semaphore, #tpu.memory_space<semaphore_mem>>) {add = true}
      %mul3A_210 = arith.constant 3 : i32
      %mul3A_211 = arith.muli %mul3A_210, %scan3A_177 : i32
      %add3A_212 = arith.constant 3 : i32
      %add3A_213 = arith.addi %mul3A_211, %add3A_212 : i32
      %dma_wait3A_214 = arith.constant 0 : i32
      %dma_wait3A_215 = arith.constant 0 : i32
      %dma_wait3A_216 = tpu.memref_slice %arg6[%dma_wait3A_214, %dma_wait3A_215] : memref<125x80xi32, #tpu.memory_space<vmem>> -> memref<1x80xi32, #tpu.memory_space<vmem>>
      %dma_wait3A_217 = tpu.memref_squeeze %dma_wait3A_216 : memref<1x80xi32, #tpu.memory_space<vmem>> -> memref<80xi32, #tpu.memory_space<vmem>>
      %dma_wait3A_218 = arith.constant 0 : i32
      %dma_wait3A_219 = arith.constant 0 : i32
      %dma_wait3A_220 = tpu.memref_slice %arg10[%dma_wait3A_218, %dma_wait3A_219] : memref<10000x128xf32, #tpu.memory_space<vmem_shared>> -> memref<10000x128xf32, #tpu.memory_space<vmem_shared>>
      tpu.wait_indirect_dma semaphore(%arg15 : memref<!tpu.dma_semaphore, #tpu.memory_space<semaphore_mem>>) src(%arg8 : memref<80x128xf32, #tpu.memory_space<vmem>>) dst(%dma_wait3A_220 : memref<10000x128xf32, #tpu.memory_space<vmem_shared>>)
      %add3A_221 = arith.constant 1 : i32
      %add3A_222 = arith.addi %add3A_213, %add3A_221 : i32
      %dma_start3A_223 = arith.constant 0 : i32
      %dma_start3A_224 = tpu.memref_slice %arg5[%add3A_222, %dma_start3A_223] : memref<125x80xi32, #tpu.memory_space<vmem>> -> memref<1x80xi32, #tpu.memory_space<vmem>>
      %dma_start3A_225 = tpu.memref_squeeze %dma_start3A_224 : memref<1x80xi32, #tpu.memory_space<vmem>> -> memref<80xi32, #tpu.memory_space<vmem>>
      %dma_start3A_226 = arith.constant 0 : i32
      %dma_start3A_227 = arith.constant 0 : i32
      %dma_start3A_228 = tpu.memref_slice %arg2[%dma_start3A_226, %dma_start3A_227] : memref<10000x128xf32, #tpu.memory_space<hbm>> -> memref<10000x128xf32, #tpu.memory_space<hbm>>
      tpu.enqueue_indirect_dma source(%dma_start3A_228 : memref<10000x128xf32, #tpu.memory_space<hbm>>) target(%arg8 : memref<80x128xf32, #tpu.memory_space<vmem>>) offsets(%dma_start3A_225 : memref<80xi32, #tpu.memory_space<vmem>>) semaphore(%arg12 : memref<!tpu.dma_semaphore, #tpu.memory_space<semaphore_mem>>)
      %dma_wait3A_229 = arith.constant 0 : i32
      %dma_wait3A_230 = arith.constant 0 : i32
      %dma_wait3A_231 = tpu.memref_slice %arg5[%dma_wait3A_229, %dma_wait3A_230] : memref<125x80xi32, #tpu.memory_space<vmem>> -> memref<1x80xi32, #tpu.memory_space<vmem>>
      %dma_wait3A_232 = tpu.memref_squeeze %dma_wait3A_231 : memref<1x80xi32, #tpu.memory_space<vmem>> -> memref<80xi32, #tpu.memory_space<vmem>>
      %dma_wait3A_233 = arith.constant 0 : i32
      %dma_wait3A_234 = arith.constant 0 : i32
      %dma_wait3A_235 = tpu.memref_slice %arg2[%dma_wait3A_233, %dma_wait3A_234] : memref<10000x128xf32, #tpu.memory_space<hbm>> -> memref<10000x128xf32, #tpu.memory_space<hbm>>
      tpu.wait_indirect_dma semaphore(%arg11 : memref<!tpu.dma_semaphore, #tpu.memory_space<semaphore_mem>>) src(%dma_wait3A_235 : memref<10000x128xf32, #tpu.memory_space<hbm>>) dst(%arg7 : memref<80x128xf32, #tpu.memory_space<vmem>>)
      %dma_start3A_236 = arith.constant 0 : i32
      %dma_start3A_237 = tpu.memref_slice %arg6[%add3A_213, %dma_start3A_236] : memref<125x80xi32, #tpu.memory_space<vmem>> -> memref<1x80xi32, #tpu.memory_space<vmem>>
      %dma_start3A_238 = tpu.memref_squeeze %dma_start3A_237 : memref<1x80xi32, #tpu.memory_space<vmem>> -> memref<80xi32, #tpu.memory_space<vmem>>
      %dma_start3A_239 = arith.constant 0 : i32
      %dma_start3A_240 = arith.constant 0 : i32
      %dma_start3A_241 = tpu.memref_slice %arg10[%dma_start3A_239, %dma_start3A_240] : memref<10000x128xf32, #tpu.memory_space<vmem_shared>> -> memref<10000x128xf32, #tpu.memory_space<vmem_shared>>
      tpu.enqueue_indirect_dma source(%arg7 : memref<80x128xf32, #tpu.memory_space<vmem>>) target(%dma_start3A_241 : memref<10000x128xf32, #tpu.memory_space<vmem_shared>>) offsets(%dma_start3A_238 : memref<80xi32, #tpu.memory_space<vmem>>) semaphore(%arg14 : memref<!tpu.dma_semaphore, #tpu.memory_space<semaphore_mem>>) {add = true}
      %mul3A_242 = arith.constant 3 : i32
      %mul3A_243 = arith.muli %mul3A_242, %scan3A_177 : i32
      %add3A_244 = arith.constant 4 : i32
      %add3A_245 = arith.addi %mul3A_243, %add3A_244 : i32
      %dma_wait3A_246 = arith.constant 0 : i32
      %dma_wait3A_247 = arith.constant 0 : i32
      %dma_wait3A_248 = tpu.memref_slice %arg6[%dma_wait3A_246, %dma_wait3A_247] : memref<125x80xi32, #tpu.memory_space<vmem>> -> memref<1x80xi32, #tpu.memory_space<vmem>>
      %dma_wait3A_249 = tpu.memref_squeeze %dma_wait3A_248 : memref<1x80xi32, #tpu.memory_space<vmem>> -> memref<80xi32, #tpu.memory_space<vmem>>
      %dma_wait3A_250 = arith.constant 0 : i32
      %dma_wait3A_251 = arith.constant 0 : i32
      %dma_wait3A_252 = tpu.memref_slice %arg10[%dma_wait3A_250, %dma_wait3A_251] : memref<10000x128xf32, #tpu.memory_space<vmem_shared>> -> memref<10000x128xf32, #tpu.memory_space<vmem_shared>>
      tpu.wait_indirect_dma semaphore(%arg16 : memref<!tpu.dma_semaphore, #tpu.memory_space<semaphore_mem>>) src(%arg9 : memref<80x128xf32, #tpu.memory_space<vmem>>) dst(%dma_wait3A_252 : memref<10000x128xf32, #tpu.memory_space<vmem_shared>>)
      %add3A_253 = arith.constant 1 : i32
      %add3A_254 = arith.addi %add3A_245, %add3A_253 : i32
      %dma_start3A_255 = arith.constant 0 : i32
      %dma_start3A_256 = tpu.memref_slice %arg5[%add3A_254, %dma_start3A_255] : memref<125x80xi32, #tpu.memory_space<vmem>> -> memref<1x80xi32, #tpu.memory_space<vmem>>
      %dma_start3A_257 = tpu.memref_squeeze %dma_start3A_256 : memref<1x80xi32, #tpu.memory_space<vmem>> -> memref<80xi32, #tpu.memory_space<vmem>>
      %dma_start3A_258 = arith.constant 0 : i32
      %dma_start3A_259 = arith.constant 0 : i32
      %dma_start3A_260 = tpu.memref_slice %arg2[%dma_start3A_258, %dma_start3A_259] : memref<10000x128xf32, #tpu.memory_space<hbm>> -> memref<10000x128xf32, #tpu.memory_space<hbm>>
      tpu.enqueue_indirect_dma source(%dma_start3A_260 : memref<10000x128xf32, #tpu.memory_space<hbm>>) target(%arg9 : memref<80x128xf32, #tpu.memory_space<vmem>>) offsets(%dma_start3A_257 : memref<80xi32, #tpu.memory_space<vmem>>) semaphore(%arg13 : memref<!tpu.dma_semaphore, #tpu.memory_space<semaphore_mem>>)
      %dma_wait3A_261 = arith.constant 0 : i32
      %dma_wait3A_262 = arith.constant 0 : i32
      %dma_wait3A_263 = tpu.memref_slice %arg5[%dma_wait3A_261, %dma_wait3A_262] : memref<125x80xi32, #tpu.memory_space<vmem>> -> memref<1x80xi32, #tpu.memory_space<vmem>>
      %dma_wait3A_264 = tpu.memref_squeeze %dma_wait3A_263 : memref<1x80xi32, #tpu.memory_space<vmem>> -> memref<80xi32, #tpu.memory_space<vmem>>
      %dma_wait3A_265 = arith.constant 0 : i32
      %dma_wait3A_266 = arith.constant 0 : i32
      %dma_wait3A_267 = tpu.memref_slice %arg2[%dma_wait3A_265, %dma_wait3A_266] : memref<10000x128xf32, #tpu.memory_space<hbm>> -> memref<10000x128xf32, #tpu.memory_space<hbm>>
      tpu.wait_indirect_dma semaphore(%arg12 : memref<!tpu.dma_semaphore, #tpu.memory_space<semaphore_mem>>) src(%dma_wait3A_267 : memref<10000x128xf32, #tpu.memory_space<hbm>>) dst(%arg8 : memref<80x128xf32, #tpu.memory_space<vmem>>)
      %dma_start3A_268 = arith.constant 0 : i32
      %dma_start3A_269 = tpu.memref_slice %arg6[%add3A_245, %dma_start3A_268] : memref<125x80xi32, #tpu.memory_space<vmem>> -> memref<1x80xi32, #tpu.memory_space<vmem>>
      %dma_start3A_270 = tpu.memref_squeeze %dma_start3A_269 : memref<1x80xi32, #tpu.memory_space<vmem>> -> memref<80xi32, #tpu.memory_space<vmem>>
      %dma_start3A_271 = arith.constant 0 : i32
      %dma_start3A_272 = arith.constant 0 : i32
      %dma_start3A_273 = tpu.memref_slice %arg10[%dma_start3A_271, %dma_start3A_272] : memref<10000x128xf32, #tpu.memory_space<vmem_shared>> -> memref<10000x128xf32, #tpu.memory_space<vmem_shared>>
      tpu.enqueue_indirect_dma source(%arg8 : memref<80x128xf32, #tpu.memory_space<vmem>>) target(%dma_start3A_273 : memref<10000x128xf32, #tpu.memory_space<vmem_shared>>) offsets(%dma_start3A_270 : memref<80xi32, #tpu.memory_space<vmem>>) semaphore(%arg15 : memref<!tpu.dma_semaphore, #tpu.memory_space<semaphore_mem>>) {add = true}
    }
    %scan3A_81 = arith.constant 40 : i32
    %dma_wait3A_82 = arith.constant 0 : i32
    %dma_wait3A_83 = arith.constant 0 : i32
    %dma_wait3A_84 = tpu.memref_slice %arg6[%dma_wait3A_82, %dma_wait3A_83] : memref<125x80xi32, #tpu.memory_space<vmem>> -> memref<1x80xi32, #tpu.memory_space<vmem>>
    %dma_wait3A_85 = tpu.memref_squeeze %dma_wait3A_84 : memref<1x80xi32, #tpu.memory_space<vmem>> -> memref<80xi32, #tpu.memory_space<vmem>>
    %dma_wait3A_86 = arith.constant 0 : i32
    %dma_wait3A_87 = arith.constant 0 : i32
    %dma_wait3A_88 = tpu.memref_slice %arg10[%dma_wait3A_86, %dma_wait3A_87] : memref<10000x128xf32, #tpu.memory_space<vmem_shared>> -> memref<10000x128xf32, #tpu.memory_space<vmem_shared>>
    tpu.wait_indirect_dma semaphore(%arg14 : memref<!tpu.dma_semaphore, #tpu.memory_space<semaphore_mem>>) src(%arg7 : memref<80x128xf32, #tpu.memory_space<vmem>>) dst(%dma_wait3A_88 : memref<10000x128xf32, #tpu.memory_space<vmem_shared>>)
    %dma_start3A_89 = arith.constant 123 : i32
    %dma_start3A_90 = arith.constant 0 : i32
    %dma_start3A_91 = tpu.memref_slice %arg5[%dma_start3A_89, %dma_start3A_90] : memref<125x80xi32, #tpu.memory_space<vmem>> -> memref<1x80xi32, #tpu.memory_space<vmem>>
    %dma_start3A_92 = tpu.memref_squeeze %dma_start3A_91 : memref<1x80xi32, #tpu.memory_space<vmem>> -> memref<80xi32, #tpu.memory_space<vmem>>
    %dma_start3A_93 = arith.constant 0 : i32
    %dma_start3A_94 = arith.constant 0 : i32
    %dma_start3A_95 = tpu.memref_slice %arg2[%dma_start3A_93, %dma_start3A_94] : memref<10000x128xf32, #tpu.memory_space<hbm>> -> memref<10000x128xf32, #tpu.memory_space<hbm>>
    tpu.enqueue_indirect_dma source(%dma_start3A_95 : memref<10000x128xf32, #tpu.memory_space<hbm>>) target(%arg7 : memref<80x128xf32, #tpu.memory_space<vmem>>) offsets(%dma_start3A_92 : memref<80xi32, #tpu.memory_space<vmem>>) semaphore(%arg11 : memref<!tpu.dma_semaphore, #tpu.memory_space<semaphore_mem>>)
    %dma_wait3A_96 = arith.constant 0 : i32
    %dma_wait3A_97 = arith.constant 0 : i32
    %dma_wait3A_98 = tpu.memref_slice %arg5[%dma_wait3A_96, %dma_wait3A_97] : memref<125x80xi32, #tpu.memory_space<vmem>> -> memref<1x80xi32, #tpu.memory_space<vmem>>
    %dma_wait3A_99 = tpu.memref_squeeze %dma_wait3A_98 : memref<1x80xi32, #tpu.memory_space<vmem>> -> memref<80xi32, #tpu.memory_space<vmem>>
    %dma_wait3A_100 = arith.constant 0 : i32
    %dma_wait3A_101 = arith.constant 0 : i32
    %dma_wait3A_102 = tpu.memref_slice %arg2[%dma_wait3A_100, %dma_wait3A_101] : memref<10000x128xf32, #tpu.memory_space<hbm>> -> memref<10000x128xf32, #tpu.memory_space<hbm>>
    tpu.wait_indirect_dma semaphore(%arg13 : memref<!tpu.dma_semaphore, #tpu.memory_space<semaphore_mem>>) src(%dma_wait3A_102 : memref<10000x128xf32, #tpu.memory_space<hbm>>) dst(%arg9 : memref<80x128xf32, #tpu.memory_space<vmem>>)
    %dma_start3A_103 = arith.constant 122 : i32
    %dma_start3A_104 = arith.constant 0 : i32
    %dma_start3A_105 = tpu.memref_slice %arg6[%dma_start3A_103, %dma_start3A_104] : memref<125x80xi32, #tpu.memory_space<vmem>> -> memref<1x80xi32, #tpu.memory_space<vmem>>
    %dma_start3A_106 = tpu.memref_squeeze %dma_start3A_105 : memref<1x80xi32, #tpu.memory_space<vmem>> -> memref<80xi32, #tpu.memory_space<vmem>>
    %dma_start3A_107 = arith.constant 0 : i32
    %dma_start3A_108 = arith.constant 0 : i32
    %dma_start3A_109 = tpu.memref_slice %arg10[%dma_start3A_107, %dma_start3A_108] : memref<10000x128xf32, #tpu.memory_space<vmem_shared>> -> memref<10000x128xf32, #tpu.memory_space<vmem_shared>>
    tpu.enqueue_indirect_dma source(%arg9 : memref<80x128xf32, #tpu.memory_space<vmem>>) target(%dma_start3A_109 : memref<10000x128xf32, #tpu.memory_space<vmem_shared>>) offsets(%dma_start3A_106 : memref<80xi32, #tpu.memory_space<vmem>>) semaphore(%arg16 : memref<!tpu.dma_semaphore, #tpu.memory_space<semaphore_mem>>) {add = true}
    %dma_wait3A_110 = arith.constant 0 : i32
    %dma_wait3A_111 = arith.constant 0 : i32
    %dma_wait3A_112 = tpu.memref_slice %arg6[%dma_wait3A_110, %dma_wait3A_111] : memref<125x80xi32, #tpu.memory_space<vmem>> -> memref<1x80xi32, #tpu.memory_space<vmem>>
    %dma_wait3A_113 = tpu.memref_squeeze %dma_wait3A_112 : memref<1x80xi32, #tpu.memory_space<vmem>> -> memref<80xi32, #tpu.memory_space<vmem>>
    %dma_wait3A_114 = arith.constant 0 : i32
    %dma_wait3A_115 = arith.constant 0 : i32
    %dma_wait3A_116 = tpu.memref_slice %arg10[%dma_wait3A_114, %dma_wait3A_115] : memref<10000x128xf32, #tpu.memory_space<vmem_shared>> -> memref<10000x128xf32, #tpu.memory_space<vmem_shared>>
    tpu.wait_indirect_dma semaphore(%arg15 : memref<!tpu.dma_semaphore, #tpu.memory_space<semaphore_mem>>) src(%arg8 : memref<80x128xf32, #tpu.memory_space<vmem>>) dst(%dma_wait3A_116 : memref<10000x128xf32, #tpu.memory_space<vmem_shared>>)
    %dma_start3A_117 = arith.constant 124 : i32
    %dma_start3A_118 = arith.constant 0 : i32
    %dma_start3A_119 = tpu.memref_slice %arg5[%dma_start3A_117, %dma_start3A_118] : memref<125x80xi32, #tpu.memory_space<vmem>> -> memref<1x80xi32, #tpu.memory_space<vmem>>
    %dma_start3A_120 = tpu.memref_squeeze %dma_start3A_119 : memref<1x80xi32, #tpu.memory_space<vmem>> -> memref<80xi32, #tpu.memory_space<vmem>>
    %dma_start3A_121 = arith.constant 0 : i32
    %dma_start3A_122 = arith.constant 0 : i32
    %dma_start3A_123 = tpu.memref_slice %arg2[%dma_start3A_121, %dma_start3A_122] : memref<10000x128xf32, #tpu.memory_space<hbm>> -> memref<10000x128xf32, #tpu.memory_space<hbm>>
    tpu.enqueue_indirect_dma source(%dma_start3A_123 : memref<10000x128xf32, #tpu.memory_space<hbm>>) target(%arg8 : memref<80x128xf32, #tpu.memory_space<vmem>>) offsets(%dma_start3A_120 : memref<80xi32, #tpu.memory_space<vmem>>) semaphore(%arg12 : memref<!tpu.dma_semaphore, #tpu.memory_space<semaphore_mem>>)
    %dma_wait3A_124 = arith.constant 0 : i32
    %dma_wait3A_125 = arith.constant 0 : i32
    %dma_wait3A_126 = tpu.memref_slice %arg5[%dma_wait3A_124, %dma_wait3A_125] : memref<125x80xi32, #tpu.memory_space<vmem>> -> memref<1x80xi32, #tpu.memory_space<vmem>>
    %dma_wait3A_127 = tpu.memref_squeeze %dma_wait3A_126 : memref<1x80xi32, #tpu.memory_space<vmem>> -> memref<80xi32, #tpu.memory_space<vmem>>
    %dma_wait3A_128 = arith.constant 0 : i32
    %dma_wait3A_129 = arith.constant 0 : i32
    %dma_wait3A_130 = tpu.memref_slice %arg2[%dma_wait3A_128, %dma_wait3A_129] : memref<10000x128xf32, #tpu.memory_space<hbm>> -> memref<10000x128xf32, #tpu.memory_space<hbm>>
    tpu.wait_indirect_dma semaphore(%arg11 : memref<!tpu.dma_semaphore, #tpu.memory_space<semaphore_mem>>) src(%dma_wait3A_130 : memref<10000x128xf32, #tpu.memory_space<hbm>>) dst(%arg7 : memref<80x128xf32, #tpu.memory_space<vmem>>)
    %dma_start3A_131 = arith.constant 123 : i32
    %dma_start3A_132 = arith.constant 0 : i32
    %dma_start3A_133 = tpu.memref_slice %arg6[%dma_start3A_131, %dma_start3A_132] : memref<125x80xi32, #tpu.memory_space<vmem>> -> memref<1x80xi32, #tpu.memory_space<vmem>>
    %dma_start3A_134 = tpu.memref_squeeze %dma_start3A_133 : memref<1x80xi32, #tpu.memory_space<vmem>> -> memref<80xi32, #tpu.memory_space<vmem>>
    %dma_start3A_135 = arith.constant 0 : i32
    %dma_start3A_136 = arith.constant 0 : i32
    %dma_start3A_137 = tpu.memref_slice %arg10[%dma_start3A_135, %dma_start3A_136] : memref<10000x128xf32, #tpu.memory_space<vmem_shared>> -> memref<10000x128xf32, #tpu.memory_space<vmem_shared>>
    tpu.enqueue_indirect_dma source(%arg7 : memref<80x128xf32, #tpu.memory_space<vmem>>) target(%dma_start3A_137 : memref<10000x128xf32, #tpu.memory_space<vmem_shared>>) offsets(%dma_start3A_134 : memref<80xi32, #tpu.memory_space<vmem>>) semaphore(%arg14 : memref<!tpu.dma_semaphore, #tpu.memory_space<semaphore_mem>>) {add = true}
    %dma_wait3A_138 = arith.constant 0 : i32
    %dma_wait3A_139 = arith.constant 0 : i32
    %dma_wait3A_140 = tpu.memref_slice %arg6[%dma_wait3A_138, %dma_wait3A_139] : memref<125x80xi32, #tpu.memory_space<vmem>> -> memref<1x80xi32, #tpu.memory_space<vmem>>
    %dma_wait3A_141 = tpu.memref_squeeze %dma_wait3A_140 : memref<1x80xi32, #tpu.memory_space<vmem>> -> memref<80xi32, #tpu.memory_space<vmem>>
    %dma_wait3A_142 = arith.constant 0 : i32
    %dma_wait3A_143 = arith.constant 0 : i32
    %dma_wait3A_144 = tpu.memref_slice %arg10[%dma_wait3A_142, %dma_wait3A_143] : memref<10000x128xf32, #tpu.memory_space<vmem_shared>> -> memref<10000x128xf32, #tpu.memory_space<vmem_shared>>
    tpu.wait_indirect_dma semaphore(%arg16 : memref<!tpu.dma_semaphore, #tpu.memory_space<semaphore_mem>>) src(%arg9 : memref<80x128xf32, #tpu.memory_space<vmem>>) dst(%dma_wait3A_144 : memref<10000x128xf32, #tpu.memory_space<vmem_shared>>)
    %dma_wait3A_145 = arith.constant 0 : i32
    %dma_wait3A_146 = arith.constant 0 : i32
    %dma_wait3A_147 = tpu.memref_slice %arg5[%dma_wait3A_145, %dma_wait3A_146] : memref<125x80xi32, #tpu.memory_space<vmem>> -> memref<1x80xi32, #tpu.memory_space<vmem>>
    %dma_wait3A_148 = tpu.memref_squeeze %dma_wait3A_147 : memref<1x80xi32, #tpu.memory_space<vmem>> -> memref<80xi32, #tpu.memory_space<vmem>>
    %dma_wait3A_149 = arith.constant 0 : i32
    %dma_wait3A_150 = arith.constant 0 : i32
    %dma_wait3A_151 = tpu.memref_slice %arg2[%dma_wait3A_149, %dma_wait3A_150] : memref<10000x128xf32, #tpu.memory_space<hbm>> -> memref<10000x128xf32, #tpu.memory_space<hbm>>
    tpu.wait_indirect_dma semaphore(%arg12 : memref<!tpu.dma_semaphore, #tpu.memory_space<semaphore_mem>>) src(%dma_wait3A_151 : memref<10000x128xf32, #tpu.memory_space<hbm>>) dst(%arg8 : memref<80x128xf32, #tpu.memory_space<vmem>>)
    %dma_start3A_152 = arith.constant 124 : i32
    %dma_start3A_153 = arith.constant 0 : i32
    %dma_start3A_154 = tpu.memref_slice %arg6[%dma_start3A_152, %dma_start3A_153] : memref<125x80xi32, #tpu.memory_space<vmem>> -> memref<1x80xi32, #tpu.memory_space<vmem>>
    %dma_start3A_155 = tpu.memref_squeeze %dma_start3A_154 : memref<1x80xi32, #tpu.memory_space<vmem>> -> memref<80xi32, #tpu.memory_space<vmem>>
    %dma_start3A_156 = arith.constant 0 : i32
    %dma_start3A_157 = arith.constant 0 : i32
    %dma_start3A_158 = tpu.memref_slice %arg10[%dma_start3A_156, %dma_start3A_157] : memref<10000x128xf32, #tpu.memory_space<vmem_shared>> -> memref<10000x128xf32, #tpu.memory_space<vmem_shared>>
    tpu.enqueue_indirect_dma source(%arg8 : memref<80x128xf32, #tpu.memory_space<vmem>>) target(%dma_start3A_158 : memref<10000x128xf32, #tpu.memory_space<vmem_shared>>) offsets(%dma_start3A_155 : memref<80xi32, #tpu.memory_space<vmem>>) semaphore(%arg15 : memref<!tpu.dma_semaphore, #tpu.memory_space<semaphore_mem>>) {add = true}
    %dma_wait3A_159 = arith.constant 0 : i32
    %dma_wait3A_160 = arith.constant 0 : i32
    %dma_wait3A_161 = tpu.memref_slice %arg6[%dma_wait3A_159, %dma_wait3A_160] : memref<125x80xi32, #tpu.memory_space<vmem>> -> memref<1x80xi32, #tpu.memory_space<vmem>>
    %dma_wait3A_162 = tpu.memref_squeeze %dma_wait3A_161 : memref<1x80xi32, #tpu.memory_space<vmem>> -> memref<80xi32, #tpu.memory_space<vmem>>
    %dma_wait3A_163 = arith.constant 0 : i32
    %dma_wait3A_164 = arith.constant 0 : i32
    %dma_wait3A_165 = tpu.memref_slice %arg10[%dma_wait3A_163, %dma_wait3A_164] : memref<10000x128xf32, #tpu.memory_space<vmem_shared>> -> memref<10000x128xf32, #tpu.memory_space<vmem_shared>>
    tpu.wait_indirect_dma semaphore(%arg14 : memref<!tpu.dma_semaphore, #tpu.memory_space<semaphore_mem>>) src(%arg7 : memref<80x128xf32, #tpu.memory_space<vmem>>) dst(%dma_wait3A_165 : memref<10000x128xf32, #tpu.memory_space<vmem_shared>>)
    %dma_wait3A_166 = arith.constant 0 : i32
    %dma_wait3A_167 = arith.constant 0 : i32
    %dma_wait3A_168 = tpu.memref_slice %arg6[%dma_wait3A_166, %dma_wait3A_167] : memref<125x80xi32, #tpu.memory_space<vmem>> -> memref<1x80xi32, #tpu.memory_space<vmem>>
    %dma_wait3A_169 = tpu.memref_squeeze %dma_wait3A_168 : memref<1x80xi32, #tpu.memory_space<vmem>> -> memref<80xi32, #tpu.memory_space<vmem>>
    %dma_wait3A_170 = arith.constant 0 : i32
    %dma_wait3A_171 = arith.constant 0 : i32
    %dma_wait3A_172 = tpu.memref_slice %arg10[%dma_wait3A_170, %dma_wait3A_171] : memref<10000x128xf32, #tpu.memory_space<vmem_shared>> -> memref<10000x128xf32, #tpu.memory_space<vmem_shared>>
    tpu.wait_indirect_dma semaphore(%arg15 : memref<!tpu.dma_semaphore, #tpu.memory_space<semaphore_mem>>) src(%arg8 : memref<80x128xf32, #tpu.memory_space<vmem>>) dst(%dma_wait3A_172 : memref<10000x128xf32, #tpu.memory_space<vmem_shared>>)
    %barrier3A_173 = arith.constant 0 : index
    tpu.barrier barrier_id(%barrier3A_173)
    %mul3A_174 = arith.constant 10000 : i32
    %mul3A_175 = arith.muli %arg0, %mul3A_174 : i32
    %add3A_176 = arith.addi %mul3A_175, %mul3A_2 : i32
    "tpu.region"() ({
      %run_scoped3A_177 = tpu.sem_alloc : memref<!tpu.dma_semaphore, #tpu.memory_space<semaphore_mem>>
      %dma_start3A_178 = arith.constant 0 : i32
      %dma_start3A_179 = tpu.memref_slice %arg4[%add3A_176, %dma_start3A_178] : memref<20000x128xf32, #tpu.memory_space<hbm>> -> memref<625x128xf32, #tpu.memory_space<hbm>>
      %dma_start3A_180 = arith.constant 0 : i32
      %dma_start3A_181 = tpu.memref_slice %arg10[%mul3A_2, %dma_start3A_180] : memref<10000x128xf32, #tpu.memory_space<vmem_shared>> -> memref<625x128xf32, #tpu.memory_space<vmem_shared>>
      tpu.enqueue_dma source(%dma_start3A_181 : memref<625x128xf32, #tpu.memory_space<vmem_shared>>) target(%dma_start3A_179 : memref<625x128xf32, #tpu.memory_space<hbm>>) target_semaphore(%run_scoped3A_177 : memref<!tpu.dma_semaphore, #tpu.memory_space<semaphore_mem>>)
      %dma_wait3A_182 = arith.constant 0 : i32
      %dma_wait3A_183 = tpu.memref_slice %arg4[%add3A_176, %dma_wait3A_182] : memref<20000x128xf32, #tpu.memory_space<hbm>> -> memref<625x128xf32, #tpu.memory_space<hbm>>
      %dma_wait3A_184 = arith.constant 0 : i32
      %dma_wait3A_185 = tpu.memref_slice %arg10[%mul3A_2, %dma_wait3A_184] : memref<10000x128xf32, #tpu.memory_space<vmem_shared>> -> memref<625x128xf32, #tpu.memory_space<vmem_shared>>
      tpu.wait_dma2 semaphore(%run_scoped3A_177 : memref<!tpu.dma_semaphore, #tpu.memory_space<semaphore_mem>>) src(%dma_wait3A_185 : memref<625x128xf32, #tpu.memory_space<vmem_shared>>) dst(%dma_wait3A_183 : memref<625x128xf32, #tpu.memory_space<hbm>>)
      tpu.yield
    }) : () -> ()
    return
  }
}

#map = affine_map<(d0, d1) -> (0, 0)>
#map1 = affine_map<(d0, d1) -> (0, 0, 0)>
module attributes {stable_mosaic.version = 14 : i64} {
  func.func @sc_agg(%arg0: i32, %arg1: i32, %arg2: memref<10000x128xf32, #tpu.memory_space<hbm>>, %arg3: memref<2x4000x80xi32, #tpu.memory_space<hbm>>, %arg4: memref<10000x128xf32, #tpu.memory_space<hbm>>, %arg5: memref<20000x128xf32, #tpu.memory_space<hbm>>, %arg6: memref<125x80xi32, #tpu.memory_space<vmem>>, %arg7: memref<125x80xi32, #tpu.memory_space<vmem>>, %arg8: memref<80x128xf32, #tpu.memory_space<vmem>>, %arg9: memref<80x128xf32, #tpu.memory_space<vmem>>, %arg10: memref<80x128xf32, #tpu.memory_space<vmem>>, %arg11: memref<10000x128xf32, #tpu.memory_space<vmem_shared>>, %arg12: memref<!tpu.dma_semaphore, #tpu.memory_space<semaphore_mem>>, %arg13: memref<!tpu.dma_semaphore, #tpu.memory_space<semaphore_mem>>, %arg14: memref<!tpu.dma_semaphore, #tpu.memory_space<semaphore_mem>>, %arg15: memref<!tpu.dma_semaphore, #tpu.memory_space<semaphore_mem>>, %arg16: memref<!tpu.dma_semaphore, #tpu.memory_space<semaphore_mem>>, %arg17: memref<!tpu.dma_semaphore, #tpu.memory_space<semaphore_mem>>) attributes {dimension_semantics = [#tpu.dimension_semantics<core_parallel>, #tpu.dimension_semantics<subcore_parallel>], iteration_bounds = array<i64: 2, 16>, scalar_prefetch = 0 : i64, scratch_operands = 12 : i64, tpu.core_type = #tpu.core_type<sc_vector_subcore>, window_params = [{transform_indices = #map}, {transform_indices = #map1}, {transform_indices = #map}, {transform_indices = #map}]} {
    %mul3A = arith.constant 16 : i32
    %mul3A_0 = arith.muli %arg0, %mul3A : i32
    %add3A = arith.addi %mul3A_0, %arg1 : i32
    %mul3A_1 = arith.constant 625 : i32
    %mul3A_2 = arith.muli %arg1, %mul3A_1 : i32
    %mul3A_3 = arith.constant 125 : i32
    %mul3A_4 = arith.muli %add3A, %mul3A_3 : i32
    %run_scoped3A = arith.constant 0 : i32
    "tpu.region"() ({
      %run_scoped3A_177 = tpu.sem_alloc : memref<!tpu.dma_semaphore, #tpu.memory_space<semaphore_mem>>
      %dma_start3A_178 = arith.constant 0 : i32
      %dma_start3A_179 = tpu.memref_slice %arg3[%run_scoped3A, %mul3A_4, %dma_start3A_178] : memref<2x4000x80xi32, #tpu.memory_space<hbm>> -> memref<1x125x80xi32, #tpu.memory_space<hbm>>
      %dma_start3A_180 = tpu.memref_squeeze %dma_start3A_179 : memref<1x125x80xi32, #tpu.memory_space<hbm>> -> memref<125x80xi32, #tpu.memory_space<hbm>>
      %dma_start3A_181 = arith.constant 0 : i32
      %dma_start3A_182 = tpu.memref_slice %arg3[%run_scoped3A, %mul3A_4, %dma_start3A_181] : memref<2x4000x80xi32, #tpu.memory_space<hbm>> -> memref<1x125x80xi32, #tpu.memory_space<hbm>>
      %dma_start3A_183 = tpu.memref_squeeze %dma_start3A_182 : memref<1x125x80xi32, #tpu.memory_space<hbm>> -> memref<125x80xi32, #tpu.memory_space<hbm>>
      tpu.enqueue_dma source(%dma_start3A_183 : memref<125x80xi32, #tpu.memory_space<hbm>>) target(%arg6 : memref<125x80xi32, #tpu.memory_space<vmem>>) target_semaphore(%run_scoped3A_177 : memref<!tpu.dma_semaphore, #tpu.memory_space<semaphore_mem>>)
      %dma_wait3A_184 = arith.constant 0 : i32
      %dma_wait3A_185 = tpu.memref_slice %arg3[%run_scoped3A, %mul3A_4, %dma_wait3A_184] : memref<2x4000x80xi32, #tpu.memory_space<hbm>> -> memref<1x125x80xi32, #tpu.memory_space<hbm>>
      %dma_wait3A_186 = tpu.memref_squeeze %dma_wait3A_185 : memref<1x125x80xi32, #tpu.memory_space<hbm>> -> memref<125x80xi32, #tpu.memory_space<hbm>>
      %dma_wait3A_187 = arith.constant 0 : i32
      %dma_wait3A_188 = tpu.memref_slice %arg3[%run_scoped3A, %mul3A_4, %dma_wait3A_187] : memref<2x4000x80xi32, #tpu.memory_space<hbm>> -> memref<1x125x80xi32, #tpu.memory_space<hbm>>
      %dma_wait3A_189 = tpu.memref_squeeze %dma_wait3A_188 : memref<1x125x80xi32, #tpu.memory_space<hbm>> -> memref<125x80xi32, #tpu.memory_space<hbm>>
      tpu.wait_dma2 semaphore(%run_scoped3A_177 : memref<!tpu.dma_semaphore, #tpu.memory_space<semaphore_mem>>) src(%dma_wait3A_189 : memref<125x80xi32, #tpu.memory_space<hbm>>) dst(%arg6 : memref<125x80xi32, #tpu.memory_space<vmem>>)
      tpu.yield
    }) : () -> ()
    %mul3A_5 = arith.constant 125 : i32
    %mul3A_6 = arith.muli %add3A, %mul3A_5 : i32
    %run_scoped3A_7 = arith.constant 1 : i32
    "tpu.region"() ({
      %run_scoped3A_177 = tpu.sem_alloc : memref<!tpu.dma_semaphore, #tpu.memory_space<semaphore_mem>>
      %dma_start3A_178 = arith.constant 0 : i32
      %dma_start3A_179 = tpu.memref_slice %arg3[%run_scoped3A_7, %mul3A_6, %dma_start3A_178] : memref<2x4000x80xi32, #tpu.memory_space<hbm>> -> memref<1x125x80xi32, #tpu.memory_space<hbm>>
      %dma_start3A_180 = tpu.memref_squeeze %dma_start3A_179 : memref<1x125x80xi32, #tpu.memory_space<hbm>> -> memref<125x80xi32, #tpu.memory_space<hbm>>
      %dma_start3A_181 = arith.constant 0 : i32
      %dma_start3A_182 = tpu.memref_slice %arg3[%run_scoped3A_7, %mul3A_6, %dma_start3A_181] : memref<2x4000x80xi32, #tpu.memory_space<hbm>> -> memref<1x125x80xi32, #tpu.memory_space<hbm>>
      %dma_start3A_183 = tpu.memref_squeeze %dma_start3A_182 : memref<1x125x80xi32, #tpu.memory_space<hbm>> -> memref<125x80xi32, #tpu.memory_space<hbm>>
      tpu.enqueue_dma source(%dma_start3A_183 : memref<125x80xi32, #tpu.memory_space<hbm>>) target(%arg7 : memref<125x80xi32, #tpu.memory_space<vmem>>) target_semaphore(%run_scoped3A_177 : memref<!tpu.dma_semaphore, #tpu.memory_space<semaphore_mem>>)
      %dma_wait3A_184 = arith.constant 0 : i32
      %dma_wait3A_185 = tpu.memref_slice %arg3[%run_scoped3A_7, %mul3A_6, %dma_wait3A_184] : memref<2x4000x80xi32, #tpu.memory_space<hbm>> -> memref<1x125x80xi32, #tpu.memory_space<hbm>>
      %dma_wait3A_186 = tpu.memref_squeeze %dma_wait3A_185 : memref<1x125x80xi32, #tpu.memory_space<hbm>> -> memref<125x80xi32, #tpu.memory_space<hbm>>
      %dma_wait3A_187 = arith.constant 0 : i32
      %dma_wait3A_188 = tpu.memref_slice %arg3[%run_scoped3A_7, %mul3A_6, %dma_wait3A_187] : memref<2x4000x80xi32, #tpu.memory_space<hbm>> -> memref<1x125x80xi32, #tpu.memory_space<hbm>>
      %dma_wait3A_189 = tpu.memref_squeeze %dma_wait3A_188 : memref<1x125x80xi32, #tpu.memory_space<hbm>> -> memref<125x80xi32, #tpu.memory_space<hbm>>
      tpu.wait_dma2 semaphore(%run_scoped3A_177 : memref<!tpu.dma_semaphore, #tpu.memory_space<semaphore_mem>>) src(%dma_wait3A_189 : memref<125x80xi32, #tpu.memory_space<hbm>>) dst(%arg7 : memref<125x80xi32, #tpu.memory_space<vmem>>)
      tpu.yield
    }) : () -> ()
    %broadcast_in_dim3A = arith.constant 0.000000e+00 : f32
    %broadcast_in_dim3A_8 = vector.broadcast %broadcast_in_dim3A : f32 to vector<16xf32>
    %scan3A = arith.constant 0 : i32
    %scan3A_9 = arith.constant 640 : i32
    %scan3A_10 = arith.addi %scan3A, %scan3A_9 : i32
    %scan3A_11 = arith.constant 1 : i32
    scf.for %scan3A_177 = %scan3A to %scan3A_10 step %scan3A_11  : i32 {
      %jit3A = arith.constant 8 : i32
      %div3A = arith.divsi %scan3A_177, %jit3A : i32
      %sign3A = arith.constant 0 : i32
      %sign3A_178 = arith.cmpi sgt, %scan3A_177, %sign3A : i32
      %sign3A_179 = arith.extui %sign3A_178 : i1 to i32
      %sign3A_180 = arith.constant 0 : i32
      %sign3A_181 = arith.cmpi slt, %scan3A_177, %sign3A_180 : i32
      %sign3A_182 = arith.extui %sign3A_181 : i1 to i32
      %sign3A_183 = arith.subi %sign3A_179, %sign3A_182 : i32
      %sign3A_184 = arith.constant 0 : i32
      %sign3A_185 = arith.cmpi sgt, %jit3A, %sign3A_184 : i32
      %sign3A_186 = arith.extui %sign3A_185 : i1 to i32
      %sign3A_187 = arith.constant 0 : i32
      %sign3A_188 = arith.cmpi slt, %jit3A, %sign3A_187 : i32
      %sign3A_189 = arith.extui %sign3A_188 : i1 to i32
      %sign3A_190 = arith.subi %sign3A_186, %sign3A_189 : i32
      %ne3A = arith.cmpi ne, %sign3A_183, %sign3A_190 : i32
      %rem3A = arith.remsi %scan3A_177, %jit3A : i32
      %ne3A_191 = arith.constant 0 : i32
      %ne3A_192 = arith.cmpi ne, %rem3A, %ne3A_191 : i32
      %and3A = arith.andi %ne3A, %ne3A_192 : i1
      %sub3A_193 = arith.constant 1 : i32
      %sub3A_194 = arith.subi %div3A, %sub3A_193 : i32
      %select_n3A = arith.select %and3A, %sub3A_194, %div3A : i32
      %jit3A_195 = arith.constant 8 : i32
      %eq3A = arith.constant 0 : i32
      %eq3A_196 = arith.cmpi eq, %jit3A_195, %eq3A : i32
      %jit3A_197 = arith.constant 1 : i32
      %select_n3A_198 = arith.select %eq3A_196, %jit3A_197, %jit3A_195 : i32
      %rem3A_199 = arith.remsi %scan3A_177, %select_n3A_198 : i32
      %ne3A_200 = arith.constant 0 : i32
      %ne3A_201 = arith.cmpi ne, %rem3A_199, %ne3A_200 : i32
      %lt3A = arith.constant 0 : i32
      %lt3A_202 = arith.cmpi slt, %rem3A_199, %lt3A : i32
      %lt3A_203 = arith.constant 0 : i32
      %lt3A_204 = arith.cmpi slt, %select_n3A_198, %lt3A_203 : i32
      %ne3A_205 = arith.xori %lt3A_202, %lt3A_204 : i1
      %and3A_206 = arith.andi %ne3A_205, %ne3A_201 : i1
      %add3A_207 = arith.addi %rem3A_199, %select_n3A_198 : i32
      %select_n3A_208 = arith.select %and3A_206, %add3A_207, %rem3A_199 : i32
      %mul3A_209 = arith.constant 16 : i32
      %mul3A_210 = arith.muli %select_n3A_208, %mul3A_209 : i32
      %swap3A = arith.index_cast %select_n3A : i32 to index
      %swap3A_211 = arith.index_cast %mul3A_210 : i32 to index
      %swap3A_212 = tpu.vector_load %arg8[%swap3A, %swap3A_211] {strides = array<i32>} : memref<80x128xf32, #tpu.memory_space<vmem>>, vector<1x16xf32>,
      %swap3A_213 = vector.shape_cast %swap3A_212 : vector<1x16xf32> to vector<16xf32>
      %swap3A_214 = vector.shape_cast %broadcast_in_dim3A_8 : vector<16xf32> to vector<1x16xf32>
      tpu.vector_store %arg8[%swap3A, %swap3A_211], %swap3A_214 {strides = array<i32>} : memref<80x128xf32, #tpu.memory_space<vmem>>, vector<1x16xf32>,
    }
    %scan3A_12 = arith.constant 640 : i32
    %add3A_13 = arith.constant 0 : i32
    %add3A_14 = arith.addi %mul3A_2, %add3A_13 : i32
    "tpu.region"() ({
      %run_scoped3A_177 = tpu.sem_alloc : memref<!tpu.dma_semaphore, #tpu.memory_space<semaphore_mem>>
      %dma_start3A_178 = arith.constant 0 : i32
      %dma_start3A_179 = tpu.memref_slice %arg11[%add3A_14, %dma_start3A_178] : memref<10000x128xf32, #tpu.memory_space<vmem_shared>> -> memref<80x128xf32, #tpu.memory_space<vmem_shared>>
      %dma_start3A_180 = arith.constant 0 : i32
      %dma_start3A_181 = tpu.memref_slice %arg11[%add3A_14, %dma_start3A_180] : memref<10000x128xf32, #tpu.memory_space<vmem_shared>> -> memref<80x128xf32, #tpu.memory_space<vmem_shared>>
      tpu.enqueue_dma source(%arg8 : memref<80x128xf32, #tpu.memory_space<vmem>>) target(%dma_start3A_181 : memref<80x128xf32, #tpu.memory_space<vmem_shared>>) target_semaphore(%run_scoped3A_177 : memref<!tpu.dma_semaphore, #tpu.memory_space<semaphore_mem>>)
      %dma_wait3A_182 = arith.constant 0 : i32
      %dma_wait3A_183 = tpu.memref_slice %arg11[%add3A_14, %dma_wait3A_182] : memref<10000x128xf32, #tpu.memory_space<vmem_shared>> -> memref<80x128xf32, #tpu.memory_space<vmem_shared>>
      %dma_wait3A_184 = arith.constant 0 : i32
      %dma_wait3A_185 = tpu.memref_slice %arg11[%add3A_14, %dma_wait3A_184] : memref<10000x128xf32, #tpu.memory_space<vmem_shared>> -> memref<80x128xf32, #tpu.memory_space<vmem_shared>>
      tpu.wait_dma2 semaphore(%run_scoped3A_177 : memref<!tpu.dma_semaphore, #tpu.memory_space<semaphore_mem>>) src(%arg8 : memref<80x128xf32, #tpu.memory_space<vmem>>) dst(%dma_wait3A_185 : memref<80x128xf32, #tpu.memory_space<vmem_shared>>)
      tpu.yield
    }) : () -> ()
    %add3A_15 = arith.constant 80 : i32
    %add3A_16 = arith.addi %mul3A_2, %add3A_15 : i32
    "tpu.region"() ({
      %run_scoped3A_177 = tpu.sem_alloc : memref<!tpu.dma_semaphore, #tpu.memory_space<semaphore_mem>>
      %dma_start3A_178 = arith.constant 0 : i32
      %dma_start3A_179 = tpu.memref_slice %arg11[%add3A_16, %dma_start3A_178] : memref<10000x128xf32, #tpu.memory_space<vmem_shared>> -> memref<80x128xf32, #tpu.memory_space<vmem_shared>>
      %dma_start3A_180 = arith.constant 0 : i32
      %dma_start3A_181 = tpu.memref_slice %arg11[%add3A_16, %dma_start3A_180] : memref<10000x128xf32, #tpu.memory_space<vmem_shared>> -> memref<80x128xf32, #tpu.memory_space<vmem_shared>>
      tpu.enqueue_dma source(%arg8 : memref<80x128xf32, #tpu.memory_space<vmem>>) target(%dma_start3A_181 : memref<80x128xf32, #tpu.memory_space<vmem_shared>>) target_semaphore(%run_scoped3A_177 : memref<!tpu.dma_semaphore, #tpu.memory_space<semaphore_mem>>)
      %dma_wait3A_182 = arith.constant 0 : i32
      %dma_wait3A_183 = tpu.memref_slice %arg11[%add3A_16, %dma_wait3A_182] : memref<10000x128xf32, #tpu.memory_space<vmem_shared>> -> memref<80x128xf32, #tpu.memory_space<vmem_shared>>
      %dma_wait3A_184 = arith.constant 0 : i32
      %dma_wait3A_185 = tpu.memref_slice %arg11[%add3A_16, %dma_wait3A_184] : memref<10000x128xf32, #tpu.memory_space<vmem_shared>> -> memref<80x128xf32, #tpu.memory_space<vmem_shared>>
      tpu.wait_dma2 semaphore(%run_scoped3A_177 : memref<!tpu.dma_semaphore, #tpu.memory_space<semaphore_mem>>) src(%arg8 : memref<80x128xf32, #tpu.memory_space<vmem>>) dst(%dma_wait3A_185 : memref<80x128xf32, #tpu.memory_space<vmem_shared>>)
      tpu.yield
    }) : () -> ()
    %add3A_17 = arith.constant 160 : i32
    %add3A_18 = arith.addi %mul3A_2, %add3A_17 : i32
    "tpu.region"() ({
      %run_scoped3A_177 = tpu.sem_alloc : memref<!tpu.dma_semaphore, #tpu.memory_space<semaphore_mem>>
      %dma_start3A_178 = arith.constant 0 : i32
      %dma_start3A_179 = tpu.memref_slice %arg11[%add3A_18, %dma_start3A_178] : memref<10000x128xf32, #tpu.memory_space<vmem_shared>> -> memref<80x128xf32, #tpu.memory_space<vmem_shared>>
      %dma_start3A_180 = arith.constant 0 : i32
      %dma_start3A_181 = tpu.memref_slice %arg11[%add3A_18, %dma_start3A_180] : memref<10000x128xf32, #tpu.memory_space<vmem_shared>> -> memref<80x128xf32, #tpu.memory_space<vmem_shared>>
      tpu.enqueue_dma source(%arg8 : memref<80x128xf32, #tpu.memory_space<vmem>>) target(%dma_start3A_181 : memref<80x128xf32, #tpu.memory_space<vmem_shared>>) target_semaphore(%run_scoped3A_177 : memref<!tpu.dma_semaphore, #tpu.memory_space<semaphore_mem>>)
      %dma_wait3A_182 = arith.constant 0 : i32
      %dma_wait3A_183 = tpu.memref_slice %arg11[%add3A_18, %dma_wait3A_182] : memref<10000x128xf32, #tpu.memory_space<vmem_shared>> -> memref<80x128xf32, #tpu.memory_space<vmem_shared>>
      %dma_wait3A_184 = arith.constant 0 : i32
      %dma_wait3A_185 = tpu.memref_slice %arg11[%add3A_18, %dma_wait3A_184] : memref<10000x128xf32, #tpu.memory_space<vmem_shared>> -> memref<80x128xf32, #tpu.memory_space<vmem_shared>>
      tpu.wait_dma2 semaphore(%run_scoped3A_177 : memref<!tpu.dma_semaphore, #tpu.memory_space<semaphore_mem>>) src(%arg8 : memref<80x128xf32, #tpu.memory_space<vmem>>) dst(%dma_wait3A_185 : memref<80x128xf32, #tpu.memory_space<vmem_shared>>)
      tpu.yield
    }) : () -> ()
    %add3A_19 = arith.constant 240 : i32
    %add3A_20 = arith.addi %mul3A_2, %add3A_19 : i32
    "tpu.region"() ({
      %run_scoped3A_177 = tpu.sem_alloc : memref<!tpu.dma_semaphore, #tpu.memory_space<semaphore_mem>>
      %dma_start3A_178 = arith.constant 0 : i32
      %dma_start3A_179 = tpu.memref_slice %arg11[%add3A_20, %dma_start3A_178] : memref<10000x128xf32, #tpu.memory_space<vmem_shared>> -> memref<80x128xf32, #tpu.memory_space<vmem_shared>>
      %dma_start3A_180 = arith.constant 0 : i32
      %dma_start3A_181 = tpu.memref_slice %arg11[%add3A_20, %dma_start3A_180] : memref<10000x128xf32, #tpu.memory_space<vmem_shared>> -> memref<80x128xf32, #tpu.memory_space<vmem_shared>>
      tpu.enqueue_dma source(%arg8 : memref<80x128xf32, #tpu.memory_space<vmem>>) target(%dma_start3A_181 : memref<80x128xf32, #tpu.memory_space<vmem_shared>>) target_semaphore(%run_scoped3A_177 : memref<!tpu.dma_semaphore, #tpu.memory_space<semaphore_mem>>)
      %dma_wait3A_182 = arith.constant 0 : i32
      %dma_wait3A_183 = tpu.memref_slice %arg11[%add3A_20, %dma_wait3A_182] : memref<10000x128xf32, #tpu.memory_space<vmem_shared>> -> memref<80x128xf32, #tpu.memory_space<vmem_shared>>
      %dma_wait3A_184 = arith.constant 0 : i32
      %dma_wait3A_185 = tpu.memref_slice %arg11[%add3A_20, %dma_wait3A_184] : memref<10000x128xf32, #tpu.memory_space<vmem_shared>> -> memref<80x128xf32, #tpu.memory_space<vmem_shared>>
      tpu.wait_dma2 semaphore(%run_scoped3A_177 : memref<!tpu.dma_semaphore, #tpu.memory_space<semaphore_mem>>) src(%arg8 : memref<80x128xf32, #tpu.memory_space<vmem>>) dst(%dma_wait3A_185 : memref<80x128xf32, #tpu.memory_space<vmem_shared>>)
      tpu.yield
    }) : () -> ()
    %add3A_21 = arith.constant 320 : i32
    %add3A_22 = arith.addi %mul3A_2, %add3A_21 : i32
    "tpu.region"() ({
      %run_scoped3A_177 = tpu.sem_alloc : memref<!tpu.dma_semaphore, #tpu.memory_space<semaphore_mem>>
      %dma_start3A_178 = arith.constant 0 : i32
      %dma_start3A_179 = tpu.memref_slice %arg11[%add3A_22, %dma_start3A_178] : memref<10000x128xf32, #tpu.memory_space<vmem_shared>> -> memref<80x128xf32, #tpu.memory_space<vmem_shared>>
      %dma_start3A_180 = arith.constant 0 : i32
      %dma_start3A_181 = tpu.memref_slice %arg11[%add3A_22, %dma_start3A_180] : memref<10000x128xf32, #tpu.memory_space<vmem_shared>> -> memref<80x128xf32, #tpu.memory_space<vmem_shared>>
      tpu.enqueue_dma source(%arg8 : memref<80x128xf32, #tpu.memory_space<vmem>>) target(%dma_start3A_181 : memref<80x128xf32, #tpu.memory_space<vmem_shared>>) target_semaphore(%run_scoped3A_177 : memref<!tpu.dma_semaphore, #tpu.memory_space<semaphore_mem>>)
      %dma_wait3A_182 = arith.constant 0 : i32
      %dma_wait3A_183 = tpu.memref_slice %arg11[%add3A_22, %dma_wait3A_182] : memref<10000x128xf32, #tpu.memory_space<vmem_shared>> -> memref<80x128xf32, #tpu.memory_space<vmem_shared>>
      %dma_wait3A_184 = arith.constant 0 : i32
      %dma_wait3A_185 = tpu.memref_slice %arg11[%add3A_22, %dma_wait3A_184] : memref<10000x128xf32, #tpu.memory_space<vmem_shared>> -> memref<80x128xf32, #tpu.memory_space<vmem_shared>>
      tpu.wait_dma2 semaphore(%run_scoped3A_177 : memref<!tpu.dma_semaphore, #tpu.memory_space<semaphore_mem>>) src(%arg8 : memref<80x128xf32, #tpu.memory_space<vmem>>) dst(%dma_wait3A_185 : memref<80x128xf32, #tpu.memory_space<vmem_shared>>)
      tpu.yield
    }) : () -> ()
    %add3A_23 = arith.constant 400 : i32
    %add3A_24 = arith.addi %mul3A_2, %add3A_23 : i32
    "tpu.region"() ({
      %run_scoped3A_177 = tpu.sem_alloc : memref<!tpu.dma_semaphore, #tpu.memory_space<semaphore_mem>>
      %dma_start3A_178 = arith.constant 0 : i32
      %dma_start3A_179 = tpu.memref_slice %arg11[%add3A_24, %dma_start3A_178] : memref<10000x128xf32, #tpu.memory_space<vmem_shared>> -> memref<80x128xf32, #tpu.memory_space<vmem_shared>>
      %dma_start3A_180 = arith.constant 0 : i32
      %dma_start3A_181 = tpu.memref_slice %arg11[%add3A_24, %dma_start3A_180] : memref<10000x128xf32, #tpu.memory_space<vmem_shared>> -> memref<80x128xf32, #tpu.memory_space<vmem_shared>>
      tpu.enqueue_dma source(%arg8 : memref<80x128xf32, #tpu.memory_space<vmem>>) target(%dma_start3A_181 : memref<80x128xf32, #tpu.memory_space<vmem_shared>>) target_semaphore(%run_scoped3A_177 : memref<!tpu.dma_semaphore, #tpu.memory_space<semaphore_mem>>)
      %dma_wait3A_182 = arith.constant 0 : i32
      %dma_wait3A_183 = tpu.memref_slice %arg11[%add3A_24, %dma_wait3A_182] : memref<10000x128xf32, #tpu.memory_space<vmem_shared>> -> memref<80x128xf32, #tpu.memory_space<vmem_shared>>
      %dma_wait3A_184 = arith.constant 0 : i32
      %dma_wait3A_185 = tpu.memref_slice %arg11[%add3A_24, %dma_wait3A_184] : memref<10000x128xf32, #tpu.memory_space<vmem_shared>> -> memref<80x128xf32, #tpu.memory_space<vmem_shared>>
      tpu.wait_dma2 semaphore(%run_scoped3A_177 : memref<!tpu.dma_semaphore, #tpu.memory_space<semaphore_mem>>) src(%arg8 : memref<80x128xf32, #tpu.memory_space<vmem>>) dst(%dma_wait3A_185 : memref<80x128xf32, #tpu.memory_space<vmem_shared>>)
      tpu.yield
    }) : () -> ()
    %add3A_25 = arith.constant 480 : i32
    %add3A_26 = arith.addi %mul3A_2, %add3A_25 : i32
    "tpu.region"() ({
      %run_scoped3A_177 = tpu.sem_alloc : memref<!tpu.dma_semaphore, #tpu.memory_space<semaphore_mem>>
      %dma_start3A_178 = arith.constant 0 : i32
      %dma_start3A_179 = tpu.memref_slice %arg11[%add3A_26, %dma_start3A_178] : memref<10000x128xf32, #tpu.memory_space<vmem_shared>> -> memref<80x128xf32, #tpu.memory_space<vmem_shared>>
      %dma_start3A_180 = arith.constant 0 : i32
      %dma_start3A_181 = tpu.memref_slice %arg11[%add3A_26, %dma_start3A_180] : memref<10000x128xf32, #tpu.memory_space<vmem_shared>> -> memref<80x128xf32, #tpu.memory_space<vmem_shared>>
      tpu.enqueue_dma source(%arg8 : memref<80x128xf32, #tpu.memory_space<vmem>>) target(%dma_start3A_181 : memref<80x128xf32, #tpu.memory_space<vmem_shared>>) target_semaphore(%run_scoped3A_177 : memref<!tpu.dma_semaphore, #tpu.memory_space<semaphore_mem>>)
      %dma_wait3A_182 = arith.constant 0 : i32
      %dma_wait3A_183 = tpu.memref_slice %arg11[%add3A_26, %dma_wait3A_182] : memref<10000x128xf32, #tpu.memory_space<vmem_shared>> -> memref<80x128xf32, #tpu.memory_space<vmem_shared>>
      %dma_wait3A_184 = arith.constant 0 : i32
      %dma_wait3A_185 = tpu.memref_slice %arg11[%add3A_26, %dma_wait3A_184] : memref<10000x128xf32, #tpu.memory_space<vmem_shared>> -> memref<80x128xf32, #tpu.memory_space<vmem_shared>>
      tpu.wait_dma2 semaphore(%run_scoped3A_177 : memref<!tpu.dma_semaphore, #tpu.memory_space<semaphore_mem>>) src(%arg8 : memref<80x128xf32, #tpu.memory_space<vmem>>) dst(%dma_wait3A_185 : memref<80x128xf32, #tpu.memory_space<vmem_shared>>)
      tpu.yield
    }) : () -> ()
    %add3A_27 = arith.constant 625 : i32
    %add3A_28 = arith.addi %mul3A_2, %add3A_27 : i32
    %sub3A = arith.constant 65 : i32
    %sub3A_29 = arith.subi %add3A_28, %sub3A : i32
    "tpu.region"() ({
      %run_scoped3A_177 = tpu.sem_alloc : memref<!tpu.dma_semaphore, #tpu.memory_space<semaphore_mem>>
      %dma_start3A_178 = arith.constant 0 : i32
      %dma_start3A_179 = arith.constant 0 : i32
      %dma_start3A_180 = tpu.memref_slice %arg8[%dma_start3A_178, %dma_start3A_179] : memref<80x128xf32, #tpu.memory_space<vmem>> -> memref<65x128xf32, #tpu.memory_space<vmem>>
      %dma_start3A_181 = arith.constant 0 : i32
      %dma_start3A_182 = tpu.memref_slice %arg11[%sub3A_29, %dma_start3A_181] : memref<10000x128xf32, #tpu.memory_space<vmem_shared>> -> memref<65x128xf32, #tpu.memory_space<vmem_shared>>
      %dma_start3A_183 = arith.constant 0 : i32
      %dma_start3A_184 = tpu.memref_slice %arg11[%sub3A_29, %dma_start3A_183] : memref<10000x128xf32, #tpu.memory_space<vmem_shared>> -> memref<65x128xf32, #tpu.memory_space<vmem_shared>>
      %dma_start3A_185 = arith.constant 0 : i32
      %dma_start3A_186 = arith.constant 0 : i32
      %dma_start3A_187 = tpu.memref_slice %arg8[%dma_start3A_185, %dma_start3A_186] : memref<80x128xf32, #tpu.memory_space<vmem>> -> memref<65x128xf32, #tpu.memory_space<vmem>>
      tpu.enqueue_dma source(%dma_start3A_187 : memref<65x128xf32, #tpu.memory_space<vmem>>) target(%dma_start3A_184 : memref<65x128xf32, #tpu.memory_space<vmem_shared>>) target_semaphore(%run_scoped3A_177 : memref<!tpu.dma_semaphore, #tpu.memory_space<semaphore_mem>>)
      %dma_wait3A_188 = arith.constant 0 : i32
      %dma_wait3A_189 = arith.constant 0 : i32
      %dma_wait3A_190 = tpu.memref_slice %arg8[%dma_wait3A_188, %dma_wait3A_189] : memref<80x128xf32, #tpu.memory_space<vmem>> -> memref<65x128xf32, #tpu.memory_space<vmem>>
      %dma_wait3A_191 = arith.constant 0 : i32
      %dma_wait3A_192 = tpu.memref_slice %arg11[%sub3A_29, %dma_wait3A_191] : memref<10000x128xf32, #tpu.memory_space<vmem_shared>> -> memref<65x128xf32, #tpu.memory_space<vmem_shared>>
      %dma_wait3A_193 = arith.constant 0 : i32
      %dma_wait3A_194 = tpu.memref_slice %arg11[%sub3A_29, %dma_wait3A_193] : memref<10000x128xf32, #tpu.memory_space<vmem_shared>> -> memref<65x128xf32, #tpu.memory_space<vmem_shared>>
      %dma_wait3A_195 = arith.constant 0 : i32
      %dma_wait3A_196 = arith.constant 0 : i32
      %dma_wait3A_197 = tpu.memref_slice %arg8[%dma_wait3A_195, %dma_wait3A_196] : memref<80x128xf32, #tpu.memory_space<vmem>> -> memref<65x128xf32, #tpu.memory_space<vmem>>
      tpu.wait_dma2 semaphore(%run_scoped3A_177 : memref<!tpu.dma_semaphore, #tpu.memory_space<semaphore_mem>>) src(%dma_wait3A_197 : memref<65x128xf32, #tpu.memory_space<vmem>>) dst(%dma_wait3A_194 : memref<65x128xf32, #tpu.memory_space<vmem_shared>>)
      tpu.yield
    }) : () -> ()
    %barrier3A = arith.constant 0 : index
    tpu.barrier barrier_id(%barrier3A)
    %dma_start3A = arith.constant 0 : i32
    %dma_start3A_30 = arith.constant 0 : i32
    %dma_start3A_31 = tpu.memref_slice %arg6[%dma_start3A, %dma_start3A_30] : memref<125x80xi32, #tpu.memory_space<vmem>> -> memref<1x80xi32, #tpu.memory_space<vmem>>
    %dma_start3A_32 = tpu.memref_squeeze %dma_start3A_31 : memref<1x80xi32, #tpu.memory_space<vmem>> -> memref<80xi32, #tpu.memory_space<vmem>>
    %dma_start3A_33 = arith.constant 0 : i32
    %dma_start3A_34 = arith.constant 0 : i32
    %dma_start3A_35 = tpu.memref_slice %arg2[%dma_start3A_33, %dma_start3A_34] : memref<10000x128xf32, #tpu.memory_space<hbm>> -> memref<10000x128xf32, #tpu.memory_space<hbm>>
    tpu.enqueue_indirect_dma source(%dma_start3A_35 : memref<10000x128xf32, #tpu.memory_space<hbm>>) target(%arg8 : memref<80x128xf32, #tpu.memory_space<vmem>>) offsets(%dma_start3A_32 : memref<80xi32, #tpu.memory_space<vmem>>) semaphore(%arg12 : memref<!tpu.dma_semaphore, #tpu.memory_space<semaphore_mem>>)
    %dma_start3A_36 = arith.constant 1 : i32
    %dma_start3A_37 = arith.constant 0 : i32
    %dma_start3A_38 = tpu.memref_slice %arg6[%dma_start3A_36, %dma_start3A_37] : memref<125x80xi32, #tpu.memory_space<vmem>> -> memref<1x80xi32, #tpu.memory_space<vmem>>
    %dma_start3A_39 = tpu.memref_squeeze %dma_start3A_38 : memref<1x80xi32, #tpu.memory_space<vmem>> -> memref<80xi32, #tpu.memory_space<vmem>>
    %dma_start3A_40 = arith.constant 0 : i32
    %dma_start3A_41 = arith.constant 0 : i32
    %dma_start3A_42 = tpu.memref_slice %arg2[%dma_start3A_40, %dma_start3A_41] : memref<10000x128xf32, #tpu.memory_space<hbm>> -> memref<10000x128xf32, #tpu.memory_space<hbm>>
    tpu.enqueue_indirect_dma source(%dma_start3A_42 : memref<10000x128xf32, #tpu.memory_space<hbm>>) target(%arg9 : memref<80x128xf32, #tpu.memory_space<vmem>>) offsets(%dma_start3A_39 : memref<80xi32, #tpu.memory_space<vmem>>) semaphore(%arg13 : memref<!tpu.dma_semaphore, #tpu.memory_space<semaphore_mem>>)
    %dma_wait3A = arith.constant 0 : i32
    %dma_wait3A_43 = arith.constant 0 : i32
    %dma_wait3A_44 = tpu.memref_slice %arg6[%dma_wait3A, %dma_wait3A_43] : memref<125x80xi32, #tpu.memory_space<vmem>> -> memref<1x80xi32, #tpu.memory_space<vmem>>
    %dma_wait3A_45 = tpu.memref_squeeze %dma_wait3A_44 : memref<1x80xi32, #tpu.memory_space<vmem>> -> memref<80xi32, #tpu.memory_space<vmem>>
    %dma_wait3A_46 = arith.constant 0 : i32
    %dma_wait3A_47 = arith.constant 0 : i32
    %dma_wait3A_48 = tpu.memref_slice %arg2[%dma_wait3A_46, %dma_wait3A_47] : memref<10000x128xf32, #tpu.memory_space<hbm>> -> memref<10000x128xf32, #tpu.memory_space<hbm>>
    tpu.wait_indirect_dma semaphore(%arg12 : memref<!tpu.dma_semaphore, #tpu.memory_space<semaphore_mem>>) src(%dma_wait3A_48 : memref<10000x128xf32, #tpu.memory_space<hbm>>) dst(%arg8 : memref<80x128xf32, #tpu.memory_space<vmem>>)
    %dma_start3A_49 = arith.constant 0 : i32
    %dma_start3A_50 = arith.constant 0 : i32
    %dma_start3A_51 = tpu.memref_slice %arg7[%dma_start3A_49, %dma_start3A_50] : memref<125x80xi32, #tpu.memory_space<vmem>> -> memref<1x80xi32, #tpu.memory_space<vmem>>
    %dma_start3A_52 = tpu.memref_squeeze %dma_start3A_51 : memref<1x80xi32, #tpu.memory_space<vmem>> -> memref<80xi32, #tpu.memory_space<vmem>>
    %dma_start3A_53 = arith.constant 0 : i32
    %dma_start3A_54 = arith.constant 0 : i32
    %dma_start3A_55 = tpu.memref_slice %arg11[%dma_start3A_53, %dma_start3A_54] : memref<10000x128xf32, #tpu.memory_space<vmem_shared>> -> memref<10000x128xf32, #tpu.memory_space<vmem_shared>>
    tpu.enqueue_indirect_dma source(%arg8 : memref<80x128xf32, #tpu.memory_space<vmem>>) target(%dma_start3A_55 : memref<10000x128xf32, #tpu.memory_space<vmem_shared>>) offsets(%dma_start3A_52 : memref<80xi32, #tpu.memory_space<vmem>>) semaphore(%arg15 : memref<!tpu.dma_semaphore, #tpu.memory_space<semaphore_mem>>) {add = true}
    %dma_start3A_56 = arith.constant 2 : i32
    %dma_start3A_57 = arith.constant 0 : i32
    %dma_start3A_58 = tpu.memref_slice %arg6[%dma_start3A_56, %dma_start3A_57] : memref<125x80xi32, #tpu.memory_space<vmem>> -> memref<1x80xi32, #tpu.memory_space<vmem>>
    %dma_start3A_59 = tpu.memref_squeeze %dma_start3A_58 : memref<1x80xi32, #tpu.memory_space<vmem>> -> memref<80xi32, #tpu.memory_space<vmem>>
    %dma_start3A_60 = arith.constant 0 : i32
    %dma_start3A_61 = arith.constant 0 : i32
    %dma_start3A_62 = tpu.memref_slice %arg2[%dma_start3A_60, %dma_start3A_61] : memref<10000x128xf32, #tpu.memory_space<hbm>> -> memref<10000x128xf32, #tpu.memory_space<hbm>>
    tpu.enqueue_indirect_dma source(%dma_start3A_62 : memref<10000x128xf32, #tpu.memory_space<hbm>>) target(%arg10 : memref<80x128xf32, #tpu.memory_space<vmem>>) offsets(%dma_start3A_59 : memref<80xi32, #tpu.memory_space<vmem>>) semaphore(%arg14 : memref<!tpu.dma_semaphore, #tpu.memory_space<semaphore_mem>>)
    %dma_wait3A_63 = arith.constant 0 : i32
    %dma_wait3A_64 = arith.constant 0 : i32
    %dma_wait3A_65 = tpu.memref_slice %arg6[%dma_wait3A_63, %dma_wait3A_64] : memref<125x80xi32, #tpu.memory_space<vmem>> -> memref<1x80xi32, #tpu.memory_space<vmem>>
    %dma_wait3A_66 = tpu.memref_squeeze %dma_wait3A_65 : memref<1x80xi32, #tpu.memory_space<vmem>> -> memref<80xi32, #tpu.memory_space<vmem>>
    %dma_wait3A_67 = arith.constant 0 : i32
    %dma_wait3A_68 = arith.constant 0 : i32
    %dma_wait3A_69 = tpu.memref_slice %arg2[%dma_wait3A_67, %dma_wait3A_68] : memref<10000x128xf32, #tpu.memory_space<hbm>> -> memref<10000x128xf32, #tpu.memory_space<hbm>>
    tpu.wait_indirect_dma semaphore(%arg13 : memref<!tpu.dma_semaphore, #tpu.memory_space<semaphore_mem>>) src(%dma_wait3A_69 : memref<10000x128xf32, #tpu.memory_space<hbm>>) dst(%arg9 : memref<80x128xf32, #tpu.memory_space<vmem>>)
    %dma_start3A_70 = arith.constant 1 : i32
    %dma_start3A_71 = arith.constant 0 : i32
    %dma_start3A_72 = tpu.memref_slice %arg7[%dma_start3A_70, %dma_start3A_71] : memref<125x80xi32, #tpu.memory_space<vmem>> -> memref<1x80xi32, #tpu.memory_space<vmem>>
    %dma_start3A_73 = tpu.memref_squeeze %dma_start3A_72 : memref<1x80xi32, #tpu.memory_space<vmem>> -> memref<80xi32, #tpu.memory_space<vmem>>
    %dma_start3A_74 = arith.constant 0 : i32
    %dma_start3A_75 = arith.constant 0 : i32
    %dma_start3A_76 = tpu.memref_slice %arg11[%dma_start3A_74, %dma_start3A_75] : memref<10000x128xf32, #tpu.memory_space<vmem_shared>> -> memref<10000x128xf32, #tpu.memory_space<vmem_shared>>
    tpu.enqueue_indirect_dma source(%arg9 : memref<80x128xf32, #tpu.memory_space<vmem>>) target(%dma_start3A_76 : memref<10000x128xf32, #tpu.memory_space<vmem_shared>>) offsets(%dma_start3A_73 : memref<80xi32, #tpu.memory_space<vmem>>) semaphore(%arg16 : memref<!tpu.dma_semaphore, #tpu.memory_space<semaphore_mem>>) {add = true}
    %scan3A_77 = arith.constant 0 : i32
    %scan3A_78 = arith.constant 40 : i32
    %scan3A_79 = arith.addi %scan3A_77, %scan3A_78 : i32
    %scan3A_80 = arith.constant 1 : i32
    scf.for %scan3A_177 = %scan3A_77 to %scan3A_79 step %scan3A_80  : i32 {
      %mul3A_178 = arith.constant 3 : i32
      %mul3A_179 = arith.muli %mul3A_178, %scan3A_177 : i32
      %add3A_180 = arith.constant 2 : i32
      %add3A_181 = arith.addi %mul3A_179, %add3A_180 : i32
      %dma_wait3A_182 = arith.constant 0 : i32
      %dma_wait3A_183 = arith.constant 0 : i32
      %dma_wait3A_184 = tpu.memref_slice %arg7[%dma_wait3A_182, %dma_wait3A_183] : memref<125x80xi32, #tpu.memory_space<vmem>> -> memref<1x80xi32, #tpu.memory_space<vmem>>
      %dma_wait3A_185 = tpu.memref_squeeze %dma_wait3A_184 : memref<1x80xi32, #tpu.memory_space<vmem>> -> memref<80xi32, #tpu.memory_space<vmem>>
      %dma_wait3A_186 = arith.constant 0 : i32
      %dma_wait3A_187 = arith.constant 0 : i32
      %dma_wait3A_188 = tpu.memref_slice %arg11[%dma_wait3A_186, %dma_wait3A_187] : memref<10000x128xf32, #tpu.memory_space<vmem_shared>> -> memref<10000x128xf32, #tpu.memory_space<vmem_shared>>
      tpu.wait_indirect_dma semaphore(%arg15 : memref<!tpu.dma_semaphore, #tpu.memory_space<semaphore_mem>>) src(%arg8 : memref<80x128xf32, #tpu.memory_space<vmem>>) dst(%dma_wait3A_188 : memref<10000x128xf32, #tpu.memory_space<vmem_shared>>)
      %add3A_189 = arith.constant 1 : i32
      %add3A_190 = arith.addi %add3A_181, %add3A_189 : i32
      %dma_start3A_191 = arith.constant 0 : i32
      %dma_start3A_192 = tpu.memref_slice %arg6[%add3A_190, %dma_start3A_191] : memref<125x80xi32, #tpu.memory_space<vmem>> -> memref<1x80xi32, #tpu.memory_space<vmem>>
      %dma_start3A_193 = tpu.memref_squeeze %dma_start3A_192 : memref<1x80xi32, #tpu.memory_space<vmem>> -> memref<80xi32, #tpu.memory_space<vmem>>
      %dma_start3A_194 = arith.constant 0 : i32
      %dma_start3A_195 = arith.constant 0 : i32
      %dma_start3A_196 = tpu.memref_slice %arg2[%dma_start3A_194, %dma_start3A_195] : memref<10000x128xf32, #tpu.memory_space<hbm>> -> memref<10000x128xf32, #tpu.memory_space<hbm>>
      tpu.enqueue_indirect_dma source(%dma_start3A_196 : memref<10000x128xf32, #tpu.memory_space<hbm>>) target(%arg8 : memref<80x128xf32, #tpu.memory_space<vmem>>) offsets(%dma_start3A_193 : memref<80xi32, #tpu.memory_space<vmem>>) semaphore(%arg12 : memref<!tpu.dma_semaphore, #tpu.memory_space<semaphore_mem>>)
      %dma_wait3A_197 = arith.constant 0 : i32
      %dma_wait3A_198 = arith.constant 0 : i32
      %dma_wait3A_199 = tpu.memref_slice %arg6[%dma_wait3A_197, %dma_wait3A_198] : memref<125x80xi32, #tpu.memory_space<vmem>> -> memref<1x80xi32, #tpu.memory_space<vmem>>
      %dma_wait3A_200 = tpu.memref_squeeze %dma_wait3A_199 : memref<1x80xi32, #tpu.memory_space<vmem>> -> memref<80xi32, #tpu.memory_space<vmem>>
      %dma_wait3A_201 = arith.constant 0 : i32
      %dma_wait3A_202 = arith.constant 0 : i32
      %dma_wait3A_203 = tpu.memref_slice %arg2[%dma_wait3A_201, %dma_wait3A_202] : memref<10000x128xf32, #tpu.memory_space<hbm>> -> memref<10000x128xf32, #tpu.memory_space<hbm>>
      tpu.wait_indirect_dma semaphore(%arg14 : memref<!tpu.dma_semaphore, #tpu.memory_space<semaphore_mem>>) src(%dma_wait3A_203 : memref<10000x128xf32, #tpu.memory_space<hbm>>) dst(%arg10 : memref<80x128xf32, #tpu.memory_space<vmem>>)
      %dma_start3A_204 = arith.constant 0 : i32
      %dma_start3A_205 = tpu.memref_slice %arg7[%add3A_181, %dma_start3A_204] : memref<125x80xi32, #tpu.memory_space<vmem>> -> memref<1x80xi32, #tpu.memory_space<vmem>>
      %dma_start3A_206 = tpu.memref_squeeze %dma_start3A_205 : memref<1x80xi32, #tpu.memory_space<vmem>> -> memref<80xi32, #tpu.memory_space<vmem>>
      %dma_start3A_207 = arith.constant 0 : i32
      %dma_start3A_208 = arith.constant 0 : i32
      %dma_start3A_209 = tpu.memref_slice %arg11[%dma_start3A_207, %dma_start3A_208] : memref<10000x128xf32, #tpu.memory_space<vmem_shared>> -> memref<10000x128xf32, #tpu.memory_space<vmem_shared>>
      tpu.enqueue_indirect_dma source(%arg10 : memref<80x128xf32, #tpu.memory_space<vmem>>) target(%dma_start3A_209 : memref<10000x128xf32, #tpu.memory_space<vmem_shared>>) offsets(%dma_start3A_206 : memref<80xi32, #tpu.memory_space<vmem>>) semaphore(%arg17 : memref<!tpu.dma_semaphore, #tpu.memory_space<semaphore_mem>>) {add = true}
      %mul3A_210 = arith.constant 3 : i32
      %mul3A_211 = arith.muli %mul3A_210, %scan3A_177 : i32
      %add3A_212 = arith.constant 3 : i32
      %add3A_213 = arith.addi %mul3A_211, %add3A_212 : i32
      %dma_wait3A_214 = arith.constant 0 : i32
      %dma_wait3A_215 = arith.constant 0 : i32
      %dma_wait3A_216 = tpu.memref_slice %arg7[%dma_wait3A_214, %dma_wait3A_215] : memref<125x80xi32, #tpu.memory_space<vmem>> -> memref<1x80xi32, #tpu.memory_space<vmem>>
      %dma_wait3A_217 = tpu.memref_squeeze %dma_wait3A_216 : memref<1x80xi32, #tpu.memory_space<vmem>> -> memref<80xi32, #tpu.memory_space<vmem>>
      %dma_wait3A_218 = arith.constant 0 : i32
      %dma_wait3A_219 = arith.constant 0 : i32
      %dma_wait3A_220 = tpu.memref_slice %arg11[%dma_wait3A_218, %dma_wait3A_219] : memref<10000x128xf32, #tpu.memory_space<vmem_shared>> -> memref<10000x128xf32, #tpu.memory_space<vmem_shared>>
      tpu.wait_indirect_dma semaphore(%arg16 : memref<!tpu.dma_semaphore, #tpu.memory_space<semaphore_mem>>) src(%arg9 : memref<80x128xf32, #tpu.memory_space<vmem>>) dst(%dma_wait3A_220 : memref<10000x128xf32, #tpu.memory_space<vmem_shared>>)
      %add3A_221 = arith.constant 1 : i32
      %add3A_222 = arith.addi %add3A_213, %add3A_221 : i32
      %dma_start3A_223 = arith.constant 0 : i32
      %dma_start3A_224 = tpu.memref_slice %arg6[%add3A_222, %dma_start3A_223] : memref<125x80xi32, #tpu.memory_space<vmem>> -> memref<1x80xi32, #tpu.memory_space<vmem>>
      %dma_start3A_225 = tpu.memref_squeeze %dma_start3A_224 : memref<1x80xi32, #tpu.memory_space<vmem>> -> memref<80xi32, #tpu.memory_space<vmem>>
      %dma_start3A_226 = arith.constant 0 : i32
      %dma_start3A_227 = arith.constant 0 : i32
      %dma_start3A_228 = tpu.memref_slice %arg2[%dma_start3A_226, %dma_start3A_227] : memref<10000x128xf32, #tpu.memory_space<hbm>> -> memref<10000x128xf32, #tpu.memory_space<hbm>>
      tpu.enqueue_indirect_dma source(%dma_start3A_228 : memref<10000x128xf32, #tpu.memory_space<hbm>>) target(%arg9 : memref<80x128xf32, #tpu.memory_space<vmem>>) offsets(%dma_start3A_225 : memref<80xi32, #tpu.memory_space<vmem>>) semaphore(%arg13 : memref<!tpu.dma_semaphore, #tpu.memory_space<semaphore_mem>>)
      %dma_wait3A_229 = arith.constant 0 : i32
      %dma_wait3A_230 = arith.constant 0 : i32
      %dma_wait3A_231 = tpu.memref_slice %arg6[%dma_wait3A_229, %dma_wait3A_230] : memref<125x80xi32, #tpu.memory_space<vmem>> -> memref<1x80xi32, #tpu.memory_space<vmem>>
      %dma_wait3A_232 = tpu.memref_squeeze %dma_wait3A_231 : memref<1x80xi32, #tpu.memory_space<vmem>> -> memref<80xi32, #tpu.memory_space<vmem>>
      %dma_wait3A_233 = arith.constant 0 : i32
      %dma_wait3A_234 = arith.constant 0 : i32
      %dma_wait3A_235 = tpu.memref_slice %arg2[%dma_wait3A_233, %dma_wait3A_234] : memref<10000x128xf32, #tpu.memory_space<hbm>> -> memref<10000x128xf32, #tpu.memory_space<hbm>>
      tpu.wait_indirect_dma semaphore(%arg12 : memref<!tpu.dma_semaphore, #tpu.memory_space<semaphore_mem>>) src(%dma_wait3A_235 : memref<10000x128xf32, #tpu.memory_space<hbm>>) dst(%arg8 : memref<80x128xf32, #tpu.memory_space<vmem>>)
      %dma_start3A_236 = arith.constant 0 : i32
      %dma_start3A_237 = tpu.memref_slice %arg7[%add3A_213, %dma_start3A_236] : memref<125x80xi32, #tpu.memory_space<vmem>> -> memref<1x80xi32, #tpu.memory_space<vmem>>
      %dma_start3A_238 = tpu.memref_squeeze %dma_start3A_237 : memref<1x80xi32, #tpu.memory_space<vmem>> -> memref<80xi32, #tpu.memory_space<vmem>>
      %dma_start3A_239 = arith.constant 0 : i32
      %dma_start3A_240 = arith.constant 0 : i32
      %dma_start3A_241 = tpu.memref_slice %arg11[%dma_start3A_239, %dma_start3A_240] : memref<10000x128xf32, #tpu.memory_space<vmem_shared>> -> memref<10000x128xf32, #tpu.memory_space<vmem_shared>>
      tpu.enqueue_indirect_dma source(%arg8 : memref<80x128xf32, #tpu.memory_space<vmem>>) target(%dma_start3A_241 : memref<10000x128xf32, #tpu.memory_space<vmem_shared>>) offsets(%dma_start3A_238 : memref<80xi32, #tpu.memory_space<vmem>>) semaphore(%arg15 : memref<!tpu.dma_semaphore, #tpu.memory_space<semaphore_mem>>) {add = true}
      %mul3A_242 = arith.constant 3 : i32
      %mul3A_243 = arith.muli %mul3A_242, %scan3A_177 : i32
      %add3A_244 = arith.constant 4 : i32
      %add3A_245 = arith.addi %mul3A_243, %add3A_244 : i32
      %dma_wait3A_246 = arith.constant 0 : i32
      %dma_wait3A_247 = arith.constant 0 : i32
      %dma_wait3A_248 = tpu.memref_slice %arg7[%dma_wait3A_246, %dma_wait3A_247] : memref<125x80xi32, #tpu.memory_space<vmem>> -> memref<1x80xi32, #tpu.memory_space<vmem>>
      %dma_wait3A_249 = tpu.memref_squeeze %dma_wait3A_248 : memref<1x80xi32, #tpu.memory_space<vmem>> -> memref<80xi32, #tpu.memory_space<vmem>>
      %dma_wait3A_250 = arith.constant 0 : i32
      %dma_wait3A_251 = arith.constant 0 : i32
      %dma_wait3A_252 = tpu.memref_slice %arg11[%dma_wait3A_250, %dma_wait3A_251] : memref<10000x128xf32, #tpu.memory_space<vmem_shared>> -> memref<10000x128xf32, #tpu.memory_space<vmem_shared>>
      tpu.wait_indirect_dma semaphore(%arg17 : memref<!tpu.dma_semaphore, #tpu.memory_space<semaphore_mem>>) src(%arg10 : memref<80x128xf32, #tpu.memory_space<vmem>>) dst(%dma_wait3A_252 : memref<10000x128xf32, #tpu.memory_space<vmem_shared>>)
      %add3A_253 = arith.constant 1 : i32
      %add3A_254 = arith.addi %add3A_245, %add3A_253 : i32
      %dma_start3A_255 = arith.constant 0 : i32
      %dma_start3A_256 = tpu.memref_slice %arg6[%add3A_254, %dma_start3A_255] : memref<125x80xi32, #tpu.memory_space<vmem>> -> memref<1x80xi32, #tpu.memory_space<vmem>>
      %dma_start3A_257 = tpu.memref_squeeze %dma_start3A_256 : memref<1x80xi32, #tpu.memory_space<vmem>> -> memref<80xi32, #tpu.memory_space<vmem>>
      %dma_start3A_258 = arith.constant 0 : i32
      %dma_start3A_259 = arith.constant 0 : i32
      %dma_start3A_260 = tpu.memref_slice %arg2[%dma_start3A_258, %dma_start3A_259] : memref<10000x128xf32, #tpu.memory_space<hbm>> -> memref<10000x128xf32, #tpu.memory_space<hbm>>
      tpu.enqueue_indirect_dma source(%dma_start3A_260 : memref<10000x128xf32, #tpu.memory_space<hbm>>) target(%arg10 : memref<80x128xf32, #tpu.memory_space<vmem>>) offsets(%dma_start3A_257 : memref<80xi32, #tpu.memory_space<vmem>>) semaphore(%arg14 : memref<!tpu.dma_semaphore, #tpu.memory_space<semaphore_mem>>)
      %dma_wait3A_261 = arith.constant 0 : i32
      %dma_wait3A_262 = arith.constant 0 : i32
      %dma_wait3A_263 = tpu.memref_slice %arg6[%dma_wait3A_261, %dma_wait3A_262] : memref<125x80xi32, #tpu.memory_space<vmem>> -> memref<1x80xi32, #tpu.memory_space<vmem>>
      %dma_wait3A_264 = tpu.memref_squeeze %dma_wait3A_263 : memref<1x80xi32, #tpu.memory_space<vmem>> -> memref<80xi32, #tpu.memory_space<vmem>>
      %dma_wait3A_265 = arith.constant 0 : i32
      %dma_wait3A_266 = arith.constant 0 : i32
      %dma_wait3A_267 = tpu.memref_slice %arg2[%dma_wait3A_265, %dma_wait3A_266] : memref<10000x128xf32, #tpu.memory_space<hbm>> -> memref<10000x128xf32, #tpu.memory_space<hbm>>
      tpu.wait_indirect_dma semaphore(%arg13 : memref<!tpu.dma_semaphore, #tpu.memory_space<semaphore_mem>>) src(%dma_wait3A_267 : memref<10000x128xf32, #tpu.memory_space<hbm>>) dst(%arg9 : memref<80x128xf32, #tpu.memory_space<vmem>>)
      %dma_start3A_268 = arith.constant 0 : i32
      %dma_start3A_269 = tpu.memref_slice %arg7[%add3A_245, %dma_start3A_268] : memref<125x80xi32, #tpu.memory_space<vmem>> -> memref<1x80xi32, #tpu.memory_space<vmem>>
      %dma_start3A_270 = tpu.memref_squeeze %dma_start3A_269 : memref<1x80xi32, #tpu.memory_space<vmem>> -> memref<80xi32, #tpu.memory_space<vmem>>
      %dma_start3A_271 = arith.constant 0 : i32
      %dma_start3A_272 = arith.constant 0 : i32
      %dma_start3A_273 = tpu.memref_slice %arg11[%dma_start3A_271, %dma_start3A_272] : memref<10000x128xf32, #tpu.memory_space<vmem_shared>> -> memref<10000x128xf32, #tpu.memory_space<vmem_shared>>
      tpu.enqueue_indirect_dma source(%arg9 : memref<80x128xf32, #tpu.memory_space<vmem>>) target(%dma_start3A_273 : memref<10000x128xf32, #tpu.memory_space<vmem_shared>>) offsets(%dma_start3A_270 : memref<80xi32, #tpu.memory_space<vmem>>) semaphore(%arg16 : memref<!tpu.dma_semaphore, #tpu.memory_space<semaphore_mem>>) {add = true}
    }
    %scan3A_81 = arith.constant 40 : i32
    %dma_wait3A_82 = arith.constant 0 : i32
    %dma_wait3A_83 = arith.constant 0 : i32
    %dma_wait3A_84 = tpu.memref_slice %arg7[%dma_wait3A_82, %dma_wait3A_83] : memref<125x80xi32, #tpu.memory_space<vmem>> -> memref<1x80xi32, #tpu.memory_space<vmem>>
    %dma_wait3A_85 = tpu.memref_squeeze %dma_wait3A_84 : memref<1x80xi32, #tpu.memory_space<vmem>> -> memref<80xi32, #tpu.memory_space<vmem>>
    %dma_wait3A_86 = arith.constant 0 : i32
    %dma_wait3A_87 = arith.constant 0 : i32
    %dma_wait3A_88 = tpu.memref_slice %arg11[%dma_wait3A_86, %dma_wait3A_87] : memref<10000x128xf32, #tpu.memory_space<vmem_shared>> -> memref<10000x128xf32, #tpu.memory_space<vmem_shared>>
    tpu.wait_indirect_dma semaphore(%arg15 : memref<!tpu.dma_semaphore, #tpu.memory_space<semaphore_mem>>) src(%arg8 : memref<80x128xf32, #tpu.memory_space<vmem>>) dst(%dma_wait3A_88 : memref<10000x128xf32, #tpu.memory_space<vmem_shared>>)
    %dma_start3A_89 = arith.constant 123 : i32
    %dma_start3A_90 = arith.constant 0 : i32
    %dma_start3A_91 = tpu.memref_slice %arg6[%dma_start3A_89, %dma_start3A_90] : memref<125x80xi32, #tpu.memory_space<vmem>> -> memref<1x80xi32, #tpu.memory_space<vmem>>
    %dma_start3A_92 = tpu.memref_squeeze %dma_start3A_91 : memref<1x80xi32, #tpu.memory_space<vmem>> -> memref<80xi32, #tpu.memory_space<vmem>>
    %dma_start3A_93 = arith.constant 0 : i32
    %dma_start3A_94 = arith.constant 0 : i32
    %dma_start3A_95 = tpu.memref_slice %arg2[%dma_start3A_93, %dma_start3A_94] : memref<10000x128xf32, #tpu.memory_space<hbm>> -> memref<10000x128xf32, #tpu.memory_space<hbm>>
    tpu.enqueue_indirect_dma source(%dma_start3A_95 : memref<10000x128xf32, #tpu.memory_space<hbm>>) target(%arg8 : memref<80x128xf32, #tpu.memory_space<vmem>>) offsets(%dma_start3A_92 : memref<80xi32, #tpu.memory_space<vmem>>) semaphore(%arg12 : memref<!tpu.dma_semaphore, #tpu.memory_space<semaphore_mem>>)
    %dma_wait3A_96 = arith.constant 0 : i32
    %dma_wait3A_97 = arith.constant 0 : i32
    %dma_wait3A_98 = tpu.memref_slice %arg6[%dma_wait3A_96, %dma_wait3A_97] : memref<125x80xi32, #tpu.memory_space<vmem>> -> memref<1x80xi32, #tpu.memory_space<vmem>>
    %dma_wait3A_99 = tpu.memref_squeeze %dma_wait3A_98 : memref<1x80xi32, #tpu.memory_space<vmem>> -> memref<80xi32, #tpu.memory_space<vmem>>
    %dma_wait3A_100 = arith.constant 0 : i32
    %dma_wait3A_101 = arith.constant 0 : i32
    %dma_wait3A_102 = tpu.memref_slice %arg2[%dma_wait3A_100, %dma_wait3A_101] : memref<10000x128xf32, #tpu.memory_space<hbm>> -> memref<10000x128xf32, #tpu.memory_space<hbm>>
    tpu.wait_indirect_dma semaphore(%arg14 : memref<!tpu.dma_semaphore, #tpu.memory_space<semaphore_mem>>) src(%dma_wait3A_102 : memref<10000x128xf32, #tpu.memory_space<hbm>>) dst(%arg10 : memref<80x128xf32, #tpu.memory_space<vmem>>)
    %dma_start3A_103 = arith.constant 122 : i32
    %dma_start3A_104 = arith.constant 0 : i32
    %dma_start3A_105 = tpu.memref_slice %arg7[%dma_start3A_103, %dma_start3A_104] : memref<125x80xi32, #tpu.memory_space<vmem>> -> memref<1x80xi32, #tpu.memory_space<vmem>>
    %dma_start3A_106 = tpu.memref_squeeze %dma_start3A_105 : memref<1x80xi32, #tpu.memory_space<vmem>> -> memref<80xi32, #tpu.memory_space<vmem>>
    %dma_start3A_107 = arith.constant 0 : i32
    %dma_start3A_108 = arith.constant 0 : i32
    %dma_start3A_109 = tpu.memref_slice %arg11[%dma_start3A_107, %dma_start3A_108] : memref<10000x128xf32, #tpu.memory_space<vmem_shared>> -> memref<10000x128xf32, #tpu.memory_space<vmem_shared>>
    tpu.enqueue_indirect_dma source(%arg10 : memref<80x128xf32, #tpu.memory_space<vmem>>) target(%dma_start3A_109 : memref<10000x128xf32, #tpu.memory_space<vmem_shared>>) offsets(%dma_start3A_106 : memref<80xi32, #tpu.memory_space<vmem>>) semaphore(%arg17 : memref<!tpu.dma_semaphore, #tpu.memory_space<semaphore_mem>>) {add = true}
    %dma_wait3A_110 = arith.constant 0 : i32
    %dma_wait3A_111 = arith.constant 0 : i32
    %dma_wait3A_112 = tpu.memref_slice %arg7[%dma_wait3A_110, %dma_wait3A_111] : memref<125x80xi32, #tpu.memory_space<vmem>> -> memref<1x80xi32, #tpu.memory_space<vmem>>
    %dma_wait3A_113 = tpu.memref_squeeze %dma_wait3A_112 : memref<1x80xi32, #tpu.memory_space<vmem>> -> memref<80xi32, #tpu.memory_space<vmem>>
    %dma_wait3A_114 = arith.constant 0 : i32
    %dma_wait3A_115 = arith.constant 0 : i32
    %dma_wait3A_116 = tpu.memref_slice %arg11[%dma_wait3A_114, %dma_wait3A_115] : memref<10000x128xf32, #tpu.memory_space<vmem_shared>> -> memref<10000x128xf32, #tpu.memory_space<vmem_shared>>
    tpu.wait_indirect_dma semaphore(%arg16 : memref<!tpu.dma_semaphore, #tpu.memory_space<semaphore_mem>>) src(%arg9 : memref<80x128xf32, #tpu.memory_space<vmem>>) dst(%dma_wait3A_116 : memref<10000x128xf32, #tpu.memory_space<vmem_shared>>)
    %dma_start3A_117 = arith.constant 124 : i32
    %dma_start3A_118 = arith.constant 0 : i32
    %dma_start3A_119 = tpu.memref_slice %arg6[%dma_start3A_117, %dma_start3A_118] : memref<125x80xi32, #tpu.memory_space<vmem>> -> memref<1x80xi32, #tpu.memory_space<vmem>>
    %dma_start3A_120 = tpu.memref_squeeze %dma_start3A_119 : memref<1x80xi32, #tpu.memory_space<vmem>> -> memref<80xi32, #tpu.memory_space<vmem>>
    %dma_start3A_121 = arith.constant 0 : i32
    %dma_start3A_122 = arith.constant 0 : i32
    %dma_start3A_123 = tpu.memref_slice %arg2[%dma_start3A_121, %dma_start3A_122] : memref<10000x128xf32, #tpu.memory_space<hbm>> -> memref<10000x128xf32, #tpu.memory_space<hbm>>
    tpu.enqueue_indirect_dma source(%dma_start3A_123 : memref<10000x128xf32, #tpu.memory_space<hbm>>) target(%arg9 : memref<80x128xf32, #tpu.memory_space<vmem>>) offsets(%dma_start3A_120 : memref<80xi32, #tpu.memory_space<vmem>>) semaphore(%arg13 : memref<!tpu.dma_semaphore, #tpu.memory_space<semaphore_mem>>)
    %dma_wait3A_124 = arith.constant 0 : i32
    %dma_wait3A_125 = arith.constant 0 : i32
    %dma_wait3A_126 = tpu.memref_slice %arg6[%dma_wait3A_124, %dma_wait3A_125] : memref<125x80xi32, #tpu.memory_space<vmem>> -> memref<1x80xi32, #tpu.memory_space<vmem>>
    %dma_wait3A_127 = tpu.memref_squeeze %dma_wait3A_126 : memref<1x80xi32, #tpu.memory_space<vmem>> -> memref<80xi32, #tpu.memory_space<vmem>>
    %dma_wait3A_128 = arith.constant 0 : i32
    %dma_wait3A_129 = arith.constant 0 : i32
    %dma_wait3A_130 = tpu.memref_slice %arg2[%dma_wait3A_128, %dma_wait3A_129] : memref<10000x128xf32, #tpu.memory_space<hbm>> -> memref<10000x128xf32, #tpu.memory_space<hbm>>
    tpu.wait_indirect_dma semaphore(%arg12 : memref<!tpu.dma_semaphore, #tpu.memory_space<semaphore_mem>>) src(%dma_wait3A_130 : memref<10000x128xf32, #tpu.memory_space<hbm>>) dst(%arg8 : memref<80x128xf32, #tpu.memory_space<vmem>>)
    %dma_start3A_131 = arith.constant 123 : i32
    %dma_start3A_132 = arith.constant 0 : i32
    %dma_start3A_133 = tpu.memref_slice %arg7[%dma_start3A_131, %dma_start3A_132] : memref<125x80xi32, #tpu.memory_space<vmem>> -> memref<1x80xi32, #tpu.memory_space<vmem>>
    %dma_start3A_134 = tpu.memref_squeeze %dma_start3A_133 : memref<1x80xi32, #tpu.memory_space<vmem>> -> memref<80xi32, #tpu.memory_space<vmem>>
    %dma_start3A_135 = arith.constant 0 : i32
    %dma_start3A_136 = arith.constant 0 : i32
    %dma_start3A_137 = tpu.memref_slice %arg11[%dma_start3A_135, %dma_start3A_136] : memref<10000x128xf32, #tpu.memory_space<vmem_shared>> -> memref<10000x128xf32, #tpu.memory_space<vmem_shared>>
    tpu.enqueue_indirect_dma source(%arg8 : memref<80x128xf32, #tpu.memory_space<vmem>>) target(%dma_start3A_137 : memref<10000x128xf32, #tpu.memory_space<vmem_shared>>) offsets(%dma_start3A_134 : memref<80xi32, #tpu.memory_space<vmem>>) semaphore(%arg15 : memref<!tpu.dma_semaphore, #tpu.memory_space<semaphore_mem>>) {add = true}
    %dma_wait3A_138 = arith.constant 0 : i32
    %dma_wait3A_139 = arith.constant 0 : i32
    %dma_wait3A_140 = tpu.memref_slice %arg7[%dma_wait3A_138, %dma_wait3A_139] : memref<125x80xi32, #tpu.memory_space<vmem>> -> memref<1x80xi32, #tpu.memory_space<vmem>>
    %dma_wait3A_141 = tpu.memref_squeeze %dma_wait3A_140 : memref<1x80xi32, #tpu.memory_space<vmem>> -> memref<80xi32, #tpu.memory_space<vmem>>
    %dma_wait3A_142 = arith.constant 0 : i32
    %dma_wait3A_143 = arith.constant 0 : i32
    %dma_wait3A_144 = tpu.memref_slice %arg11[%dma_wait3A_142, %dma_wait3A_143] : memref<10000x128xf32, #tpu.memory_space<vmem_shared>> -> memref<10000x128xf32, #tpu.memory_space<vmem_shared>>
    tpu.wait_indirect_dma semaphore(%arg17 : memref<!tpu.dma_semaphore, #tpu.memory_space<semaphore_mem>>) src(%arg10 : memref<80x128xf32, #tpu.memory_space<vmem>>) dst(%dma_wait3A_144 : memref<10000x128xf32, #tpu.memory_space<vmem_shared>>)
    %dma_wait3A_145 = arith.constant 0 : i32
    %dma_wait3A_146 = arith.constant 0 : i32
    %dma_wait3A_147 = tpu.memref_slice %arg6[%dma_wait3A_145, %dma_wait3A_146] : memref<125x80xi32, #tpu.memory_space<vmem>> -> memref<1x80xi32, #tpu.memory_space<vmem>>
    %dma_wait3A_148 = tpu.memref_squeeze %dma_wait3A_147 : memref<1x80xi32, #tpu.memory_space<vmem>> -> memref<80xi32, #tpu.memory_space<vmem>>
    %dma_wait3A_149 = arith.constant 0 : i32
    %dma_wait3A_150 = arith.constant 0 : i32
    %dma_wait3A_151 = tpu.memref_slice %arg2[%dma_wait3A_149, %dma_wait3A_150] : memref<10000x128xf32, #tpu.memory_space<hbm>> -> memref<10000x128xf32, #tpu.memory_space<hbm>>
    tpu.wait_indirect_dma semaphore(%arg13 : memref<!tpu.dma_semaphore, #tpu.memory_space<semaphore_mem>>) src(%dma_wait3A_151 : memref<10000x128xf32, #tpu.memory_space<hbm>>) dst(%arg9 : memref<80x128xf32, #tpu.memory_space<vmem>>)
    %dma_start3A_152 = arith.constant 124 : i32
    %dma_start3A_153 = arith.constant 0 : i32
    %dma_start3A_154 = tpu.memref_slice %arg7[%dma_start3A_152, %dma_start3A_153] : memref<125x80xi32, #tpu.memory_space<vmem>> -> memref<1x80xi32, #tpu.memory_space<vmem>>
    %dma_start3A_155 = tpu.memref_squeeze %dma_start3A_154 : memref<1x80xi32, #tpu.memory_space<vmem>> -> memref<80xi32, #tpu.memory_space<vmem>>
    %dma_start3A_156 = arith.constant 0 : i32
    %dma_start3A_157 = arith.constant 0 : i32
    %dma_start3A_158 = tpu.memref_slice %arg11[%dma_start3A_156, %dma_start3A_157] : memref<10000x128xf32, #tpu.memory_space<vmem_shared>> -> memref<10000x128xf32, #tpu.memory_space<vmem_shared>>
    tpu.enqueue_indirect_dma source(%arg9 : memref<80x128xf32, #tpu.memory_space<vmem>>) target(%dma_start3A_158 : memref<10000x128xf32, #tpu.memory_space<vmem_shared>>) offsets(%dma_start3A_155 : memref<80xi32, #tpu.memory_space<vmem>>) semaphore(%arg16 : memref<!tpu.dma_semaphore, #tpu.memory_space<semaphore_mem>>) {add = true}
    %dma_wait3A_159 = arith.constant 0 : i32
    %dma_wait3A_160 = arith.constant 0 : i32
    %dma_wait3A_161 = tpu.memref_slice %arg7[%dma_wait3A_159, %dma_wait3A_160] : memref<125x80xi32, #tpu.memory_space<vmem>> -> memref<1x80xi32, #tpu.memory_space<vmem>>
    %dma_wait3A_162 = tpu.memref_squeeze %dma_wait3A_161 : memref<1x80xi32, #tpu.memory_space<vmem>> -> memref<80xi32, #tpu.memory_space<vmem>>
    %dma_wait3A_163 = arith.constant 0 : i32
    %dma_wait3A_164 = arith.constant 0 : i32
    %dma_wait3A_165 = tpu.memref_slice %arg11[%dma_wait3A_163, %dma_wait3A_164] : memref<10000x128xf32, #tpu.memory_space<vmem_shared>> -> memref<10000x128xf32, #tpu.memory_space<vmem_shared>>
    tpu.wait_indirect_dma semaphore(%arg15 : memref<!tpu.dma_semaphore, #tpu.memory_space<semaphore_mem>>) src(%arg8 : memref<80x128xf32, #tpu.memory_space<vmem>>) dst(%dma_wait3A_165 : memref<10000x128xf32, #tpu.memory_space<vmem_shared>>)
    %dma_wait3A_166 = arith.constant 0 : i32
    %dma_wait3A_167 = arith.constant 0 : i32
    %dma_wait3A_168 = tpu.memref_slice %arg7[%dma_wait3A_166, %dma_wait3A_167] : memref<125x80xi32, #tpu.memory_space<vmem>> -> memref<1x80xi32, #tpu.memory_space<vmem>>
    %dma_wait3A_169 = tpu.memref_squeeze %dma_wait3A_168 : memref<1x80xi32, #tpu.memory_space<vmem>> -> memref<80xi32, #tpu.memory_space<vmem>>
    %dma_wait3A_170 = arith.constant 0 : i32
    %dma_wait3A_171 = arith.constant 0 : i32
    %dma_wait3A_172 = tpu.memref_slice %arg11[%dma_wait3A_170, %dma_wait3A_171] : memref<10000x128xf32, #tpu.memory_space<vmem_shared>> -> memref<10000x128xf32, #tpu.memory_space<vmem_shared>>
    tpu.wait_indirect_dma semaphore(%arg16 : memref<!tpu.dma_semaphore, #tpu.memory_space<semaphore_mem>>) src(%arg9 : memref<80x128xf32, #tpu.memory_space<vmem>>) dst(%dma_wait3A_172 : memref<10000x128xf32, #tpu.memory_space<vmem_shared>>)
    %barrier3A_173 = arith.constant 0 : index
    tpu.barrier barrier_id(%barrier3A_173)
    %mul3A_174 = arith.constant 10000 : i32
    %mul3A_175 = arith.muli %arg0, %mul3A_174 : i32
    %add3A_176 = arith.addi %mul3A_175, %mul3A_2 : i32
    "tpu.region"() ({
      %run_scoped3A_177 = tpu.sem_alloc : memref<!tpu.dma_semaphore, #tpu.memory_space<semaphore_mem>>
      %dma_start3A_178 = arith.constant 0 : i32
      %dma_start3A_179 = tpu.memref_slice %arg5[%add3A_176, %dma_start3A_178] : memref<20000x128xf32, #tpu.memory_space<hbm>> -> memref<625x128xf32, #tpu.memory_space<hbm>>
      %dma_start3A_180 = arith.constant 0 : i32
      %dma_start3A_181 = tpu.memref_slice %arg11[%mul3A_2, %dma_start3A_180] : memref<10000x128xf32, #tpu.memory_space<vmem_shared>> -> memref<625x128xf32, #tpu.memory_space<vmem_shared>>
      tpu.enqueue_dma source(%dma_start3A_181 : memref<625x128xf32, #tpu.memory_space<vmem_shared>>) target(%dma_start3A_179 : memref<625x128xf32, #tpu.memory_space<hbm>>) target_semaphore(%run_scoped3A_177 : memref<!tpu.dma_semaphore, #tpu.memory_space<semaphore_mem>>)
      %dma_wait3A_182 = arith.constant 0 : i32
      %dma_wait3A_183 = tpu.memref_slice %arg5[%add3A_176, %dma_wait3A_182] : memref<20000x128xf32, #tpu.memory_space<hbm>> -> memref<625x128xf32, #tpu.memory_space<hbm>>
      %dma_wait3A_184 = arith.constant 0 : i32
      %dma_wait3A_185 = tpu.memref_slice %arg11[%mul3A_2, %dma_wait3A_184] : memref<10000x128xf32, #tpu.memory_space<vmem_shared>> -> memref<625x128xf32, #tpu.memory_space<vmem_shared>>
      tpu.wait_dma2 semaphore(%run_scoped3A_177 : memref<!tpu.dma_semaphore, #tpu.memory_space<semaphore_mem>>) src(%dma_wait3A_185 : memref<625x128xf32, #tpu.memory_space<vmem_shared>>) dst(%dma_wait3A_183 : memref<625x128xf32, #tpu.memory_space<hbm>>)
      tpu.yield
    }) : () -> ()
    return
  }
}

module attributes {stable_mosaic.version = 14 : i64} {
  func.func @_mm_mid_body(%arg0: i32, %arg1: memref<2000x128xf32, #tpu.memory_space<vmem>>, %arg2: memref<2000x128xf32, #tpu.memory_space<vmem>>, %arg3: memref<2000x128xf32, #tpu.memory_space<vmem>>, %arg4: memref<2000x128xf32, #tpu.memory_space<vmem>>, %arg5: memref<128x128xf32, #tpu.memory_space<vmem>>, %arg6: memref<2000x128xf32, #tpu.memory_space<vmem>>, %arg7: memref<2000x16xf32, #tpu.memory_space<vmem>>) attributes {dimension_semantics = [#tpu.dimension_semantics<arbitrary>], iteration_bounds = array<i64: 5>, scalar_prefetch = 0 : i64, scratch_operands = 0 : i64, tpu.core_type = #tpu.core_type<tc>, window_params = [{transform_indices = @transform_0, window_bounds = array<i64: 2000, 128>}, {transform_indices = @transform_1, window_bounds = array<i64: 2000, 128>}, {transform_indices = @transform_2, window_bounds = array<i64: 2000, 128>}, {transform_indices = @transform_3, window_bounds = array<i64: 2000, 128>}, {pipeline_mode = #tpu.pipeline_mode<synchronous>, transform_indices = @transform_4, window_bounds = array<i64: 128, 128>}, {transform_indices = @transform_5, window_bounds = array<i64: 2000, 128>}, {transform_indices = @transform_6, window_bounds = array<i64: 2000, 16>}]} {
    %get3A = arith.constant 0 : index
    %get3A_0 = arith.constant 0 : index
    %get3A_1 = vector.load %arg4[%get3A, %get3A_0] : memref<2000x128xf32, #tpu.memory_space<vmem>>, vector<2000x128xf32>
    %slice3A = vector.extract_strided_slice %get3A_1 {offsets = [0, 0], sizes = [2000, 1], strides = [1, 1]} : vector<2000x128xf32> to vector<2000x1xf32>
    %get3A_2 = arith.constant 0 : index
    %get3A_3 = arith.constant 0 : index
    %get3A_4 = vector.load %arg4[%get3A_2, %get3A_3] : memref<2000x128xf32, #tpu.memory_space<vmem>>, vector<2000x128xf32>
    %slice3A_5 = vector.extract_strided_slice %get3A_4 {offsets = [0, 16], sizes = [2000, 1], strides = [1, 1]} : vector<2000x128xf32> to vector<2000x1xf32>
    %add3A = arith.addf %slice3A, %slice3A_5 : vector<2000x1xf32>
    %max3A = arith.constant 1.000000e+00 : f32
    %max3A_6 = vector.broadcast %max3A : f32 to vector<2000x1xf32>
    %max3A_7 = arith.maximumf %add3A, %max3A_6 : vector<2000x1xf32>
    %div3A = arith.constant 1.000000e+00 : f32
    %div3A_8 = vector.broadcast %div3A : f32 to vector<2000x1xf32>
    %div3A_9 = arith.divf %div3A_8, %max3A_7 : vector<2000x1xf32>
    %get3A_10 = arith.constant 0 : index
    %get3A_11 = arith.constant 0 : index
    %get3A_12 = vector.load %arg1[%get3A_10, %get3A_11] : memref<2000x128xf32, #tpu.memory_space<vmem>>, vector<2000x128xf32>
    %get3A_13 = arith.constant 0 : index
    %get3A_14 = arith.constant 0 : index
    %get3A_15 = vector.load %arg2[%get3A_13, %get3A_14] : memref<2000x128xf32, #tpu.memory_space<vmem>>, vector<2000x128xf32>
    %get3A_16 = arith.constant 0 : index
    %get3A_17 = arith.constant 0 : index
    %get3A_18 = vector.load %arg3[%get3A_16, %get3A_17] : memref<2000x128xf32, #tpu.memory_space<vmem>>, vector<2000x128xf32>
    %add3A_19 = arith.addf %get3A_15, %get3A_18 : vector<2000x128xf32>
    %mul3A = vector.broadcast %div3A_9 : vector<2000x1xf32> to vector<2000x128xf32>
    %mul3A_20 = arith.mulf %add3A_19, %mul3A : vector<2000x128xf32>
    %add3A_21 = arith.addf %get3A_12, %mul3A_20 : vector<2000x128xf32>
    %max3A_22 = arith.constant 0.000000e+00 : f32
    %max3A_23 = vector.broadcast %max3A_22 : f32 to vector<2000x128xf32>
    %max3A_24 = arith.maximumf %add3A_21, %max3A_23 : vector<2000x128xf32>
    %get3A_25 = arith.constant 0 : index
    %get3A_26 = arith.constant 0 : index
    %get3A_27 = vector.load %arg5[%get3A_25, %get3A_26] : memref<128x128xf32, #tpu.memory_space<vmem>>, vector<128x128xf32>
    %dot_general3A = arith.constant dense<0.000000e+00> : vector<2000x128xf32>
    %dot_general3A_28 = tpu.matmul %max3A_24, %get3A_27, %dot_general3A {dimension_numbers = #tpu.dot_dimension_numbers<[1], [0], [0], [1], [0, 0, 1, 1], [], []>, transpose_lhs_hint = false} : vector<2000x128xf32>, vector<128x128xf32>, vector<2000x128xf32> -> vector<2000x128xf32>
    %swap3A = arith.constant 0 : index
    %swap3A_29 = arith.constant 0 : index
    %swap3A_30 = vector.load %arg6[%swap3A, %swap3A_29] : memref<2000x128xf32, #tpu.memory_space<vmem>>, vector<2000x128xf32>
    tpu.vector_store %arg6[%swap3A, %swap3A_29], %dot_general3A_28 {strides = array<i32>} : memref<2000x128xf32, #tpu.memory_space<vmem>>, vector<2000x128xf32>,
    %broadcast_in_dim3A = vector.shape_cast %div3A_9 : vector<2000x1xf32> to vector<2000x1xf32>
    %broadcast_in_dim3A_31 = vector.broadcast %broadcast_in_dim3A : vector<2000x1xf32> to vector<2000x16xf32>
    %swap3A_32 = arith.constant 0 : index
    %swap3A_33 = arith.constant 0 : index
    %swap3A_34 = vector.load %arg7[%swap3A_32, %swap3A_33] : memref<2000x16xf32, #tpu.memory_space<vmem>>, vector<2000x16xf32>
    tpu.vector_store %arg7[%swap3A_32, %swap3A_33], %broadcast_in_dim3A_31 {strides = array<i32>} : memref<2000x16xf32, #tpu.memory_space<vmem>>, vector<2000x16xf32>,
    return
  }
  func.func @transform_0(%arg0: i32) -> (i32, i32) {
    %c0_i32 = arith.constant 0 : i32
    %c0_i32_0 = arith.constant 0 : i32
    return %arg0, %c0_i32 : i32, i32
  }
  func.func @transform_1(%arg0: i32) -> (i32, i32) {
    %add3A = arith.constant 0 : i32
    %add3A_0 = arith.addi %add3A, %arg0 : i32
    %c0_i32 = arith.constant 0 : i32
    %c0_i32_1 = arith.constant 0 : i32
    return %add3A_0, %c0_i32 : i32, i32
  }
  func.func @transform_2(%arg0: i32) -> (i32, i32) {
    %add3A = arith.constant 5 : i32
    %add3A_0 = arith.addi %add3A, %arg0 : i32
    %c0_i32 = arith.constant 0 : i32
    %c0_i32_1 = arith.constant 0 : i32
    return %add3A_0, %c0_i32 : i32, i32
  }
  func.func @transform_3(%arg0: i32) -> (i32, i32) {
    %c0_i32 = arith.constant 0 : i32
    %c0_i32_0 = arith.constant 0 : i32
    return %arg0, %c0_i32 : i32, i32
  }
  func.func @transform_4(%arg0: i32) -> (i32, i32) {
    %c0_i32 = arith.constant 0 : i32
    %c0_i32_0 = arith.constant 0 : i32
    %c0_i32_1 = arith.constant 0 : i32
    return %c0_i32, %c0_i32_0 : i32, i32
  }
  func.func @transform_5(%arg0: i32) -> (i32, i32) {
    %c0_i32 = arith.constant 0 : i32
    %c0_i32_0 = arith.constant 0 : i32
    return %arg0, %c0_i32 : i32, i32
  }
  func.func @transform_6(%arg0: i32) -> (i32, i32) {
    %c0_i32 = arith.constant 0 : i32
    %c0_i32_0 = arith.constant 0 : i32
    return %arg0, %c0_i32 : i32, i32
  }
}

module attributes {stable_mosaic.version = 14 : i64} {
  func.func @_mm_p_body(%arg0: i32, %arg1: memref<2000x128xf32, #tpu.memory_space<vmem>>, %arg2: memref<128x128xf32, #tpu.memory_space<vmem>>, %arg3: memref<2000x128xf32, #tpu.memory_space<vmem>>) attributes {dimension_semantics = [#tpu.dimension_semantics<arbitrary>], iteration_bounds = array<i64: 5>, scalar_prefetch = 0 : i64, scratch_operands = 0 : i64, tpu.core_type = #tpu.core_type<tc>, window_params = [{transform_indices = @transform_0, window_bounds = array<i64: 2000, 128>}, {pipeline_mode = #tpu.pipeline_mode<synchronous>, transform_indices = @transform_1, window_bounds = array<i64: 128, 128>}, {transform_indices = @transform_2, window_bounds = array<i64: 2000, 128>}]} {
    %get3A = arith.constant 0 : index
    %get3A_0 = arith.constant 0 : index
    %get3A_1 = vector.load %arg1[%get3A, %get3A_0] : memref<2000x128xf32, #tpu.memory_space<vmem>>, vector<2000x128xf32>
    %get3A_2 = arith.constant 0 : index
    %get3A_3 = arith.constant 0 : index
    %get3A_4 = vector.load %arg2[%get3A_2, %get3A_3] : memref<128x128xf32, #tpu.memory_space<vmem>>, vector<128x128xf32>
    %dot_general3A = arith.constant dense<0.000000e+00> : vector<2000x128xf32>
    %dot_general3A_5 = tpu.matmul %get3A_1, %get3A_4, %dot_general3A {dimension_numbers = #tpu.dot_dimension_numbers<[1], [0], [0], [1], [0, 0, 1, 1], [], []>, transpose_lhs_hint = false} : vector<2000x128xf32>, vector<128x128xf32>, vector<2000x128xf32> -> vector<2000x128xf32>
    %swap3A = arith.constant 0 : index
    %swap3A_6 = arith.constant 0 : index
    %swap3A_7 = vector.load %arg3[%swap3A, %swap3A_6] : memref<2000x128xf32, #tpu.memory_space<vmem>>, vector<2000x128xf32>
    tpu.vector_store %arg3[%swap3A, %swap3A_6], %dot_general3A_5 {strides = array<i32>} : memref<2000x128xf32, #tpu.memory_space<vmem>>, vector<2000x128xf32>,
    return
  }
  func.func @transform_0(%arg0: i32) -> (i32, i32) {
    %c0_i32 = arith.constant 0 : i32
    %c0_i32_0 = arith.constant 0 : i32
    return %arg0, %c0_i32 : i32, i32
  }
  func.func @transform_1(%arg0: i32) -> (i32, i32) {
    %c0_i32 = arith.constant 0 : i32
    %c0_i32_0 = arith.constant 0 : i32
    %c0_i32_1 = arith.constant 0 : i32
    return %c0_i32, %c0_i32_0 : i32, i32
  }
  func.func @transform_2(%arg0: i32) -> (i32, i32) {
    %c0_i32 = arith.constant 0 : i32
    %c0_i32_0 = arith.constant 0 : i32
    return %arg0, %c0_i32 : i32, i32
  }
}

module attributes {stable_mosaic.version = 14 : i64} {
  func.func @_mm_s_body(%arg0: i32, %arg1: memref<2000x128xf32, #tpu.memory_space<vmem>>, %arg2: memref<128x128xf32, #tpu.memory_space<vmem>>, %arg3: memref<1x128xf32, #tpu.memory_space<vmem>>, %arg4: memref<2000x128xf32, #tpu.memory_space<vmem>>) attributes {dimension_semantics = [#tpu.dimension_semantics<arbitrary>], iteration_bounds = array<i64: 5>, scalar_prefetch = 0 : i64, scratch_operands = 0 : i64, tpu.core_type = #tpu.core_type<tc>, window_params = [{transform_indices = @transform_0, window_bounds = array<i64: 2000, 128>}, {pipeline_mode = #tpu.pipeline_mode<synchronous>, transform_indices = @transform_1, window_bounds = array<i64: 128, 128>}, {pipeline_mode = #tpu.pipeline_mode<synchronous>, transform_indices = @transform_2, window_bounds = array<i64: 1, 128>}, {transform_indices = @transform_3, window_bounds = array<i64: 2000, 128>}]} {
    %get3A = arith.constant 0 : index
    %get3A_0 = arith.constant 0 : index
    %get3A_1 = vector.load %arg1[%get3A, %get3A_0] : memref<2000x128xf32, #tpu.memory_space<vmem>>, vector<2000x128xf32>
    %get3A_2 = arith.constant 0 : index
    %get3A_3 = arith.constant 0 : index
    %get3A_4 = vector.load %arg2[%get3A_2, %get3A_3] : memref<128x128xf32, #tpu.memory_space<vmem>>, vector<128x128xf32>
    %dot_general3A = arith.constant dense<0.000000e+00> : vector<2000x128xf32>
    %dot_general3A_5 = tpu.matmul %get3A_1, %get3A_4, %dot_general3A {dimension_numbers = #tpu.dot_dimension_numbers<[1], [0], [0], [1], [0, 0, 1, 1], [], []>, transpose_lhs_hint = false} : vector<2000x128xf32>, vector<128x128xf32>, vector<2000x128xf32> -> vector<2000x128xf32>
    %get3A_6 = arith.constant 0 : index
    %get3A_7 = arith.constant 0 : index
    %get3A_8 = vector.load %arg3[%get3A_6, %get3A_7] : memref<1x128xf32, #tpu.memory_space<vmem>>, vector<1x128xf32>
    %add3A = vector.broadcast %get3A_8 : vector<1x128xf32> to vector<2000x128xf32>
    %add3A_9 = arith.addf %dot_general3A_5, %add3A : vector<2000x128xf32>
    %swap3A = arith.constant 0 : index
    %swap3A_10 = arith.constant 0 : index
    %swap3A_11 = vector.load %arg4[%swap3A, %swap3A_10] : memref<2000x128xf32, #tpu.memory_space<vmem>>, vector<2000x128xf32>
    tpu.vector_store %arg4[%swap3A, %swap3A_10], %add3A_9 {strides = array<i32>} : memref<2000x128xf32, #tpu.memory_space<vmem>>, vector<2000x128xf32>,
    return
  }
  func.func @transform_0(%arg0: i32) -> (i32, i32) {
    %c0_i32 = arith.constant 0 : i32
    %c0_i32_0 = arith.constant 0 : i32
    return %arg0, %c0_i32 : i32, i32
  }
  func.func @transform_1(%arg0: i32) -> (i32, i32) {
    %c0_i32 = arith.constant 0 : i32
    %c0_i32_0 = arith.constant 0 : i32
    %c0_i32_1 = arith.constant 0 : i32
    return %c0_i32, %c0_i32_0 : i32, i32
  }
  func.func @transform_2(%arg0: i32) -> (i32, i32) {
    %c0_i32 = arith.constant 0 : i32
    %c0_i32_0 = arith.constant 0 : i32
    %c0_i32_1 = arith.constant 0 : i32
    return %c0_i32, %c0_i32_0 : i32, i32
  }
  func.func @transform_3(%arg0: i32) -> (i32, i32) {
    %c0_i32 = arith.constant 0 : i32
    %c0_i32_0 = arith.constant 0 : i32
    return %arg0, %c0_i32 : i32, i32
  }
}

module attributes {stable_mosaic.version = 14 : i64} {
  func.func @_mm_last_body(%arg0: i32, %arg1: memref<2000x128xf32, #tpu.memory_space<vmem>>, %arg2: memref<2000x128xf32, #tpu.memory_space<vmem>>, %arg3: memref<2000x128xf32, #tpu.memory_space<vmem>>, %arg4: memref<2000x16xf32, #tpu.memory_space<vmem>>, %arg5: memref<128x64xf32, #tpu.memory_space<vmem>>, %arg6: memref<2000x64xf32, #tpu.memory_space<vmem>>) attributes {dimension_semantics = [#tpu.dimension_semantics<arbitrary>], iteration_bounds = array<i64: 5>, scalar_prefetch = 0 : i64, scratch_operands = 0 : i64, tpu.core_type = #tpu.core_type<tc>, window_params = [{transform_indices = @transform_0, window_bounds = array<i64: 2000, 128>}, {transform_indices = @transform_1, window_bounds = array<i64: 2000, 128>}, {transform_indices = @transform_2, window_bounds = array<i64: 2000, 128>}, {transform_indices = @transform_3, window_bounds = array<i64: 2000, 16>}, {pipeline_mode = #tpu.pipeline_mode<synchronous>, transform_indices = @transform_4, window_bounds = array<i64: 128, 64>}, {transform_indices = @transform_5, window_bounds = array<i64: 2000, 64>}]} {
    %get3A = arith.constant 0 : index
    %get3A_0 = arith.constant 0 : index
    %get3A_1 = vector.load %arg4[%get3A, %get3A_0] : memref<2000x16xf32, #tpu.memory_space<vmem>>, vector<2000x16xf32>
    %slice3A = vector.extract_strided_slice %get3A_1 {offsets = [0, 0], sizes = [2000, 1], strides = [1, 1]} : vector<2000x16xf32> to vector<2000x1xf32>
    %get3A_2 = arith.constant 0 : index
    %get3A_3 = arith.constant 0 : index
    %get3A_4 = vector.load %arg1[%get3A_2, %get3A_3] : memref<2000x128xf32, #tpu.memory_space<vmem>>, vector<2000x128xf32>
    %get3A_5 = arith.constant 0 : index
    %get3A_6 = arith.constant 0 : index
    %get3A_7 = vector.load %arg2[%get3A_5, %get3A_6] : memref<2000x128xf32, #tpu.memory_space<vmem>>, vector<2000x128xf32>
    %get3A_8 = arith.constant 0 : index
    %get3A_9 = arith.constant 0 : index
    %get3A_10 = vector.load %arg3[%get3A_8, %get3A_9] : memref<2000x128xf32, #tpu.memory_space<vmem>>, vector<2000x128xf32>
    %add3A = arith.addf %get3A_7, %get3A_10 : vector<2000x128xf32>
    %mul3A = vector.broadcast %slice3A : vector<2000x1xf32> to vector<2000x128xf32>
    %mul3A_11 = arith.mulf %add3A, %mul3A : vector<2000x128xf32>
    %add3A_12 = arith.addf %get3A_4, %mul3A_11 : vector<2000x128xf32>
    %max3A = arith.constant 0.000000e+00 : f32
    %max3A_13 = vector.broadcast %max3A : f32 to vector<2000x128xf32>
    %max3A_14 = arith.maximumf %add3A_12, %max3A_13 : vector<2000x128xf32>
    %get3A_15 = arith.constant 0 : index
    %get3A_16 = arith.constant 0 : index
    %get3A_17 = vector.load %arg5[%get3A_15, %get3A_16] : memref<128x64xf32, #tpu.memory_space<vmem>>, vector<128x64xf32>
    %dot_general3A = arith.constant dense<0.000000e+00> : vector<2000x64xf32>
    %dot_general3A_18 = tpu.matmul %max3A_14, %get3A_17, %dot_general3A {dimension_numbers = #tpu.dot_dimension_numbers<[1], [0], [0], [1], [0, 0, 1, 1], [], []>, transpose_lhs_hint = false} : vector<2000x128xf32>, vector<128x64xf32>, vector<2000x64xf32> -> vector<2000x64xf32>
    %swap3A = arith.constant 0 : index
    %swap3A_19 = arith.constant 0 : index
    %swap3A_20 = vector.load %arg6[%swap3A, %swap3A_19] : memref<2000x64xf32, #tpu.memory_space<vmem>>, vector<2000x64xf32>
    tpu.vector_store %arg6[%swap3A, %swap3A_19], %dot_general3A_18 {strides = array<i32>} : memref<2000x64xf32, #tpu.memory_space<vmem>>, vector<2000x64xf32>,
    return
  }
  func.func @transform_0(%arg0: i32) -> (i32, i32) {
    %c0_i32 = arith.constant 0 : i32
    %c0_i32_0 = arith.constant 0 : i32
    return %arg0, %c0_i32 : i32, i32
  }
  func.func @transform_1(%arg0: i32) -> (i32, i32) {
    %add3A = arith.constant 0 : i32
    %add3A_0 = arith.addi %add3A, %arg0 : i32
    %c0_i32 = arith.constant 0 : i32
    %c0_i32_1 = arith.constant 0 : i32
    return %add3A_0, %c0_i32 : i32, i32
  }
  func.func @transform_2(%arg0: i32) -> (i32, i32) {
    %add3A = arith.constant 5 : i32
    %add3A_0 = arith.addi %add3A, %arg0 : i32
    %c0_i32 = arith.constant 0 : i32
    %c0_i32_1 = arith.constant 0 : i32
    return %add3A_0, %c0_i32 : i32, i32
  }
  func.func @transform_3(%arg0: i32) -> (i32, i32) {
    %c0_i32 = arith.constant 0 : i32
    %c0_i32_0 = arith.constant 0 : i32
    return %arg0, %c0_i32 : i32, i32
  }
  func.func @transform_4(%arg0: i32) -> (i32, i32) {
    %c0_i32 = arith.constant 0 : i32
    %c0_i32_0 = arith.constant 0 : i32
    %c0_i32_1 = arith.constant 0 : i32
    return %c0_i32, %c0_i32_0 : i32, i32
  }
  func.func @transform_5(%arg0: i32) -> (i32, i32) {
    %c0_i32 = arith.constant 0 : i32
    %c0_i32_0 = arith.constant 0 : i32
    return %arg0, %c0_i32 : i32, i32
  }
}

module attributes {stable_mosaic.version = 14 : i64} {
  func.func @_mm_mid_s_body(%arg0: i32, %arg1: memref<2000x128xf32, #tpu.memory_space<vmem>>, %arg2: memref<2000x128xf32, #tpu.memory_space<vmem>>, %arg3: memref<2000x128xf32, #tpu.memory_space<vmem>>, %arg4: memref<2000x128xf32, #tpu.memory_space<vmem>>, %arg5: memref<128x128xf32, #tpu.memory_space<vmem>>, %arg6: memref<1x128xf32, #tpu.memory_space<vmem>>, %arg7: memref<2000x128xf32, #tpu.memory_space<vmem>>) attributes {dimension_semantics = [#tpu.dimension_semantics<arbitrary>], iteration_bounds = array<i64: 5>, scalar_prefetch = 0 : i64, scratch_operands = 0 : i64, tpu.core_type = #tpu.core_type<tc>, window_params = [{transform_indices = @transform_0, window_bounds = array<i64: 2000, 128>}, {transform_indices = @transform_1, window_bounds = array<i64: 2000, 128>}, {transform_indices = @transform_2, window_bounds = array<i64: 2000, 128>}, {transform_indices = @transform_3, window_bounds = array<i64: 2000, 128>}, {pipeline_mode = #tpu.pipeline_mode<synchronous>, transform_indices = @transform_4, window_bounds = array<i64: 128, 128>}, {pipeline_mode = #tpu.pipeline_mode<synchronous>, transform_indices = @transform_5, window_bounds = array<i64: 1, 128>}, {transform_indices = @transform_6, window_bounds = array<i64: 2000, 128>}]} {
    %get3A = arith.constant 0 : index
    %get3A_0 = arith.constant 0 : index
    %get3A_1 = vector.load %arg4[%get3A, %get3A_0] : memref<2000x128xf32, #tpu.memory_space<vmem>>, vector<2000x128xf32>
    %slice3A = vector.extract_strided_slice %get3A_1 {offsets = [0, 0], sizes = [2000, 1], strides = [1, 1]} : vector<2000x128xf32> to vector<2000x1xf32>
    %get3A_2 = arith.constant 0 : index
    %get3A_3 = arith.constant 0 : index
    %get3A_4 = vector.load %arg4[%get3A_2, %get3A_3] : memref<2000x128xf32, #tpu.memory_space<vmem>>, vector<2000x128xf32>
    %slice3A_5 = vector.extract_strided_slice %get3A_4 {offsets = [0, 16], sizes = [2000, 1], strides = [1, 1]} : vector<2000x128xf32> to vector<2000x1xf32>
    %add3A = arith.addf %slice3A, %slice3A_5 : vector<2000x1xf32>
    %max3A = arith.constant 1.000000e+00 : f32
    %max3A_6 = vector.broadcast %max3A : f32 to vector<2000x1xf32>
    %max3A_7 = arith.maximumf %add3A, %max3A_6 : vector<2000x1xf32>
    %div3A = arith.constant 1.000000e+00 : f32
    %div3A_8 = vector.broadcast %div3A : f32 to vector<2000x1xf32>
    %div3A_9 = arith.divf %div3A_8, %max3A_7 : vector<2000x1xf32>
    %get3A_10 = arith.constant 0 : index
    %get3A_11 = arith.constant 0 : index
    %get3A_12 = vector.load %arg1[%get3A_10, %get3A_11] : memref<2000x128xf32, #tpu.memory_space<vmem>>, vector<2000x128xf32>
    %get3A_13 = arith.constant 0 : index
    %get3A_14 = arith.constant 0 : index
    %get3A_15 = vector.load %arg2[%get3A_13, %get3A_14] : memref<2000x128xf32, #tpu.memory_space<vmem>>, vector<2000x128xf32>
    %get3A_16 = arith.constant 0 : index
    %get3A_17 = arith.constant 0 : index
    %get3A_18 = vector.load %arg3[%get3A_16, %get3A_17] : memref<2000x128xf32, #tpu.memory_space<vmem>>, vector<2000x128xf32>
    %add3A_19 = arith.addf %get3A_15, %get3A_18 : vector<2000x128xf32>
    %mul3A = vector.broadcast %div3A_9 : vector<2000x1xf32> to vector<2000x128xf32>
    %mul3A_20 = arith.mulf %add3A_19, %mul3A : vector<2000x128xf32>
    %add3A_21 = arith.addf %get3A_12, %mul3A_20 : vector<2000x128xf32>
    %max3A_22 = arith.constant 0.000000e+00 : f32
    %max3A_23 = vector.broadcast %max3A_22 : f32 to vector<2000x128xf32>
    %max3A_24 = arith.maximumf %add3A_21, %max3A_23 : vector<2000x128xf32>
    %get3A_25 = arith.constant 0 : index
    %get3A_26 = arith.constant 0 : index
    %get3A_27 = vector.load %arg5[%get3A_25, %get3A_26] : memref<128x128xf32, #tpu.memory_space<vmem>>, vector<128x128xf32>
    %dot_general3A = arith.constant dense<0.000000e+00> : vector<2000x128xf32>
    %dot_general3A_28 = tpu.matmul %max3A_24, %get3A_27, %dot_general3A {dimension_numbers = #tpu.dot_dimension_numbers<[1], [0], [0], [1], [0, 0, 1, 1], [], []>, transpose_lhs_hint = false} : vector<2000x128xf32>, vector<128x128xf32>, vector<2000x128xf32> -> vector<2000x128xf32>
    %get3A_29 = arith.constant 0 : index
    %get3A_30 = arith.constant 0 : index
    %get3A_31 = vector.load %arg6[%get3A_29, %get3A_30] : memref<1x128xf32, #tpu.memory_space<vmem>>, vector<1x128xf32>
    %add3A_32 = vector.broadcast %get3A_31 : vector<1x128xf32> to vector<2000x128xf32>
    %add3A_33 = arith.addf %dot_general3A_28, %add3A_32 : vector<2000x128xf32>
    %swap3A = arith.constant 0 : index
    %swap3A_34 = arith.constant 0 : index
    %swap3A_35 = vector.load %arg7[%swap3A, %swap3A_34] : memref<2000x128xf32, #tpu.memory_space<vmem>>, vector<2000x128xf32>
    tpu.vector_store %arg7[%swap3A, %swap3A_34], %add3A_33 {strides = array<i32>} : memref<2000x128xf32, #tpu.memory_space<vmem>>, vector<2000x128xf32>,
    return
  }
  func.func @transform_0(%arg0: i32) -> (i32, i32) {
    %c0_i32 = arith.constant 0 : i32
    %c0_i32_0 = arith.constant 0 : i32
    return %arg0, %c0_i32 : i32, i32
  }
  func.func @transform_1(%arg0: i32) -> (i32, i32) {
    %add3A = arith.constant 0 : i32
    %add3A_0 = arith.addi %add3A, %arg0 : i32
    %c0_i32 = arith.constant 0 : i32
    %c0_i32_1 = arith.constant 0 : i32
    return %add3A_0, %c0_i32 : i32, i32
  }
  func.func @transform_2(%arg0: i32) -> (i32, i32) {
    %add3A = arith.constant 5 : i32
    %add3A_0 = arith.addi %add3A, %arg0 : i32
    %c0_i32 = arith.constant 0 : i32
    %c0_i32_1 = arith.constant 0 : i32
    return %add3A_0, %c0_i32 : i32, i32
  }
  func.func @transform_3(%arg0: i32) -> (i32, i32) {
    %c0_i32 = arith.constant 0 : i32
    %c0_i32_0 = arith.constant 0 : i32
    return %arg0, %c0_i32 : i32, i32
  }
  func.func @transform_4(%arg0: i32) -> (i32, i32) {
    %c0_i32 = arith.constant 0 : i32
    %c0_i32_0 = arith.constant 0 : i32
    %c0_i32_1 = arith.constant 0 : i32
    return %c0_i32, %c0_i32_0 : i32, i32
  }
  func.func @transform_5(%arg0: i32) -> (i32, i32) {
    %c0_i32 = arith.constant 0 : i32
    %c0_i32_0 = arith.constant 0 : i32
    %c0_i32_1 = arith.constant 0 : i32
    return %c0_i32, %c0_i32_0 : i32, i32
  }
  func.func @transform_6(%arg0: i32) -> (i32, i32) {
    %c0_i32 = arith.constant 0 : i32
    %c0_i32_0 = arith.constant 0 : i32
    return %arg0, %c0_i32 : i32, i32
  }
}

module attributes {stable_mosaic.version = 14 : i64} {
  func.func @_mm_last_s_body(%arg0: i32, %arg1: memref<2000x128xf32, #tpu.memory_space<vmem>>, %arg2: memref<2000x128xf32, #tpu.memory_space<vmem>>, %arg3: memref<2000x128xf32, #tpu.memory_space<vmem>>, %arg4: memref<2000x16xf32, #tpu.memory_space<vmem>>, %arg5: memref<128x40xf32, #tpu.memory_space<vmem>>, %arg6: memref<1x40xf32, #tpu.memory_space<vmem>>, %arg7: memref<2000x40xf32, #tpu.memory_space<vmem>>) attributes {dimension_semantics = [#tpu.dimension_semantics<arbitrary>], iteration_bounds = array<i64: 5>, scalar_prefetch = 0 : i64, scratch_operands = 0 : i64, tpu.core_type = #tpu.core_type<tc>, window_params = [{transform_indices = @transform_0, window_bounds = array<i64: 2000, 128>}, {transform_indices = @transform_1, window_bounds = array<i64: 2000, 128>}, {transform_indices = @transform_2, window_bounds = array<i64: 2000, 128>}, {transform_indices = @transform_3, window_bounds = array<i64: 2000, 16>}, {pipeline_mode = #tpu.pipeline_mode<synchronous>, transform_indices = @transform_4, window_bounds = array<i64: 128, 40>}, {pipeline_mode = #tpu.pipeline_mode<synchronous>, transform_indices = @transform_5, window_bounds = array<i64: 1, 40>}, {transform_indices = @transform_6, window_bounds = array<i64: 2000, 40>}]} {
    %get3A = arith.constant 0 : index
    %get3A_0 = arith.constant 0 : index
    %get3A_1 = vector.load %arg4[%get3A, %get3A_0] : memref<2000x16xf32, #tpu.memory_space<vmem>>, vector<2000x16xf32>
    %slice3A = vector.extract_strided_slice %get3A_1 {offsets = [0, 0], sizes = [2000, 1], strides = [1, 1]} : vector<2000x16xf32> to vector<2000x1xf32>
    %get3A_2 = arith.constant 0 : index
    %get3A_3 = arith.constant 0 : index
    %get3A_4 = vector.load %arg1[%get3A_2, %get3A_3] : memref<2000x128xf32, #tpu.memory_space<vmem>>, vector<2000x128xf32>
    %get3A_5 = arith.constant 0 : index
    %get3A_6 = arith.constant 0 : index
    %get3A_7 = vector.load %arg2[%get3A_5, %get3A_6] : memref<2000x128xf32, #tpu.memory_space<vmem>>, vector<2000x128xf32>
    %get3A_8 = arith.constant 0 : index
    %get3A_9 = arith.constant 0 : index
    %get3A_10 = vector.load %arg3[%get3A_8, %get3A_9] : memref<2000x128xf32, #tpu.memory_space<vmem>>, vector<2000x128xf32>
    %add3A = arith.addf %get3A_7, %get3A_10 : vector<2000x128xf32>
    %mul3A = vector.broadcast %slice3A : vector<2000x1xf32> to vector<2000x128xf32>
    %mul3A_11 = arith.mulf %add3A, %mul3A : vector<2000x128xf32>
    %add3A_12 = arith.addf %get3A_4, %mul3A_11 : vector<2000x128xf32>
    %max3A = arith.constant 0.000000e+00 : f32
    %max3A_13 = vector.broadcast %max3A : f32 to vector<2000x128xf32>
    %max3A_14 = arith.maximumf %add3A_12, %max3A_13 : vector<2000x128xf32>
    %get3A_15 = arith.constant 0 : index
    %get3A_16 = arith.constant 0 : index
    %get3A_17 = vector.load %arg5[%get3A_15, %get3A_16] : memref<128x40xf32, #tpu.memory_space<vmem>>, vector<128x40xf32>
    %dot_general3A = arith.constant dense<0.000000e+00> : vector<2000x40xf32>
    %dot_general3A_18 = tpu.matmul %max3A_14, %get3A_17, %dot_general3A {dimension_numbers = #tpu.dot_dimension_numbers<[1], [0], [0], [1], [0, 0, 1, 1], [], []>, transpose_lhs_hint = false} : vector<2000x128xf32>, vector<128x40xf32>, vector<2000x40xf32> -> vector<2000x40xf32>
    %get3A_19 = arith.constant 0 : index
    %get3A_20 = arith.constant 0 : index
    %get3A_21 = vector.load %arg6[%get3A_19, %get3A_20] : memref<1x40xf32, #tpu.memory_space<vmem>>, vector<1x40xf32>
    %add3A_22 = vector.broadcast %get3A_21 : vector<1x40xf32> to vector<2000x40xf32>
    %add3A_23 = arith.addf %dot_general3A_18, %add3A_22 : vector<2000x40xf32>
    %swap3A = arith.constant 0 : index
    %swap3A_24 = arith.constant 0 : index
    %swap3A_25 = vector.load %arg7[%swap3A, %swap3A_24] : memref<2000x40xf32, #tpu.memory_space<vmem>>, vector<2000x40xf32>
    tpu.vector_store %arg7[%swap3A, %swap3A_24], %add3A_23 {strides = array<i32>} : memref<2000x40xf32, #tpu.memory_space<vmem>>, vector<2000x40xf32>,
    return
  }
  func.func @transform_0(%arg0: i32) -> (i32, i32) {
    %c0_i32 = arith.constant 0 : i32
    %c0_i32_0 = arith.constant 0 : i32
    return %arg0, %c0_i32 : i32, i32
  }
  func.func @transform_1(%arg0: i32) -> (i32, i32) {
    %add3A = arith.constant 0 : i32
    %add3A_0 = arith.addi %add3A, %arg0 : i32
    %c0_i32 = arith.constant 0 : i32
    %c0_i32_1 = arith.constant 0 : i32
    return %add3A_0, %c0_i32 : i32, i32
  }
  func.func @transform_2(%arg0: i32) -> (i32, i32) {
    %add3A = arith.constant 5 : i32
    %add3A_0 = arith.addi %add3A, %arg0 : i32
    %c0_i32 = arith.constant 0 : i32
    %c0_i32_1 = arith.constant 0 : i32
    return %add3A_0, %c0_i32 : i32, i32
  }
  func.func @transform_3(%arg0: i32) -> (i32, i32) {
    %c0_i32 = arith.constant 0 : i32
    %c0_i32_0 = arith.constant 0 : i32
    return %arg0, %c0_i32 : i32, i32
  }
  func.func @transform_4(%arg0: i32) -> (i32, i32) {
    %c0_i32 = arith.constant 0 : i32
    %c0_i32_0 = arith.constant 0 : i32
    %c0_i32_1 = arith.constant 0 : i32
    return %c0_i32, %c0_i32_0 : i32, i32
  }
  func.func @transform_5(%arg0: i32) -> (i32, i32) {
    %c0_i32 = arith.constant 0 : i32
    %c0_i32_0 = arith.constant 0 : i32
    %c0_i32_1 = arith.constant 0 : i32
    return %c0_i32, %c0_i32_0 : i32, i32
  }
  func.func @transform_6(%arg0: i32) -> (i32, i32) {
    %c0_i32 = arith.constant 0 : i32
    %c0_i32_0 = arith.constant 0 : i32
    return %arg0, %c0_i32 : i32, i32
  }
}

module attributes {stable_mosaic.version = 14 : i64} {
  func.func @_final_body(%arg0: i32, %arg1: memref<2000x40xf32, #tpu.memory_space<vmem>>, %arg2: memref<2000x128xf32, #tpu.memory_space<vmem>>, %arg3: memref<2000x16xf32, #tpu.memory_space<vmem>>, %arg4: memref<2000x40xf32, #tpu.memory_space<vmem>>) attributes {dimension_semantics = [#tpu.dimension_semantics<arbitrary>], iteration_bounds = array<i64: 5>, scalar_prefetch = 0 : i64, scratch_operands = 0 : i64, tpu.core_type = #tpu.core_type<tc>, window_params = [{transform_indices = @transform_0, window_bounds = array<i64: 2000, 40>}, {transform_indices = @transform_1, window_bounds = array<i64: 2000, 128>}, {transform_indices = @transform_2, window_bounds = array<i64: 2000, 16>}, {transform_indices = @transform_3, window_bounds = array<i64: 2000, 40>}]} {
    %get3A = arith.constant 0 : index
    %get3A_0 = arith.constant 0 : index
    %get3A_1 = vector.load %arg2[%get3A, %get3A_0] : memref<2000x128xf32, #tpu.memory_space<vmem>>, vector<2000x128xf32>
    %slice3A = vector.extract_strided_slice %get3A_1 {offsets = [0, 0], sizes = [2000, 40], strides = [1, 1]} : vector<2000x128xf32> to vector<2000x40xf32>
    %slice3A_2 = vector.extract_strided_slice %get3A_1 {offsets = [0, 64], sizes = [2000, 40], strides = [1, 1]} : vector<2000x128xf32> to vector<2000x40xf32>
    %add3A = arith.addf %slice3A, %slice3A_2 : vector<2000x40xf32>
    %get3A_3 = arith.constant 0 : index
    %get3A_4 = arith.constant 0 : index
    %get3A_5 = vector.load %arg1[%get3A_3, %get3A_4] : memref<2000x40xf32, #tpu.memory_space<vmem>>, vector<2000x40xf32>
    %get3A_6 = arith.constant 0 : index
    %get3A_7 = arith.constant 0 : index
    %get3A_8 = vector.load %arg3[%get3A_6, %get3A_7] : memref<2000x16xf32, #tpu.memory_space<vmem>>, vector<2000x16xf32>
    %slice3A_9 = vector.extract_strided_slice %get3A_8 {offsets = [0, 0], sizes = [2000, 1], strides = [1, 1]} : vector<2000x16xf32> to vector<2000x1xf32>
    %mul3A = vector.broadcast %slice3A_9 : vector<2000x1xf32> to vector<2000x40xf32>
    %mul3A_10 = arith.mulf %add3A, %mul3A : vector<2000x40xf32>
    %add3A_11 = arith.addf %get3A_5, %mul3A_10 : vector<2000x40xf32>
    %swap3A = arith.constant 0 : index
    %swap3A_12 = arith.constant 0 : index
    %swap3A_13 = vector.load %arg4[%swap3A, %swap3A_12] : memref<2000x40xf32, #tpu.memory_space<vmem>>, vector<2000x40xf32>
    tpu.vector_store %arg4[%swap3A, %swap3A_12], %add3A_11 {strides = array<i32>} : memref<2000x40xf32, #tpu.memory_space<vmem>>, vector<2000x40xf32>,
    return
  }
  func.func @transform_0(%arg0: i32) -> (i32, i32) {
    %c0_i32 = arith.constant 0 : i32
    %c0_i32_0 = arith.constant 0 : i32
    return %arg0, %c0_i32 : i32, i32
  }
  func.func @transform_1(%arg0: i32) -> (i32, i32) {
    %c0_i32 = arith.constant 0 : i32
    %c0_i32_0 = arith.constant 0 : i32
    return %arg0, %c0_i32 : i32, i32
  }
  func.func @transform_2(%arg0: i32) -> (i32, i32) {
    %c0_i32 = arith.constant 0 : i32
    %c0_i32_0 = arith.constant 0 : i32
    return %arg0, %c0_i32 : i32, i32
  }
  func.func @transform_3(%arg0: i32) -> (i32, i32) {
    %c0_i32 = arith.constant 0 : i32
    %c0_i32_0 = arith.constant 0 : i32
    return %arg0, %c0_i32 : i32, i32
  }
}

</mosaic_0001>

<sc_bundles>
// kernel: kernel.13.cloned.1.call-start
scs
__scs_entry_jumppad:
0x0: {  	(pc) =	sbr.rel $0x88, $3  }
0x1: {  	(tag) =	ssettag $0x0;
	lr =	simm.s32 $0x1  }
0x2: {  	[smem:$0x3F96] =	sst lr;
	_ =	strace $0xD0000000  }
0x3: {  	_ = 	snop  }
0x4: {  	_ = 	snop  }
0x5: {  	_ = 	snop  }
0x6: {  	_ = 	snop  }
0x7: {  	_ = 	snop  }
__scs_overlays_trampoline_lowered:
0x8: {  	[smem:$0x3FA5] =	sst s0  }
0x9: {  	[smem:$0x3FA6] =	sst s1  }
0xa: {  	[smem:$0x3FA7] =	sst s2  }
0xb: {  	[smem:$0x3FA8] =	sst s3  }
0xc: {  	[smem:$0x3FA9] =	sst s4  }
0xd: {  	[smem:$0x3FAA] =	sst s5  }
0xe: {  	[smem:$0x3FAB] =	sst s6  }
0xf: {  	[smem:$0x3FAC] =	sst s7  }
0x10: {  	[smem:$0x3FAD] =	sst s8  }
0x11: {  	[smem:$0x3FAE] =	sst s9;
	s0 =	simm.s32 @!p0 $0x0  }
0x12: {  	s1 =	sld [smem:$0x3F94];
	s0 =	simm.s32 @p0 $0x1  }
0x13: {  	[smem:$0x3FAF] =	sst s0;
	s0 =	simm.s32 @!p1 $0x0  }
0x14: {  	s2 =	sld [smem:$0x3F93];
	s0 =	simm.s32 @p1 $0x1  }
0x15: {  	[smem:$0x3FB0] =	sst s0;
	s0 =	simm.s32 @!p2 $0x0  }
0x16: {  	s3 =	sld [smem:$0x3FDB];
	s0 =	simm.s32 @p2 $0x1  }
0x17: {  	s4 =	simm.s32 $0x1BF5;
	[smem:$0x3FB2] =	sst s0  }
0x18: {  	s0 =	sld [smem:$0x3F95];
	_ =	swait.ge [sflag:s4], $0x0  }
0x19: {  	s7 =	sld [smem:$0x3F96]  }
0x1a: {  	s8 =	sadd.s32 $0xFFFFE003, lr  }
0x1b: {  	s9 =	sadd.s32 $0xFFFFFEF7, lr;
	s5 =	simm.s32 $0xFFFFFFFF;
	p2 =	slt.u32 s8, $0xFFFFF086  }
0x1c: {  	p1 =	slt.u32 s9, $0xF7A;
	s5 =	simm.s32 @!p2 $0x0  }
0x1d: {  	s5 =	simm.s32 @p1 $0x1;
	p0 =	seq.s32 s7, s2  }
0x1e: {  	s7 =	smul.u32 @!p0 $0xF7A, s2;
	p2 =	seq.s32 @!p0 s5, $0x0  }
0x1f: {  	s9 =	smul.u32 $0xF7A, s1;
	s8 =	simm.s32 @!p0 $0x1BF5;
	p2 =	por !p2, p0  }
0x20: {  	[sflag:s8] =	ssyncset.s32 @!p0 $0xFFFFF086;
	s6 =	sadd.s32 @!p0 s3, s7;
	s7 =	simm.s32 @!p0 $0x108  }
0x21: {  	s3 =	sadd.s32 s3, s9;
	s6 =	sadd.s32 @!p0 $0x88, s6;
	s7 =	simm.s32 @p2 $0x1082  }
0x22: {  	[simem:s7], [sflag:s8] =	dma.local @!p0 [hbm:s6], $0xF7A  }
0x23: {  	s9 =	sor.u32 $0xD0000000, s2;
	s6 =	simm.s32 $0x108;
	_ =	swait.ge @!p0 [sflag:s8], $0x0  }
0x24: {  	s3 =	sadd.s32 $0x88, s3;
	s6 =	simm.s32 @!p1 $0x1082;
	[sflag:s4] =	ssyncset.s32 $0xFFFFF086  }
0x25: {  	[simem:s6], [sflag:s4] =	dma.local [hbm:s3], $0xF7A  }
0x26: {  	[smem:$0x3F96] =	sst s1;
	(tag) =	ssettag s2;
	_ =	strace s9  }
0x27: {  	s1 =	sld [smem:$0x3FA6]  }
0x28: {  	s2 =	sld [smem:$0x3FA7]  }
0x29: {  	s4 =	sld [smem:$0x3FA9]  }
0x2a: {  	p0 =	seq.s32 s5, $0x0;
	s5 =	sld [smem:$0x3FAA]  }
0x2b: {  	s6 =	sld [smem:$0x3FAB]  }
0x2c: {  	s7 =	sld [smem:$0x3FAC]  }
0x2d: {  	s3 =	simm.s32 $0x108;
	s8 =	sld [smem:$0x3FAD]  }
0x2e: {  	s3 =	simm.s32 @!p0 $0x1082;
	s9 =	sld [smem:$0x3FAE]  }
0x2f: {  	lr =	sadd.s32 s0, s3;
	s0 =	sld [smem:$0x3FA5]  }
0x30: {  	s3 =	sld [smem:$0x3FA8]  }
0x31: {  	[smem:$0x3FB1] =	sst s10  }
0x32: {  	s10 =	sld [smem:$0x3FAF];
	_ =	sdelay $0x3  }
0x33: {  	p0 =	seq.s32 s10, $0x1;
	s10 =	sld [smem:$0x3FB1];
	_ =	sdelay $0x3  }
0x34: {  	[smem:$0x3FB1] =	sst s10  }
0x35: {  	s10 =	sld [smem:$0x3FB0];
	_ =	sdelay $0x3  }
0x36: {  	p1 =	seq.s32 s10, $0x1;
	s10 =	sld [smem:$0x3FB1];
	_ =	sdelay $0x3  }
0x37: {  	[smem:$0x3FB1] =	sst s10  }
0x38: {  	s10 =	sld [smem:$0x3FB2]  }
0x39: {  	_ = 	snop;
	(pc) =	sbr.ind lr, $3  }
0x3a: {  	_ = 	snop  }
0x3b: {  	_ = 	snop  }
0x3c: {  	p2 =	seq.s32 s10, $0x1;
	s10 =	sld [smem:$0x3FB1]  }
0x3d: {  	_ =	shalt  }
0x3e: {  	_ =	shalt  }
0x3f: {  	_ =	shalt  }
0x40: {  	_ =	shalt  }
0x41: {  	_ =	shalt  }
0x42: {  	_ =	shalt  }
0x43: {  	_ =	shalt  }
0x44: {  	_ =	shalt  }
0x45: {  	_ =	shalt  }
0x46: {  	_ =	shalt  }
0x47: {  	_ =	shalt  }
0x48: {  	_ =	shalt  }
0x49: {  	_ =	shalt  }
0x4a: {  	_ =	shalt  }
0x4b: {  	_ =	shalt  }
0x4c: {  	_ =	shalt  }
0x4d: {  	_ =	shalt  }
0x4e: {  	_ =	shalt  }
0x4f: {  	_ =	shalt  }
0x50: {  	_ =	shalt  }
0x51: {  	_ =	shalt  }
0x52: {  	_ =	shalt  }
0x53: {  	_ =	shalt  }
0x54: {  	_ =	shalt  }
0x55: {  	_ =	shalt  }
0x56: {  	_ =	shalt  }
0x57: {  	_ =	shalt  }
0x58: {  	_ =	shalt  }
0x59: {  	_ =	shalt  }
0x5a: {  	_ =	shalt  }
0x5b: {  	_ =	shalt  }
0x5c: {  	_ =	shalt  }
0x5d: {  	_ =	shalt  }
0x5e: {  	_ =	shalt  }
0x5f: {  	_ =	shalt  }
0x60: {  	_ =	shalt  }
0x61: {  	_ =	shalt  }
0x62: {  	_ =	shalt  }
0x63: {  	_ =	shalt  }
0x64: {  	_ =	shalt  }
0x65: {  	_ =	shalt  }
0x66: {  	_ =	shalt  }
0x67: {  	_ =	shalt  }
0x68: {  	_ =	shalt  }
0x69: {  	_ =	shalt  }
0x6a: {  	_ =	shalt  }
0x6b: {  	_ =	shalt  }
0x6c: {  	_ =	shalt  }
0x6d: {  	_ =	shalt  }
0x6e: {  	_ =	shalt  }
0x6f: {  	_ =	shalt  }
0x70: {  	_ =	shalt  }
0x71: {  	_ =	shalt  }
0x72: {  	_ =	shalt  }
0x73: {  	_ =	shalt  }
0x74: {  	_ =	shalt  }
0x75: {  	_ =	shalt  }
0x76: {  	_ =	shalt  }
0x77: {  	_ =	shalt  }
0x78: {  	_ =	shalt  }
0x79: {  	_ =	shalt  }
0x7a: {  	_ =	shalt  }
0x7b: {  	_ =	shalt  }
0x7c: {  	_ =	shalt  }
0x7d: {  	_ =	shalt  }
0x7e: {  	_ =	shalt  }
0x7f: {  	_ =	shalt  }
0x80: {  	_ =	shalt  }
0x81: {  	_ =	shalt  }
0x82: {  	_ =	shalt  }
0x83: {  	_ =	shalt  }
0x84: {  	_ =	shalt  }
0x85: {  	_ =	shalt  }
0x86: {  	_ =	shalt  }
0x87: {  	_ =	shalt  }
.Lfunc_end0:
.L_simem_size_0:
called_computation_lowered:
.L_overlay_start_0:
0x88: {  	s2 =	sld [smem:$0x3FD9]  }
0x89: {  	s3 =	sld [smem:$0x3FFE];
	_ =	sdelay $0x1  }
0x8a: {  	s1 =	srdreg.scid  }
0x8b: {  	s0 =	sand.u32 $0x1, s1  }
0x8c: {  	s16 =	sshll.u32 s0, $0xA;
	s2 =	sadd.s32 s3, s2  }
0x8d: {  	s2 =	sadd.s32 s2, s16  }
0x8e: {  	[smem:$0x3FBD] =	sst s2  }
0x8f: {  	_ = 	snop  }
0x90: {  	(tm) =	ssettm $0x1  }
0x91: {  	s17 =	sld [smem:$0x3FFB];
	_ =	sdelay $0x3  }
0x92: {  	_ =	strace s17  }
0x93: {  	s2 =	sld [smem:$0x3FFC];
	_ =	sdelay $0x3  }
0x94: {  	_ =	strace s2  }
0x95: {  	s2 =	sld [smem:$0x3FFD];
	_ =	sdelay $0x3  }
0x96: {  	_ =	strace s2  }
0x97: {  	_ =	strace $0x8FFFFFFF  }
0x98: {  	s18 =	sld [smem:$0x3FDB];
	_ =	sdelay $0x1  }
0x99: {  	s19 =	simm.s32 $_scs_section_size  }
0x9a: {  	s4 =	simm.s32 $_size__tile_overlayer_lowered;
	s5 =	simm.s32 $_tile_overlayer_lowered  }
0x9b: {  	s22 =	simm.s32 $0x1BFF;
	s21 =	sshll.u32 s5, $0x1;
	s2 =	sadd.s32 s19, s18  }
0x9c: {  	s6 =	simm.s32 $0x0;
	s20 =	sshll.u32 s4, $0x1;
	s4 =	sadd.s32 s21, s2  }
0x9d: {  	[timem:s6], [sflag:s22] =	dma.local [hbm:s4], s20  }
0x9e: {  	_ =	swait.ge [sflag:s22], s20  }
0x9f: {  	s3 =	ssub.s32 $0x0, s20;
	[sflag:s22] =	ssyncset.done $0x0  }
0xa0: {  	[sflag:s22] =	ssyncadd.s32 s3;
	_ =	sdelay $0x1  }
0xa1: {  	s23 =	simm.s32 $0x1B8B  }
0xa2: {  	_ =	swait.ge [sflag:s23], $0x1  }
0xa3: {  	[sflag:s23] =	ssyncset.done $0x0  }
0xa4: {  	s25 =	simm.s32 $0x1B8E;
	s24 =	sld [smem:$0x3FFE];
	[sflag:s23] =	ssyncadd.s32 $0xFFFFFFFF  }
0xa5: {  	s26 =	simm.s32 $execute0_lowered;
	[smem:$0x3FD2] =	sst s25  }
0xa6: {  	s4 =	sshll.u32 s26, $0x1;
	_ =	strace $0x80000046;
	[dreg:$0x1] =	wrdreg $0xFFFFFFFF  }
0xa7: {  	s28 =	simm.s32 $_size_execute0_lowered;
	s2 =	sadd.s32 s2, s4;
	[dreg:$0x0] =	wrdreg $0x0  }
0xa8: {  	s4 =	sshll.u32 s28, $0x1;
	[dreg:$0x2] =	wrdreg s2  }
0xa9: {  	[dreg:$0x3] =	wrdreg s4  }
0xaa: {  	[dreg:$0x4] =	wrdreg $0xC0  }
0xab: {  	_ =	task [dreg:s6], $0x5FFFF  }
0xac: {  	[dreg:$0x1] =	wrdreg $0xFFFFFFFF  }
0xad: {  	[dreg:$0x0] =	wrdreg $0x60  }
0xae: {  	[dreg:$0x2] =	wrdreg s24  }
0xaf: {  	[dreg:$0x3] =	wrdreg $0x2DA00  }
0xb0: {  	[dreg:$0x4] =	wrdreg $0x9  }
0xb1: {  	_ =	task.clear_ibuf [dreg:s6], $0x5FFFF;
	_ =	strace $0x90000046  }
0xb2: {  	s29 =	simm.s32 $0x9;
	_ =	strace $0x80000048  }
0xb3: {  	_ =	swait.ge [sflag:s29], $0x1  }
0xb4: {  	[sflag:s29] =	ssyncadd.s32 $0xFFFFFFFF  }
0xb5: {  	_ =	strace $0x90000048  }
0xb6: {  	_ =	sfence  }
0xb7: {  	s30 =	sld [smem:$0x0];
	_ =	sdelay $0x2  }
0xb8: {  	s31 =	sshll.u32 s1, $0xD;
	s1 =	sshrl.u32 s1, $0x2  }
0xb9: {  	s3 =	sand.u32 $0x4000, s31;
	s1 =	sadd.s32 s1, s30  }
0xba: {  	s0 =	sor.u32 s3, s0;
	s1 =	sshll.u32 s1, $0x11  }
0xbb: {  	s0 =	sor.u32 s1, s0  }
0xbc: {  	s0 =	sadd.s32 $0x8F2B, s0  }
0xbd: {  	[sflag:s0] =	ssyncadd.remote.s32 $0x1  }
0xbe: {  	_ =	sfence.sel $0xFFFF  }
0xbf: {  	[dreg:$0x0] =	wrdreg $0xFFFFFFFF;
	(pc) =	sbr.abs _section_cstart, $3  }
0xc0: {  	[dreg:$0x1] =	wrdreg $0xFFFFFFFF  }
0xc1: {  	_ =	task.clear_ibuf [dreg:s6], $0x2FFFF;
	_ =	strace $0x9FFFFFFF  }
0xc2: {  	(tm) =	ssettm $0x7FFFFFFF  }
0xc3: {  	_ =	shalt  }
tec
execute0_lowered:
.L_overlay_start_1:
0x0: {  	(tag) =	ssettag $0x1  }
0x1: {  	s1 =	srdreg.scid;
	s4 =	rddreg [dreg:$0x0]  }
0x2: {  	s0 =	stileid.u32;
	s2 =	rddreg [dreg:$0x1]  }
0x3: {  	s3 =	simm.s32 $0x0;
	s10 =	simm.s32 $0x50;
	s11 =	simm.s32 $0x2710  }
0x4: {  	s12 =	simm.s32 $0x1;
	s15 =	simm.s32 $0x10;
	s16 =	simm.s32 $0x0  }
0x5: {  	s5 =	sand.u32 $0x1, s1;
	s7 =	smul.u32 $0x13880, s0;
	s1 =	rddreg [dreg:$0x2]  }
0x6: {  	[smem:$0x7FF] =	sst s3;
	s9 =	smul.u32 $0x9C40, s0;
	s13 =	sshll.u32 s0, $0x6  }
0x7: {  	s6 =	sshll.u32 s5, $0x4;
	_ =	strace $0x80000047;
	s5 =	ssub.s32 $0x2, s5  }
0x8: {  	s13 =	sor.u32 $0x1C02, s13;
	s8 =	sor.u32 s0, s6;
	s6 =	sor.u32 s6, s7  }
0x9: {  	s30 =	sshrl.u32 s5, $0x1;
	s29 =	smul.u32 $0x2710, s8;
	s6 =	sshrl.u32 s6, $0x3  }
0xa: {  	s31 =	sshrl.u32 s9, $0x2;
	s9 =	simm.s32 $0x2C10;
	s6 =	sadd.s32 s6, s4  }
0xb: {  	s8 =	ssub.s32 s5, s30;
	s7 =	sshrl.u32 s29, $0x3;
	s5 =	sadd.s32 $0x16E00, s6  }
0xc: {  	s6 =	sadd.s32 s31, s2;
	s4 =	sadd.s32 s4, s7;
	s7 =	smax.u32 s8, $0x1  }
0xd: {  	v0 =	vimm.f32 $1.000000000e+00;
	v1 =	vimm.f32 $0.0e+00;
	s8 =	simm.s32 $0x2;
	s14 =	sshrl.u32 s6, $0x3;
	s4 =	sadd.s32 $0xD040, s4  }
.LBB2_1:
0xe: {  	[tilespmem:s3], [sflag:$0x2] =	stream.linear.gather [hbm4b:s4+s3], $0x2710, $0x38;
	[tilespmem:$0x54B0] =	vst v63  }
0xf: {  	_ =	swait.ge [sflag:s8], $0x2710  }
0x10: {  	[sflag:s8] =	ssyncset.done $0x0  }
0x11: {  	s17 =	simm.s32 $0x40;
	s18 =	simm.s32 $0x0;
	[sflag:s8] =	ssyncadd.s32 $0xFFFFD8F0  }
.LBB2_2:
0x12: {  	p0 =	sne.s32 s17, $0x13C0;
	[tilespmem:s18+$0x2710] =	vst v0;
	s18 =	smov.u32 s17;
	s17 =	sadd.s32 $0x40, s17  }
.Ltmp0:
0x13: {  	(pc) =	sbr.rel @p0 .LBB2_2-.Ltmp0, $2  }
0x14: {  	_ =	sdelay $0x2  }
0x15: {  	s18 =	sshra.s32 s18, $0x2  }
0x16: {  	[tilespmem:s18+$0x2710] =	vst v0  }
0x17: {  	[tilespmem:$0x2C10] =	vst v1  }
0x18: {  	[tilespmem:$0x2C20] =	vst v1  }
0x19: {  	[tilespmem:$0x2C30] =	vst v1  }
0x1a: {  	[tilespmem:$0x2C40] =	vst v1  }
0x1b: {  	[tilespmem:$0x2C50] =	vst v1  }
0x1c: {  	[tilespmem:$0x2C60] =	vst v1  }
0x1d: {  	[tilespmem:$0x2C70] =	vst v1  }
0x1e: {  	[tilespmem:$0x2C80] =	vst v1  }
0x1f: {  	[tilespmem:$0x2C90] =	vst v1  }
0x20: {  	[tilespmem:$0x2CA0] =	vst v1  }
0x21: {  	[tilespmem:$0x2CB0] =	vst v1  }
0x22: {  	[tilespmem:$0x2CC0] =	vst v1  }
0x23: {  	[tilespmem:$0x2CD0] =	vst v1  }
0x24: {  	[tilespmem:$0x2CE0] =	vst v1  }
0x25: {  	[tilespmem:$0x2CF0] =	vst v1  }
0x26: {  	[tilespmem:$0x2D00] =	vst v1  }
0x27: {  	[tilespmem:$0x2D10] =	vst v1  }
0x28: {  	[tilespmem:$0x2D20] =	vst v1  }
0x29: {  	[tilespmem:$0x2D30] =	vst v1  }
0x2a: {  	[tilespmem:$0x2D40] =	vst v1  }
0x2b: {  	[tilespmem:$0x2D50] =	vst v1  }
0x2c: {  	[tilespmem:$0x2D60] =	vst v1  }
0x2d: {  	[tilespmem:$0x2D70] =	vst v1  }
0x2e: {  	[tilespmem:$0x2D80] =	vst v1  }
0x2f: {  	s17 =	sadd.s32 $0x0, s6;
	[tilespmem:$0x2D90] =	vst v1  }
0x30: {  	[spmem:s17] =	stream.linear.scatter [tilespmem:s9], [sflag:$0x2], $0x190, $0x38;
	[tilespmem:$0x54B0] =	vst v63  }
0x31: {  	s17 =	simm.s32 $0x640;
	_ =	swait.ge [sflag:s8], $0x190  }
.LBB2_4:
0x32: {  	s18 =	sshra.s32 s17, $0x2;
	[sflag:s8] =	ssyncset.done $0x0;
	p0 =	sne.s32 s17, $0x9600  }
.Ltmp1:
0x33: {  	s18 =	sadd.s32 s18, s6;
	[sflag:s8] =	ssyncadd.s32 $0xFFFFFE70;
	(pc) =	sbr.rel @p0 .LBB2_4-.Ltmp1, $3  }
0x34: {  	[spmem:s18] =	stream.linear.scatter [tilespmem:s9], [sflag:$0x2], $0x190, $0x38;
	[tilespmem:$0x54B0] =	vst v63  }
0x35: {  	s17 =	sadd.s32 $0x640, s17;
	_ =	sdelay $0x1  }
0x36: {  	_ =	swait.ge [sflag:s8], $0x190  }
0x37: {  	[sflag:s8] =	ssyncset.done $0x0  }
0x38: {  	[sflag:s8] =	ssyncadd.s32 $0xFFFFFE70  }
0x39: {  	s17 =	simm.s32 $0x0;
	[bflag:$0x0] =	sbarrier.arrive $0xFFFF  }
0x3a: {  	[spmem:s2] =	stream.indirect.scatter.add.f32 [tilespmem:s11], [sflag:$0x1], $0x10, s17, s10, $0xb8;
	[tilespmem:$0x54B0] =	vst v63  }
0x3b: {  	s28 =	simm.s32 $0x50  }
0x3c: {  	[spmem:s2] =	stream.indirect.scatter.add.f32 [tilespmem:s11], [sflag:$0x1], $0x10, s28, s10, $0xb8;
	[tilespmem:$0x54B0] =	vst v63  }
0x3d: {  	s29 =	simm.s32 $0xA0  }
0x3e: {  	[spmem:s2] =	stream.indirect.scatter.add.f32 [tilespmem:s11], [sflag:$0x1], $0x10, s29, s10, $0xb8;
	[tilespmem:$0x54B0] =	vst v63  }
0x3f: {  	s30 =	simm.s32 $0xF0  }
0x40: {  	[spmem:s2] =	stream.indirect.scatter.add.f32 [tilespmem:s11], [sflag:$0x1], $0x10, s30, s10, $0xb8;
	[tilespmem:$0x54B0] =	vst v63  }
0x41: {  	s31 =	simm.s32 $0x140  }
0x42: {  	[spmem:s2] =	stream.indirect.scatter.add.f32 [tilespmem:s11], [sflag:$0x1], $0x10, s31, s10, $0xb8;
	[tilespmem:$0x54B0] =	vst v63  }
0x43: {  	_ =	swait.ge [sflag:s12], $0x500  }
0x44: {  	[sflag:s12] =	ssyncset.done $0x0  }
0x45: {  	[sflag:s12] =	ssyncadd.s32 $0xFFFFFB00  }
0x46: {  	_ =	swait.ge [sflag:s12], $0x500  }
0x47: {  	[sflag:s12] =	ssyncset.done $0x0  }
0x48: {  	[sflag:s12] =	ssyncadd.s32 $0xFFFFFB00  }
0x49: {  	_ =	swait.ge [sflag:s12], $0x500  }
0x4a: {  	[sflag:s12] =	ssyncset.done $0x0  }
0x4b: {  	[sflag:s12] =	ssyncadd.s32 $0xFFFFFB00  }
0x4c: {  	_ =	swait.ge [sflag:s12], $0x500  }
0x4d: {  	[sflag:s12] =	ssyncset.done $0x0  }
0x4e: {  	[sflag:s12] =	ssyncadd.s32 $0xFFFFFB00  }
0x4f: {  	_ =	swait.ge [sflag:s12], $0x500  }
0x50: {  	s18 =	simm.s32 $0xC80;
	s17 =	simm.s32 $0x640;
	[sflag:s12] =	ssyncset.done $0x0  }
.LBB2_6:
0x51: {  	s19 =	sshra.s32 s17, $0x2  }
0x52: {  	[sflag:s12] =	ssyncadd.s32 $0xFFFFFB00;
	s17 =	smov.u32 s18;
	s20 =	sadd.s32 $0x640, s18  }
0x53: {  	[spmem:s2] =	stream.indirect.scatter.add.f32 [tilespmem:s11], [sflag:$0x1], $0x10, s19, s10, $0xb8;
	[tilespmem:$0x54B0] =	vst v63  }
0x54: {  	p0 =	sne.s32 s18, $0x9600;
	s18 =	sadd.s32 $0x50, s19  }
0x55: {  	[spmem:s2] =	stream.indirect.scatter.add.f32 [tilespmem:s11], [sflag:$0x1], $0x10, s18, s10, $0xb8;
	[tilespmem:$0x54B0] =	vst v63  }
0x56: {  	s18 =	sadd.s32 $0xA0, s19  }
0x57: {  	[spmem:s2] =	stream.indirect.scatter.add.f32 [tilespmem:s11], [sflag:$0x1], $0x10, s18, s10, $0xb8;
	[tilespmem:$0x54B0] =	vst v63  }
0x58: {  	s18 =	sadd.s32 $0xF0, s19  }
0x59: {  	[spmem:s2] =	stream.indirect.scatter.add.f32 [tilespmem:s11], [sflag:$0x1], $0x10, s18, s10, $0xb8;
	[tilespmem:$0x54B0] =	vst v63  }
0x5a: {  	s18 =	sadd.s32 $0x140, s19  }
0x5b: {  	[spmem:s2] =	stream.indirect.scatter.add.f32 [tilespmem:s11], [sflag:$0x1], $0x10, s18, s10, $0xb8;
	[tilespmem:$0x54B0] =	vst v63  }
0x5c: {  	_ =	swait.ge [sflag:s12], $0x500  }
0x5d: {  	[sflag:s12] =	ssyncset.done $0x0  }
0x5e: {  	[sflag:s12] =	ssyncadd.s32 $0xFFFFFB00  }
0x5f: {  	_ =	swait.ge [sflag:s12], $0x500  }
0x60: {  	[sflag:s12] =	ssyncset.done $0x0  }
0x61: {  	[sflag:s12] =	ssyncadd.s32 $0xFFFFFB00  }
0x62: {  	_ =	swait.ge [sflag:s12], $0x500  }
0x63: {  	[sflag:s12] =	ssyncset.done $0x0  }
0x64: {  	[sflag:s12] =	ssyncadd.s32 $0xFFFFFB00  }
.Ltmp2:
0x65: {  	_ =	swait.ge [sflag:s12], $0x500;
	(pc) =	sbr.rel @p0 .LBB2_6-.Ltmp2, $4  }
0x66: {  	[sflag:s12] =	ssyncset.done $0x0  }
0x67: {  	[sflag:s12] =	ssyncadd.s32 $0xFFFFFB00  }
0x68: {  	_ =	swait.ge [sflag:s12], $0x500  }
0x69: {  	s18 =	smov.u32 s20;
	[sflag:s12] =	ssyncset.done $0x0  }
0x6a: {  	s17 =	sshra.s32 s17, $0x2;
	[sflag:s12] =	ssyncadd.s32 $0xFFFFFB00  }
0x6b: {  	[spmem:s2] =	stream.indirect.scatter.add.f32 [tilespmem:s11], [sflag:$0x1], $0x10, s17, s10, $0xb8;
	[tilespmem:$0x54B0] =	vst v63  }
0x6c: {  	s18 =	sadd.s32 $0x50, s17  }
0x6d: {  	[spmem:s2] =	stream.indirect.scatter.add.f32 [tilespmem:s11], [sflag:$0x1], $0x10, s18, s10, $0xb8;
	[tilespmem:$0x54B0] =	vst v63  }
0x6e: {  	s30 =	sadd.s32 $0xA0, s17  }
0x6f: {  	[spmem:s2] =	stream.indirect.scatter.add.f32 [tilespmem:s11], [sflag:$0x1], $0x10, s30, s10, $0xb8;
	[tilespmem:$0x54B0] =	vst v63  }
0x70: {  	s31 =	sadd.s32 $0xF0, s17  }
0x71: {  	[spmem:s2] =	stream.indirect.scatter.add.f32 [tilespmem:s11], [sflag:$0x1], $0x10, s31, s10, $0xb8;
	[tilespmem:$0x54B0] =	vst v63  }
0x72: {  	s17 =	sadd.s32 $0x140, s17  }
0x73: {  	[spmem:s2] =	stream.indirect.scatter.add.f32 [tilespmem:s11], [sflag:$0x1], $0x10, s17, s10, $0xb8;
	[tilespmem:$0x54B0] =	vst v63  }
0x74: {  	_ =	swait.ge [sflag:s12], $0x500  }
0x75: {  	[sflag:s12] =	ssyncset.done $0x0  }
0x76: {  	[sflag:s12] =	ssyncadd.s32 $0xFFFFFB00  }
0x77: {  	_ =	swait.ge [sflag:s12], $0x500  }
0x78: {  	[sflag:s12] =	ssyncset.done $0x0  }
0x79: {  	[sflag:s12] =	ssyncadd.s32 $0xFFFFFB00  }
0x7a: {  	_ =	swait.ge [sflag:s12], $0x500  }
0x7b: {  	[sflag:s12] =	ssyncset.done $0x0  }
0x7c: {  	[sflag:s12] =	ssyncadd.s32 $0xFFFFFB00  }
0x7d: {  	_ =	swait.ge [sflag:s12], $0x500  }
0x7e: {  	[sflag:s12] =	ssyncset.done $0x0  }
0x7f: {  	[sflag:s12] =	ssyncadd.s32 $0xFFFFFB00  }
0x80: {  	_ =	swait.ge [sflag:s12], $0x500  }
0x81: {  	s16 =	sadd.s32 $0x1, s16;
	[sflag:s12] =	ssyncset.done $0x0  }
0x82: {  	p0 =	sne.s32 s16, s7;
	[sflag:s12] =	ssyncadd.s32 $0xFFFFFB00  }
.Ltmp3:
0x83: {  	[bflag:$0x0] =	sbarrier.arrive $0xFFFF;
	(pc) =	sbr.rel @p0 .LBB2_1-.Ltmp3, $4  }
0x84: {  	[hbm:s5@s15], [sflag:s13] =	dma.strided [spmem:s14@s8], $0x4E2, s12, $0x2   }
0x85: {  	_ =	swait.ge [sflag:s8], $0x4E2  }
0x86: {  	[sflag:s8] =	ssyncset.done $0x0  }
0x87: {  	[sflag:s8] =	ssyncadd.s32 $0xFFFFFB1E  }
0x88: {  	_ =	sfence.sel $0x180000  }
0x89: {  	[bflag:$0x0] =	sbarrier.arrive $0xFFFF  }
0x8a: {  	p0 =	sne.s32 s0, $0x0;
	_ =	strace $0x90000047  }
0x8b: {  	s0 =	sadd.s32 @!p0 $0x100000, s1;
	[bflag:$0x2] =	sbarrier.arrive $0xFFFF  }
0x8c: {  	[sflag:s0] =	ssyncadd.tile.s32 @!p0 $0x1;
	_ =	shalt  }
.Lfunc_end2:
_tile_overlayer_lowered:
.L_overlay_start_2:
0x8d: {  	(tag) =	ssettag $0x2  }
0x8e: {  	s0 =	rddreg [dreg:$0x0];
	s2 =	stileid.u32  }
0x8f: {  	s1 =	rddreg [dreg:$0x1];
	p0 =	sne.s32 s2, $0x0  }
0x90: {  	s3 =	rddreg [dreg:$0x2];
	[bflag:$0x3] =	sbarrier.arrive $0xFFFF;
	s2 =	simm.s32 @!p0 $0x1C02  }
0x91: {  	[timem:s3], [sflag:s2] =	dma.local @!p0 [hbm:s0], s1  }
0x92: {  	s0 =	simm.s32 @!p0 $0x2  }
0x93: {  	_ =	swait.ge @!p0 [sflag:s0], s1  }
0x94: {  	s1 =	ssub.s32 @!p0 $0x0, s1;
	[sflag:s0] =	ssyncset.done @!p0 $0x0  }
0x95: {  	[sflag:s0] =	ssyncadd.s32 @!p0 s1  }
0x96: {  	[bflag:$0x3] =	sbarrier.arrive $0xFFFF  }
0x97: {  	_ =	shalt  }

// kernel: kernel.16.cloned.1.call-start
scs
__scs_entry_jumppad:
0x0: {  	(pc) =	sbr.rel $0x88, $3  }
0x1: {  	(tag) =	ssettag $0x0;
	lr =	simm.s32 $0x1  }
0x2: {  	[smem:$0x3F96] =	sst lr;
	_ =	strace $0xD0000000  }
0x3: {  	_ = 	snop  }
0x4: {  	_ = 	snop  }
0x5: {  	_ = 	snop  }
0x6: {  	_ = 	snop  }
0x7: {  	_ = 	snop  }
__scs_overlays_trampoline_lowered:
0x8: {  	[smem:$0x3FA5] =	sst s0  }
0x9: {  	[smem:$0x3FA6] =	sst s1  }
0xa: {  	[smem:$0x3FA7] =	sst s2  }
0xb: {  	[smem:$0x3FA8] =	sst s3  }
0xc: {  	[smem:$0x3FA9] =	sst s4  }
0xd: {  	[smem:$0x3FAA] =	sst s5  }
0xe: {  	[smem:$0x3FAB] =	sst s6  }
0xf: {  	[smem:$0x3FAC] =	sst s7  }
0x10: {  	[smem:$0x3FAD] =	sst s8  }
0x11: {  	[smem:$0x3FAE] =	sst s9;
	s0 =	simm.s32 @!p0 $0x0  }
0x12: {  	s1 =	sld [smem:$0x3F94];
	s0 =	simm.s32 @p0 $0x1  }
0x13: {  	[smem:$0x3FAF] =	sst s0;
	s0 =	simm.s32 @!p1 $0x0  }
0x14: {  	s2 =	sld [smem:$0x3F93];
	s0 =	simm.s32 @p1 $0x1  }
0x15: {  	[smem:$0x3FB0] =	sst s0;
	s0 =	simm.s32 @!p2 $0x0  }
0x16: {  	s3 =	sld [smem:$0x3FDB];
	s0 =	simm.s32 @p2 $0x1  }
0x17: {  	s4 =	simm.s32 $0x1BF5;
	[smem:$0x3FB2] =	sst s0  }
0x18: {  	s0 =	sld [smem:$0x3F95];
	_ =	swait.ge [sflag:s4], $0x0  }
0x19: {  	s7 =	sld [smem:$0x3F96]  }
0x1a: {  	s8 =	sadd.s32 $0xFFFFE003, lr  }
0x1b: {  	s9 =	sadd.s32 $0xFFFFFEF7, lr;
	s5 =	simm.s32 $0xFFFFFFFF;
	p2 =	slt.u32 s8, $0xFFFFF086  }
0x1c: {  	p1 =	slt.u32 s9, $0xF7A;
	s5 =	simm.s32 @!p2 $0x0  }
0x1d: {  	s5 =	simm.s32 @p1 $0x1;
	p0 =	seq.s32 s7, s2  }
0x1e: {  	s7 =	smul.u32 @!p0 $0xF7A, s2;
	p2 =	seq.s32 @!p0 s5, $0x0  }
0x1f: {  	s9 =	smul.u32 $0xF7A, s1;
	s8 =	simm.s32 @!p0 $0x1BF5;
	p2 =	por !p2, p0  }
0x20: {  	[sflag:s8] =	ssyncset.s32 @!p0 $0xFFFFF086;
	s6 =	sadd.s32 @!p0 s3, s7;
	s7 =	simm.s32 @!p0 $0x108  }
0x21: {  	s3 =	sadd.s32 s3, s9;
	s6 =	sadd.s32 @!p0 $0x88, s6;
	s7 =	simm.s32 @p2 $0x1082  }
0x22: {  	[simem:s7], [sflag:s8] =	dma.local @!p0 [hbm:s6], $0xF7A  }
0x23: {  	s9 =	sor.u32 $0xD0000000, s2;
	s6 =	simm.s32 $0x108;
	_ =	swait.ge @!p0 [sflag:s8], $0x0  }
0x24: {  	s3 =	sadd.s32 $0x88, s3;
	s6 =	simm.s32 @!p1 $0x1082;
	[sflag:s4] =	ssyncset.s32 $0xFFFFF086  }
0x25: {  	[simem:s6], [sflag:s4] =	dma.local [hbm:s3], $0xF7A  }
0x26: {  	[smem:$0x3F96] =	sst s1;
	(tag) =	ssettag s2;
	_ =	strace s9  }
0x27: {  	s1 =	sld [smem:$0x3FA6]  }
0x28: {  	s2 =	sld [smem:$0x3FA7]  }
0x29: {  	s4 =	sld [smem:$0x3FA9]  }
0x2a: {  	p0 =	seq.s32 s5, $0x0;
	s5 =	sld [smem:$0x3FAA]  }
0x2b: {  	s6 =	sld [smem:$0x3FAB]  }
0x2c: {  	s7 =	sld [smem:$0x3FAC]  }
0x2d: {  	s3 =	simm.s32 $0x108;
	s8 =	sld [smem:$0x3FAD]  }
0x2e: {  	s3 =	simm.s32 @!p0 $0x1082;
	s9 =	sld [smem:$0x3FAE]  }
0x2f: {  	lr =	sadd.s32 s0, s3;
	s0 =	sld [smem:$0x3FA5]  }
0x30: {  	s3 =	sld [smem:$0x3FA8]  }
0x31: {  	[smem:$0x3FB1] =	sst s10  }
0x32: {  	s10 =	sld [smem:$0x3FAF];
	_ =	sdelay $0x3  }
0x33: {  	p0 =	seq.s32 s10, $0x1;
	s10 =	sld [smem:$0x3FB1];
	_ =	sdelay $0x3  }
0x34: {  	[smem:$0x3FB1] =	sst s10  }
0x35: {  	s10 =	sld [smem:$0x3FB0];
	_ =	sdelay $0x3  }
0x36: {  	p1 =	seq.s32 s10, $0x1;
	s10 =	sld [smem:$0x3FB1];
	_ =	sdelay $0x3  }
0x37: {  	[smem:$0x3FB1] =	sst s10  }
0x38: {  	s10 =	sld [smem:$0x3FB2]  }
0x39: {  	_ = 	snop;
	(pc) =	sbr.ind lr, $3  }
0x3a: {  	_ = 	snop  }
0x3b: {  	_ = 	snop  }
0x3c: {  	p2 =	seq.s32 s10, $0x1;
	s10 =	sld [smem:$0x3FB1]  }
0x3d: {  	_ =	shalt  }
0x3e: {  	_ =	shalt  }
0x3f: {  	_ =	shalt  }
0x40: {  	_ =	shalt  }
0x41: {  	_ =	shalt  }
0x42: {  	_ =	shalt  }
0x43: {  	_ =	shalt  }
0x44: {  	_ =	shalt  }
0x45: {  	_ =	shalt  }
0x46: {  	_ =	shalt  }
0x47: {  	_ =	shalt  }
0x48: {  	_ =	shalt  }
0x49: {  	_ =	shalt  }
0x4a: {  	_ =	shalt  }
0x4b: {  	_ =	shalt  }
0x4c: {  	_ =	shalt  }
0x4d: {  	_ =	shalt  }
0x4e: {  	_ =	shalt  }
0x4f: {  	_ =	shalt  }
0x50: {  	_ =	shalt  }
0x51: {  	_ =	shalt  }
0x52: {  	_ =	shalt  }
0x53: {  	_ =	shalt  }
0x54: {  	_ =	shalt  }
0x55: {  	_ =	shalt  }
0x56: {  	_ =	shalt  }
0x57: {  	_ =	shalt  }
0x58: {  	_ =	shalt  }
0x59: {  	_ =	shalt  }
0x5a: {  	_ =	shalt  }
0x5b: {  	_ =	shalt  }
0x5c: {  	_ =	shalt  }
0x5d: {  	_ =	shalt  }
0x5e: {  	_ =	shalt  }
0x5f: {  	_ =	shalt  }
0x60: {  	_ =	shalt  }
0x61: {  	_ =	shalt  }
0x62: {  	_ =	shalt  }
0x63: {  	_ =	shalt  }
0x64: {  	_ =	shalt  }
0x65: {  	_ =	shalt  }
0x66: {  	_ =	shalt  }
0x67: {  	_ =	shalt  }
0x68: {  	_ =	shalt  }
0x69: {  	_ =	shalt  }
0x6a: {  	_ =	shalt  }
0x6b: {  	_ =	shalt  }
0x6c: {  	_ =	shalt  }
0x6d: {  	_ =	shalt  }
0x6e: {  	_ =	shalt  }
0x6f: {  	_ =	shalt  }
0x70: {  	_ =	shalt  }
0x71: {  	_ =	shalt  }
0x72: {  	_ =	shalt  }
0x73: {  	_ =	shalt  }
0x74: {  	_ =	shalt  }
0x75: {  	_ =	shalt  }
0x76: {  	_ =	shalt  }
0x77: {  	_ =	shalt  }
0x78: {  	_ =	shalt  }
0x79: {  	_ =	shalt  }
0x7a: {  	_ =	shalt  }
0x7b: {  	_ =	shalt  }
0x7c: {  	_ =	shalt  }
0x7d: {  	_ =	shalt  }
0x7e: {  	_ =	shalt  }
0x7f: {  	_ =	shalt  }
0x80: {  	_ =	shalt  }
0x81: {  	_ =	shalt  }
0x82: {  	_ =	shalt  }
0x83: {  	_ =	shalt  }
0x84: {  	_ =	shalt  }
0x85: {  	_ =	shalt  }
0x86: {  	_ =	shalt  }
0x87: {  	_ =	shalt  }
.Lfunc_end0:
.L_simem_size_0:
called_computation.1_lowered:
.L_overlay_start_0:
0x88: {  	s2 =	sld [smem:$0x3FD9]  }
0x89: {  	s3 =	sld [smem:$0x3FFE];
	_ =	sdelay $0x1  }
0x8a: {  	s1 =	srdreg.scid  }
0x8b: {  	s0 =	sand.u32 $0x1, s1  }
0x8c: {  	s16 =	sshll.u32 s0, $0xA;
	s2 =	sadd.s32 s3, s2  }
0x8d: {  	s2 =	sadd.s32 s2, s16  }
0x8e: {  	[smem:$0x3FBD] =	sst s2  }
0x8f: {  	_ = 	snop  }
0x90: {  	(tm) =	ssettm $0x1  }
0x91: {  	s17 =	sld [smem:$0x3FFB];
	_ =	sdelay $0x3  }
0x92: {  	_ =	strace s17  }
0x93: {  	s2 =	sld [smem:$0x3FFC];
	_ =	sdelay $0x3  }
0x94: {  	_ =	strace s2  }
0x95: {  	s2 =	sld [smem:$0x3FFD];
	_ =	sdelay $0x3  }
0x96: {  	_ =	strace s2  }
0x97: {  	_ =	strace $0x8FFFFFFF  }
0x98: {  	s18 =	sld [smem:$0x3FDB];
	_ =	sdelay $0x1  }
0x99: {  	s19 =	simm.s32 $_scs_section_size  }
0x9a: {  	s4 =	simm.s32 $_size__tile_overlayer_lowered;
	s5 =	simm.s32 $_tile_overlayer_lowered  }
0x9b: {  	s22 =	simm.s32 $0x1BFF;
	s21 =	sshll.u32 s5, $0x1;
	s2 =	sadd.s32 s19, s18  }
0x9c: {  	s6 =	simm.s32 $0x0;
	s20 =	sshll.u32 s4, $0x1;
	s4 =	sadd.s32 s21, s2  }
0x9d: {  	[timem:s6], [sflag:s22] =	dma.local [hbm:s4], s20  }
0x9e: {  	_ =	swait.ge [sflag:s22], s20  }
0x9f: {  	s3 =	ssub.s32 $0x0, s20;
	[sflag:s22] =	ssyncset.done $0x0  }
0xa0: {  	[sflag:s22] =	ssyncadd.s32 s3;
	_ =	sdelay $0x1  }
0xa1: {  	s23 =	simm.s32 $0x1B8B  }
0xa2: {  	_ =	swait.ge [sflag:s23], $0x1  }
0xa3: {  	[sflag:s23] =	ssyncset.done $0x0  }
0xa4: {  	s25 =	simm.s32 $0x1B8E;
	s24 =	sld [smem:$0x3FFE];
	[sflag:s23] =	ssyncadd.s32 $0xFFFFFFFF  }
0xa5: {  	s26 =	simm.s32 $execute0_lowered;
	[smem:$0x3FD2] =	sst s25  }
0xa6: {  	s4 =	sshll.u32 s26, $0x1;
	_ =	strace $0x80000049;
	[dreg:$0x1] =	wrdreg $0xFFFFFFFF  }
0xa7: {  	s28 =	simm.s32 $_size_execute0_lowered;
	s2 =	sadd.s32 s2, s4;
	[dreg:$0x0] =	wrdreg $0x0  }
0xa8: {  	s4 =	sshll.u32 s28, $0x1;
	[dreg:$0x2] =	wrdreg s2  }
0xa9: {  	[dreg:$0x3] =	wrdreg s4  }
0xaa: {  	[dreg:$0x4] =	wrdreg $0xC0  }
0xab: {  	_ =	task [dreg:s6], $0x5FFFF  }
0xac: {  	[dreg:$0x1] =	wrdreg $0xFFFFFFFF  }
0xad: {  	[dreg:$0x0] =	wrdreg $0x60  }
0xae: {  	[dreg:$0x2] =	wrdreg s24  }
0xaf: {  	[dreg:$0x3] =	wrdreg $0xC6200  }
0xb0: {  	[dreg:$0x4] =	wrdreg $0x9  }
0xb1: {  	_ =	task.clear_ibuf [dreg:s6], $0x5FFFF;
	_ =	strace $0x90000049  }
0xb2: {  	s29 =	simm.s32 $0x9;
	_ =	strace $0x8000004B  }
0xb3: {  	_ =	swait.ge [sflag:s29], $0x1  }
0xb4: {  	[sflag:s29] =	ssyncadd.s32 $0xFFFFFFFF  }
0xb5: {  	_ =	strace $0x9000004B  }
0xb6: {  	_ =	sfence  }
0xb7: {  	s30 =	sld [smem:$0x0];
	_ =	sdelay $0x2  }
0xb8: {  	s31 =	sshll.u32 s1, $0xD;
	s1 =	sshrl.u32 s1, $0x2  }
0xb9: {  	s3 =	sand.u32 $0x4000, s31;
	s1 =	sadd.s32 s1, s30  }
0xba: {  	s0 =	sor.u32 s3, s0;
	s1 =	sshll.u32 s1, $0x11  }
0xbb: {  	s0 =	sor.u32 s1, s0  }
0xbc: {  	s0 =	sadd.s32 $0x8F2B, s0  }
0xbd: {  	[sflag:s0] =	ssyncadd.remote.s32 $0x1  }
0xbe: {  	_ =	sfence.sel $0xFFFF  }
0xbf: {  	[dreg:$0x0] =	wrdreg $0xFFFFFFFF;
	(pc) =	sbr.abs _section_cstart, $3  }
0xc0: {  	[dreg:$0x1] =	wrdreg $0xFFFFFFFF  }
0xc1: {  	_ =	task.clear_ibuf [dreg:s6], $0x2FFFF;
	_ =	strace $0x9FFFFFFF  }
0xc2: {  	(tm) =	ssettm $0x7FFFFFFF  }
0xc3: {  	_ =	shalt  }
tec
execute0_lowered:
.L_overlay_start_1:
0x0: {  	(tag) =	ssettag $0x1  }
0x1: {  	s0 =	srdreg.scid;
	s1 =	rddreg [dreg:$0x0]  }
0x2: {  	s8 =	stileid.u32;
	s2 =	rddreg [dreg:$0x1]  }
0x3: {  	s17 =	simm.s32 $0x7;
	s18 =	simm.s32 $0x2710;
	s19 =	simm.s32 $0x4E20  }
0x4: {  	s20 =	simm.s32 $0x50;
	s21 =	simm.s32 $0x7620;
	s22 =	simm.s32 $0x1  }
0x5: {  	s28 =	simm.s32 $0x4;
	s29 =	simm.s32 $0x3;
	s30 =	simm.s32 $0x5  }
0x6: {  	s31 =	simm.s32 $0x6;
	s0 =	sand.u32 $0x1, s0;
	s6 =	smul.u32 $0x2710, s8  }
0x7: {  	s3 =	sshll.u32 s0, $0x4;
	s7 =	smul.u32 $0x27100, s0;
	s0 =	ssub.s32 $0x2, s0  }
0x8: {  	s4 =	sor.u32 s8, s3;
	s3 =	simm.s32 $0x0;
	s8 =	smul.u32 $0x4E200, s8  }
0x9: {  	s24 =	sshrl.u32 s0, $0x1;
	s5 =	smul.u32 $0x2710, s4;
	[smem:$0x7FF] =	sst s3  }
0xa: {  	s4 =	sadd.s32 $0x3E000, s1;
	s23 =	sadd.s32 s6, s7;
	s0 =	ssub.s32 s0, s24  }
0xb: {  	s24 =	simm.s32 $0x9E20;
	_ =	strace $0x8000004A;
	s25 =	sshrl.u32 s8, $0x2  }
0xc: {  	s16 =	smax.u32 s0, $0x1;
	s0 =	simm.s32 $0x0;
	s5 =	sshrl.u32 s5, $0x3  }
0xd: {  	s6 =	sadd.s32 s25, s2;
	s25 =	simm.s32 $0x2;
	s9 =	sadd.s32 s5, s1  }
0xe: {  	s1 =	sadd.s32 s23, s1;
	s8 =	sadd.s32 $0x2800, s6;
	s10 =	sadd.s32 $0x7800, s6  }
0xf: {  	s11 =	sadd.s32 $0xA000, s6;
	s12 =	sadd.s32 $0xC800, s6;
	s13 =	sadd.s32 $0xF000, s6  }
0x10: {  	s14 =	sadd.s32 $0x11800, s6;
	s26 =	sadd.s32 $0x3400, s9;
	s7 =	sadd.s32 $0xD040, s9  }
0x11: {  	v0 =	vimm.f32 $0.0e+00;
	s9 =	sadd.s32 $0x5000, s6;
	s15 =	sadd.s32 $0x65200, s1;
	[dreg:$0x3] =	wrdreg s26  }
.LBB2_1:
0x12: {  	s1 =	rddreg [dreg:$0x3]  }
0x13: {  	[tilespmem:s3], [sflag:$0x7] =	stream.linear.gather [hbm4b:s1+s3], $0x2710, $0x38;
	[tilespmem:$0x1FEA0] =	vst v63  }
0x14: {  	_ =	swait.ge [sflag:s17], $0x2710  }
0x15: {  	[sflag:s17] =	ssyncset.done $0x0  }
0x16: {  	[sflag:s17] =	ssyncadd.s32 $0xFFFFD8F0  }
0x17: {  	[tilespmem:s18], [sflag:$0x7] =	stream.linear.gather [hbm4b:s7+s3], $0x2710, $0x38;
	[tilespmem:$0x1FEA0] =	vst v63  }
0x18: {  	s23 =	sand.u32 $0xFE00, s3;
	s26 =	sand.u32 $0x70, s3;
	_ =	swait.ge [sflag:s17], $0x2710  }
0x19: {  	s1 =	sshrl.u32 s23, $0x2;
	s23 =	simm.s32 $0x40;
	[sflag:s17] =	ssyncset.done $0x0  }
0x1a: {  	s1 =	sor.u32 s26, s1;
	s26 =	simm.s32 $0x0;
	[sflag:s17] =	ssyncadd.s32 $0xFFFFD8F0  }
.LBB2_2:
0x1b: {  	p0 =	sne.s32 s23, $0x9FC0  }
0x1c: {  	[tilespmem:s1+$0x4E20] =	vst v0;
	s26 =	sadd.s32 $0x10, s26;
	s1 =	smov.u32 s23;
	s23 =	sadd.s32 $0x40, s23  }
.Ltmp0:
0x1d: {  	(pc) =	sbr.rel @p0 .LBB2_2-.Ltmp0, $4  }
0x1e: {  	_ = 	snop  }
0x1f: {  	s1 =	sand.u32 $0xFE00, s1  }
0x20: {  	s5 =	sand.u32 $0x70, s26;
	s1 =	sshrl.u32 s1, $0x2  }
0x21: {  	s1 =	sor.u32 s5, s1  }
0x22: {  	[tilespmem:s1+$0x4E20] =	vst v0  }
0x23: {  	[spmem:s6] =	stream.linear.scatter [tilespmem:s19], [sflag:$0x7], $0x2800, $0x38;
	[tilespmem:$0x1FEA0] =	vst v63  }
0x24: {  	_ =	swait.ge [sflag:s17], $0x2800  }
0x25: {  	[sflag:s17] =	ssyncset.done $0x0  }
0x26: {  	[sflag:s17] =	ssyncadd.s32 $0xFFFFD800  }
0x27: {  	[spmem:s8] =	stream.linear.scatter [tilespmem:s19], [sflag:$0x7], $0x2800, $0x38;
	[tilespmem:$0x1FEA0] =	vst v63  }
0x28: {  	_ =	swait.ge [sflag:s17], $0x2800  }
0x29: {  	[sflag:s17] =	ssyncset.done $0x0  }
0x2a: {  	[sflag:s17] =	ssyncadd.s32 $0xFFFFD800  }
0x2b: {  	[spmem:s9] =	stream.linear.scatter [tilespmem:s19], [sflag:$0x7], $0x2800, $0x38;
	[tilespmem:$0x1FEA0] =	vst v63  }
0x2c: {  	_ =	swait.ge [sflag:s17], $0x2800  }
0x2d: {  	[sflag:s17] =	ssyncset.done $0x0  }
0x2e: {  	[sflag:s17] =	ssyncadd.s32 $0xFFFFD800  }
0x2f: {  	[spmem:s10] =	stream.linear.scatter [tilespmem:s19], [sflag:$0x7], $0x2800, $0x38;
	[tilespmem:$0x1FEA0] =	vst v63  }
0x30: {  	_ =	swait.ge [sflag:s17], $0x2800  }
0x31: {  	[sflag:s17] =	ssyncset.done $0x0  }
0x32: {  	[sflag:s17] =	ssyncadd.s32 $0xFFFFD800  }
0x33: {  	[spmem:s11] =	stream.linear.scatter [tilespmem:s19], [sflag:$0x7], $0x2800, $0x38;
	[tilespmem:$0x1FEA0] =	vst v63  }
0x34: {  	_ =	swait.ge [sflag:s17], $0x2800  }
0x35: {  	[sflag:s17] =	ssyncset.done $0x0  }
0x36: {  	[sflag:s17] =	ssyncadd.s32 $0xFFFFD800  }
0x37: {  	[spmem:s12] =	stream.linear.scatter [tilespmem:s19], [sflag:$0x7], $0x2800, $0x38;
	[tilespmem:$0x1FEA0] =	vst v63  }
0x38: {  	_ =	swait.ge [sflag:s17], $0x2800  }
0x39: {  	[sflag:s17] =	ssyncset.done $0x0  }
0x3a: {  	[sflag:s17] =	ssyncadd.s32 $0xFFFFD800  }
0x3b: {  	[spmem:s13] =	stream.linear.scatter [tilespmem:s19], [sflag:$0x7], $0x2800, $0x38;
	[tilespmem:$0x1FEA0] =	vst v63  }
0x3c: {  	_ =	swait.ge [sflag:s17], $0x2800  }
0x3d: {  	[sflag:s17] =	ssyncset.done $0x0  }
0x3e: {  	[sflag:s17] =	ssyncadd.s32 $0xFFFFD800  }
0x3f: {  	[spmem:s14] =	stream.linear.scatter [tilespmem:s19], [sflag:$0x7], $0x2080, $0x38;
	[tilespmem:$0x1FEA0] =	vst v63  }
0x40: {  	_ =	swait.ge [sflag:s17], $0x2080  }
0x41: {  	[sflag:s17] =	ssyncset.done $0x0  }
0x42: {  	[sflag:s17] =	ssyncadd.s32 $0xFFFFDF80  }
0x43: {  	s23 =	simm.s32 $0x0;
	[bflag:$0x0] =	sbarrier.arrive $0xFFFF  }
0x44: {  	[tilespmem:s19], [sflag:$0x1] =	stream.indirect.gather [hbm4b:s4+s20], $0x80, s23, s20, $0xb8;
	[tilespmem:$0x1FEA0] =	vst v63  }
0x45: {  	_ = 	snop  }
0x46: {  	[tilespmem:s21], [sflag:$0x2] =	stream.indirect.gather [hbm4b:s4+s20], $0x80, s20, s20, $0xb8;
	[tilespmem:$0x1FEA0] =	vst v63  }
0x47: {  	_ =	swait.ge [sflag:s22], $0x2800  }
0x48: {  	[sflag:s22] =	ssyncset.done $0x0  }
0x49: {  	[sflag:s22] =	ssyncadd.s32 $0xFFFFD800  }
0x4a: {  	[spmem:s2] =	stream.indirect.scatter.add.f32 [tilespmem:s19], [sflag:$0x4], $0x80, s18, s20, $0xb8;
	[tilespmem:$0x1FEA0] =	vst v63  }
0x4b: {  	s26 =	simm.s32 $0xA0  }
0x4c: {  	[tilespmem:s24], [sflag:$0x3] =	stream.indirect.gather [hbm4b:s4+s20], $0x80, s26, s20, $0xb8;
	[tilespmem:$0x1FEA0] =	vst v63  }
0x4d: {  	_ =	swait.ge [sflag:s25], $0x2800  }
0x4e: {  	[sflag:s25] =	ssyncset.done $0x0  }
0x4f: {  	s5 =	simm.s32 $0x2760;
	[sflag:s25] =	ssyncadd.s32 $0xFFFFD800  }
0x50: {  	[spmem:s2] =	stream.indirect.scatter.add.f32 [tilespmem:s21], [sflag:$0x5], $0x80, s5, s20, $0xb8;
	[tilespmem:$0x1FEA0] =	vst v63  }
0x51: {  	_ =	swait.ge [sflag:s28], $0x2800  }
0x52: {  	[sflag:s28] =	ssyncset.done $0x0  }
0x53: {  	s23 =	simm.s32 $0xF0;
	[sflag:s28] =	ssyncadd.s32 $0xFFFFD800  }
0x54: {  	[tilespmem:s19], [sflag:$0x1] =	stream.indirect.gather [hbm4b:s4+s20], $0x80, s23, s20, $0xb8;
	[tilespmem:$0x1FEA0] =	vst v63  }
0x55: {  	_ =	swait.ge [sflag:s29], $0x2800  }
0x56: {  	[sflag:s29] =	ssyncset.done $0x0  }
0x57: {  	s26 =	simm.s32 $0x27B0;
	[sflag:s29] =	ssyncadd.s32 $0xFFFFD800  }
0x58: {  	[spmem:s2] =	stream.indirect.scatter.add.f32 [tilespmem:s24], [sflag:$0x6], $0x80, s26, s20, $0xb8;
	[tilespmem:$0x1FEA0] =	vst v63  }
0x59: {  	_ =	swait.ge [sflag:s30], $0x2800  }
0x5a: {  	[sflag:s30] =	ssyncset.done $0x0  }
0x5b: {  	s5 =	simm.s32 $0x140;
	[sflag:s30] =	ssyncadd.s32 $0xFFFFD800  }
0x5c: {  	[tilespmem:s21], [sflag:$0x2] =	stream.indirect.gather [hbm4b:s4+s20], $0x80, s5, s20, $0xb8;
	[tilespmem:$0x1FEA0] =	vst v63  }
0x5d: {  	_ =	swait.ge [sflag:s22], $0x2800  }
0x5e: {  	[sflag:s22] =	ssyncset.done $0x0  }
0x5f: {  	s23 =	simm.s32 $0x2800;
	[sflag:s22] =	ssyncadd.s32 $0xFFFFD800  }
0x60: {  	[spmem:s2] =	stream.indirect.scatter.add.f32 [tilespmem:s19], [sflag:$0x4], $0x80, s23, s20, $0xb8;
	[tilespmem:$0x1FEA0] =	vst v63  }
0x61: {  	_ =	swait.ge [sflag:s31], $0x2800  }
0x62: {  	[sflag:s31] =	ssyncset.done $0x0  }
0x63: {  	s26 =	simm.s32 $0x190;
	[sflag:s31] =	ssyncadd.s32 $0xFFFFD800  }
0x64: {  	[tilespmem:s24], [sflag:$0x3] =	stream.indirect.gather [hbm4b:s4+s20], $0x80, s26, s20, $0xb8;
	[tilespmem:$0x1FEA0] =	vst v63  }
0x65: {  	_ =	swait.ge [sflag:s25], $0x2800  }
0x66: {  	[sflag:s25] =	ssyncset.done $0x0  }
0x67: {  	s1 =	simm.s32 $0x2850;
	s23 =	simm.s32 $0x3C0;
	[sflag:s25] =	ssyncadd.s32 $0xFFFFD800  }
.LBB2_4:
0x68: {  	[spmem:s2] =	stream.indirect.scatter.add.f32 [tilespmem:s21], [sflag:$0x5], $0x80, s1, s20, $0xb8;
	[tilespmem:$0x1FEA0] =	vst v63  }
0x69: {  	s1 =	smov.u32 s23  }
0x6a: {  	p0 =	sne.s32 s23, $0x9240;
	s23 =	sadd.s32 $0x3C0, s23;
	_ =	swait.ge [sflag:s28], $0x2800  }
0x6b: {  	s1 =	sshra.s32 s1, $0x2;
	[sflag:s28] =	ssyncset.done $0x0  }
0x6c: {  	s5 =	sadd.s32 $0xF0, s1;
	[sflag:s28] =	ssyncadd.s32 $0xFFFFD800  }
0x6d: {  	[tilespmem:s19], [sflag:$0x1] =	stream.indirect.gather [hbm4b:s4+s20], $0x80, s5, s20, $0xb8;
	[tilespmem:$0x1FEA0] =	vst v63  }
0x6e: {  	_ =	swait.ge [sflag:s29], $0x2800  }
0x6f: {  	[sflag:s29] =	ssyncset.done $0x0  }
0x70: {  	s5 =	sadd.s32 $0x27B0, s1;
	[sflag:s29] =	ssyncadd.s32 $0xFFFFD800  }
0x71: {  	[spmem:s2] =	stream.indirect.scatter.add.f32 [tilespmem:s24], [sflag:$0x6], $0x80, s5, s20, $0xb8;
	[tilespmem:$0x1FEA0] =	vst v63  }
0x72: {  	_ =	swait.ge [sflag:s30], $0x2800  }
0x73: {  	[sflag:s30] =	ssyncset.done $0x0  }
0x74: {  	s5 =	sadd.s32 $0x140, s1;
	[sflag:s30] =	ssyncadd.s32 $0xFFFFD800  }
0x75: {  	[tilespmem:s21], [sflag:$0x2] =	stream.indirect.gather [hbm4b:s4+s20], $0x80, s5, s20, $0xb8;
	[tilespmem:$0x1FEA0] =	vst v63  }
0x76: {  	_ =	swait.ge [sflag:s22], $0x2800  }
0x77: {  	[sflag:s22] =	ssyncset.done $0x0  }
0x78: {  	s5 =	sadd.s32 $0x2800, s1;
	[sflag:s22] =	ssyncadd.s32 $0xFFFFD800  }
0x79: {  	[spmem:s2] =	stream.indirect.scatter.add.f32 [tilespmem:s19], [sflag:$0x4], $0x80, s5, s20, $0xb8;
	[tilespmem:$0x1FEA0] =	vst v63  }
0x7a: {  	_ =	swait.ge [sflag:s31], $0x2800  }
0x7b: {  	[sflag:s31] =	ssyncset.done $0x0  }
.Ltmp1:
0x7c: {  	s5 =	sadd.s32 $0x190, s1;
	[sflag:s31] =	ssyncadd.s32 $0xFFFFD800;
	(pc) =	sbr.rel @p0 .LBB2_4-.Ltmp1, $4  }
0x7d: {  	[tilespmem:s24], [sflag:$0x3] =	stream.indirect.gather [hbm4b:s4+s20], $0x80, s5, s20, $0xb8;
	[tilespmem:$0x1FEA0] =	vst v63  }
0x7e: {  	_ =	swait.ge [sflag:s25], $0x2800  }
0x7f: {  	[sflag:s25] =	ssyncset.done $0x0  }
0x80: {  	s1 =	sadd.s32 $0x2850, s1;
	[sflag:s25] =	ssyncadd.s32 $0xFFFFD800  }
0x81: {  	[spmem:s2] =	stream.indirect.scatter.add.f32 [tilespmem:s21], [sflag:$0x5], $0x80, s1, s20, $0xb8;
	[tilespmem:$0x1FEA0] =	vst v63  }
0x82: {  	_ =	swait.ge [sflag:s28], $0x2800  }
0x83: {  	[sflag:s28] =	ssyncset.done $0x0  }
0x84: {  	s5 =	simm.s32 $0x2670;
	[sflag:s28] =	ssyncadd.s32 $0xFFFFD800  }
0x85: {  	[tilespmem:s19], [sflag:$0x1] =	stream.indirect.gather [hbm4b:s4+s20], $0x80, s5, s20, $0xb8;
	[tilespmem:$0x1FEA0] =	vst v63  }
0x86: {  	_ =	swait.ge [sflag:s29], $0x2800  }
0x87: {  	[sflag:s29] =	ssyncset.done $0x0  }
0x88: {  	s23 =	simm.s32 $0x4D30;
	[sflag:s29] =	ssyncadd.s32 $0xFFFFD800  }
0x89: {  	[spmem:s2] =	stream.indirect.scatter.add.f32 [tilespmem:s24], [sflag:$0x6], $0x80, s23, s20, $0xb8;
	[tilespmem:$0x1FEA0] =	vst v63  }
0x8a: {  	_ =	swait.ge [sflag:s30], $0x2800  }
0x8b: {  	[sflag:s30] =	ssyncset.done $0x0  }
0x8c: {  	s26 =	simm.s32 $0x26C0;
	[sflag:s30] =	ssyncadd.s32 $0xFFFFD800  }
0x8d: {  	[tilespmem:s21], [sflag:$0x2] =	stream.indirect.gather [hbm4b:s4+s20], $0x80, s26, s20, $0xb8;
	[tilespmem:$0x1FEA0] =	vst v63  }
0x8e: {  	_ =	swait.ge [sflag:s22], $0x2800  }
0x8f: {  	[sflag:s22] =	ssyncset.done $0x0  }
0x90: {  	s5 =	simm.s32 $0x4D80;
	[sflag:s22] =	ssyncadd.s32 $0xFFFFD800  }
0x91: {  	[spmem:s2] =	stream.indirect.scatter.add.f32 [tilespmem:s19], [sflag:$0x4], $0x80, s5, s20, $0xb8;
	[tilespmem:$0x1FEA0] =	vst v63  }
0x92: {  	_ =	swait.ge [sflag:s31], $0x2800  }
0x93: {  	[sflag:s31] =	ssyncset.done $0x0  }
0x94: {  	[sflag:s31] =	ssyncadd.s32 $0xFFFFD800  }
0x95: {  	_ =	swait.ge [sflag:s25], $0x2800  }
0x96: {  	[sflag:s25] =	ssyncset.done $0x0  }
0x97: {  	s23 =	simm.s32 $0x4DD0;
	[sflag:s25] =	ssyncadd.s32 $0xFFFFD800  }
0x98: {  	[spmem:s2] =	stream.indirect.scatter.add.f32 [tilespmem:s21], [sflag:$0x5], $0x80, s23, s20, $0xb8;
	[tilespmem:$0x1FEA0] =	vst v63  }
0x99: {  	_ =	swait.ge [sflag:s28], $0x2800  }
0x9a: {  	[sflag:s28] =	ssyncset.done $0x0  }
0x9b: {  	[sflag:s28] =	ssyncadd.s32 $0xFFFFD800  }
0x9c: {  	s26 =	stileid.u32;
	_ =	swait.ge [sflag:s30], $0x2800  }
0x9d: {  	s0 =	sadd.s32 $0x1, s0;
	s1 =	sshll.u32 s26, $0x6;
	[sflag:s30] =	ssyncset.done $0x0  }
0x9e: {  	p0 =	sne.s32 s0, s16;
	s1 =	sor.u32 $0x1C07, s1;
	[sflag:s30] =	ssyncadd.s32 $0xFFFFD800  }
.Ltmp2:
0x9f: {  	s5 =	sshrl.u32 s6, $0x3;
	[bflag:$0x0] =	sbarrier.arrive $0xFFFF;
	(pc) =	sbr.rel @p0 .LBB2_1-.Ltmp2, $4  }
0xa0: {  	[hbm:s15], [sflag:s1] =	dma.local [spmem:s5], $0x2710  }
0xa1: {  	_ =	swait.ge [sflag:s17], $0x2710  }
0xa2: {  	[sflag:s17] =	ssyncset.done $0x0  }
0xa3: {  	[sflag:s17] =	ssyncadd.s32 $0xFFFFD8F0  }
0xa4: {  	_ =	sfence.sel $0x180000  }
0xa5: {  	[bflag:$0x0] =	sbarrier.arrive $0xFFFF  }
0xa6: {  	_ =	strace $0x9000004A  }
0xa7: {  	s0 =	stileid.u32;
	[bflag:$0x2] =	sbarrier.arrive $0xFFFF  }
0xa8: {  	p0 =	sne.s32 s0, $0x0;
	s0 =	rddreg [dreg:$0x2]  }
0xa9: {  	s0 =	sadd.s32 @!p0 $0x100000, s0  }
0xaa: {  	[sflag:s0] =	ssyncadd.tile.s32 @!p0 $0x1;
	_ =	shalt  }
.Lfunc_end2:
_tile_overlayer_lowered:
.L_overlay_start_2:
0xab: {  	(tag) =	ssettag $0x2  }
0xac: {  	s0 =	rddreg [dreg:$0x0];
	s2 =	stileid.u32  }
0xad: {  	s1 =	rddreg [dreg:$0x1];
	p0 =	sne.s32 s2, $0x0  }
0xae: {  	s3 =	rddreg [dreg:$0x2];
	[bflag:$0x3] =	sbarrier.arrive $0xFFFF;
	s2 =	simm.s32 @!p0 $0x1C07  }
0xaf: {  	[timem:s3], [sflag:s2] =	dma.local @!p0 [hbm:s0], s1  }
0xb0: {  	s0 =	simm.s32 @!p0 $0x7  }
0xb1: {  	_ =	swait.ge @!p0 [sflag:s0], s1  }
0xb2: {  	s1 =	ssub.s32 @!p0 $0x0, s1;
	[sflag:s0] =	ssyncset.done @!p0 $0x0  }
0xb3: {  	[sflag:s0] =	ssyncadd.s32 @!p0 s1  }
0xb4: {  	[bflag:$0x3] =	sbarrier.arrive $0xFFFF  }
0xb5: {  	_ =	shalt  }

// kernel: kernel.19.cloned.1.call-start
scs
__scs_entry_jumppad:
0x0: {  	(pc) =	sbr.rel $0x88, $3  }
0x1: {  	(tag) =	ssettag $0x0;
	lr =	simm.s32 $0x1  }
0x2: {  	[smem:$0x3F96] =	sst lr;
	_ =	strace $0xD0000000  }
0x3: {  	_ = 	snop  }
0x4: {  	_ = 	snop  }
0x5: {  	_ = 	snop  }
0x6: {  	_ = 	snop  }
0x7: {  	_ = 	snop  }
__scs_overlays_trampoline_lowered:
0x8: {  	[smem:$0x3FA5] =	sst s0  }
0x9: {  	[smem:$0x3FA6] =	sst s1  }
0xa: {  	[smem:$0x3FA7] =	sst s2  }
0xb: {  	[smem:$0x3FA8] =	sst s3  }
0xc: {  	[smem:$0x3FA9] =	sst s4  }
0xd: {  	[smem:$0x3FAA] =	sst s5  }
0xe: {  	[smem:$0x3FAB] =	sst s6  }
0xf: {  	[smem:$0x3FAC] =	sst s7  }
0x10: {  	[smem:$0x3FAD] =	sst s8  }
0x11: {  	[smem:$0x3FAE] =	sst s9;
	s0 =	simm.s32 @!p0 $0x0  }
0x12: {  	s1 =	sld [smem:$0x3F94];
	s0 =	simm.s32 @p0 $0x1  }
0x13: {  	[smem:$0x3FAF] =	sst s0;
	s0 =	simm.s32 @!p1 $0x0  }
0x14: {  	s2 =	sld [smem:$0x3F93];
	s0 =	simm.s32 @p1 $0x1  }
0x15: {  	[smem:$0x3FB0] =	sst s0;
	s0 =	simm.s32 @!p2 $0x0  }
0x16: {  	s3 =	sld [smem:$0x3FDB];
	s0 =	simm.s32 @p2 $0x1  }
0x17: {  	s4 =	simm.s32 $0x1BF5;
	[smem:$0x3FB2] =	sst s0  }
0x18: {  	s0 =	sld [smem:$0x3F95];
	_ =	swait.ge [sflag:s4], $0x0  }
0x19: {  	s7 =	sld [smem:$0x3F96]  }
0x1a: {  	s8 =	sadd.s32 $0xFFFFE003, lr  }
0x1b: {  	s9 =	sadd.s32 $0xFFFFFEF7, lr;
	s5 =	simm.s32 $0xFFFFFFFF;
	p2 =	slt.u32 s8, $0xFFFFF086  }
0x1c: {  	p1 =	slt.u32 s9, $0xF7A;
	s5 =	simm.s32 @!p2 $0x0  }
0x1d: {  	s5 =	simm.s32 @p1 $0x1;
	p0 =	seq.s32 s7, s2  }
0x1e: {  	s7 =	smul.u32 @!p0 $0xF7A, s2;
	p2 =	seq.s32 @!p0 s5, $0x0  }
0x1f: {  	s9 =	smul.u32 $0xF7A, s1;
	s8 =	simm.s32 @!p0 $0x1BF5;
	p2 =	por !p2, p0  }
0x20: {  	[sflag:s8] =	ssyncset.s32 @!p0 $0xFFFFF086;
	s6 =	sadd.s32 @!p0 s3, s7;
	s7 =	simm.s32 @!p0 $0x108  }
0x21: {  	s3 =	sadd.s32 s3, s9;
	s6 =	sadd.s32 @!p0 $0x88, s6;
	s7 =	simm.s32 @p2 $0x1082  }
0x22: {  	[simem:s7], [sflag:s8] =	dma.local @!p0 [hbm:s6], $0xF7A  }
0x23: {  	s9 =	sor.u32 $0xD0000000, s2;
	s6 =	simm.s32 $0x108;
	_ =	swait.ge @!p0 [sflag:s8], $0x0  }
0x24: {  	s3 =	sadd.s32 $0x88, s3;
	s6 =	simm.s32 @!p1 $0x1082;
	[sflag:s4] =	ssyncset.s32 $0xFFFFF086  }
0x25: {  	[simem:s6], [sflag:s4] =	dma.local [hbm:s3], $0xF7A  }
0x26: {  	[smem:$0x3F96] =	sst s1;
	(tag) =	ssettag s2;
	_ =	strace s9  }
0x27: {  	s1 =	sld [smem:$0x3FA6]  }
0x28: {  	s2 =	sld [smem:$0x3FA7]  }
0x29: {  	s4 =	sld [smem:$0x3FA9]  }
0x2a: {  	p0 =	seq.s32 s5, $0x0;
	s5 =	sld [smem:$0x3FAA]  }
0x2b: {  	s6 =	sld [smem:$0x3FAB]  }
0x2c: {  	s7 =	sld [smem:$0x3FAC]  }
0x2d: {  	s3 =	simm.s32 $0x108;
	s8 =	sld [smem:$0x3FAD]  }
0x2e: {  	s3 =	simm.s32 @!p0 $0x1082;
	s9 =	sld [smem:$0x3FAE]  }
0x2f: {  	lr =	sadd.s32 s0, s3;
	s0 =	sld [smem:$0x3FA5]  }
0x30: {  	s3 =	sld [smem:$0x3FA8]  }
0x31: {  	[smem:$0x3FB1] =	sst s10  }
0x32: {  	s10 =	sld [smem:$0x3FAF];
	_ =	sdelay $0x3  }
0x33: {  	p0 =	seq.s32 s10, $0x1;
	s10 =	sld [smem:$0x3FB1];
	_ =	sdelay $0x3  }
0x34: {  	[smem:$0x3FB1] =	sst s10  }
0x35: {  	s10 =	sld [smem:$0x3FB0];
	_ =	sdelay $0x3  }
0x36: {  	p1 =	seq.s32 s10, $0x1;
	s10 =	sld [smem:$0x3FB1];
	_ =	sdelay $0x3  }
0x37: {  	[smem:$0x3FB1] =	sst s10  }
0x38: {  	s10 =	sld [smem:$0x3FB2]  }
0x39: {  	_ = 	snop;
	(pc) =	sbr.ind lr, $3  }
0x3a: {  	_ = 	snop  }
0x3b: {  	_ = 	snop  }
0x3c: {  	p2 =	seq.s32 s10, $0x1;
	s10 =	sld [smem:$0x3FB1]  }
0x3d: {  	_ =	shalt  }
0x3e: {  	_ =	shalt  }
0x3f: {  	_ =	shalt  }
0x40: {  	_ =	shalt  }
0x41: {  	_ =	shalt  }
0x42: {  	_ =	shalt  }
0x43: {  	_ =	shalt  }
0x44: {  	_ =	shalt  }
0x45: {  	_ =	shalt  }
0x46: {  	_ =	shalt  }
0x47: {  	_ =	shalt  }
0x48: {  	_ =	shalt  }
0x49: {  	_ =	shalt  }
0x4a: {  	_ =	shalt  }
0x4b: {  	_ =	shalt  }
0x4c: {  	_ =	shalt  }
0x4d: {  	_ =	shalt  }
0x4e: {  	_ =	shalt  }
0x4f: {  	_ =	shalt  }
0x50: {  	_ =	shalt  }
0x51: {  	_ =	shalt  }
0x52: {  	_ =	shalt  }
0x53: {  	_ =	shalt  }
0x54: {  	_ =	shalt  }
0x55: {  	_ =	shalt  }
0x56: {  	_ =	shalt  }
0x57: {  	_ =	shalt  }
0x58: {  	_ =	shalt  }
0x59: {  	_ =	shalt  }
0x5a: {  	_ =	shalt  }
0x5b: {  	_ =	shalt  }
0x5c: {  	_ =	shalt  }
0x5d: {  	_ =	shalt  }
0x5e: {  	_ =	shalt  }
0x5f: {  	_ =	shalt  }
0x60: {  	_ =	shalt  }
0x61: {  	_ =	shalt  }
0x62: {  	_ =	shalt  }
0x63: {  	_ =	shalt  }
0x64: {  	_ =	shalt  }
0x65: {  	_ =	shalt  }
0x66: {  	_ =	shalt  }
0x67: {  	_ =	shalt  }
0x68: {  	_ =	shalt  }
0x69: {  	_ =	shalt  }
0x6a: {  	_ =	shalt  }
0x6b: {  	_ =	shalt  }
0x6c: {  	_ =	shalt  }
0x6d: {  	_ =	shalt  }
0x6e: {  	_ =	shalt  }
0x6f: {  	_ =	shalt  }
0x70: {  	_ =	shalt  }
0x71: {  	_ =	shalt  }
0x72: {  	_ =	shalt  }
0x73: {  	_ =	shalt  }
0x74: {  	_ =	shalt  }
0x75: {  	_ =	shalt  }
0x76: {  	_ =	shalt  }
0x77: {  	_ =	shalt  }
0x78: {  	_ =	shalt  }
0x79: {  	_ =	shalt  }
0x7a: {  	_ =	shalt  }
0x7b: {  	_ =	shalt  }
0x7c: {  	_ =	shalt  }
0x7d: {  	_ =	shalt  }
0x7e: {  	_ =	shalt  }
0x7f: {  	_ =	shalt  }
0x80: {  	_ =	shalt  }
0x81: {  	_ =	shalt  }
0x82: {  	_ =	shalt  }
0x83: {  	_ =	shalt  }
0x84: {  	_ =	shalt  }
0x85: {  	_ =	shalt  }
0x86: {  	_ =	shalt  }
0x87: {  	_ =	shalt  }
.Lfunc_end0:
.L_simem_size_0:
called_computation.2_lowered:
.L_overlay_start_0:
0x88: {  	s2 =	sld [smem:$0x3FD9]  }
0x89: {  	s3 =	sld [smem:$0x3FFE];
	_ =	sdelay $0x1  }
0x8a: {  	s1 =	srdreg.scid  }
0x8b: {  	s0 =	sand.u32 $0x1, s1  }
0x8c: {  	s16 =	sshll.u32 s0, $0xA;
	s2 =	sadd.s32 s3, s2  }
0x8d: {  	s2 =	sadd.s32 s2, s16  }
0x8e: {  	[smem:$0x3FBD] =	sst s2  }
0x8f: {  	_ = 	snop  }
0x90: {  	(tm) =	ssettm $0x1  }
0x91: {  	s17 =	sld [smem:$0x3FFB];
	_ =	sdelay $0x3  }
0x92: {  	_ =	strace s17  }
0x93: {  	s2 =	sld [smem:$0x3FFC];
	_ =	sdelay $0x3  }
0x94: {  	_ =	strace s2  }
0x95: {  	s2 =	sld [smem:$0x3FFD];
	_ =	sdelay $0x3  }
0x96: {  	_ =	strace s2  }
0x97: {  	_ =	strace $0x8FFFFFFF  }
0x98: {  	s18 =	sld [smem:$0x3FDB];
	_ =	sdelay $0x1  }
0x99: {  	s19 =	simm.s32 $_scs_section_size  }
0x9a: {  	s4 =	simm.s32 $_size__tile_overlayer_lowered;
	s5 =	simm.s32 $_tile_overlayer_lowered  }
0x9b: {  	s22 =	simm.s32 $0x1BFF;
	s21 =	sshll.u32 s5, $0x1;
	s2 =	sadd.s32 s19, s18  }
0x9c: {  	s6 =	simm.s32 $0x0;
	s20 =	sshll.u32 s4, $0x1;
	s4 =	sadd.s32 s21, s2  }
0x9d: {  	[timem:s6], [sflag:s22] =	dma.local [hbm:s4], s20  }
0x9e: {  	_ =	swait.ge [sflag:s22], s20  }
0x9f: {  	s3 =	ssub.s32 $0x0, s20;
	[sflag:s22] =	ssyncset.done $0x0  }
0xa0: {  	[sflag:s22] =	ssyncadd.s32 s3;
	_ =	sdelay $0x1  }
0xa1: {  	s23 =	simm.s32 $0x1B8B  }
0xa2: {  	_ =	swait.ge [sflag:s23], $0x1  }
0xa3: {  	[sflag:s23] =	ssyncset.done $0x0  }
0xa4: {  	s25 =	simm.s32 $0x1B8E;
	s24 =	sld [smem:$0x3FFE];
	[sflag:s23] =	ssyncadd.s32 $0xFFFFFFFF  }
0xa5: {  	s26 =	simm.s32 $execute0_lowered;
	[smem:$0x3FD2] =	sst s25  }
0xa6: {  	s4 =	sshll.u32 s26, $0x1;
	_ =	strace $0x8000004C;
	[dreg:$0x1] =	wrdreg $0xFFFFFFFF  }
0xa7: {  	s28 =	simm.s32 $_size_execute0_lowered;
	s2 =	sadd.s32 s2, s4;
	[dreg:$0x0] =	wrdreg $0x0  }
0xa8: {  	s4 =	sshll.u32 s28, $0x1;
	[dreg:$0x2] =	wrdreg s2  }
0xa9: {  	[dreg:$0x3] =	wrdreg s4  }
0xaa: {  	[dreg:$0x4] =	wrdreg $0xC0  }
0xab: {  	_ =	task [dreg:s6], $0x5FFFF  }
0xac: {  	[dreg:$0x1] =	wrdreg $0xFFFFFFFF  }
0xad: {  	[dreg:$0x0] =	wrdreg $0x60  }
0xae: {  	[dreg:$0x2] =	wrdreg s24  }
0xaf: {  	[dreg:$0x3] =	wrdreg $0xC6200  }
0xb0: {  	[dreg:$0x4] =	wrdreg $0x9  }
0xb1: {  	_ =	task.clear_ibuf [dreg:s6], $0x5FFFF;
	_ =	strace $0x9000004C  }
0xb2: {  	s29 =	simm.s32 $0x9;
	_ =	strace $0x8000004E  }
0xb3: {  	_ =	swait.ge [sflag:s29], $0x1  }
0xb4: {  	[sflag:s29] =	ssyncadd.s32 $0xFFFFFFFF  }
0xb5: {  	_ =	strace $0x9000004E  }
0xb6: {  	_ =	sfence  }
0xb7: {  	s30 =	sld [smem:$0x0];
	_ =	sdelay $0x2  }
0xb8: {  	s31 =	sshll.u32 s1, $0xD;
	s1 =	sshrl.u32 s1, $0x2  }
0xb9: {  	s3 =	sand.u32 $0x4000, s31;
	s1 =	sadd.s32 s1, s30  }
0xba: {  	s0 =	sor.u32 s3, s0;
	s1 =	sshll.u32 s1, $0x11  }
0xbb: {  	s0 =	sor.u32 s1, s0  }
0xbc: {  	s0 =	sadd.s32 $0x8F2B, s0  }
0xbd: {  	[sflag:s0] =	ssyncadd.remote.s32 $0x1  }
0xbe: {  	_ =	sfence.sel $0xFFFF  }
0xbf: {  	[dreg:$0x0] =	wrdreg $0xFFFFFFFF;
	(pc) =	sbr.abs _section_cstart, $3  }
0xc0: {  	[dreg:$0x1] =	wrdreg $0xFFFFFFFF  }
0xc1: {  	_ =	task.clear_ibuf [dreg:s6], $0x2FFFF;
	_ =	strace $0x9FFFFFFF  }
0xc2: {  	(tm) =	ssettm $0x7FFFFFFF  }
0xc3: {  	_ =	shalt  }
tec
execute0_lowered:
.L_overlay_start_1:
0x0: {  	(tag) =	ssettag $0x1  }
0x1: {  	s0 =	srdreg.scid;
	s1 =	rddreg [dreg:$0x0]  }
0x2: {  	s8 =	stileid.u32;
	s2 =	rddreg [dreg:$0x1]  }
0x3: {  	s17 =	simm.s32 $0x7;
	s18 =	simm.s32 $0x2710;
	s19 =	simm.s32 $0x4E20  }
0x4: {  	s20 =	simm.s32 $0x50;
	s21 =	simm.s32 $0x7620;
	s22 =	simm.s32 $0x1  }
0x5: {  	s28 =	simm.s32 $0x4;
	s29 =	simm.s32 $0x3;
	s30 =	simm.s32 $0x5  }
0x6: {  	s31 =	simm.s32 $0x6;
	s0 =	sand.u32 $0x1, s0;
	s6 =	smul.u32 $0x2710, s8  }
0x7: {  	s3 =	sshll.u32 s0, $0x4;
	s7 =	smul.u32 $0x27100, s0;
	s0 =	ssub.s32 $0x2, s0  }
0x8: {  	s4 =	sor.u32 s8, s3;
	s3 =	simm.s32 $0x0;
	s8 =	smul.u32 $0x4E200, s8  }
0x9: {  	s24 =	sshrl.u32 s0, $0x1;
	s5 =	smul.u32 $0x2710, s4;
	[smem:$0x7FF] =	sst s3  }
0xa: {  	s4 =	sadd.s32 $0x16E00, s1;
	s23 =	sadd.s32 s6, s7;
	s0 =	ssub.s32 s0, s24  }
0xb: {  	s24 =	simm.s32 $0x9E20;
	_ =	strace $0x8000004D;
	s25 =	sshrl.u32 s8, $0x2  }
0xc: {  	s16 =	smax.u32 s0, $0x1;
	s0 =	simm.s32 $0x0;
	s5 =	sshrl.u32 s5, $0x3  }
0xd: {  	s6 =	sadd.s32 s25, s2;
	s25 =	simm.s32 $0x2;
	s9 =	sadd.s32 s5, s1  }
0xe: {  	s1 =	sadd.s32 s23, s1;
	s8 =	sadd.s32 $0x2800, s6;
	s10 =	sadd.s32 $0x7800, s6  }
0xf: {  	s11 =	sadd.s32 $0xA000, s6;
	s12 =	sadd.s32 $0xC800, s6;
	s13 =	sadd.s32 $0xF000, s6  }
0x10: {  	s14 =	sadd.s32 $0x11800, s6;
	s26 =	sadd.s32 $0x3400, s9;
	s7 =	sadd.s32 $0xD040, s9  }
0x11: {  	v0 =	vimm.f32 $0.0e+00;
	s9 =	sadd.s32 $0x5000, s6;
	s15 =	sadd.s32 $0xB3400, s1;
	[dreg:$0x3] =	wrdreg s26  }
.LBB2_1:
0x12: {  	s1 =	rddreg [dreg:$0x3]  }
0x13: {  	[tilespmem:s3], [sflag:$0x7] =	stream.linear.gather [hbm4b:s1+s3], $0x2710, $0x38;
	[tilespmem:$0x1FEA0] =	vst v63  }
0x14: {  	_ =	swait.ge [sflag:s17], $0x2710  }
0x15: {  	[sflag:s17] =	ssyncset.done $0x0  }
0x16: {  	[sflag:s17] =	ssyncadd.s32 $0xFFFFD8F0  }
0x17: {  	[tilespmem:s18], [sflag:$0x7] =	stream.linear.gather [hbm4b:s7+s3], $0x2710, $0x38;
	[tilespmem:$0x1FEA0] =	vst v63  }
0x18: {  	s23 =	sand.u32 $0xFE00, s3;
	s26 =	sand.u32 $0x70, s3;
	_ =	swait.ge [sflag:s17], $0x2710  }
0x19: {  	s1 =	sshrl.u32 s23, $0x2;
	s23 =	simm.s32 $0x40;
	[sflag:s17] =	ssyncset.done $0x0  }
0x1a: {  	s1 =	sor.u32 s26, s1;
	s26 =	simm.s32 $0x0;
	[sflag:s17] =	ssyncadd.s32 $0xFFFFD8F0  }
.LBB2_2:
0x1b: {  	p0 =	sne.s32 s23, $0x9FC0  }
0x1c: {  	[tilespmem:s1+$0x4E20] =	vst v0;
	s26 =	sadd.s32 $0x10, s26;
	s1 =	smov.u32 s23;
	s23 =	sadd.s32 $0x40, s23  }
.Ltmp0:
0x1d: {  	(pc) =	sbr.rel @p0 .LBB2_2-.Ltmp0, $4  }
0x1e: {  	_ = 	snop  }
0x1f: {  	s1 =	sand.u32 $0xFE00, s1  }
0x20: {  	s5 =	sand.u32 $0x70, s26;
	s1 =	sshrl.u32 s1, $0x2  }
0x21: {  	s1 =	sor.u32 s5, s1  }
0x22: {  	[tilespmem:s1+$0x4E20] =	vst v0  }
0x23: {  	[spmem:s6] =	stream.linear.scatter [tilespmem:s19], [sflag:$0x7], $0x2800, $0x38;
	[tilespmem:$0x1FEA0] =	vst v63  }
0x24: {  	_ =	swait.ge [sflag:s17], $0x2800  }
0x25: {  	[sflag:s17] =	ssyncset.done $0x0  }
0x26: {  	[sflag:s17] =	ssyncadd.s32 $0xFFFFD800  }
0x27: {  	[spmem:s8] =	stream.linear.scatter [tilespmem:s19], [sflag:$0x7], $0x2800, $0x38;
	[tilespmem:$0x1FEA0] =	vst v63  }
0x28: {  	_ =	swait.ge [sflag:s17], $0x2800  }
0x29: {  	[sflag:s17] =	ssyncset.done $0x0  }
0x2a: {  	[sflag:s17] =	ssyncadd.s32 $0xFFFFD800  }
0x2b: {  	[spmem:s9] =	stream.linear.scatter [tilespmem:s19], [sflag:$0x7], $0x2800, $0x38;
	[tilespmem:$0x1FEA0] =	vst v63  }
0x2c: {  	_ =	swait.ge [sflag:s17], $0x2800  }
0x2d: {  	[sflag:s17] =	ssyncset.done $0x0  }
0x2e: {  	[sflag:s17] =	ssyncadd.s32 $0xFFFFD800  }
0x2f: {  	[spmem:s10] =	stream.linear.scatter [tilespmem:s19], [sflag:$0x7], $0x2800, $0x38;
	[tilespmem:$0x1FEA0] =	vst v63  }
0x30: {  	_ =	swait.ge [sflag:s17], $0x2800  }
0x31: {  	[sflag:s17] =	ssyncset.done $0x0  }
0x32: {  	[sflag:s17] =	ssyncadd.s32 $0xFFFFD800  }
0x33: {  	[spmem:s11] =	stream.linear.scatter [tilespmem:s19], [sflag:$0x7], $0x2800, $0x38;
	[tilespmem:$0x1FEA0] =	vst v63  }
0x34: {  	_ =	swait.ge [sflag:s17], $0x2800  }
0x35: {  	[sflag:s17] =	ssyncset.done $0x0  }
0x36: {  	[sflag:s17] =	ssyncadd.s32 $0xFFFFD800  }
0x37: {  	[spmem:s12] =	stream.linear.scatter [tilespmem:s19], [sflag:$0x7], $0x2800, $0x38;
	[tilespmem:$0x1FEA0] =	vst v63  }
0x38: {  	_ =	swait.ge [sflag:s17], $0x2800  }
0x39: {  	[sflag:s17] =	ssyncset.done $0x0  }
0x3a: {  	[sflag:s17] =	ssyncadd.s32 $0xFFFFD800  }
0x3b: {  	[spmem:s13] =	stream.linear.scatter [tilespmem:s19], [sflag:$0x7], $0x2800, $0x38;
	[tilespmem:$0x1FEA0] =	vst v63  }
0x3c: {  	_ =	swait.ge [sflag:s17], $0x2800  }
0x3d: {  	[sflag:s17] =	ssyncset.done $0x0  }
0x3e: {  	[sflag:s17] =	ssyncadd.s32 $0xFFFFD800  }
0x3f: {  	[spmem:s14] =	stream.linear.scatter [tilespmem:s19], [sflag:$0x7], $0x2080, $0x38;
	[tilespmem:$0x1FEA0] =	vst v63  }
0x40: {  	_ =	swait.ge [sflag:s17], $0x2080  }
0x41: {  	[sflag:s17] =	ssyncset.done $0x0  }
0x42: {  	[sflag:s17] =	ssyncadd.s32 $0xFFFFDF80  }
0x43: {  	s23 =	simm.s32 $0x0;
	[bflag:$0x0] =	sbarrier.arrive $0xFFFF  }
0x44: {  	[tilespmem:s19], [sflag:$0x1] =	stream.indirect.gather [hbm4b:s4+s20], $0x80, s23, s20, $0xb8;
	[tilespmem:$0x1FEA0] =	vst v63  }
0x45: {  	_ = 	snop  }
0x46: {  	[tilespmem:s21], [sflag:$0x2] =	stream.indirect.gather [hbm4b:s4+s20], $0x80, s20, s20, $0xb8;
	[tilespmem:$0x1FEA0] =	vst v63  }
0x47: {  	_ =	swait.ge [sflag:s22], $0x2800  }
0x48: {  	[sflag:s22] =	ssyncset.done $0x0  }
0x49: {  	[sflag:s22] =	ssyncadd.s32 $0xFFFFD800  }
0x4a: {  	[spmem:s2] =	stream.indirect.scatter.add.f32 [tilespmem:s19], [sflag:$0x4], $0x80, s18, s20, $0xb8;
	[tilespmem:$0x1FEA0] =	vst v63  }
0x4b: {  	s26 =	simm.s32 $0xA0  }
0x4c: {  	[tilespmem:s24], [sflag:$0x3] =	stream.indirect.gather [hbm4b:s4+s20], $0x80, s26, s20, $0xb8;
	[tilespmem:$0x1FEA0] =	vst v63  }
0x4d: {  	_ =	swait.ge [sflag:s25], $0x2800  }
0x4e: {  	[sflag:s25] =	ssyncset.done $0x0  }
0x4f: {  	s5 =	simm.s32 $0x2760;
	[sflag:s25] =	ssyncadd.s32 $0xFFFFD800  }
0x50: {  	[spmem:s2] =	stream.indirect.scatter.add.f32 [tilespmem:s21], [sflag:$0x5], $0x80, s5, s20, $0xb8;
	[tilespmem:$0x1FEA0] =	vst v63  }
0x51: {  	_ =	swait.ge [sflag:s28], $0x2800  }
0x52: {  	[sflag:s28] =	ssyncset.done $0x0  }
0x53: {  	s23 =	simm.s32 $0xF0;
	[sflag:s28] =	ssyncadd.s32 $0xFFFFD800  }
0x54: {  	[tilespmem:s19], [sflag:$0x1] =	stream.indirect.gather [hbm4b:s4+s20], $0x80, s23, s20, $0xb8;
	[tilespmem:$0x1FEA0] =	vst v63  }
0x55: {  	_ =	swait.ge [sflag:s29], $0x2800  }
0x56: {  	[sflag:s29] =	ssyncset.done $0x0  }
0x57: {  	s26 =	simm.s32 $0x27B0;
	[sflag:s29] =	ssyncadd.s32 $0xFFFFD800  }
0x58: {  	[spmem:s2] =	stream.indirect.scatter.add.f32 [tilespmem:s24], [sflag:$0x6], $0x80, s26, s20, $0xb8;
	[tilespmem:$0x1FEA0] =	vst v63  }
0x59: {  	_ =	swait.ge [sflag:s30], $0x2800  }
0x5a: {  	[sflag:s30] =	ssyncset.done $0x0  }
0x5b: {  	s5 =	simm.s32 $0x140;
	[sflag:s30] =	ssyncadd.s32 $0xFFFFD800  }
0x5c: {  	[tilespmem:s21], [sflag:$0x2] =	stream.indirect.gather [hbm4b:s4+s20], $0x80, s5, s20, $0xb8;
	[tilespmem:$0x1FEA0] =	vst v63  }
0x5d: {  	_ =	swait.ge [sflag:s22], $0x2800  }
0x5e: {  	[sflag:s22] =	ssyncset.done $0x0  }
0x5f: {  	s23 =	simm.s32 $0x2800;
	[sflag:s22] =	ssyncadd.s32 $0xFFFFD800  }
0x60: {  	[spmem:s2] =	stream.indirect.scatter.add.f32 [tilespmem:s19], [sflag:$0x4], $0x80, s23, s20, $0xb8;
	[tilespmem:$0x1FEA0] =	vst v63  }
0x61: {  	_ =	swait.ge [sflag:s31], $0x2800  }
0x62: {  	[sflag:s31] =	ssyncset.done $0x0  }
0x63: {  	s26 =	simm.s32 $0x190;
	[sflag:s31] =	ssyncadd.s32 $0xFFFFD800  }
0x64: {  	[tilespmem:s24], [sflag:$0x3] =	stream.indirect.gather [hbm4b:s4+s20], $0x80, s26, s20, $0xb8;
	[tilespmem:$0x1FEA0] =	vst v63  }
0x65: {  	_ =	swait.ge [sflag:s25], $0x2800  }
0x66: {  	[sflag:s25] =	ssyncset.done $0x0  }
0x67: {  	s1 =	simm.s32 $0x2850;
	s23 =	simm.s32 $0x3C0;
	[sflag:s25] =	ssyncadd.s32 $0xFFFFD800  }
.LBB2_4:
0x68: {  	[spmem:s2] =	stream.indirect.scatter.add.f32 [tilespmem:s21], [sflag:$0x5], $0x80, s1, s20, $0xb8;
	[tilespmem:$0x1FEA0] =	vst v63  }
0x69: {  	s1 =	smov.u32 s23  }
0x6a: {  	p0 =	sne.s32 s23, $0x9240;
	s23 =	sadd.s32 $0x3C0, s23;
	_ =	swait.ge [sflag:s28], $0x2800  }
0x6b: {  	s1 =	sshra.s32 s1, $0x2;
	[sflag:s28] =	ssyncset.done $0x0  }
0x6c: {  	s5 =	sadd.s32 $0xF0, s1;
	[sflag:s28] =	ssyncadd.s32 $0xFFFFD800  }
0x6d: {  	[tilespmem:s19], [sflag:$0x1] =	stream.indirect.gather [hbm4b:s4+s20], $0x80, s5, s20, $0xb8;
	[tilespmem:$0x1FEA0] =	vst v63  }
0x6e: {  	_ =	swait.ge [sflag:s29], $0x2800  }
0x6f: {  	[sflag:s29] =	ssyncset.done $0x0  }
0x70: {  	s5 =	sadd.s32 $0x27B0, s1;
	[sflag:s29] =	ssyncadd.s32 $0xFFFFD800  }
0x71: {  	[spmem:s2] =	stream.indirect.scatter.add.f32 [tilespmem:s24], [sflag:$0x6], $0x80, s5, s20, $0xb8;
	[tilespmem:$0x1FEA0] =	vst v63  }
0x72: {  	_ =	swait.ge [sflag:s30], $0x2800  }
0x73: {  	[sflag:s30] =	ssyncset.done $0x0  }
0x74: {  	s5 =	sadd.s32 $0x140, s1;
	[sflag:s30] =	ssyncadd.s32 $0xFFFFD800  }
0x75: {  	[tilespmem:s21], [sflag:$0x2] =	stream.indirect.gather [hbm4b:s4+s20], $0x80, s5, s20, $0xb8;
	[tilespmem:$0x1FEA0] =	vst v63  }
0x76: {  	_ =	swait.ge [sflag:s22], $0x2800  }
0x77: {  	[sflag:s22] =	ssyncset.done $0x0  }
0x78: {  	s5 =	sadd.s32 $0x2800, s1;
	[sflag:s22] =	ssyncadd.s32 $0xFFFFD800  }
0x79: {  	[spmem:s2] =	stream.indirect.scatter.add.f32 [tilespmem:s19], [sflag:$0x4], $0x80, s5, s20, $0xb8;
	[tilespmem:$0x1FEA0] =	vst v63  }
0x7a: {  	_ =	swait.ge [sflag:s31], $0x2800  }
0x7b: {  	[sflag:s31] =	ssyncset.done $0x0  }
.Ltmp1:
0x7c: {  	s5 =	sadd.s32 $0x190, s1;
	[sflag:s31] =	ssyncadd.s32 $0xFFFFD800;
	(pc) =	sbr.rel @p0 .LBB2_4-.Ltmp1, $4  }
0x7d: {  	[tilespmem:s24], [sflag:$0x3] =	stream.indirect.gather [hbm4b:s4+s20], $0x80, s5, s20, $0xb8;
	[tilespmem:$0x1FEA0] =	vst v63  }
0x7e: {  	_ =	swait.ge [sflag:s25], $0x2800  }
0x7f: {  	[sflag:s25] =	ssyncset.done $0x0  }
0x80: {  	s1 =	sadd.s32 $0x2850, s1;
	[sflag:s25] =	ssyncadd.s32 $0xFFFFD800  }
0x81: {  	[spmem:s2] =	stream.indirect.scatter.add.f32 [tilespmem:s21], [sflag:$0x5], $0x80, s1, s20, $0xb8;
	[tilespmem:$0x1FEA0] =	vst v63  }
0x82: {  	_ =	swait.ge [sflag:s28], $0x2800  }
0x83: {  	[sflag:s28] =	ssyncset.done $0x0  }
0x84: {  	s5 =	simm.s32 $0x2670;
	[sflag:s28] =	ssyncadd.s32 $0xFFFFD800  }
0x85: {  	[tilespmem:s19], [sflag:$0x1] =	stream.indirect.gather [hbm4b:s4+s20], $0x80, s5, s20, $0xb8;
	[tilespmem:$0x1FEA0] =	vst v63  }
0x86: {  	_ =	swait.ge [sflag:s29], $0x2800  }
0x87: {  	[sflag:s29] =	ssyncset.done $0x0  }
0x88: {  	s23 =	simm.s32 $0x4D30;
	[sflag:s29] =	ssyncadd.s32 $0xFFFFD800  }
0x89: {  	[spmem:s2] =	stream.indirect.scatter.add.f32 [tilespmem:s24], [sflag:$0x6], $0x80, s23, s20, $0xb8;
	[tilespmem:$0x1FEA0] =	vst v63  }
0x8a: {  	_ =	swait.ge [sflag:s30], $0x2800  }
0x8b: {  	[sflag:s30] =	ssyncset.done $0x0  }
0x8c: {  	s26 =	simm.s32 $0x26C0;
	[sflag:s30] =	ssyncadd.s32 $0xFFFFD800  }
0x8d: {  	[tilespmem:s21], [sflag:$0x2] =	stream.indirect.gather [hbm4b:s4+s20], $0x80, s26, s20, $0xb8;
	[tilespmem:$0x1FEA0] =	vst v63  }
0x8e: {  	_ =	swait.ge [sflag:s22], $0x2800  }
0x8f: {  	[sflag:s22] =	ssyncset.done $0x0  }
0x90: {  	s5 =	simm.s32 $0x4D80;
	[sflag:s22] =	ssyncadd.s32 $0xFFFFD800  }
0x91: {  	[spmem:s2] =	stream.indirect.scatter.add.f32 [tilespmem:s19], [sflag:$0x4], $0x80, s5, s20, $0xb8;
	[tilespmem:$0x1FEA0] =	vst v63  }
0x92: {  	_ =	swait.ge [sflag:s31], $0x2800  }
0x93: {  	[sflag:s31] =	ssyncset.done $0x0  }
0x94: {  	[sflag:s31] =	ssyncadd.s32 $0xFFFFD800  }
0x95: {  	_ =	swait.ge [sflag:s25], $0x2800  }
0x96: {  	[sflag:s25] =	ssyncset.done $0x0  }
0x97: {  	s23 =	simm.s32 $0x4DD0;
	[sflag:s25] =	ssyncadd.s32 $0xFFFFD800  }
0x98: {  	[spmem:s2] =	stream.indirect.scatter.add.f32 [tilespmem:s21], [sflag:$0x5], $0x80, s23, s20, $0xb8;
	[tilespmem:$0x1FEA0] =	vst v63  }
0x99: {  	_ =	swait.ge [sflag:s28], $0x2800  }
0x9a: {  	[sflag:s28] =	ssyncset.done $0x0  }
0x9b: {  	[sflag:s28] =	ssyncadd.s32 $0xFFFFD800  }
0x9c: {  	s26 =	stileid.u32;
	_ =	swait.ge [sflag:s30], $0x2800  }
0x9d: {  	s0 =	sadd.s32 $0x1, s0;
	s1 =	sshll.u32 s26, $0x6;
	[sflag:s30] =	ssyncset.done $0x0  }
0x9e: {  	p0 =	sne.s32 s0, s16;
	s1 =	sor.u32 $0x1C07, s1;
	[sflag:s30] =	ssyncadd.s32 $0xFFFFD800  }
.Ltmp2:
0x9f: {  	s5 =	sshrl.u32 s6, $0x3;
	[bflag:$0x0] =	sbarrier.arrive $0xFFFF;
	(pc) =	sbr.rel @p0 .LBB2_1-.Ltmp2, $4  }
0xa0: {  	[hbm:s15], [sflag:s1] =	dma.local [spmem:s5], $0x2710  }
0xa1: {  	_ =	swait.ge [sflag:s17], $0x2710  }
0xa2: {  	[sflag:s17] =	ssyncset.done $0x0  }
0xa3: {  	[sflag:s17] =	ssyncadd.s32 $0xFFFFD8F0  }
0xa4: {  	_ =	sfence.sel $0x180000  }
0xa5: {  	[bflag:$0x0] =	sbarrier.arrive $0xFFFF  }
0xa6: {  	_ =	strace $0x9000004D  }
0xa7: {  	s0 =	stileid.u32;
	[bflag:$0x2] =	sbarrier.arrive $0xFFFF  }
0xa8: {  	p0 =	sne.s32 s0, $0x0;
	s0 =	rddreg [dreg:$0x2]  }
0xa9: {  	s0 =	sadd.s32 @!p0 $0x100000, s0  }
0xaa: {  	[sflag:s0] =	ssyncadd.tile.s32 @!p0 $0x1;
	_ =	shalt  }
.Lfunc_end2:
_tile_overlayer_lowered:
.L_overlay_start_2:
0xab: {  	(tag) =	ssettag $0x2  }
0xac: {  	s0 =	rddreg [dreg:$0x0];
	s2 =	stileid.u32  }
0xad: {  	s1 =	rddreg [dreg:$0x1];
	p0 =	sne.s32 s2, $0x0  }
0xae: {  	s3 =	rddreg [dreg:$0x2];
	[bflag:$0x3] =	sbarrier.arrive $0xFFFF;
	s2 =	simm.s32 @!p0 $0x1C07  }
0xaf: {  	[timem:s3], [sflag:s2] =	dma.local @!p0 [hbm:s0], s1  }
0xb0: {  	s0 =	simm.s32 @!p0 $0x7  }
0xb1: {  	_ =	swait.ge @!p0 [sflag:s0], s1  }
0xb2: {  	s1 =	ssub.s32 @!p0 $0x0, s1;
	[sflag:s0] =	ssyncset.done @!p0 $0x0  }
0xb3: {  	[sflag:s0] =	ssyncadd.s32 @!p0 s1  }
0xb4: {  	[bflag:$0x3] =	sbarrier.arrive $0xFFFF  }
0xb5: {  	_ =	shalt  }

// kernel: kernel.22.cloned.1.call-start
scs
__scs_entry_jumppad:
0x0: {  	(pc) =	sbr.rel $0x88, $3  }
0x1: {  	(tag) =	ssettag $0x0;
	lr =	simm.s32 $0x1  }
0x2: {  	[smem:$0x3F96] =	sst lr;
	_ =	strace $0xD0000000  }
0x3: {  	_ = 	snop  }
0x4: {  	_ = 	snop  }
0x5: {  	_ = 	snop  }
0x6: {  	_ = 	snop  }
0x7: {  	_ = 	snop  }
__scs_overlays_trampoline_lowered:
0x8: {  	[smem:$0x3FA5] =	sst s0  }
0x9: {  	[smem:$0x3FA6] =	sst s1  }
0xa: {  	[smem:$0x3FA7] =	sst s2  }
0xb: {  	[smem:$0x3FA8] =	sst s3  }
0xc: {  	[smem:$0x3FA9] =	sst s4  }
0xd: {  	[smem:$0x3FAA] =	sst s5  }
0xe: {  	[smem:$0x3FAB] =	sst s6  }
0xf: {  	[smem:$0x3FAC] =	sst s7  }
0x10: {  	[smem:$0x3FAD] =	sst s8  }
0x11: {  	[smem:$0x3FAE] =	sst s9;
	s0 =	simm.s32 @!p0 $0x0  }
0x12: {  	s1 =	sld [smem:$0x3F94];
	s0 =	simm.s32 @p0 $0x1  }
0x13: {  	[smem:$0x3FAF] =	sst s0;
	s0 =	simm.s32 @!p1 $0x0  }
0x14: {  	s2 =	sld [smem:$0x3F93];
	s0 =	simm.s32 @p1 $0x1  }
0x15: {  	[smem:$0x3FB0] =	sst s0;
	s0 =	simm.s32 @!p2 $0x0  }
0x16: {  	s3 =	sld [smem:$0x3FDB];
	s0 =	simm.s32 @p2 $0x1  }
0x17: {  	s4 =	simm.s32 $0x1BF5;
	[smem:$0x3FB2] =	sst s0  }
0x18: {  	s0 =	sld [smem:$0x3F95];
	_ =	swait.ge [sflag:s4], $0x0  }
0x19: {  	s7 =	sld [smem:$0x3F96]  }
0x1a: {  	s8 =	sadd.s32 $0xFFFFE003, lr  }
0x1b: {  	s9 =	sadd.s32 $0xFFFFFEF7, lr;
	s5 =	simm.s32 $0xFFFFFFFF;
	p2 =	slt.u32 s8, $0xFFFFF086  }
0x1c: {  	p1 =	slt.u32 s9, $0xF7A;
	s5 =	simm.s32 @!p2 $0x0  }
0x1d: {  	s5 =	simm.s32 @p1 $0x1;
	p0 =	seq.s32 s7, s2  }
0x1e: {  	s7 =	smul.u32 @!p0 $0xF7A, s2;
	p2 =	seq.s32 @!p0 s5, $0x0  }
0x1f: {  	s9 =	smul.u32 $0xF7A, s1;
	s8 =	simm.s32 @!p0 $0x1BF5;
	p2 =	por !p2, p0  }
0x20: {  	[sflag:s8] =	ssyncset.s32 @!p0 $0xFFFFF086;
	s6 =	sadd.s32 @!p0 s3, s7;
	s7 =	simm.s32 @!p0 $0x108  }
0x21: {  	s3 =	sadd.s32 s3, s9;
	s6 =	sadd.s32 @!p0 $0x88, s6;
	s7 =	simm.s32 @p2 $0x1082  }
0x22: {  	[simem:s7], [sflag:s8] =	dma.local @!p0 [hbm:s6], $0xF7A  }
0x23: {  	s9 =	sor.u32 $0xD0000000, s2;
	s6 =	simm.s32 $0x108;
	_ =	swait.ge @!p0 [sflag:s8], $0x0  }
0x24: {  	s3 =	sadd.s32 $0x88, s3;
	s6 =	simm.s32 @!p1 $0x1082;
	[sflag:s4] =	ssyncset.s32 $0xFFFFF086  }
0x25: {  	[simem:s6], [sflag:s4] =	dma.local [hbm:s3], $0xF7A  }
0x26: {  	[smem:$0x3F96] =	sst s1;
	(tag) =	ssettag s2;
	_ =	strace s9  }
0x27: {  	s1 =	sld [smem:$0x3FA6]  }
0x28: {  	s2 =	sld [smem:$0x3FA7]  }
0x29: {  	s4 =	sld [smem:$0x3FA9]  }
0x2a: {  	p0 =	seq.s32 s5, $0x0;
	s5 =	sld [smem:$0x3FAA]  }
0x2b: {  	s6 =	sld [smem:$0x3FAB]  }
0x2c: {  	s7 =	sld [smem:$0x3FAC]  }
0x2d: {  	s3 =	simm.s32 $0x108;
	s8 =	sld [smem:$0x3FAD]  }
0x2e: {  	s3 =	simm.s32 @!p0 $0x1082;
	s9 =	sld [smem:$0x3FAE]  }
0x2f: {  	lr =	sadd.s32 s0, s3;
	s0 =	sld [smem:$0x3FA5]  }
0x30: {  	s3 =	sld [smem:$0x3FA8]  }
0x31: {  	[smem:$0x3FB1] =	sst s10  }
0x32: {  	s10 =	sld [smem:$0x3FAF];
	_ =	sdelay $0x3  }
0x33: {  	p0 =	seq.s32 s10, $0x1;
	s10 =	sld [smem:$0x3FB1];
	_ =	sdelay $0x3  }
0x34: {  	[smem:$0x3FB1] =	sst s10  }
0x35: {  	s10 =	sld [smem:$0x3FB0];
	_ =	sdelay $0x3  }
0x36: {  	p1 =	seq.s32 s10, $0x1;
	s10 =	sld [smem:$0x3FB1];
	_ =	sdelay $0x3  }
0x37: {  	[smem:$0x3FB1] =	sst s10  }
0x38: {  	s10 =	sld [smem:$0x3FB2]  }
0x39: {  	_ = 	snop;
	(pc) =	sbr.ind lr, $3  }
0x3a: {  	_ = 	snop  }
0x3b: {  	_ = 	snop  }
0x3c: {  	p2 =	seq.s32 s10, $0x1;
	s10 =	sld [smem:$0x3FB1]  }
0x3d: {  	_ =	shalt  }
0x3e: {  	_ =	shalt  }
0x3f: {  	_ =	shalt  }
0x40: {  	_ =	shalt  }
0x41: {  	_ =	shalt  }
0x42: {  	_ =	shalt  }
0x43: {  	_ =	shalt  }
0x44: {  	_ =	shalt  }
0x45: {  	_ =	shalt  }
0x46: {  	_ =	shalt  }
0x47: {  	_ =	shalt  }
0x48: {  	_ =	shalt  }
0x49: {  	_ =	shalt  }
0x4a: {  	_ =	shalt  }
0x4b: {  	_ =	shalt  }
0x4c: {  	_ =	shalt  }
0x4d: {  	_ =	shalt  }
0x4e: {  	_ =	shalt  }
0x4f: {  	_ =	shalt  }
0x50: {  	_ =	shalt  }
0x51: {  	_ =	shalt  }
0x52: {  	_ =	shalt  }
0x53: {  	_ =	shalt  }
0x54: {  	_ =	shalt  }
0x55: {  	_ =	shalt  }
0x56: {  	_ =	shalt  }
0x57: {  	_ =	shalt  }
0x58: {  	_ =	shalt  }
0x59: {  	_ =	shalt  }
0x5a: {  	_ =	shalt  }
0x5b: {  	_ =	shalt  }
0x5c: {  	_ =	shalt  }
0x5d: {  	_ =	shalt  }
0x5e: {  	_ =	shalt  }
0x5f: {  	_ =	shalt  }
0x60: {  	_ =	shalt  }
0x61: {  	_ =	shalt  }
0x62: {  	_ =	shalt  }
0x63: {  	_ =	shalt  }
0x64: {  	_ =	shalt  }
0x65: {  	_ =	shalt  }
0x66: {  	_ =	shalt  }
0x67: {  	_ =	shalt  }
0x68: {  	_ =	shalt  }
0x69: {  	_ =	shalt  }
0x6a: {  	_ =	shalt  }
0x6b: {  	_ =	shalt  }
0x6c: {  	_ =	shalt  }
0x6d: {  	_ =	shalt  }
0x6e: {  	_ =	shalt  }
0x6f: {  	_ =	shalt  }
0x70: {  	_ =	shalt  }
0x71: {  	_ =	shalt  }
0x72: {  	_ =	shalt  }
0x73: {  	_ =	shalt  }
0x74: {  	_ =	shalt  }
0x75: {  	_ =	shalt  }
0x76: {  	_ =	shalt  }
0x77: {  	_ =	shalt  }
0x78: {  	_ =	shalt  }
0x79: {  	_ =	shalt  }
0x7a: {  	_ =	shalt  }
0x7b: {  	_ =	shalt  }
0x7c: {  	_ =	shalt  }
0x7d: {  	_ =	shalt  }
0x7e: {  	_ =	shalt  }
0x7f: {  	_ =	shalt  }
0x80: {  	_ =	shalt  }
0x81: {  	_ =	shalt  }
0x82: {  	_ =	shalt  }
0x83: {  	_ =	shalt  }
0x84: {  	_ =	shalt  }
0x85: {  	_ =	shalt  }
0x86: {  	_ =	shalt  }
0x87: {  	_ =	shalt  }
.Lfunc_end0:
.L_simem_size_0:
called_computation.3_lowered:
.L_overlay_start_0:
0x88: {  	s2 =	sld [smem:$0x3FD9]  }
0x89: {  	s3 =	sld [smem:$0x3FFE];
	_ =	sdelay $0x1  }
0x8a: {  	s1 =	srdreg.scid  }
0x8b: {  	s0 =	sand.u32 $0x1, s1  }
0x8c: {  	s16 =	sshll.u32 s0, $0xA;
	s2 =	sadd.s32 s3, s2  }
0x8d: {  	s2 =	sadd.s32 s2, s16  }
0x8e: {  	[smem:$0x3FBD] =	sst s2  }
0x8f: {  	_ = 	snop  }
0x90: {  	(tm) =	ssettm $0x1  }
0x91: {  	s17 =	sld [smem:$0x3FFB];
	_ =	sdelay $0x3  }
0x92: {  	_ =	strace s17  }
0x93: {  	s2 =	sld [smem:$0x3FFC];
	_ =	sdelay $0x3  }
0x94: {  	_ =	strace s2  }
0x95: {  	s2 =	sld [smem:$0x3FFD];
	_ =	sdelay $0x3  }
0x96: {  	_ =	strace s2  }
0x97: {  	_ =	strace $0x8FFFFFFF  }
0x98: {  	s18 =	sld [smem:$0x3FDB];
	_ =	sdelay $0x1  }
0x99: {  	s19 =	simm.s32 $_scs_section_size  }
0x9a: {  	s4 =	simm.s32 $_size__tile_overlayer_lowered;
	s5 =	simm.s32 $_tile_overlayer_lowered  }
0x9b: {  	s22 =	simm.s32 $0x1BFF;
	s21 =	sshll.u32 s5, $0x1;
	s2 =	sadd.s32 s19, s18  }
0x9c: {  	s6 =	simm.s32 $0x0;
	s20 =	sshll.u32 s4, $0x1;
	s4 =	sadd.s32 s21, s2  }
0x9d: {  	[timem:s6], [sflag:s22] =	dma.local [hbm:s4], s20  }
0x9e: {  	_ =	swait.ge [sflag:s22], s20  }
0x9f: {  	s3 =	ssub.s32 $0x0, s20;
	[sflag:s22] =	ssyncset.done $0x0  }
0xa0: {  	[sflag:s22] =	ssyncadd.s32 s3;
	_ =	sdelay $0x1  }
0xa1: {  	s23 =	simm.s32 $0x1B8B  }
0xa2: {  	_ =	swait.ge [sflag:s23], $0x1  }
0xa3: {  	[sflag:s23] =	ssyncset.done $0x0  }
0xa4: {  	s25 =	simm.s32 $0x1B8E;
	s24 =	sld [smem:$0x3FFE];
	[sflag:s23] =	ssyncadd.s32 $0xFFFFFFFF  }
0xa5: {  	s26 =	simm.s32 $execute0_lowered;
	[smem:$0x3FD2] =	sst s25  }
0xa6: {  	s4 =	sshll.u32 s26, $0x1;
	_ =	strace $0x8000004F;
	[dreg:$0x1] =	wrdreg $0xFFFFFFFF  }
0xa7: {  	s28 =	simm.s32 $_size_execute0_lowered;
	s2 =	sadd.s32 s2, s4;
	[dreg:$0x0] =	wrdreg $0x0  }
0xa8: {  	s4 =	sshll.u32 s28, $0x1;
	[dreg:$0x2] =	wrdreg s2  }
0xa9: {  	[dreg:$0x3] =	wrdreg s4  }
0xaa: {  	[dreg:$0x4] =	wrdreg $0xC0  }
0xab: {  	_ =	task [dreg:s6], $0x5FFFF  }
0xac: {  	[dreg:$0x1] =	wrdreg $0xFFFFFFFF  }
0xad: {  	[dreg:$0x0] =	wrdreg $0x60  }
0xae: {  	[dreg:$0x2] =	wrdreg s24  }
0xaf: {  	[dreg:$0x3] =	wrdreg $0x8A200  }
0xb0: {  	[dreg:$0x4] =	wrdreg $0x9  }
0xb1: {  	_ =	task.clear_ibuf [dreg:s6], $0x5FFFF;
	_ =	strace $0x9000004F  }
0xb2: {  	s29 =	simm.s32 $0x9;
	_ =	strace $0x80000051  }
0xb3: {  	_ =	swait.ge [sflag:s29], $0x1  }
0xb4: {  	[sflag:s29] =	ssyncadd.s32 $0xFFFFFFFF  }
0xb5: {  	_ =	strace $0x90000051  }
0xb6: {  	_ =	sfence  }
0xb7: {  	s30 =	sld [smem:$0x0];
	_ =	sdelay $0x2  }
0xb8: {  	s31 =	sshll.u32 s1, $0xD;
	s1 =	sshrl.u32 s1, $0x2  }
0xb9: {  	s3 =	sand.u32 $0x4000, s31;
	s1 =	sadd.s32 s1, s30  }
0xba: {  	s0 =	sor.u32 s3, s0;
	s1 =	sshll.u32 s1, $0x11  }
0xbb: {  	s0 =	sor.u32 s1, s0  }
0xbc: {  	s0 =	sadd.s32 $0x8F2B, s0  }
0xbd: {  	[sflag:s0] =	ssyncadd.remote.s32 $0x1  }
0xbe: {  	_ =	sfence.sel $0xFFFF  }
0xbf: {  	[dreg:$0x0] =	wrdreg $0xFFFFFFFF;
	(pc) =	sbr.abs _section_cstart, $3  }
0xc0: {  	[dreg:$0x1] =	wrdreg $0xFFFFFFFF  }
0xc1: {  	_ =	task.clear_ibuf [dreg:s6], $0x2FFFF;
	_ =	strace $0x9FFFFFFF  }
0xc2: {  	(tm) =	ssettm $0x7FFFFFFF  }
0xc3: {  	_ =	shalt  }
tec
execute0_lowered:
.L_overlay_start_1:
0x0: {  	(tag) =	ssettag $0x1  }
0x1: {  	s0 =	srdreg.scid;
	s1 =	rddreg [dreg:$0x0]  }
0x2: {  	s2 =	rddreg [dreg:$0x1];
	s8 =	stileid.u32;
	s3 =	simm.s32 $0x0  }
0x3: {  	s17 =	simm.s32 $0x7;
	s18 =	simm.s32 $0x2710;
	s19 =	simm.s32 $0x4E20  }
0x4: {  	s20 =	simm.s32 $0x50;
	s21 =	simm.s32 $0x6220;
	s22 =	simm.s32 $0x1  }
0x5: {  	s28 =	simm.s32 $0x4;
	s29 =	simm.s32 $0x3;
	s30 =	simm.s32 $0x5  }
0x6: {  	s31 =	simm.s32 $0x6;
	s0 =	sand.u32 $0x1, s0;
	[smem:$0x7FF] =	sst s3  }
0x7: {  	s6 =	smul.u32 $0x13880, s8;
	s4 =	sshll.u32 s0, $0x4;
	s7 =	sshll.u32 s0, $0x6  }
0x8: {  	s0 =	ssub.s32 $0x2, s0;
	s4 =	sor.u32 s8, s4;
	s8 =	smul.u32 $0x27100, s8  }
0x9: {  	_ =	strace $0x80000050;
	s24 =	sshrl.u32 s0, $0x1;
	s5 =	smul.u32 $0x2710, s4  }
0xa: {  	s23 =	sor.u32 s7, s6;
	s4 =	sadd.s32 $0x16E00, s1;
	s0 =	ssub.s32 s0, s24  }
0xb: {  	s24 =	simm.s32 $0x7620;
	s25 =	sshrl.u32 s8, $0x2;
	s5 =	sshrl.u32 s5, $0x3  }
0xc: {  	s16 =	smax.u32 s0, $0x1;
	s9 =	sadd.s32 s5, s1;
	s5 =	sshrl.u32 s23, $0x3  }
0xd: {  	s1 =	sadd.s32 s5, s1;
	s5 =	sadd.s32 s25, s2;
	s26 =	sadd.s32 $0x3400, s9  }
0xe: {  	s7 =	sadd.s32 $0xD040, s9;
	s25 =	simm.s32 $0x2;
	[dreg:$0x3] =	wrdreg s26  }
0xf: {  	s8 =	sadd.s32 $0x1400, s5;
	s9 =	sadd.s32 $0x2800, s5;
	s10 =	sadd.s32 $0x3C00, s5  }
0x10: {  	s11 =	sadd.s32 $0x5000, s5;
	s12 =	sadd.s32 $0x6400, s5;
	s13 =	sadd.s32 $0x7800, s5  }
0x11: {  	v0 =	vimm.f32 $0.0e+00;
	s14 =	sadd.s32 $0x8C00, s5;
	s15 =	sadd.s32 $0x2A800, s1;
	s26 =	simm.s32 $0x0  }
.LBB2_1:
0x12: {  	s0 =	rddreg [dreg:$0x3]  }
0x13: {  	[tilespmem:s3], [sflag:$0x7] =	stream.linear.gather [hbm4b:s0+s3], $0x2710, $0x38;
	[tilespmem:$0x12660] =	vst v63  }
0x14: {  	_ =	swait.ge [sflag:s17], $0x2710  }
0x15: {  	[sflag:s17] =	ssyncset.done $0x0  }
0x16: {  	[sflag:s17] =	ssyncadd.s32 $0xFFFFD8F0  }
0x17: {  	[tilespmem:s18], [sflag:$0x7] =	stream.linear.gather [hbm4b:s7+s3], $0x2710, $0x38;
	[tilespmem:$0x12660] =	vst v63  }
0x18: {  	s23 =	sand.u32 $0x7F00, s3;
	s1 =	sand.u32 $0x30, s3;
	_ =	swait.ge [sflag:s17], $0x2710  }
0x19: {  	s23 =	sshrl.u32 s23, $0x2;
	s0 =	simm.s32 $0x40;
	[sflag:s17] =	ssyncset.done $0x0  }
0x1a: {  	s23 =	sor.u32 s1, s23;
	s1 =	simm.s32 $0x0;
	[sflag:s17] =	ssyncadd.s32 $0xFFFFD8F0  }
.LBB2_2:
0x1b: {  	p0 =	sne.s32 s0, $0x4FC0  }
0x1c: {  	[tilespmem:s23+$0x4E20] =	vst v0;
	s1 =	sadd.s32 $0x10, s1;
	s23 =	smov.u32 s0;
	s0 =	sadd.s32 $0x40, s0  }
.Ltmp0:
0x1d: {  	(pc) =	sbr.rel @p0 .LBB2_2-.Ltmp0, $4  }
0x1e: {  	_ = 	snop  }
0x1f: {  	s23 =	sand.u32 $0x7F00, s23  }
0x20: {  	s6 =	sand.u32 $0x30, s1;
	s23 =	sshrl.u32 s23, $0x2  }
0x21: {  	s23 =	sor.u32 s6, s23  }
0x22: {  	[tilespmem:s23+$0x4E20] =	vst v0  }
0x23: {  	[spmem:s5] =	stream.linear.scatter [tilespmem:s19], [sflag:$0x7], $0x1400, $0x38;
	[tilespmem:$0x12660] =	vst v63  }
0x24: {  	_ =	swait.ge [sflag:s17], $0x1400  }
0x25: {  	[sflag:s17] =	ssyncset.done $0x0  }
0x26: {  	[sflag:s17] =	ssyncadd.s32 $0xFFFFEC00  }
0x27: {  	[spmem:s8] =	stream.linear.scatter [tilespmem:s19], [sflag:$0x7], $0x1400, $0x38;
	[tilespmem:$0x12660] =	vst v63  }
0x28: {  	_ =	swait.ge [sflag:s17], $0x1400  }
0x29: {  	[sflag:s17] =	ssyncset.done $0x0  }
0x2a: {  	[sflag:s17] =	ssyncadd.s32 $0xFFFFEC00  }
0x2b: {  	[spmem:s9] =	stream.linear.scatter [tilespmem:s19], [sflag:$0x7], $0x1400, $0x38;
	[tilespmem:$0x12660] =	vst v63  }
0x2c: {  	_ =	swait.ge [sflag:s17], $0x1400  }
0x2d: {  	[sflag:s17] =	ssyncset.done $0x0  }
0x2e: {  	[sflag:s17] =	ssyncadd.s32 $0xFFFFEC00  }
0x2f: {  	[spmem:s10] =	stream.linear.scatter [tilespmem:s19], [sflag:$0x7], $0x1400, $0x38;
	[tilespmem:$0x12660] =	vst v63  }
0x30: {  	_ =	swait.ge [sflag:s17], $0x1400  }
0x31: {  	[sflag:s17] =	ssyncset.done $0x0  }
0x32: {  	[sflag:s17] =	ssyncadd.s32 $0xFFFFEC00  }
0x33: {  	[spmem:s11] =	stream.linear.scatter [tilespmem:s19], [sflag:$0x7], $0x1400, $0x38;
	[tilespmem:$0x12660] =	vst v63  }
0x34: {  	_ =	swait.ge [sflag:s17], $0x1400  }
0x35: {  	[sflag:s17] =	ssyncset.done $0x0  }
0x36: {  	[sflag:s17] =	ssyncadd.s32 $0xFFFFEC00  }
0x37: {  	[spmem:s12] =	stream.linear.scatter [tilespmem:s19], [sflag:$0x7], $0x1400, $0x38;
	[tilespmem:$0x12660] =	vst v63  }
0x38: {  	_ =	swait.ge [sflag:s17], $0x1400  }
0x39: {  	[sflag:s17] =	ssyncset.done $0x0  }
0x3a: {  	[sflag:s17] =	ssyncadd.s32 $0xFFFFEC00  }
0x3b: {  	[spmem:s13] =	stream.linear.scatter [tilespmem:s19], [sflag:$0x7], $0x1400, $0x38;
	[tilespmem:$0x12660] =	vst v63  }
0x3c: {  	_ =	swait.ge [sflag:s17], $0x1400  }
0x3d: {  	[sflag:s17] =	ssyncset.done $0x0  }
0x3e: {  	[sflag:s17] =	ssyncadd.s32 $0xFFFFEC00  }
0x3f: {  	[spmem:s14] =	stream.linear.scatter [tilespmem:s19], [sflag:$0x7], $0x1040, $0x38;
	[tilespmem:$0x12660] =	vst v63  }
0x40: {  	_ =	swait.ge [sflag:s17], $0x1040  }
0x41: {  	[sflag:s17] =	ssyncset.done $0x0  }
0x42: {  	[sflag:s17] =	ssyncadd.s32 $0xFFFFEFC0  }
0x43: {  	s0 =	simm.s32 $0x0;
	[bflag:$0x0] =	sbarrier.arrive $0xFFFF  }
0x44: {  	[tilespmem:s19], [sflag:$0x1] =	stream.indirect.gather [hbm4b:s4+s20], $0x40, s0, s20, $0xb8;
	[tilespmem:$0x12660] =	vst v63  }
0x45: {  	_ = 	snop  }
0x46: {  	[tilespmem:s21], [sflag:$0x2] =	stream.indirect.gather [hbm4b:s4+s20], $0x40, s20, s20, $0xb8;
	[tilespmem:$0x12660] =	vst v63  }
0x47: {  	_ =	swait.ge [sflag:s22], $0x1400  }
0x48: {  	[sflag:s22] =	ssyncset.done $0x0  }
0x49: {  	[sflag:s22] =	ssyncadd.s32 $0xFFFFEC00  }
0x4a: {  	[spmem:s2] =	stream.indirect.scatter.add.f32 [tilespmem:s19], [sflag:$0x4], $0x40, s18, s20, $0xb8;
	[tilespmem:$0x12660] =	vst v63  }
0x4b: {  	s23 =	simm.s32 $0xA0  }
0x4c: {  	[tilespmem:s24], [sflag:$0x3] =	stream.indirect.gather [hbm4b:s4+s20], $0x40, s23, s20, $0xb8;
	[tilespmem:$0x12660] =	vst v63  }
0x4d: {  	_ =	swait.ge [sflag:s25], $0x1400  }
0x4e: {  	[sflag:s25] =	ssyncset.done $0x0  }
0x4f: {  	s1 =	simm.s32 $0x2760;
	[sflag:s25] =	ssyncadd.s32 $0xFFFFEC00  }
0x50: {  	[spmem:s2] =	stream.indirect.scatter.add.f32 [tilespmem:s21], [sflag:$0x5], $0x40, s1, s20, $0xb8;
	[tilespmem:$0x12660] =	vst v63  }
0x51: {  	_ =	swait.ge [sflag:s28], $0x1400  }
0x52: {  	[sflag:s28] =	ssyncset.done $0x0  }
0x53: {  	s6 =	simm.s32 $0xF0;
	[sflag:s28] =	ssyncadd.s32 $0xFFFFEC00  }
0x54: {  	[tilespmem:s19], [sflag:$0x1] =	stream.indirect.gather [hbm4b:s4+s20], $0x40, s6, s20, $0xb8;
	[tilespmem:$0x12660] =	vst v63  }
0x55: {  	_ =	swait.ge [sflag:s29], $0x1400  }
0x56: {  	[sflag:s29] =	ssyncset.done $0x0  }
0x57: {  	s23 =	simm.s32 $0x27B0;
	[sflag:s29] =	ssyncadd.s32 $0xFFFFEC00  }
0x58: {  	[spmem:s2] =	stream.indirect.scatter.add.f32 [tilespmem:s24], [sflag:$0x6], $0x40, s23, s20, $0xb8;
	[tilespmem:$0x12660] =	vst v63  }
0x59: {  	_ =	swait.ge [sflag:s30], $0x1400  }
0x5a: {  	[sflag:s30] =	ssyncset.done $0x0  }
0x5b: {  	s1 =	simm.s32 $0x140;
	[sflag:s30] =	ssyncadd.s32 $0xFFFFEC00  }
0x5c: {  	[tilespmem:s21], [sflag:$0x2] =	stream.indirect.gather [hbm4b:s4+s20], $0x40, s1, s20, $0xb8;
	[tilespmem:$0x12660] =	vst v63  }
0x5d: {  	_ =	swait.ge [sflag:s22], $0x1400  }
0x5e: {  	[sflag:s22] =	ssyncset.done $0x0  }
0x5f: {  	s6 =	simm.s32 $0x2800;
	[sflag:s22] =	ssyncadd.s32 $0xFFFFEC00  }
0x60: {  	[spmem:s2] =	stream.indirect.scatter.add.f32 [tilespmem:s19], [sflag:$0x4], $0x40, s6, s20, $0xb8;
	[tilespmem:$0x12660] =	vst v63  }
0x61: {  	_ =	swait.ge [sflag:s31], $0x1400  }
0x62: {  	[sflag:s31] =	ssyncset.done $0x0  }
0x63: {  	s23 =	simm.s32 $0x190;
	[sflag:s31] =	ssyncadd.s32 $0xFFFFEC00  }
0x64: {  	[tilespmem:s24], [sflag:$0x3] =	stream.indirect.gather [hbm4b:s4+s20], $0x40, s23, s20, $0xb8;
	[tilespmem:$0x12660] =	vst v63  }
0x65: {  	_ =	swait.ge [sflag:s25], $0x1400  }
0x66: {  	[sflag:s25] =	ssyncset.done $0x0  }
0x67: {  	s0 =	simm.s32 $0x3C0;
	s1 =	simm.s32 $0x2850;
	[sflag:s25] =	ssyncadd.s32 $0xFFFFEC00  }
.LBB2_4:
0x68: {  	[spmem:s2] =	stream.indirect.scatter.add.f32 [tilespmem:s21], [sflag:$0x5], $0x40, s1, s20, $0xb8;
	[tilespmem:$0x12660] =	vst v63  }
0x69: {  	s1 =	smov.u32 s0  }
0x6a: {  	p0 =	sne.s32 s0, $0x9240;
	s0 =	sadd.s32 $0x3C0, s0;
	_ =	swait.ge [sflag:s28], $0x1400  }
0x6b: {  	s1 =	sshra.s32 s1, $0x2;
	[sflag:s28] =	ssyncset.done $0x0  }
0x6c: {  	s6 =	sadd.s32 $0xF0, s1;
	[sflag:s28] =	ssyncadd.s32 $0xFFFFEC00  }
0x6d: {  	[tilespmem:s19], [sflag:$0x1] =	stream.indirect.gather [hbm4b:s4+s20], $0x40, s6, s20, $0xb8;
	[tilespmem:$0x12660] =	vst v63  }
0x6e: {  	_ =	swait.ge [sflag:s29], $0x1400  }
0x6f: {  	[sflag:s29] =	ssyncset.done $0x0  }
0x70: {  	s6 =	sadd.s32 $0x27B0, s1;
	[sflag:s29] =	ssyncadd.s32 $0xFFFFEC00  }
0x71: {  	[spmem:s2] =	stream.indirect.scatter.add.f32 [tilespmem:s24], [sflag:$0x6], $0x40, s6, s20, $0xb8;
	[tilespmem:$0x12660] =	vst v63  }
0x72: {  	_ =	swait.ge [sflag:s30], $0x1400  }
0x73: {  	[sflag:s30] =	ssyncset.done $0x0  }
0x74: {  	s6 =	sadd.s32 $0x140, s1;
	[sflag:s30] =	ssyncadd.s32 $0xFFFFEC00  }
0x75: {  	[tilespmem:s21], [sflag:$0x2] =	stream.indirect.gather [hbm4b:s4+s20], $0x40, s6, s20, $0xb8;
	[tilespmem:$0x12660] =	vst v63  }
0x76: {  	_ =	swait.ge [sflag:s22], $0x1400  }
0x77: {  	[sflag:s22] =	ssyncset.done $0x0  }
0x78: {  	s6 =	sadd.s32 $0x2800, s1;
	[sflag:s22] =	ssyncadd.s32 $0xFFFFEC00  }
0x79: {  	[spmem:s2] =	stream.indirect.scatter.add.f32 [tilespmem:s19], [sflag:$0x4], $0x40, s6, s20, $0xb8;
	[tilespmem:$0x12660] =	vst v63  }
0x7a: {  	_ =	swait.ge [sflag:s31], $0x1400  }
0x7b: {  	[sflag:s31] =	ssyncset.done $0x0  }
.Ltmp1:
0x7c: {  	s6 =	sadd.s32 $0x190, s1;
	[sflag:s31] =	ssyncadd.s32 $0xFFFFEC00;
	(pc) =	sbr.rel @p0 .LBB2_4-.Ltmp1, $4  }
0x7d: {  	[tilespmem:s24], [sflag:$0x3] =	stream.indirect.gather [hbm4b:s4+s20], $0x40, s6, s20, $0xb8;
	[tilespmem:$0x12660] =	vst v63  }
0x7e: {  	_ =	swait.ge [sflag:s25], $0x1400  }
0x7f: {  	[sflag:s25] =	ssyncset.done $0x0  }
0x80: {  	s1 =	sadd.s32 $0x2850, s1;
	[sflag:s25] =	ssyncadd.s32 $0xFFFFEC00  }
0x81: {  	[spmem:s2] =	stream.indirect.scatter.add.f32 [tilespmem:s21], [sflag:$0x5], $0x40, s1, s20, $0xb8;
	[tilespmem:$0x12660] =	vst v63  }
0x82: {  	_ =	swait.ge [sflag:s28], $0x1400  }
0x83: {  	[sflag:s28] =	ssyncset.done $0x0  }
0x84: {  	s0 =	simm.s32 $0x2670;
	[sflag:s28] =	ssyncadd.s32 $0xFFFFEC00  }
0x85: {  	[tilespmem:s19], [sflag:$0x1] =	stream.indirect.gather [hbm4b:s4+s20], $0x40, s0, s20, $0xb8;
	[tilespmem:$0x12660] =	vst v63  }
0x86: {  	_ =	swait.ge [sflag:s29], $0x1400  }
0x87: {  	[sflag:s29] =	ssyncset.done $0x0  }
0x88: {  	s6 =	simm.s32 $0x4D30;
	[sflag:s29] =	ssyncadd.s32 $0xFFFFEC00  }
0x89: {  	[spmem:s2] =	stream.indirect.scatter.add.f32 [tilespmem:s24], [sflag:$0x6], $0x40, s6, s20, $0xb8;
	[tilespmem:$0x12660] =	vst v63  }
0x8a: {  	_ =	swait.ge [sflag:s30], $0x1400  }
0x8b: {  	[sflag:s30] =	ssyncset.done $0x0  }
0x8c: {  	s23 =	simm.s32 $0x26C0;
	[sflag:s30] =	ssyncadd.s32 $0xFFFFEC00  }
0x8d: {  	[tilespmem:s21], [sflag:$0x2] =	stream.indirect.gather [hbm4b:s4+s20], $0x40, s23, s20, $0xb8;
	[tilespmem:$0x12660] =	vst v63  }
0x8e: {  	_ =	swait.ge [sflag:s22], $0x1400  }
0x8f: {  	[sflag:s22] =	ssyncset.done $0x0  }
0x90: {  	s1 =	simm.s32 $0x4D80;
	[sflag:s22] =	ssyncadd.s32 $0xFFFFEC00  }
0x91: {  	[spmem:s2] =	stream.indirect.scatter.add.f32 [tilespmem:s19], [sflag:$0x4], $0x40, s1, s20, $0xb8;
	[tilespmem:$0x12660] =	vst v63  }
0x92: {  	_ =	swait.ge [sflag:s31], $0x1400  }
0x93: {  	[sflag:s31] =	ssyncset.done $0x0  }
0x94: {  	[sflag:s31] =	ssyncadd.s32 $0xFFFFEC00  }
0x95: {  	_ =	swait.ge [sflag:s25], $0x1400  }
0x96: {  	[sflag:s25] =	ssyncset.done $0x0  }
0x97: {  	s6 =	simm.s32 $0x4DD0;
	[sflag:s25] =	ssyncadd.s32 $0xFFFFEC00  }
0x98: {  	[spmem:s2] =	stream.indirect.scatter.add.f32 [tilespmem:s21], [sflag:$0x5], $0x40, s6, s20, $0xb8;
	[tilespmem:$0x12660] =	vst v63  }
0x99: {  	_ =	swait.ge [sflag:s28], $0x1400  }
0x9a: {  	[sflag:s28] =	ssyncset.done $0x0  }
0x9b: {  	s26 =	sadd.s32 $0x1, s26;
	[sflag:s28] =	ssyncadd.s32 $0xFFFFEC00  }
0x9c: {  	p0 =	sne.s32 s26, s16;
	s23 =	stileid.u32;
	_ =	swait.ge [sflag:s30], $0x1400  }
0x9d: {  	s0 =	sshll.u32 s23, $0x6;
	s23 =	simm.s32 $0x8;
	[sflag:s30] =	ssyncset.done $0x0  }
0x9e: {  	s0 =	sor.u32 $0x1C07, s0;
	s1 =	sshrl.u32 s5, $0x3;
	[sflag:s30] =	ssyncadd.s32 $0xFFFFEC00  }
.Ltmp2:
0x9f: {  	s6 =	simm.s32 $0x10;
	[bflag:$0x0] =	sbarrier.arrive $0xFFFF;
	(pc) =	sbr.rel @p0 .LBB2_1-.Ltmp2, $4  }
0xa0: {  	[hbm:s15@s6], [sflag:s0] =	dma.strided [spmem:s1@s23], $0x1388, s22, $0x8   }
0xa1: {  	_ =	swait.ge [sflag:s17], $0x1388  }
0xa2: {  	[sflag:s17] =	ssyncset.done $0x0  }
0xa3: {  	[sflag:s17] =	ssyncadd.s32 $0xFFFFEC78  }
0xa4: {  	_ =	sfence.sel $0x180000  }
0xa5: {  	[bflag:$0x0] =	sbarrier.arrive $0xFFFF  }
0xa6: {  	_ =	strace $0x90000050  }
0xa7: {  	s0 =	stileid.u32;
	[bflag:$0x2] =	sbarrier.arrive $0xFFFF  }
0xa8: {  	p0 =	sne.s32 s0, $0x0;
	s0 =	rddreg [dreg:$0x2]  }
0xa9: {  	s0 =	sadd.s32 @!p0 $0x100000, s0  }
0xaa: {  	[sflag:s0] =	ssyncadd.tile.s32 @!p0 $0x1;
	_ =	shalt  }
.Lfunc_end2:
_tile_overlayer_lowered:
.L_overlay_start_2:
0xab: {  	(tag) =	ssettag $0x2  }
0xac: {  	s0 =	rddreg [dreg:$0x0];
	s2 =	stileid.u32  }
0xad: {  	s1 =	rddreg [dreg:$0x1];
	p0 =	sne.s32 s2, $0x0  }
0xae: {  	s3 =	rddreg [dreg:$0x2];
	[bflag:$0x3] =	sbarrier.arrive $0xFFFF;
	s2 =	simm.s32 @!p0 $0x1C07  }
0xaf: {  	[timem:s3], [sflag:s2] =	dma.local @!p0 [hbm:s0], s1  }
0xb0: {  	s0 =	simm.s32 @!p0 $0x7  }
0xb1: {  	_ =	swait.ge @!p0 [sflag:s0], s1  }
0xb2: {  	s1 =	ssub.s32 @!p0 $0x0, s1;
	[sflag:s0] =	ssyncset.done @!p0 $0x0  }
0xb3: {  	[sflag:s0] =	ssyncadd.s32 @!p0 s1  }
0xb4: {  	[bflag:$0x3] =	sbarrier.arrive $0xFFFF  }
0xb5: {  	_ =	shalt  }

</sc_bundles>
